<compile_context>
chip_gen: v7x
topology: tpu7x:2x2x1
jax: 0.10.2.dev20260603
libtpu: 0.0.44.dev20260713+nightly
codegen_flags: <defaults>
</compile_context>

<pallas_src>
import functools

import jax
import jax.numpy as jnp
import numpy as np
from jax import lax
from jax.experimental import pallas as pl
from jax.experimental.pallas import tpu as pltpu
from jax.experimental.pallas import tpu_sc as plsc

_N = 10000
_E = 320000
_F = 128
_H = 8
_D = 16

_NC = 2
_NS = 16
_C = 80

_BN = 400
_BE = 512


def _dot(a, b):
    return jnp.dot(a, b, preferred_element_type=jnp.float32)



def _node_body(x_ref, wq_ref, wk_ref, wv_ref, wrkb_ref, wrvb_ref, m_ref,
               vecs_ref, q4_ref, bk_ref, bv_ref):
    x = x_ref[...]
    M = m_ref[...]
    V = vecs_ref

    def ln(y, gi, bi):
        mu = _dot(y, M)
        ex2 = _dot(y * y, M)
        r = lax.rsqrt(ex2 - mu * mu + 1e-5)
        return (y - mu) * r * V[gi:gi + 1, :] + V[bi:bi + 1, :]

    q = ln(_dot(x, wq_ref[...]), 0, 1)
    q4_ref[...] = q * 0.25
    k = ln(_dot(x, wk_ref[...]), 2, 3)
    bk_ref[...] = _dot(k, wrkb_ref[...])
    v = ln(_dot(x, wv_ref[...]), 4, 5)
    bv_ref[...] = _dot(v, wrvb_ref[...])


def _edge_body(xe_ref, gq_ref, gbk_ref, gbv_ref, wke_ref, wve_ref, wrkt_ref,
               wrvt_ref, m_ref, ssum_ref, vecs_ref,
               p0_ref, p1_ref, eq_ref):
    x = xe_ref[...]
    M = m_ref[...]
    V = vecs_ref

    def ln(y, gi, bi):
        mu = _dot(y, M)
        ex2 = _dot(y * y, M)
        r = lax.rsqrt(ex2 - mu * mu + 1e-5)
        return (y - mu) * r * V[gi:gi + 1, :] + V[bi:bi + 1, :]

    ke = ln(_dot(x, wke_ref[...]), 0, 1)
    ak = _dot(ke, wrkt_ref[...]) + V[8:9, :]
    relk = ln(ak + gbk_ref[...], 4, 5)
    prod = gq_ref[...] * relk
    qkb = _dot(prod, ssum_ref[...])
    eq_ref[...] = jnp.exp(qkb)
    ve = ln(_dot(x, wve_ref[...]), 2, 3)
    av = _dot(ve, wrvt_ref[...]) + V[9:10, :]
    relv = ln(av + gbv_ref[...], 6, 7)
    p0_ref[...] = relv
    p1_ref[...] = qkb * relv


def _final_body(s0_ref, s1_ref, se_ref, wz_ref, m_ref, vecs_ref, o_ref):
    M = m_ref[...]
    V = vecs_ref
    lse_b = jnp.log(jnp.maximum(se_ref[...], 1e-30))
    sf = s1_ref[...] - lse_b * s0_ref[...]
    z = jnp.maximum(_dot(sf, wz_ref[...]) + V[2:3, :], 0.0)
    mu = _dot(z, M)
    ex2 = _dot(z * z, M)
    r = lax.rsqrt(ex2 - mu * mu + 1e-5)
    o_ref[...] = (z - mu) * r * V[0:1, :] + V[1:2, :]




@functools.cache
def _sc_kernels():
    mesh = plsc.VectorSubcoreMesh(core_axis_name="c", subcore_axis_name="s")

    _GU = 4
    _SU = 4

    @functools.partial(
        pl.kernel,
        mesh=mesh,
        out_type=[jax.ShapeDtypeStruct((_E, 128), jnp.float32)] * 3,
        scratch_types=(
            [pltpu.VMEM((_C,), jnp.int32)] * (2 * _GU)
            + [pltpu.VMEM((_C, 128), jnp.float32)] * (3 * _GU)
            + [pltpu.SemaphoreType.DMA] * 3
        ),
    )
    def _gather3(q4_hbm, bk_hbm, bv_hbm, src_hbm, dst_hbm,
                 gq_hbm, gbk_hbm, gbv_hbm, *scr):
        idx_d = scr[:_GU]
        idx_s = scr[_GU:2 * _GU]
        buf_q = scr[2 * _GU:2 * _GU + _GU]
        buf_k = scr[2 * _GU + _GU:2 * _GU + 2 * _GU]
        buf_v = scr[2 * _GU + 2 * _GU:2 * _GU + 3 * _GU]
        sem_i, sem_g, sem_w = scr[-3:]
        wid = lax.axis_index("s") * _NC + lax.axis_index("c")
        per = _E // (_NC * _NS)
        nfull = (per // _C) // _GU
        ntail = (per // _C) % _GU

        def do_group(first_chunk, nu):
            hs = []
            for u in range(nu):
                b = wid * per + (first_chunk + u) * _C
                hs.append(pltpu.async_copy(dst_hbm.at[pl.ds(b, _C)],
                                           idx_d[u], sem_i))
                hs.append(pltpu.async_copy(src_hbm.at[pl.ds(b, _C)],
                                           idx_s[u], sem_i))
            for h in hs:
                h.wait()
            hs = []
            for u in range(nu):
                hs.append(pltpu.async_copy(q4_hbm.at[idx_d[u]], buf_q[u],
                                           sem_g))
                hs.append(pltpu.async_copy(bk_hbm.at[idx_s[u]], buf_k[u],
                                           sem_g))
                hs.append(pltpu.async_copy(bv_hbm.at[idx_s[u]], buf_v[u],
                                           sem_g))
            for h in hs:
                h.wait()
            hs = []
            for u in range(nu):
                b = wid * per + (first_chunk + u) * _C
                hs.append(pltpu.async_copy(buf_q[u],
                                           gq_hbm.at[pl.ds(b, _C)], sem_w))
                hs.append(pltpu.async_copy(buf_k[u],
                                           gbk_hbm.at[pl.ds(b, _C)], sem_w))
                hs.append(pltpu.async_copy(buf_v[u],
                                           gbv_hbm.at[pl.ds(b, _C)], sem_w))
            for h in hs:
                h.wait()

        def body(i, carry):
            do_group(i * _GU, _GU)
            return carry

        lax.fori_loop(0, nfull, body, 0)
        if ntail:
            do_group(nfull * _GU, ntail)

    @functools.partial(
        pl.kernel,
        mesh=mesh,
        out_type=[
            jax.ShapeDtypeStruct((_NP, 128), jnp.float32),
            jax.ShapeDtypeStruct((_NP, 128), jnp.float32),
        ],
        scratch_types=(
            [pltpu.VMEM((_C,), jnp.int32)] * _SU
            + [pltpu.VMEM((_C, 128), jnp.float32)] * _SU
            + [pltpu.VMEM((_C,), jnp.int32),
               pltpu.VMEM_SHARED((_NP, 128), jnp.float32)]
            + [pltpu.SemaphoreType.DMA] * 2
        ),
    )
    def _scatter2(p0_hbm, p1_hbm, dst_hbm, s0_hbm, s1_hbm, *scr):
        idx_v = scr[:_SU]
        pbuf = scr[_SU:2 * _SU]
        idx_r, acc = scr[2 * _SU], scr[2 * _SU + 1]
        sem_i, sem_s = scr[-2:]
        c = lax.axis_index("c")
        s = lax.axis_index("s")
        row0 = s * _RPT

        def set_idx_r(base):
            for j in range(_C // 16):
                idx_r[pl.ds(j * 16, 16)] = base + j * 16 + lax.iota(
                    jnp.int32, 16)

        def zrow(i, carry):
            for j in range(8):
                pbuf[0][i, pl.ds(j * 16, 16)] = jnp.zeros((16,), jnp.float32)
            return carry

        lax.fori_loop(0, _C, zrow, 0)

        def zacc(i, carry):
            set_idx_r(row0 + i * _C)
            pltpu.sync_copy(pbuf[0], acc.at[idx_r])
            return carry

        lax.fori_loop(0, _RPT // _C, zacc, 0)
        plsc.subcore_barrier()

        per = _E // _NS
        nfull = (per // _C) // _SU
        ntail = (per // _C) % _SU

        def do_group(first_chunk, nu):
            hs = []
            for u in range(nu):
                b = s * per + (first_chunk + u) * _C
                hs.append(pltpu.async_copy(dst_hbm.at[pl.ds(b, _C)],
                                           idx_v[u], sem_i))

            @pl.when(c == 0)
            def _():
                h2 = [pltpu.async_copy(
                    p0_hbm.at[pl.ds(s * per + (first_chunk + u) * _C, _C), :],
                    pbuf[u], sem_s) for u in range(nu)]
                for h in h2:
                    h.wait()

            @pl.when(c == 1)
            def _():
                h2 = [pltpu.async_copy(
                    p1_hbm.at[pl.ds(s * per + (first_chunk + u) * _C, _C), :],
                    pbuf[u], sem_s) for u in range(nu)]
                for h in h2:
                    h.wait()

            for h in hs:
                h.wait()
            hs = []
            for u in range(nu):
                hs.append(pltpu.async_copy(pbuf[u], acc.at[idx_v[u]], sem_s,
                                           add=True))
            for h in hs:
                h.wait()

        def body(i, carry):
            do_group(i * _SU, _SU)
            return carry

        lax.fori_loop(0, nfull, body, 0)
        if ntail:
            do_group(nfull * _SU, ntail)
        plsc.subcore_barrier()

        def wb(i, carry):
            r = row0 + i * _C
            set_idx_r(r)
            pltpu.async_copy(acc.at[idx_r], pbuf[0], sem_i).wait()

            @pl.when(c == 0)
            def _():
                pltpu.sync_copy(pbuf[0], s0_hbm.at[pl.ds(r, _C), :])

            @pl.when(c == 1)
            def _():
                pltpu.sync_copy(pbuf[0], s1_hbm.at[pl.ds(r, _C), :])

            return carry

        lax.fori_loop(0, _RPT // _C, wb, 0)

    mesh1 = plsc.VectorSubcoreMesh(core_axis_name="c", subcore_axis_name="s",
                                   num_cores=1)

    @functools.partial(
        pl.kernel,
        mesh=mesh1,
        out_type=jax.ShapeDtypeStruct((_NP, 128), jnp.float32),
        scratch_types=(
            [pltpu.VMEM((_C,), jnp.int32)] * _SU
            + [pltpu.VMEM((_C, 128), jnp.float32)] * _SU
            + [pltpu.VMEM((_C,), jnp.int32),
               pltpu.VMEM_SHARED((_NP, 128), jnp.float32)]
            + [pltpu.SemaphoreType.DMA] * 2
        ),
    )
    def _scatter_e(eq_hbm, dst_hbm, se_hbm, *scr):
        idx_v = scr[:_SU]
        ebuf = scr[_SU:2 * _SU]
        idx_r, acc = scr[2 * _SU], scr[2 * _SU + 1]
        sem_i, sem_s = scr[-2:]
        s = lax.axis_index("s")
        row0 = s * _RPT

        def set_idx_r(base):
            for j in range(_C // 16):
                idx_r[pl.ds(j * 16, 16)] = base + j * 16 + lax.iota(
                    jnp.int32, 16)

        def zrow(i, carry):
            for j in range(8):
                ebuf[0][i, pl.ds(j * 16, 16)] = jnp.zeros((16,), jnp.float32)
            return carry

        lax.fori_loop(0, _C, zrow, 0)

        def zacc(i, carry):
            set_idx_r(row0 + i * _C)
            pltpu.sync_copy(ebuf[0], acc.at[idx_r])
            return carry

        lax.fori_loop(0, _RPT // _C, zacc, 0)
        plsc.subcore_barrier()

        per = _E // _NS
        nfull = (per // _C) // _SU
        ntail = (per // _C) % _SU

        def do_group(first_chunk, nu):
            hs = []
            for u in range(nu):
                b = s * per + (first_chunk + u) * _C
                hs.append(pltpu.async_copy(dst_hbm.at[pl.ds(b, _C)],
                                           idx_v[u], sem_i))
                hs.append(pltpu.async_copy(eq_hbm.at[pl.ds(b, _C), :],
                                           ebuf[u], sem_s))
            for h in hs:
                h.wait()
            hs = []
            for u in range(nu):
                hs.append(pltpu.async_copy(ebuf[u], acc.at[idx_v[u]], sem_s,
                                           add=True))
            for h in hs:
                h.wait()

        def body(i, carry):
            do_group(i * _SU, _SU)
            return carry

        lax.fori_loop(0, nfull, body, 0)
        if ntail:
            do_group(nfull * _SU, ntail)
        plsc.subcore_barrier()

        def wb(i, carry):
            r = row0 + i * _C
            set_idx_r(r)
            pltpu.async_copy(acc.at[idx_r], ebuf[0], sem_i).wait()
            pltpu.sync_copy(ebuf[0], se_hbm.at[pl.ds(r, _C), :])
            return carry

        lax.fori_loop(0, _RPT // _C, wb, 0)

    return _gather3, _scatter2, _scatter_e


_NP = 10240
_RPT = _NP // _NS



def _block_diag(blk, h):
    return jnp.kron(jnp.eye(h, dtype=jnp.float32), blk.astype(jnp.float32))


def kernel(x_node, x_edge, edge_index, Wq, gq, bq, Wk, gk, bk, Wv, gv, bv,
           Wke, gke, bke, Wve, gve, bve, Wrk, brk, grk_ln, brk_ln,
           Wrv, brv, grv_ln, brv_ln, Wz, bz, gz_ln, bz_ln):
    f32 = jnp.float32
    src = edge_index[0]
    dst = edge_index[1]

    def heads_mat(w):
        return jnp.transpose(w, (1, 0, 2)).reshape(_F, _H * _D).astype(f32)

    M = jnp.asarray(np.kron(np.eye(_H, dtype=np.float32),
                            np.ones((_D, _D), np.float32) / _D))
    Ssum = jnp.asarray(np.kron(np.eye(_H, dtype=np.float32),
                               np.ones((_D, _D), np.float32)))
    sp8 = np.zeros((128, 16), np.float32)
    for h in range(_H):
        sp8[h * _D:(h + 1) * _D, h] = 1.0
    Sp8 = jnp.asarray(sp8)
    rep = np.zeros((16, 128), np.float32)
    for h in range(_H):
        rep[h, h * _D:(h + 1) * _D] = 1.0
    Rep = jnp.asarray(rep)

    nvecs = jnp.stack([gq.reshape(-1), bq.reshape(-1), gk.reshape(-1),
                       bk.reshape(-1), gv.reshape(-1), bv.reshape(-1),
                       jnp.zeros(128, f32), jnp.zeros(128, f32)]).astype(f32)

    evecs = jnp.stack([gke.reshape(-1), bke.reshape(-1),
                       gve.reshape(-1), bve.reshape(-1),
                       jnp.tile(grk_ln, _H), jnp.tile(brk_ln, _H),
                       jnp.tile(grv_ln, _H), jnp.tile(brv_ln, _H),
                       jnp.tile(brk, _H), jnp.tile(brv, _H)]
                      + [jnp.zeros(128, f32)] * 6).astype(f32)

    fvecs = jnp.stack([jnp.tile(gz_ln, _H), jnp.tile(bz_ln, _H),
                       jnp.tile(bz, _H)]
                      + [jnp.zeros(128, f32)] * 5).astype(f32)

    wmat = pl.BlockSpec((128, 128), lambda i: (0, 0))
    vspec8 = pl.BlockSpec((8, 128), lambda i: (0, 0))
    vspec16 = pl.BlockSpec((16, 128), lambda i: (0, 0))

    nb = _N // _BN
    nblk = pl.BlockSpec((_BN, 128), lambda i: (i, 0))
    q4, bkn, bvn = pl.pallas_call(
        _node_body,
        grid=(nb,),
        in_specs=[nblk, wmat, wmat, wmat, wmat, wmat, wmat, vspec8],
        out_specs=[nblk, nblk, nblk],
        out_shape=[jax.ShapeDtypeStruct((_N, 128), f32)] * 3,
    )(x_node.astype(f32), heads_mat(Wq), heads_mat(Wk), heads_mat(Wv),
      _block_diag(Wrk[_D:], _H), _block_diag(Wrv[_D:], _H), M, nvecs)

    gather3, scatter2, scatter_e = _sc_kernels()
    gqv, gbk, gbv = gather3(q4, bkn, bvn, src, dst)

    eb = _E // _BE
    eblk = pl.BlockSpec((_BE, 128), lambda i: (i, 0))
    p0, p1, eq = pl.pallas_call(
        _edge_body,
        grid=(eb,),
        in_specs=[eblk, eblk, eblk, eblk, wmat, wmat, wmat, wmat, wmat,
                  wmat, vspec16],
        out_specs=[eblk, eblk, eblk],
        out_shape=[jax.ShapeDtypeStruct((_E, 128), f32)] * 3,
    )(x_edge.astype(f32), gqv, gbk, gbv, heads_mat(Wke), heads_mat(Wve),
      _block_diag(Wrk[:_D], _H), _block_diag(Wrv[:_D], _H), M, Ssum,
      evecs)

    s0p, s1p = scatter2(p0, p1, dst)
    sep = scatter_e(eq, dst)
    s0, s1, sexp = s0p[:_N], s1p[:_N], sep[:_N]

    out = pl.pallas_call(
        _final_body,
        grid=(nb,),
        in_specs=[nblk, nblk, nblk, wmat, wmat, vspec8],
        out_specs=nblk,
        out_shape=jax.ShapeDtypeStruct((_N, 128), f32),
    )(s0, s1, sexp, _block_diag(Wz, _H), M, fvecs)

    return out

# --- scband reference (transcript-rebuilt; emitter-appended) ---
"""Pipeline reference for scband-multihead-layer-5231270166596 (READ-ONLY COPY).

The authoritative reference and input builder live on the scoring server;
editing this copy changes nothing except your own understanding.
"""

import jax, jax.numpy as jnp
import numpy as np

N = 10000
E = 320000
F = 128
H = 8
D = F // H


def _ln(x, g, b):
    mu = jnp.mean(x, axis=-1, keepdims=True)
    var = jnp.mean((x - mu) ** 2, axis=-1, keepdims=True)
    return (x - mu) / jnp.sqrt(var + 1e-5) * g + b


def setup_inputs(seed: int = 0):
    key = jax.random.key(seed)
    ks = jax.random.split(key, 16)
    sc = 0.05
    inp = {}
    inp['x_node'] = jax.random.normal(ks[0], (N, F), jnp.float32)
    inp['x_edge'] = jax.random.normal(ks[1], (E, F), jnp.float32)
    inp['edge_index'] = jax.random.randint(ks[2], (2, E), 0, N, jnp.int32)
    inp['Wq'] = sc * jax.random.normal(ks[3], (H, F, D), jnp.float32)
    inp['gq'] = jnp.ones((H, D), jnp.float32); inp['bq'] = jnp.zeros((H, D), jnp.float32)
    inp['Wk'] = sc * jax.random.normal(ks[4], (H, F, D), jnp.float32)
    inp['gk'] = jnp.ones((H, D), jnp.float32); inp['bk'] = jnp.zeros((H, D), jnp.float32)
    inp['Wv'] = sc * jax.random.normal(ks[5], (H, F, D), jnp.float32)
    inp['gv'] = jnp.ones((H, D), jnp.float32); inp['bv'] = jnp.zeros((H, D), jnp.float32)
    inp['Wke'] = sc * jax.random.normal(ks[6], (H, F, D), jnp.float32)
    inp['gke'] = jnp.ones((H, D), jnp.float32); inp['bke'] = jnp.zeros((H, D), jnp.float32)
    inp['Wve'] = sc * jax.random.normal(ks[7], (H, F, D), jnp.float32)
    inp['gve'] = jnp.ones((H, D), jnp.float32); inp['bve'] = jnp.zeros((H, D), jnp.float32)
    inp['Wrk'] = sc * jax.random.normal(ks[8], (2 * D, D), jnp.float32)
    inp['brk'] = jnp.zeros((D,), jnp.float32); inp['grk_ln'] = jnp.ones((D,), jnp.float32); inp['brk_ln'] = jnp.zeros((D,), jnp.float32)
    inp['Wrv'] = sc * jax.random.normal(ks[9], (2 * D, D), jnp.float32)
    inp['brv'] = jnp.zeros((D,), jnp.float32); inp['grv_ln'] = jnp.ones((D,), jnp.float32); inp['brv_ln'] = jnp.zeros((D,), jnp.float32)
    inp['Wz'] = sc * jax.random.normal(ks[10], (D, D), jnp.float32)
    inp['bz'] = jnp.zeros((D,), jnp.float32); inp['gz_ln'] = jnp.ones((D,), jnp.float32); inp['bz_ln'] = jnp.zeros((D,), jnp.float32)
    return inp


def _forward(edge_index, x_node, x_edge, Wq, gq, bq, Wk, gk, bk, Wv, gv, bv, Wke, gke, bke, Wve, gve, bve, Wrk, brk, grk_ln, brk_ln, Wrv, brv, grv_ln, brv_ln, Wz, bz, gz_ln, bz_ln):
    src = edge_index[0]
    dst = edge_index[1]
    n = x_node.shape[0]
    outs = []
    for i in range(Wq.shape[0]):
        q = _ln(x_node @ Wq[i], gq[i], bq[i])
        k = _ln(x_node @ Wk[i], gk[i], bk[i])
        v = _ln(x_node @ Wv[i], gv[i], bv[i])
        ke = _ln(x_edge @ Wke[i], gke[i], bke[i])
        ve = _ln(x_edge @ Wve[i], gve[i], bve[i])
        rel_k = _ln(jnp.concatenate([ke, k[src]], axis=-1) @ Wrk + brk, grk_ln, brk_ln)
        qkmul = jnp.sum(q[dst] * rel_k / 4.0, axis=-1)
        m = jax.ops.segment_max(qkmul, dst, num_segments=n)
        m = jnp.where(jnp.isfinite(m), m, 0.0)
        s = jax.ops.segment_sum(jnp.exp(qkmul - m[dst]), dst, num_segments=n)
        lse = m + jnp.log(jnp.maximum(s, 1e-30))
        rel_v = _ln(jnp.concatenate([ve, v[src]], axis=-1) @ Wrv + brv, grv_ln, brv_ln)
        h = (qkmul - lse[dst])[:, None] * rel_v
        sum_fet = jax.ops.segment_sum(h, dst, num_segments=n)
        z = jax.nn.relu(sum_fet @ Wz + bz)
        outs.append(_ln(z, gz_ln, bz_ln))
    return jnp.concatenate(outs, axis=-1)


def reference(x_node, x_edge, edge_index, Wq, gq, bq, Wk, gk, bk, Wv, gv, bv, Wke, gke, bke, Wve, gve, bve, Wrk, brk, grk_ln, brk_ln, Wrv, brv, grv_ln, brv_ln, Wz, bz, gz_ln, bz_ln):
    return _forward(edge_index, x_node, x_edge, Wq, gq, bq, Wk, gk, bk, Wv, gv, bv, Wke, gke, bke, Wve, gve, bve, Wrk, brk, grk_ln, brk_ln, Wrv, brv, grv_ln, brv_ln, Wz, bz, gz_ln, bz_ln)

if __name__ == "__main__":
    import jax
    _d = setup_inputs()
    print(jax.jit(kernel)(*tuple(_d.values())))

</pallas_src>

<mosaic_0001>
#map = affine_map<(d0, d1) -> (0, 0)>
#map1 = affine_map<(d0, d1) -> (0)>
module attributes {stable_mosaic.version = 14 : i64} {
  func.func @_scatter2(%arg0: i32, %arg1: i32, %arg2: memref<320000x128xf32, #tpu.memory_space<hbm>>, %arg3: memref<320000x128xf32, #tpu.memory_space<hbm>>, %arg4: memref<320000xi32, #tpu.memory_space<hbm>>, %arg5: memref<10240x128xf32, #tpu.memory_space<hbm>>, %arg6: memref<10240x128xf32, #tpu.memory_space<hbm>>, %arg7: memref<80xi32, #tpu.memory_space<vmem>>, %arg8: memref<80xi32, #tpu.memory_space<vmem>>, %arg9: memref<80xi32, #tpu.memory_space<vmem>>, %arg10: memref<80xi32, #tpu.memory_space<vmem>>, %arg11: memref<80x128xf32, #tpu.memory_space<vmem>>, %arg12: memref<80x128xf32, #tpu.memory_space<vmem>>, %arg13: memref<80x128xf32, #tpu.memory_space<vmem>>, %arg14: memref<80x128xf32, #tpu.memory_space<vmem>>, %arg15: memref<80xi32, #tpu.memory_space<vmem>>, %arg16: memref<10240x128xf32, #tpu.memory_space<vmem_shared>>, %arg17: memref<!tpu.dma_semaphore, #tpu.memory_space<semaphore_mem>>, %arg18: memref<!tpu.dma_semaphore, #tpu.memory_space<semaphore_mem>>) attributes {dimension_semantics = [#tpu.dimension_semantics<core_parallel>, #tpu.dimension_semantics<subcore_parallel>], iteration_bounds = array<i64: 2, 16>, scalar_prefetch = 0 : i64, scratch_operands = 12 : i64, tpu.core_type = #tpu.core_type<sc_vector_subcore>, window_params = [{transform_indices = #map}, {transform_indices = #map}, {transform_indices = #map1}, {transform_indices = #map}, {transform_indices = #map}]} {
    %mul3A = arith.constant 640 : i32
    %mul3A_0 = arith.muli %arg1, %mul3A : i32
    %scan3A = arith.constant 0 : i32
    %scan3A_1 = arith.constant 0 : i32
    %scan3A_2 = arith.constant 80 : i32
    %scan3A_3 = arith.addi %scan3A_1, %scan3A_2 : i32
    %scan3A_4 = arith.constant 1 : i32
    scf.for %scan3A_57 = %scan3A_1 to %scan3A_3 step %scan3A_4  : i32 {
      %broadcast_in_dim3A = arith.constant 0.000000e+00 : f32
      %broadcast_in_dim3A_58 = vector.broadcast %broadcast_in_dim3A : f32 to vector<16xf32>
      %swap3A = arith.index_cast %scan3A_57 : i32 to index
      %swap3A_59 = arith.constant 0 : index
      %swap3A_60 = tpu.vector_load %arg11[%swap3A, %swap3A_59] {strides = array<i32>} : memref<80x128xf32, #tpu.memory_space<vmem>>, vector<1x16xf32>,
      %swap3A_61 = vector.shape_cast %swap3A_60 : vector<1x16xf32> to vector<16xf32>
      %swap3A_62 = vector.shape_cast %broadcast_in_dim3A_58 : vector<16xf32> to vector<1x16xf32>
      tpu.vector_store %arg11[%swap3A, %swap3A_59], %swap3A_62 {strides = array<i32>} : memref<80x128xf32, #tpu.memory_space<vmem>>, vector<1x16xf32>,
      %broadcast_in_dim3A_63 = arith.constant 0.000000e+00 : f32
      %broadcast_in_dim3A_64 = vector.broadcast %broadcast_in_dim3A_63 : f32 to vector<16xf32>
      %swap3A_65 = arith.index_cast %scan3A_57 : i32 to index
      %swap3A_66 = arith.constant 16 : index
      %swap3A_67 = tpu.vector_load %arg11[%swap3A_65, %swap3A_66] {strides = array<i32>} : memref<80x128xf32, #tpu.memory_space<vmem>>, vector<1x16xf32>,
      %swap3A_68 = vector.shape_cast %swap3A_67 : vector<1x16xf32> to vector<16xf32>
      %swap3A_69 = vector.shape_cast %broadcast_in_dim3A_64 : vector<16xf32> to vector<1x16xf32>
      tpu.vector_store %arg11[%swap3A_65, %swap3A_66], %swap3A_69 {strides = array<i32>} : memref<80x128xf32, #tpu.memory_space<vmem>>, vector<1x16xf32>,
      %broadcast_in_dim3A_70 = arith.constant 0.000000e+00 : f32
      %broadcast_in_dim3A_71 = vector.broadcast %broadcast_in_dim3A_70 : f32 to vector<16xf32>
      %swap3A_72 = arith.index_cast %scan3A_57 : i32 to index
      %swap3A_73 = arith.constant 32 : index
      %swap3A_74 = tpu.vector_load %arg11[%swap3A_72, %swap3A_73] {strides = array<i32>} : memref<80x128xf32, #tpu.memory_space<vmem>>, vector<1x16xf32>,
      %swap3A_75 = vector.shape_cast %swap3A_74 : vector<1x16xf32> to vector<16xf32>
      %swap3A_76 = vector.shape_cast %broadcast_in_dim3A_71 : vector<16xf32> to vector<1x16xf32>
      tpu.vector_store %arg11[%swap3A_72, %swap3A_73], %swap3A_76 {strides = array<i32>} : memref<80x128xf32, #tpu.memory_space<vmem>>, vector<1x16xf32>,
      %broadcast_in_dim3A_77 = arith.constant 0.000000e+00 : f32
      %broadcast_in_dim3A_78 = vector.broadcast %broadcast_in_dim3A_77 : f32 to vector<16xf32>
      %swap3A_79 = arith.index_cast %scan3A_57 : i32 to index
      %swap3A_80 = arith.constant 48 : index
      %swap3A_81 = tpu.vector_load %arg11[%swap3A_79, %swap3A_80] {strides = array<i32>} : memref<80x128xf32, #tpu.memory_space<vmem>>, vector<1x16xf32>,
      %swap3A_82 = vector.shape_cast %swap3A_81 : vector<1x16xf32> to vector<16xf32>
      %swap3A_83 = vector.shape_cast %broadcast_in_dim3A_78 : vector<16xf32> to vector<1x16xf32>
      tpu.vector_store %arg11[%swap3A_79, %swap3A_80], %swap3A_83 {strides = array<i32>} : memref<80x128xf32, #tpu.memory_space<vmem>>, vector<1x16xf32>,
      %broadcast_in_dim3A_84 = arith.constant 0.000000e+00 : f32
      %broadcast_in_dim3A_85 = vector.broadcast %broadcast_in_dim3A_84 : f32 to vector<16xf32>
      %swap3A_86 = arith.index_cast %scan3A_57 : i32 to index
      %swap3A_87 = arith.constant 64 : index
      %swap3A_88 = tpu.vector_load %arg11[%swap3A_86, %swap3A_87] {strides = array<i32>} : memref<80x128xf32, #tpu.memory_space<vmem>>, vector<1x16xf32>,
      %swap3A_89 = vector.shape_cast %swap3A_88 : vector<1x16xf32> to vector<16xf32>
      %swap3A_90 = vector.shape_cast %broadcast_in_dim3A_85 : vector<16xf32> to vector<1x16xf32>
      tpu.vector_store %arg11[%swap3A_86, %swap3A_87], %swap3A_90 {strides = array<i32>} : memref<80x128xf32, #tpu.memory_space<vmem>>, vector<1x16xf32>,
      %broadcast_in_dim3A_91 = arith.constant 0.000000e+00 : f32
      %broadcast_in_dim3A_92 = vector.broadcast %broadcast_in_dim3A_91 : f32 to vector<16xf32>
      %swap3A_93 = arith.index_cast %scan3A_57 : i32 to index
      %swap3A_94 = arith.constant 80 : index
      %swap3A_95 = tpu.vector_load %arg11[%swap3A_93, %swap3A_94] {strides = array<i32>} : memref<80x128xf32, #tpu.memory_space<vmem>>, vector<1x16xf32>,
      %swap3A_96 = vector.shape_cast %swap3A_95 : vector<1x16xf32> to vector<16xf32>
      %swap3A_97 = vector.shape_cast %broadcast_in_dim3A_92 : vector<16xf32> to vector<1x16xf32>
      tpu.vector_store %arg11[%swap3A_93, %swap3A_94], %swap3A_97 {strides = array<i32>} : memref<80x128xf32, #tpu.memory_space<vmem>>, vector<1x16xf32>,
      %broadcast_in_dim3A_98 = arith.constant 0.000000e+00 : f32
      %broadcast_in_dim3A_99 = vector.broadcast %broadcast_in_dim3A_98 : f32 to vector<16xf32>
      %swap3A_100 = arith.index_cast %scan3A_57 : i32 to index
      %swap3A_101 = arith.constant 96 : index
      %swap3A_102 = tpu.vector_load %arg11[%swap3A_100, %swap3A_101] {strides = array<i32>} : memref<80x128xf32, #tpu.memory_space<vmem>>, vector<1x16xf32>,
      %swap3A_103 = vector.shape_cast %swap3A_102 : vector<1x16xf32> to vector<16xf32>
      %swap3A_104 = vector.shape_cast %broadcast_in_dim3A_99 : vector<16xf32> to vector<1x16xf32>
      tpu.vector_store %arg11[%swap3A_100, %swap3A_101], %swap3A_104 {strides = array<i32>} : memref<80x128xf32, #tpu.memory_space<vmem>>, vector<1x16xf32>,
      %broadcast_in_dim3A_105 = arith.constant 0.000000e+00 : f32
      %broadcast_in_dim3A_106 = vector.broadcast %broadcast_in_dim3A_105 : f32 to vector<16xf32>
      %swap3A_107 = arith.index_cast %scan3A_57 : i32 to index
      %swap3A_108 = arith.constant 112 : index
      %swap3A_109 = tpu.vector_load %arg11[%swap3A_107, %swap3A_108] {strides = array<i32>} : memref<80x128xf32, #tpu.memory_space<vmem>>, vector<1x16xf32>,
      %swap3A_110 = vector.shape_cast %swap3A_109 : vector<1x16xf32> to vector<16xf32>
      %swap3A_111 = vector.shape_cast %broadcast_in_dim3A_106 : vector<16xf32> to vector<1x16xf32>
      tpu.vector_store %arg11[%swap3A_107, %swap3A_108], %swap3A_111 {strides = array<i32>} : memref<80x128xf32, #tpu.memory_space<vmem>>, vector<1x16xf32>,
    }
    %scan3A_5 = arith.constant 80 : i32
    %scan3A_6 = arith.constant 0 : i32
    %scan3A_7 = arith.constant 0 : i32
    %scan3A_8 = arith.constant 8 : i32
    %scan3A_9 = arith.addi %scan3A_7, %scan3A_8 : i32
    %scan3A_10 = arith.constant 1 : i32
    scf.for %scan3A_57 = %scan3A_7 to %scan3A_9 step %scan3A_10  : i32 {
      %mul3A_58 = arith.constant 80 : i32
      %mul3A_59 = arith.muli %scan3A_57, %mul3A_58 : i32
      %add3A_60 = arith.addi %mul3A_0, %mul3A_59 : i32
      %add3A_61 = arith.constant 0 : i32
      %add3A_62 = arith.addi %add3A_60, %add3A_61 : i32
      %iota3A = tpu.iota {dimensions = array<i32: 0>} : vector<16xi32>
      %add3A_63 = vector.broadcast %add3A_62 : i32 to vector<16xi32>
      %add3A_64 = arith.addi %add3A_63, %iota3A : vector<16xi32>
      %swap3A = arith.constant 0 : index
      %swap3A_65 = tpu.vector_load %arg15[%swap3A] {strides = array<i32>} : memref<80xi32, #tpu.memory_space<vmem>>, vector<16xi32>,
      %swap3A_66 = vector.shape_cast %swap3A_65 : vector<16xi32> to vector<16xi32>
      %swap3A_67 = vector.shape_cast %add3A_64 : vector<16xi32> to vector<16xi32>
      tpu.vector_store %arg15[%swap3A], %swap3A_67 {strides = array<i32>} : memref<80xi32, #tpu.memory_space<vmem>>, vector<16xi32>,
      %add3A_68 = arith.constant 16 : i32
      %add3A_69 = arith.addi %add3A_60, %add3A_68 : i32
      %iota3A_70 = tpu.iota {dimensions = array<i32: 0>} : vector<16xi32>
      %add3A_71 = vector.broadcast %add3A_69 : i32 to vector<16xi32>
      %add3A_72 = arith.addi %add3A_71, %iota3A_70 : vector<16xi32>
      %swap3A_73 = arith.constant 16 : index
      %swap3A_74 = tpu.vector_load %arg15[%swap3A_73] {strides = array<i32>} : memref<80xi32, #tpu.memory_space<vmem>>, vector<16xi32>,
      %swap3A_75 = vector.shape_cast %swap3A_74 : vector<16xi32> to vector<16xi32>
      %swap3A_76 = vector.shape_cast %add3A_72 : vector<16xi32> to vector<16xi32>
      tpu.vector_store %arg15[%swap3A_73], %swap3A_76 {strides = array<i32>} : memref<80xi32, #tpu.memory_space<vmem>>, vector<16xi32>,
      %add3A_77 = arith.constant 32 : i32
      %add3A_78 = arith.addi %add3A_60, %add3A_77 : i32
      %iota3A_79 = tpu.iota {dimensions = array<i32: 0>} : vector<16xi32>
      %add3A_80 = vector.broadcast %add3A_78 : i32 to vector<16xi32>
      %add3A_81 = arith.addi %add3A_80, %iota3A_79 : vector<16xi32>
      %swap3A_82 = arith.constant 32 : index
      %swap3A_83 = tpu.vector_load %arg15[%swap3A_82] {strides = array<i32>} : memref<80xi32, #tpu.memory_space<vmem>>, vector<16xi32>,
      %swap3A_84 = vector.shape_cast %swap3A_83 : vector<16xi32> to vector<16xi32>
      %swap3A_85 = vector.shape_cast %add3A_81 : vector<16xi32> to vector<16xi32>
      tpu.vector_store %arg15[%swap3A_82], %swap3A_85 {strides = array<i32>} : memref<80xi32, #tpu.memory_space<vmem>>, vector<16xi32>,
      %add3A_86 = arith.constant 48 : i32
      %add3A_87 = arith.addi %add3A_60, %add3A_86 : i32
      %iota3A_88 = tpu.iota {dimensions = array<i32: 0>} : vector<16xi32>
      %add3A_89 = vector.broadcast %add3A_87 : i32 to vector<16xi32>
      %add3A_90 = arith.addi %add3A_89, %iota3A_88 : vector<16xi32>
      %swap3A_91 = arith.constant 48 : index
      %swap3A_92 = tpu.vector_load %arg15[%swap3A_91] {strides = array<i32>} : memref<80xi32, #tpu.memory_space<vmem>>, vector<16xi32>,
      %swap3A_93 = vector.shape_cast %swap3A_92 : vector<16xi32> to vector<16xi32>
      %swap3A_94 = vector.shape_cast %add3A_90 : vector<16xi32> to vector<16xi32>
      tpu.vector_store %arg15[%swap3A_91], %swap3A_94 {strides = array<i32>} : memref<80xi32, #tpu.memory_space<vmem>>, vector<16xi32>,
      %add3A_95 = arith.constant 64 : i32
      %add3A_96 = arith.addi %add3A_60, %add3A_95 : i32
      %iota3A_97 = tpu.iota {dimensions = array<i32: 0>} : vector<16xi32>
      %add3A_98 = vector.broadcast %add3A_96 : i32 to vector<16xi32>
      %add3A_99 = arith.addi %add3A_98, %iota3A_97 : vector<16xi32>
      %swap3A_100 = arith.constant 64 : index
      %swap3A_101 = tpu.vector_load %arg15[%swap3A_100] {strides = array<i32>} : memref<80xi32, #tpu.memory_space<vmem>>, vector<16xi32>,
      %swap3A_102 = vector.shape_cast %swap3A_101 : vector<16xi32> to vector<16xi32>
      %swap3A_103 = vector.shape_cast %add3A_99 : vector<16xi32> to vector<16xi32>
      tpu.vector_store %arg15[%swap3A_100], %swap3A_103 {strides = array<i32>} : memref<80xi32, #tpu.memory_space<vmem>>, vector<16xi32>,
      "tpu.region"() ({
        %run_scoped3A = tpu.sem_alloc : memref<!tpu.dma_semaphore, #tpu.memory_space<semaphore_mem>>
        %dma_start3A_104 = arith.constant 0 : i32
        %dma_start3A_105 = arith.constant 0 : i32
        %dma_start3A_106 = tpu.memref_slice %arg16[%dma_start3A_104, %dma_start3A_105] : memref<10240x128xf32, #tpu.memory_space<vmem_shared>> -> memref<10240x128xf32, #tpu.memory_space<vmem_shared>>
        tpu.enqueue_indirect_dma source(%arg11 : memref<80x128xf32, #tpu.memory_space<vmem>>) target(%dma_start3A_106 : memref<10240x128xf32, #tpu.memory_space<vmem_shared>>) offsets(%arg15 : memref<80xi32, #tpu.memory_space<vmem>>) semaphore(%run_scoped3A : memref<!tpu.dma_semaphore, #tpu.memory_space<semaphore_mem>>)
        %dma_wait3A_107 = arith.constant 0 : i32
        %dma_wait3A_108 = arith.constant 0 : i32
        %dma_wait3A_109 = tpu.memref_slice %arg16[%dma_wait3A_107, %dma_wait3A_108] : memref<10240x128xf32, #tpu.memory_space<vmem_shared>> -> memref<10240x128xf32, #tpu.memory_space<vmem_shared>>
        tpu.wait_indirect_dma semaphore(%run_scoped3A : memref<!tpu.dma_semaphore, #tpu.memory_space<semaphore_mem>>) src(%arg11 : memref<80x128xf32, #tpu.memory_space<vmem>>) dst(%dma_wait3A_109 : memref<10240x128xf32, #tpu.memory_space<vmem_shared>>)
        tpu.yield
      }) : () -> ()
    }
    %scan3A_11 = arith.constant 8 : i32
    %barrier3A = arith.constant 0 : index
    tpu.barrier barrier_id(%barrier3A)
    %scan3A_12 = arith.constant 0 : i32
    %scan3A_13 = arith.constant 0 : i32
    %scan3A_14 = arith.constant 62 : i32
    %scan3A_15 = arith.addi %scan3A_13, %scan3A_14 : i32
    %scan3A_16 = arith.constant 1 : i32
    scf.for %scan3A_57 = %scan3A_13 to %scan3A_15 step %scan3A_16  : i32 {
      %mul3A_58 = arith.constant 4 : i32
      %mul3A_59 = arith.muli %scan3A_57, %mul3A_58 : i32
      %mul3A_60 = arith.constant 20000 : i32
      %mul3A_61 = arith.muli %arg1, %mul3A_60 : i32
      %add3A_62 = arith.constant 0 : i32
      %add3A_63 = arith.addi %mul3A_59, %add3A_62 : i32
      %mul3A_64 = arith.constant 80 : i32
      %mul3A_65 = arith.muli %add3A_63, %mul3A_64 : i32
      %add3A_66 = arith.addi %mul3A_61, %mul3A_65 : i32
      %dma_start3A_67 = tpu.memref_slice %arg4[%add3A_66] : memref<320000xi32, #tpu.memory_space<hbm>> -> memref<80xi32, #tpu.memory_space<hbm>>
      %dma_start3A_68 = tpu.memref_slice %arg4[%add3A_66] : memref<320000xi32, #tpu.memory_space<hbm>> -> memref<80xi32, #tpu.memory_space<hbm>>
      tpu.enqueue_dma source(%dma_start3A_68 : memref<80xi32, #tpu.memory_space<hbm>>) target(%arg7 : memref<80xi32, #tpu.memory_space<vmem>>) target_semaphore(%arg17 : memref<!tpu.dma_semaphore, #tpu.memory_space<semaphore_mem>>)
      %mul3A_69 = arith.constant 20000 : i32
      %mul3A_70 = arith.muli %arg1, %mul3A_69 : i32
      %add3A_71 = arith.constant 1 : i32
      %add3A_72 = arith.addi %mul3A_59, %add3A_71 : i32
      %mul3A_73 = arith.constant 80 : i32
      %mul3A_74 = arith.muli %add3A_72, %mul3A_73 : i32
      %add3A_75 = arith.addi %mul3A_70, %mul3A_74 : i32
      %dma_start3A_76 = tpu.memref_slice %arg4[%add3A_75] : memref<320000xi32, #tpu.memory_space<hbm>> -> memref<80xi32, #tpu.memory_space<hbm>>
      %dma_start3A_77 = tpu.memref_slice %arg4[%add3A_75] : memref<320000xi32, #tpu.memory_space<hbm>> -> memref<80xi32, #tpu.memory_space<hbm>>
      tpu.enqueue_dma source(%dma_start3A_77 : memref<80xi32, #tpu.memory_space<hbm>>) target(%arg8 : memref<80xi32, #tpu.memory_space<vmem>>) target_semaphore(%arg17 : memref<!tpu.dma_semaphore, #tpu.memory_space<semaphore_mem>>)
      %mul3A_78 = arith.constant 20000 : i32
      %mul3A_79 = arith.muli %arg1, %mul3A_78 : i32
      %add3A_80 = arith.constant 2 : i32
      %add3A_81 = arith.addi %mul3A_59, %add3A_80 : i32
      %mul3A_82 = arith.constant 80 : i32
      %mul3A_83 = arith.muli %add3A_81, %mul3A_82 : i32
      %add3A_84 = arith.addi %mul3A_79, %mul3A_83 : i32
      %dma_start3A_85 = tpu.memref_slice %arg4[%add3A_84] : memref<320000xi32, #tpu.memory_space<hbm>> -> memref<80xi32, #tpu.memory_space<hbm>>
      %dma_start3A_86 = tpu.memref_slice %arg4[%add3A_84] : memref<320000xi32, #tpu.memory_space<hbm>> -> memref<80xi32, #tpu.memory_space<hbm>>
      tpu.enqueue_dma source(%dma_start3A_86 : memref<80xi32, #tpu.memory_space<hbm>>) target(%arg9 : memref<80xi32, #tpu.memory_space<vmem>>) target_semaphore(%arg17 : memref<!tpu.dma_semaphore, #tpu.memory_space<semaphore_mem>>)
      %mul3A_87 = arith.constant 20000 : i32
      %mul3A_88 = arith.muli %arg1, %mul3A_87 : i32
      %add3A_89 = arith.constant 3 : i32
      %add3A_90 = arith.addi %mul3A_59, %add3A_89 : i32
      %mul3A_91 = arith.constant 80 : i32
      %mul3A_92 = arith.muli %add3A_90, %mul3A_91 : i32
      %add3A_93 = arith.addi %mul3A_88, %mul3A_92 : i32
      %dma_start3A_94 = tpu.memref_slice %arg4[%add3A_93] : memref<320000xi32, #tpu.memory_space<hbm>> -> memref<80xi32, #tpu.memory_space<hbm>>
      %dma_start3A_95 = tpu.memref_slice %arg4[%add3A_93] : memref<320000xi32, #tpu.memory_space<hbm>> -> memref<80xi32, #tpu.memory_space<hbm>>
      tpu.enqueue_dma source(%dma_start3A_95 : memref<80xi32, #tpu.memory_space<hbm>>) target(%arg10 : memref<80xi32, #tpu.memory_space<vmem>>) target_semaphore(%arg17 : memref<!tpu.dma_semaphore, #tpu.memory_space<semaphore_mem>>)
      %eq3A_96 = arith.constant 0 : i32
      %eq3A_97 = arith.cmpi eq, %arg0, %eq3A_96 : i32
      %convert_element_type3A_98 = arith.extui %eq3A_97 : i1 to i32
      %cond3A_99 = arith.constant 0 : i32
      %cond3A_100 = arith.cmpi ne, %convert_element_type3A_98, %cond3A_99 : i32
      scf.if %cond3A_100 {
        %mul3A_138 = arith.constant 20000 : i32
        %mul3A_139 = arith.muli %arg1, %mul3A_138 : i32
        %add3A_140 = arith.constant 0 : i32
        %add3A_141 = arith.addi %mul3A_59, %add3A_140 : i32
        %mul3A_142 = arith.constant 80 : i32
        %mul3A_143 = arith.muli %add3A_141, %mul3A_142 : i32
        %add3A_144 = arith.addi %mul3A_139, %mul3A_143 : i32
        %dma_start3A_145 = arith.constant 0 : i32
        %dma_start3A_146 = tpu.memref_slice %arg2[%add3A_144, %dma_start3A_145] : memref<320000x128xf32, #tpu.memory_space<hbm>> -> memref<80x128xf32, #tpu.memory_space<hbm>>
        %dma_start3A_147 = arith.constant 0 : i32
        %dma_start3A_148 = tpu.memref_slice %arg2[%add3A_144, %dma_start3A_147] : memref<320000x128xf32, #tpu.memory_space<hbm>> -> memref<80x128xf32, #tpu.memory_space<hbm>>
        tpu.enqueue_dma source(%dma_start3A_148 : memref<80x128xf32, #tpu.memory_space<hbm>>) target(%arg11 : memref<80x128xf32, #tpu.memory_space<vmem>>) target_semaphore(%arg18 : memref<!tpu.dma_semaphore, #tpu.memory_space<semaphore_mem>>)
        %mul3A_149 = arith.constant 20000 : i32
        %mul3A_150 = arith.muli %arg1, %mul3A_149 : i32
        %add3A_151 = arith.constant 1 : i32
        %add3A_152 = arith.addi %mul3A_59, %add3A_151 : i32
        %mul3A_153 = arith.constant 80 : i32
        %mul3A_154 = arith.muli %add3A_152, %mul3A_153 : i32
        %add3A_155 = arith.addi %mul3A_150, %mul3A_154 : i32
        %dma_start3A_156 = arith.constant 0 : i32
        %dma_start3A_157 = tpu.memref_slice %arg2[%add3A_155, %dma_start3A_156] : memref<320000x128xf32, #tpu.memory_space<hbm>> -> memref<80x128xf32, #tpu.memory_space<hbm>>
        %dma_start3A_158 = arith.constant 0 : i32
        %dma_start3A_159 = tpu.memref_slice %arg2[%add3A_155, %dma_start3A_158] : memref<320000x128xf32, #tpu.memory_space<hbm>> -> memref<80x128xf32, #tpu.memory_space<hbm>>
        tpu.enqueue_dma source(%dma_start3A_159 : memref<80x128xf32, #tpu.memory_space<hbm>>) target(%arg12 : memref<80x128xf32, #tpu.memory_space<vmem>>) target_semaphore(%arg18 : memref<!tpu.dma_semaphore, #tpu.memory_space<semaphore_mem>>)
        %mul3A_160 = arith.constant 20000 : i32
        %mul3A_161 = arith.muli %arg1, %mul3A_160 : i32
        %add3A_162 = arith.constant 2 : i32
        %add3A_163 = arith.addi %mul3A_59, %add3A_162 : i32
        %mul3A_164 = arith.constant 80 : i32
        %mul3A_165 = arith.muli %add3A_163, %mul3A_164 : i32
        %add3A_166 = arith.addi %mul3A_161, %mul3A_165 : i32
        %dma_start3A_167 = arith.constant 0 : i32
        %dma_start3A_168 = tpu.memref_slice %arg2[%add3A_166, %dma_start3A_167] : memref<320000x128xf32, #tpu.memory_space<hbm>> -> memref<80x128xf32, #tpu.memory_space<hbm>>
        %dma_start3A_169 = arith.constant 0 : i32
        %dma_start3A_170 = tpu.memref_slice %arg2[%add3A_166, %dma_start3A_169] : memref<320000x128xf32, #tpu.memory_space<hbm>> -> memref<80x128xf32, #tpu.memory_space<hbm>>
        tpu.enqueue_dma source(%dma_start3A_170 : memref<80x128xf32, #tpu.memory_space<hbm>>) target(%arg13 : memref<80x128xf32, #tpu.memory_space<vmem>>) target_semaphore(%arg18 : memref<!tpu.dma_semaphore, #tpu.memory_space<semaphore_mem>>)
        %mul3A_171 = arith.constant 20000 : i32
        %mul3A_172 = arith.muli %arg1, %mul3A_171 : i32
        %add3A_173 = arith.constant 3 : i32
        %add3A_174 = arith.addi %mul3A_59, %add3A_173 : i32
        %mul3A_175 = arith.constant 80 : i32
        %mul3A_176 = arith.muli %add3A_174, %mul3A_175 : i32
        %add3A_177 = arith.addi %mul3A_172, %mul3A_176 : i32
        %dma_start3A_178 = arith.constant 0 : i32
        %dma_start3A_179 = tpu.memref_slice %arg2[%add3A_177, %dma_start3A_178] : memref<320000x128xf32, #tpu.memory_space<hbm>> -> memref<80x128xf32, #tpu.memory_space<hbm>>
        %dma_start3A_180 = arith.constant 0 : i32
        %dma_start3A_181 = tpu.memref_slice %arg2[%add3A_177, %dma_start3A_180] : memref<320000x128xf32, #tpu.memory_space<hbm>> -> memref<80x128xf32, #tpu.memory_space<hbm>>
        tpu.enqueue_dma source(%dma_start3A_181 : memref<80x128xf32, #tpu.memory_space<hbm>>) target(%arg14 : memref<80x128xf32, #tpu.memory_space<vmem>>) target_semaphore(%arg18 : memref<!tpu.dma_semaphore, #tpu.memory_space<semaphore_mem>>)
        %dma_wait3A_182 = arith.constant 0 : i32
        %dma_wait3A_183 = tpu.memref_slice %arg2[%add3A_144, %dma_wait3A_182] : memref<320000x128xf32, #tpu.memory_space<hbm>> -> memref<80x128xf32, #tpu.memory_space<hbm>>
        %dma_wait3A_184 = arith.constant 0 : i32
        %dma_wait3A_185 = tpu.memref_slice %arg2[%add3A_144, %dma_wait3A_184] : memref<320000x128xf32, #tpu.memory_space<hbm>> -> memref<80x128xf32, #tpu.memory_space<hbm>>
        tpu.wait_dma2 semaphore(%arg18 : memref<!tpu.dma_semaphore, #tpu.memory_space<semaphore_mem>>) src(%dma_wait3A_185 : memref<80x128xf32, #tpu.memory_space<hbm>>) dst(%arg11 : memref<80x128xf32, #tpu.memory_space<vmem>>)
        %dma_wait3A_186 = arith.constant 0 : i32
        %dma_wait3A_187 = tpu.memref_slice %arg2[%add3A_155, %dma_wait3A_186] : memref<320000x128xf32, #tpu.memory_space<hbm>> -> memref<80x128xf32, #tpu.memory_space<hbm>>
        %dma_wait3A_188 = arith.constant 0 : i32
        %dma_wait3A_189 = tpu.memref_slice %arg2[%add3A_155, %dma_wait3A_188] : memref<320000x128xf32, #tpu.memory_space<hbm>> -> memref<80x128xf32, #tpu.memory_space<hbm>>
        tpu.wait_dma2 semaphore(%arg18 : memref<!tpu.dma_semaphore, #tpu.memory_space<semaphore_mem>>) src(%dma_wait3A_189 : memref<80x128xf32, #tpu.memory_space<hbm>>) dst(%arg12 : memref<80x128xf32, #tpu.memory_space<vmem>>)
        %dma_wait3A_190 = arith.constant 0 : i32
        %dma_wait3A_191 = tpu.memref_slice %arg2[%add3A_166, %dma_wait3A_190] : memref<320000x128xf32, #tpu.memory_space<hbm>> -> memref<80x128xf32, #tpu.memory_space<hbm>>
        %dma_wait3A_192 = arith.constant 0 : i32
        %dma_wait3A_193 = tpu.memref_slice %arg2[%add3A_166, %dma_wait3A_192] : memref<320000x128xf32, #tpu.memory_space<hbm>> -> memref<80x128xf32, #tpu.memory_space<hbm>>
        tpu.wait_dma2 semaphore(%arg18 : memref<!tpu.dma_semaphore, #tpu.memory_space<semaphore_mem>>) src(%dma_wait3A_193 : memref<80x128xf32, #tpu.memory_space<hbm>>) dst(%arg13 : memref<80x128xf32, #tpu.memory_space<vmem>>)
        %dma_wait3A_194 = arith.constant 0 : i32
        %dma_wait3A_195 = tpu.memref_slice %arg2[%add3A_177, %dma_wait3A_194] : memref<320000x128xf32, #tpu.memory_space<hbm>> -> memref<80x128xf32, #tpu.memory_space<hbm>>
        %dma_wait3A_196 = arith.constant 0 : i32
        %dma_wait3A_197 = tpu.memref_slice %arg2[%add3A_177, %dma_wait3A_196] : memref<320000x128xf32, #tpu.memory_space<hbm>> -> memref<80x128xf32, #tpu.memory_space<hbm>>
        tpu.wait_dma2 semaphore(%arg18 : memref<!tpu.dma_semaphore, #tpu.memory_space<semaphore_mem>>) src(%dma_wait3A_197 : memref<80x128xf32, #tpu.memory_space<hbm>>) dst(%arg14 : memref<80x128xf32, #tpu.memory_space<vmem>>)
      } else {
      }
      %eq3A_101 = arith.constant 1 : i32
      %eq3A_102 = arith.cmpi eq, %arg0, %eq3A_101 : i32
      %convert_element_type3A_103 = arith.extui %eq3A_102 : i1 to i32
      %cond3A_104 = arith.constant 0 : i32
      %cond3A_105 = arith.cmpi ne, %convert_element_type3A_103, %cond3A_104 : i32
      scf.if %cond3A_105 {
        %mul3A_138 = arith.constant 20000 : i32
        %mul3A_139 = arith.muli %arg1, %mul3A_138 : i32
        %add3A_140 = arith.constant 0 : i32
        %add3A_141 = arith.addi %mul3A_59, %add3A_140 : i32
        %mul3A_142 = arith.constant 80 : i32
        %mul3A_143 = arith.muli %add3A_141, %mul3A_142 : i32
        %add3A_144 = arith.addi %mul3A_139, %mul3A_143 : i32
        %dma_start3A_145 = arith.constant 0 : i32
        %dma_start3A_146 = tpu.memref_slice %arg3[%add3A_144, %dma_start3A_145] : memref<320000x128xf32, #tpu.memory_space<hbm>> -> memref<80x128xf32, #tpu.memory_space<hbm>>
        %dma_start3A_147 = arith.constant 0 : i32
        %dma_start3A_148 = tpu.memref_slice %arg3[%add3A_144, %dma_start3A_147] : memref<320000x128xf32, #tpu.memory_space<hbm>> -> memref<80x128xf32, #tpu.memory_space<hbm>>
        tpu.enqueue_dma source(%dma_start3A_148 : memref<80x128xf32, #tpu.memory_space<hbm>>) target(%arg11 : memref<80x128xf32, #tpu.memory_space<vmem>>) target_semaphore(%arg18 : memref<!tpu.dma_semaphore, #tpu.memory_space<semaphore_mem>>)
        %mul3A_149 = arith.constant 20000 : i32
        %mul3A_150 = arith.muli %arg1, %mul3A_149 : i32
        %add3A_151 = arith.constant 1 : i32
        %add3A_152 = arith.addi %mul3A_59, %add3A_151 : i32
        %mul3A_153 = arith.constant 80 : i32
        %mul3A_154 = arith.muli %add3A_152, %mul3A_153 : i32
        %add3A_155 = arith.addi %mul3A_150, %mul3A_154 : i32
        %dma_start3A_156 = arith.constant 0 : i32
        %dma_start3A_157 = tpu.memref_slice %arg3[%add3A_155, %dma_start3A_156] : memref<320000x128xf32, #tpu.memory_space<hbm>> -> memref<80x128xf32, #tpu.memory_space<hbm>>
        %dma_start3A_158 = arith.constant 0 : i32
        %dma_start3A_159 = tpu.memref_slice %arg3[%add3A_155, %dma_start3A_158] : memref<320000x128xf32, #tpu.memory_space<hbm>> -> memref<80x128xf32, #tpu.memory_space<hbm>>
        tpu.enqueue_dma source(%dma_start3A_159 : memref<80x128xf32, #tpu.memory_space<hbm>>) target(%arg12 : memref<80x128xf32, #tpu.memory_space<vmem>>) target_semaphore(%arg18 : memref<!tpu.dma_semaphore, #tpu.memory_space<semaphore_mem>>)
        %mul3A_160 = arith.constant 20000 : i32
        %mul3A_161 = arith.muli %arg1, %mul3A_160 : i32
        %add3A_162 = arith.constant 2 : i32
        %add3A_163 = arith.addi %mul3A_59, %add3A_162 : i32
        %mul3A_164 = arith.constant 80 : i32
        %mul3A_165 = arith.muli %add3A_163, %mul3A_164 : i32
        %add3A_166 = arith.addi %mul3A_161, %mul3A_165 : i32
        %dma_start3A_167 = arith.constant 0 : i32
        %dma_start3A_168 = tpu.memref_slice %arg3[%add3A_166, %dma_start3A_167] : memref<320000x128xf32, #tpu.memory_space<hbm>> -> memref<80x128xf32, #tpu.memory_space<hbm>>
        %dma_start3A_169 = arith.constant 0 : i32
        %dma_start3A_170 = tpu.memref_slice %arg3[%add3A_166, %dma_start3A_169] : memref<320000x128xf32, #tpu.memory_space<hbm>> -> memref<80x128xf32, #tpu.memory_space<hbm>>
        tpu.enqueue_dma source(%dma_start3A_170 : memref<80x128xf32, #tpu.memory_space<hbm>>) target(%arg13 : memref<80x128xf32, #tpu.memory_space<vmem>>) target_semaphore(%arg18 : memref<!tpu.dma_semaphore, #tpu.memory_space<semaphore_mem>>)
        %mul3A_171 = arith.constant 20000 : i32
        %mul3A_172 = arith.muli %arg1, %mul3A_171 : i32
        %add3A_173 = arith.constant 3 : i32
        %add3A_174 = arith.addi %mul3A_59, %add3A_173 : i32
        %mul3A_175 = arith.constant 80 : i32
        %mul3A_176 = arith.muli %add3A_174, %mul3A_175 : i32
        %add3A_177 = arith.addi %mul3A_172, %mul3A_176 : i32
        %dma_start3A_178 = arith.constant 0 : i32
        %dma_start3A_179 = tpu.memref_slice %arg3[%add3A_177, %dma_start3A_178] : memref<320000x128xf32, #tpu.memory_space<hbm>> -> memref<80x128xf32, #tpu.memory_space<hbm>>
        %dma_start3A_180 = arith.constant 0 : i32
        %dma_start3A_181 = tpu.memref_slice %arg3[%add3A_177, %dma_start3A_180] : memref<320000x128xf32, #tpu.memory_space<hbm>> -> memref<80x128xf32, #tpu.memory_space<hbm>>
        tpu.enqueue_dma source(%dma_start3A_181 : memref<80x128xf32, #tpu.memory_space<hbm>>) target(%arg14 : memref<80x128xf32, #tpu.memory_space<vmem>>) target_semaphore(%arg18 : memref<!tpu.dma_semaphore, #tpu.memory_space<semaphore_mem>>)
        %dma_wait3A_182 = arith.constant 0 : i32
        %dma_wait3A_183 = tpu.memref_slice %arg3[%add3A_144, %dma_wait3A_182] : memref<320000x128xf32, #tpu.memory_space<hbm>> -> memref<80x128xf32, #tpu.memory_space<hbm>>
        %dma_wait3A_184 = arith.constant 0 : i32
        %dma_wait3A_185 = tpu.memref_slice %arg3[%add3A_144, %dma_wait3A_184] : memref<320000x128xf32, #tpu.memory_space<hbm>> -> memref<80x128xf32, #tpu.memory_space<hbm>>
        tpu.wait_dma2 semaphore(%arg18 : memref<!tpu.dma_semaphore, #tpu.memory_space<semaphore_mem>>) src(%dma_wait3A_185 : memref<80x128xf32, #tpu.memory_space<hbm>>) dst(%arg11 : memref<80x128xf32, #tpu.memory_space<vmem>>)
        %dma_wait3A_186 = arith.constant 0 : i32
        %dma_wait3A_187 = tpu.memref_slice %arg3[%add3A_155, %dma_wait3A_186] : memref<320000x128xf32, #tpu.memory_space<hbm>> -> memref<80x128xf32, #tpu.memory_space<hbm>>
        %dma_wait3A_188 = arith.constant 0 : i32
        %dma_wait3A_189 = tpu.memref_slice %arg3[%add3A_155, %dma_wait3A_188] : memref<320000x128xf32, #tpu.memory_space<hbm>> -> memref<80x128xf32, #tpu.memory_space<hbm>>
        tpu.wait_dma2 semaphore(%arg18 : memref<!tpu.dma_semaphore, #tpu.memory_space<semaphore_mem>>) src(%dma_wait3A_189 : memref<80x128xf32, #tpu.memory_space<hbm>>) dst(%arg12 : memref<80x128xf32, #tpu.memory_space<vmem>>)
        %dma_wait3A_190 = arith.constant 0 : i32
        %dma_wait3A_191 = tpu.memref_slice %arg3[%add3A_166, %dma_wait3A_190] : memref<320000x128xf32, #tpu.memory_space<hbm>> -> memref<80x128xf32, #tpu.memory_space<hbm>>
        %dma_wait3A_192 = arith.constant 0 : i32
        %dma_wait3A_193 = tpu.memref_slice %arg3[%add3A_166, %dma_wait3A_192] : memref<320000x128xf32, #tpu.memory_space<hbm>> -> memref<80x128xf32, #tpu.memory_space<hbm>>
        tpu.wait_dma2 semaphore(%arg18 : memref<!tpu.dma_semaphore, #tpu.memory_space<semaphore_mem>>) src(%dma_wait3A_193 : memref<80x128xf32, #tpu.memory_space<hbm>>) dst(%arg13 : memref<80x128xf32, #tpu.memory_space<vmem>>)
        %dma_wait3A_194 = arith.constant 0 : i32
        %dma_wait3A_195 = tpu.memref_slice %arg3[%add3A_177, %dma_wait3A_194] : memref<320000x128xf32, #tpu.memory_space<hbm>> -> memref<80x128xf32, #tpu.memory_space<hbm>>
        %dma_wait3A_196 = arith.constant 0 : i32
        %dma_wait3A_197 = tpu.memref_slice %arg3[%add3A_177, %dma_wait3A_196] : memref<320000x128xf32, #tpu.memory_space<hbm>> -> memref<80x128xf32, #tpu.memory_space<hbm>>
        tpu.wait_dma2 semaphore(%arg18 : memref<!tpu.dma_semaphore, #tpu.memory_space<semaphore_mem>>) src(%dma_wait3A_197 : memref<80x128xf32, #tpu.memory_space<hbm>>) dst(%arg14 : memref<80x128xf32, #tpu.memory_space<vmem>>)
      } else {
      }
      %dma_wait3A_106 = tpu.memref_slice %arg4[%add3A_66] : memref<320000xi32, #tpu.memory_space<hbm>> -> memref<80xi32, #tpu.memory_space<hbm>>
      %dma_wait3A_107 = tpu.memref_slice %arg4[%add3A_66] : memref<320000xi32, #tpu.memory_space<hbm>> -> memref<80xi32, #tpu.memory_space<hbm>>
      tpu.wait_dma2 semaphore(%arg17 : memref<!tpu.dma_semaphore, #tpu.memory_space<semaphore_mem>>) src(%dma_wait3A_107 : memref<80xi32, #tpu.memory_space<hbm>>) dst(%arg7 : memref<80xi32, #tpu.memory_space<vmem>>)
      %dma_wait3A_108 = tpu.memref_slice %arg4[%add3A_75] : memref<320000xi32, #tpu.memory_space<hbm>> -> memref<80xi32, #tpu.memory_space<hbm>>
      %dma_wait3A_109 = tpu.memref_slice %arg4[%add3A_75] : memref<320000xi32, #tpu.memory_space<hbm>> -> memref<80xi32, #tpu.memory_space<hbm>>
      tpu.wait_dma2 semaphore(%arg17 : memref<!tpu.dma_semaphore, #tpu.memory_space<semaphore_mem>>) src(%dma_wait3A_109 : memref<80xi32, #tpu.memory_space<hbm>>) dst(%arg8 : memref<80xi32, #tpu.memory_space<vmem>>)
      %dma_wait3A_110 = tpu.memref_slice %arg4[%add3A_84] : memref<320000xi32, #tpu.memory_space<hbm>> -> memref<80xi32, #tpu.memory_space<hbm>>
      %dma_wait3A_111 = tpu.memref_slice %arg4[%add3A_84] : memref<320000xi32, #tpu.memory_space<hbm>> -> memref<80xi32, #tpu.memory_space<hbm>>
      tpu.wait_dma2 semaphore(%arg17 : memref<!tpu.dma_semaphore, #tpu.memory_space<semaphore_mem>>) src(%dma_wait3A_111 : memref<80xi32, #tpu.memory_space<hbm>>) dst(%arg9 : memref<80xi32, #tpu.memory_space<vmem>>)
      %dma_wait3A_112 = tpu.memref_slice %arg4[%add3A_93] : memref<320000xi32, #tpu.memory_space<hbm>> -> memref<80xi32, #tpu.memory_space<hbm>>
      %dma_wait3A_113 = tpu.memref_slice %arg4[%add3A_93] : memref<320000xi32, #tpu.memory_space<hbm>> -> memref<80xi32, #tpu.memory_space<hbm>>
      tpu.wait_dma2 semaphore(%arg17 : memref<!tpu.dma_semaphore, #tpu.memory_space<semaphore_mem>>) src(%dma_wait3A_113 : memref<80xi32, #tpu.memory_space<hbm>>) dst(%arg10 : memref<80xi32, #tpu.memory_space<vmem>>)
      %dma_start3A_114 = arith.constant 0 : i32
      %dma_start3A_115 = arith.constant 0 : i32
      %dma_start3A_116 = tpu.memref_slice %arg16[%dma_start3A_114, %dma_start3A_115] : memref<10240x128xf32, #tpu.memory_space<vmem_shared>> -> memref<10240x128xf32, #tpu.memory_space<vmem_shared>>
      tpu.enqueue_indirect_dma source(%arg11 : memref<80x128xf32, #tpu.memory_space<vmem>>) target(%dma_start3A_116 : memref<10240x128xf32, #tpu.memory_space<vmem_shared>>) offsets(%arg7 : memref<80xi32, #tpu.memory_space<vmem>>) semaphore(%arg18 : memref<!tpu.dma_semaphore, #tpu.memory_space<semaphore_mem>>) {add = true}
      %dma_start3A_117 = arith.constant 0 : i32
      %dma_start3A_118 = arith.constant 0 : i32
      %dma_start3A_119 = tpu.memref_slice %arg16[%dma_start3A_117, %dma_start3A_118] : memref<10240x128xf32, #tpu.memory_space<vmem_shared>> -> memref<10240x128xf32, #tpu.memory_space<vmem_shared>>
      tpu.enqueue_indirect_dma source(%arg12 : memref<80x128xf32, #tpu.memory_space<vmem>>) target(%dma_start3A_119 : memref<10240x128xf32, #tpu.memory_space<vmem_shared>>) offsets(%arg8 : memref<80xi32, #tpu.memory_space<vmem>>) semaphore(%arg18 : memref<!tpu.dma_semaphore, #tpu.memory_space<semaphore_mem>>) {add = true}
      %dma_start3A_120 = arith.constant 0 : i32
      %dma_start3A_121 = arith.constant 0 : i32
      %dma_start3A_122 = tpu.memref_slice %arg16[%dma_start3A_120, %dma_start3A_121] : memref<10240x128xf32, #tpu.memory_space<vmem_shared>> -> memref<10240x128xf32, #tpu.memory_space<vmem_shared>>
      tpu.enqueue_indirect_dma source(%arg13 : memref<80x128xf32, #tpu.memory_space<vmem>>) target(%dma_start3A_122 : memref<10240x128xf32, #tpu.memory_space<vmem_shared>>) offsets(%arg9 : memref<80xi32, #tpu.memory_space<vmem>>) semaphore(%arg18 : memref<!tpu.dma_semaphore, #tpu.memory_space<semaphore_mem>>) {add = true}
      %dma_start3A_123 = arith.constant 0 : i32
      %dma_start3A_124 = arith.constant 0 : i32
      %dma_start3A_125 = tpu.memref_slice %arg16[%dma_start3A_123, %dma_start3A_124] : memref<10240x128xf32, #tpu.memory_space<vmem_shared>> -> memref<10240x128xf32, #tpu.memory_space<vmem_shared>>
      tpu.enqueue_indirect_dma source(%arg14 : memref<80x128xf32, #tpu.memory_space<vmem>>) target(%dma_start3A_125 : memref<10240x128xf32, #tpu.memory_space<vmem_shared>>) offsets(%arg10 : memref<80xi32, #tpu.memory_space<vmem>>) semaphore(%arg18 : memref<!tpu.dma_semaphore, #tpu.memory_space<semaphore_mem>>) {add = true}
      %dma_wait3A_126 = arith.constant 0 : i32
      %dma_wait3A_127 = arith.constant 0 : i32
      %dma_wait3A_128 = tpu.memref_slice %arg16[%dma_wait3A_126, %dma_wait3A_127] : memref<10240x128xf32, #tpu.memory_space<vmem_shared>> -> memref<10240x128xf32, #tpu.memory_space<vmem_shared>>
      tpu.wait_indirect_dma semaphore(%arg18 : memref<!tpu.dma_semaphore, #tpu.memory_space<semaphore_mem>>) src(%arg11 : memref<80x128xf32, #tpu.memory_space<vmem>>) dst(%dma_wait3A_128 : memref<10240x128xf32, #tpu.memory_space<vmem_shared>>)
      %dma_wait3A_129 = arith.constant 0 : i32
      %dma_wait3A_130 = arith.constant 0 : i32
      %dma_wait3A_131 = tpu.memref_slice %arg16[%dma_wait3A_129, %dma_wait3A_130] : memref<10240x128xf32, #tpu.memory_space<vmem_shared>> -> memref<10240x128xf32, #tpu.memory_space<vmem_shared>>
      tpu.wait_indirect_dma semaphore(%arg18 : memref<!tpu.dma_semaphore, #tpu.memory_space<semaphore_mem>>) src(%arg12 : memref<80x128xf32, #tpu.memory_space<vmem>>) dst(%dma_wait3A_131 : memref<10240x128xf32, #tpu.memory_space<vmem_shared>>)
      %dma_wait3A_132 = arith.constant 0 : i32
      %dma_wait3A_133 = arith.constant 0 : i32
      %dma_wait3A_134 = tpu.memref_slice %arg16[%dma_wait3A_132, %dma_wait3A_133] : memref<10240x128xf32, #tpu.memory_space<vmem_shared>> -> memref<10240x128xf32, #tpu.memory_space<vmem_shared>>
      tpu.wait_indirect_dma semaphore(%arg18 : memref<!tpu.dma_semaphore, #tpu.memory_space<semaphore_mem>>) src(%arg13 : memref<80x128xf32, #tpu.memory_space<vmem>>) dst(%dma_wait3A_134 : memref<10240x128xf32, #tpu.memory_space<vmem_shared>>)
      %dma_wait3A_135 = arith.constant 0 : i32
      %dma_wait3A_136 = arith.constant 0 : i32
      %dma_wait3A_137 = tpu.memref_slice %arg16[%dma_wait3A_135, %dma_wait3A_136] : memref<10240x128xf32, #tpu.memory_space<vmem_shared>> -> memref<10240x128xf32, #tpu.memory_space<vmem_shared>>
      tpu.wait_indirect_dma semaphore(%arg18 : memref<!tpu.dma_semaphore, #tpu.memory_space<semaphore_mem>>) src(%arg14 : memref<80x128xf32, #tpu.memory_space<vmem>>) dst(%dma_wait3A_137 : memref<10240x128xf32, #tpu.memory_space<vmem_shared>>)
    }
    %scan3A_17 = arith.constant 62 : i32
    %mul3A_18 = arith.constant 20000 : i32
    %mul3A_19 = arith.muli %arg1, %mul3A_18 : i32
    %add3A = arith.constant 19840 : i32
    %add3A_20 = arith.addi %mul3A_19, %add3A : i32
    %dma_start3A = tpu.memref_slice %arg4[%add3A_20] : memref<320000xi32, #tpu.memory_space<hbm>> -> memref<80xi32, #tpu.memory_space<hbm>>
    %dma_start3A_21 = tpu.memref_slice %arg4[%add3A_20] : memref<320000xi32, #tpu.memory_space<hbm>> -> memref<80xi32, #tpu.memory_space<hbm>>
    tpu.enqueue_dma source(%dma_start3A_21 : memref<80xi32, #tpu.memory_space<hbm>>) target(%arg7 : memref<80xi32, #tpu.memory_space<vmem>>) target_semaphore(%arg17 : memref<!tpu.dma_semaphore, #tpu.memory_space<semaphore_mem>>)
    %mul3A_22 = arith.constant 20000 : i32
    %mul3A_23 = arith.muli %arg1, %mul3A_22 : i32
    %add3A_24 = arith.constant 19920 : i32
    %add3A_25 = arith.addi %mul3A_23, %add3A_24 : i32
    %dma_start3A_26 = tpu.memref_slice %arg4[%add3A_25] : memref<320000xi32, #tpu.memory_space<hbm>> -> memref<80xi32, #tpu.memory_space<hbm>>
    %dma_start3A_27 = tpu.memref_slice %arg4[%add3A_25] : memref<320000xi32, #tpu.memory_space<hbm>> -> memref<80xi32, #tpu.memory_space<hbm>>
    tpu.enqueue_dma source(%dma_start3A_27 : memref<80xi32, #tpu.memory_space<hbm>>) target(%arg8 : memref<80xi32, #tpu.memory_space<vmem>>) target_semaphore(%arg17 : memref<!tpu.dma_semaphore, #tpu.memory_space<semaphore_mem>>)
    %eq3A = arith.constant 0 : i32
    %eq3A_28 = arith.cmpi eq, %arg0, %eq3A : i32
    %convert_element_type3A = arith.extui %eq3A_28 : i1 to i32
    %cond3A = arith.constant 0 : i32
    %cond3A_29 = arith.cmpi ne, %convert_element_type3A, %cond3A : i32
    scf.if %cond3A_29 {
      %mul3A_57 = arith.constant 20000 : i32
      %mul3A_58 = arith.muli %arg1, %mul3A_57 : i32
      %add3A_59 = arith.constant 19840 : i32
      %add3A_60 = arith.addi %mul3A_58, %add3A_59 : i32
      %dma_start3A_61 = arith.constant 0 : i32
      %dma_start3A_62 = tpu.memref_slice %arg2[%add3A_60, %dma_start3A_61] : memref<320000x128xf32, #tpu.memory_space<hbm>> -> memref<80x128xf32, #tpu.memory_space<hbm>>
      %dma_start3A_63 = arith.constant 0 : i32
      %dma_start3A_64 = tpu.memref_slice %arg2[%add3A_60, %dma_start3A_63] : memref<320000x128xf32, #tpu.memory_space<hbm>> -> memref<80x128xf32, #tpu.memory_space<hbm>>
      tpu.enqueue_dma source(%dma_start3A_64 : memref<80x128xf32, #tpu.memory_space<hbm>>) target(%arg11 : memref<80x128xf32, #tpu.memory_space<vmem>>) target_semaphore(%arg18 : memref<!tpu.dma_semaphore, #tpu.memory_space<semaphore_mem>>)
      %mul3A_65 = arith.constant 20000 : i32
      %mul3A_66 = arith.muli %arg1, %mul3A_65 : i32
      %add3A_67 = arith.constant 19920 : i32
      %add3A_68 = arith.addi %mul3A_66, %add3A_67 : i32
      %dma_start3A_69 = arith.constant 0 : i32
      %dma_start3A_70 = tpu.memref_slice %arg2[%add3A_68, %dma_start3A_69] : memref<320000x128xf32, #tpu.memory_space<hbm>> -> memref<80x128xf32, #tpu.memory_space<hbm>>
      %dma_start3A_71 = arith.constant 0 : i32
      %dma_start3A_72 = tpu.memref_slice %arg2[%add3A_68, %dma_start3A_71] : memref<320000x128xf32, #tpu.memory_space<hbm>> -> memref<80x128xf32, #tpu.memory_space<hbm>>
      tpu.enqueue_dma source(%dma_start3A_72 : memref<80x128xf32, #tpu.memory_space<hbm>>) target(%arg12 : memref<80x128xf32, #tpu.memory_space<vmem>>) target_semaphore(%arg18 : memref<!tpu.dma_semaphore, #tpu.memory_space<semaphore_mem>>)
      %dma_wait3A_73 = arith.constant 0 : i32
      %dma_wait3A_74 = tpu.memref_slice %arg2[%add3A_60, %dma_wait3A_73] : memref<320000x128xf32, #tpu.memory_space<hbm>> -> memref<80x128xf32, #tpu.memory_space<hbm>>
      %dma_wait3A_75 = arith.constant 0 : i32
      %dma_wait3A_76 = tpu.memref_slice %arg2[%add3A_60, %dma_wait3A_75] : memref<320000x128xf32, #tpu.memory_space<hbm>> -> memref<80x128xf32, #tpu.memory_space<hbm>>
      tpu.wait_dma2 semaphore(%arg18 : memref<!tpu.dma_semaphore, #tpu.memory_space<semaphore_mem>>) src(%dma_wait3A_76 : memref<80x128xf32, #tpu.memory_space<hbm>>) dst(%arg11 : memref<80x128xf32, #tpu.memory_space<vmem>>)
      %dma_wait3A_77 = arith.constant 0 : i32
      %dma_wait3A_78 = tpu.memref_slice %arg2[%add3A_68, %dma_wait3A_77] : memref<320000x128xf32, #tpu.memory_space<hbm>> -> memref<80x128xf32, #tpu.memory_space<hbm>>
      %dma_wait3A_79 = arith.constant 0 : i32
      %dma_wait3A_80 = tpu.memref_slice %arg2[%add3A_68, %dma_wait3A_79] : memref<320000x128xf32, #tpu.memory_space<hbm>> -> memref<80x128xf32, #tpu.memory_space<hbm>>
      tpu.wait_dma2 semaphore(%arg18 : memref<!tpu.dma_semaphore, #tpu.memory_space<semaphore_mem>>) src(%dma_wait3A_80 : memref<80x128xf32, #tpu.memory_space<hbm>>) dst(%arg12 : memref<80x128xf32, #tpu.memory_space<vmem>>)
    } else {
    }
    %eq3A_30 = arith.constant 1 : i32
    %eq3A_31 = arith.cmpi eq, %arg0, %eq3A_30 : i32
    %convert_element_type3A_32 = arith.extui %eq3A_31 : i1 to i32
    %cond3A_33 = arith.constant 0 : i32
    %cond3A_34 = arith.cmpi ne, %convert_element_type3A_32, %cond3A_33 : i32
    scf.if %cond3A_34 {
      %mul3A_57 = arith.constant 20000 : i32
      %mul3A_58 = arith.muli %arg1, %mul3A_57 : i32
      %add3A_59 = arith.constant 19840 : i32
      %add3A_60 = arith.addi %mul3A_58, %add3A_59 : i32
      %dma_start3A_61 = arith.constant 0 : i32
      %dma_start3A_62 = tpu.memref_slice %arg3[%add3A_60, %dma_start3A_61] : memref<320000x128xf32, #tpu.memory_space<hbm>> -> memref<80x128xf32, #tpu.memory_space<hbm>>
      %dma_start3A_63 = arith.constant 0 : i32
      %dma_start3A_64 = tpu.memref_slice %arg3[%add3A_60, %dma_start3A_63] : memref<320000x128xf32, #tpu.memory_space<hbm>> -> memref<80x128xf32, #tpu.memory_space<hbm>>
      tpu.enqueue_dma source(%dma_start3A_64 : memref<80x128xf32, #tpu.memory_space<hbm>>) target(%arg11 : memref<80x128xf32, #tpu.memory_space<vmem>>) target_semaphore(%arg18 : memref<!tpu.dma_semaphore, #tpu.memory_space<semaphore_mem>>)
      %mul3A_65 = arith.constant 20000 : i32
      %mul3A_66 = arith.muli %arg1, %mul3A_65 : i32
      %add3A_67 = arith.constant 19920 : i32
      %add3A_68 = arith.addi %mul3A_66, %add3A_67 : i32
      %dma_start3A_69 = arith.constant 0 : i32
      %dma_start3A_70 = tpu.memref_slice %arg3[%add3A_68, %dma_start3A_69] : memref<320000x128xf32, #tpu.memory_space<hbm>> -> memref<80x128xf32, #tpu.memory_space<hbm>>
      %dma_start3A_71 = arith.constant 0 : i32
      %dma_start3A_72 = tpu.memref_slice %arg3[%add3A_68, %dma_start3A_71] : memref<320000x128xf32, #tpu.memory_space<hbm>> -> memref<80x128xf32, #tpu.memory_space<hbm>>
      tpu.enqueue_dma source(%dma_start3A_72 : memref<80x128xf32, #tpu.memory_space<hbm>>) target(%arg12 : memref<80x128xf32, #tpu.memory_space<vmem>>) target_semaphore(%arg18 : memref<!tpu.dma_semaphore, #tpu.memory_space<semaphore_mem>>)
      %dma_wait3A_73 = arith.constant 0 : i32
      %dma_wait3A_74 = tpu.memref_slice %arg3[%add3A_60, %dma_wait3A_73] : memref<320000x128xf32, #tpu.memory_space<hbm>> -> memref<80x128xf32, #tpu.memory_space<hbm>>
      %dma_wait3A_75 = arith.constant 0 : i32
      %dma_wait3A_76 = tpu.memref_slice %arg3[%add3A_60, %dma_wait3A_75] : memref<320000x128xf32, #tpu.memory_space<hbm>> -> memref<80x128xf32, #tpu.memory_space<hbm>>
      tpu.wait_dma2 semaphore(%arg18 : memref<!tpu.dma_semaphore, #tpu.memory_space<semaphore_mem>>) src(%dma_wait3A_76 : memref<80x128xf32, #tpu.memory_space<hbm>>) dst(%arg11 : memref<80x128xf32, #tpu.memory_space<vmem>>)
      %dma_wait3A_77 = arith.constant 0 : i32
      %dma_wait3A_78 = tpu.memref_slice %arg3[%add3A_68, %dma_wait3A_77] : memref<320000x128xf32, #tpu.memory_space<hbm>> -> memref<80x128xf32, #tpu.memory_space<hbm>>
      %dma_wait3A_79 = arith.constant 0 : i32
      %dma_wait3A_80 = tpu.memref_slice %arg3[%add3A_68, %dma_wait3A_79] : memref<320000x128xf32, #tpu.memory_space<hbm>> -> memref<80x128xf32, #tpu.memory_space<hbm>>
      tpu.wait_dma2 semaphore(%arg18 : memref<!tpu.dma_semaphore, #tpu.memory_space<semaphore_mem>>) src(%dma_wait3A_80 : memref<80x128xf32, #tpu.memory_space<hbm>>) dst(%arg12 : memref<80x128xf32, #tpu.memory_space<vmem>>)
    } else {
    }
    %dma_wait3A = tpu.memref_slice %arg4[%add3A_20] : memref<320000xi32, #tpu.memory_space<hbm>> -> memref<80xi32, #tpu.memory_space<hbm>>
    %dma_wait3A_35 = tpu.memref_slice %arg4[%add3A_20] : memref<320000xi32, #tpu.memory_space<hbm>> -> memref<80xi32, #tpu.memory_space<hbm>>
    tpu.wait_dma2 semaphore(%arg17 : memref<!tpu.dma_semaphore, #tpu.memory_space<semaphore_mem>>) src(%dma_wait3A_35 : memref<80xi32, #tpu.memory_space<hbm>>) dst(%arg7 : memref<80xi32, #tpu.memory_space<vmem>>)
    %dma_wait3A_36 = tpu.memref_slice %arg4[%add3A_25] : memref<320000xi32, #tpu.memory_space<hbm>> -> memref<80xi32, #tpu.memory_space<hbm>>
    %dma_wait3A_37 = tpu.memref_slice %arg4[%add3A_25] : memref<320000xi32, #tpu.memory_space<hbm>> -> memref<80xi32, #tpu.memory_space<hbm>>
    tpu.wait_dma2 semaphore(%arg17 : memref<!tpu.dma_semaphore, #tpu.memory_space<semaphore_mem>>) src(%dma_wait3A_37 : memref<80xi32, #tpu.memory_space<hbm>>) dst(%arg8 : memref<80xi32, #tpu.memory_space<vmem>>)
    %dma_start3A_38 = arith.constant 0 : i32
    %dma_start3A_39 = arith.constant 0 : i32
    %dma_start3A_40 = tpu.memref_slice %arg16[%dma_start3A_38, %dma_start3A_39] : memref<10240x128xf32, #tpu.memory_space<vmem_shared>> -> memref<10240x128xf32, #tpu.memory_space<vmem_shared>>
    tpu.enqueue_indirect_dma source(%arg11 : memref<80x128xf32, #tpu.memory_space<vmem>>) target(%dma_start3A_40 : memref<10240x128xf32, #tpu.memory_space<vmem_shared>>) offsets(%arg7 : memref<80xi32, #tpu.memory_space<vmem>>) semaphore(%arg18 : memref<!tpu.dma_semaphore, #tpu.memory_space<semaphore_mem>>) {add = true}
    %dma_start3A_41 = arith.constant 0 : i32
    %dma_start3A_42 = arith.constant 0 : i32
    %dma_start3A_43 = tpu.memref_slice %arg16[%dma_start3A_41, %dma_start3A_42] : memref<10240x128xf32, #tpu.memory_space<vmem_shared>> -> memref<10240x128xf32, #tpu.memory_space<vmem_shared>>
    tpu.enqueue_indirect_dma source(%arg12 : memref<80x128xf32, #tpu.memory_space<vmem>>) target(%dma_start3A_43 : memref<10240x128xf32, #tpu.memory_space<vmem_shared>>) offsets(%arg8 : memref<80xi32, #tpu.memory_space<vmem>>) semaphore(%arg18 : memref<!tpu.dma_semaphore, #tpu.memory_space<semaphore_mem>>) {add = true}
    %dma_wait3A_44 = arith.constant 0 : i32
    %dma_wait3A_45 = arith.constant 0 : i32
    %dma_wait3A_46 = tpu.memref_slice %arg16[%dma_wait3A_44, %dma_wait3A_45] : memref<10240x128xf32, #tpu.memory_space<vmem_shared>> -> memref<10240x128xf32, #tpu.memory_space<vmem_shared>>
    tpu.wait_indirect_dma semaphore(%arg18 : memref<!tpu.dma_semaphore, #tpu.memory_space<semaphore_mem>>) src(%arg11 : memref<80x128xf32, #tpu.memory_space<vmem>>) dst(%dma_wait3A_46 : memref<10240x128xf32, #tpu.memory_space<vmem_shared>>)
    %dma_wait3A_47 = arith.constant 0 : i32
    %dma_wait3A_48 = arith.constant 0 : i32
    %dma_wait3A_49 = tpu.memref_slice %arg16[%dma_wait3A_47, %dma_wait3A_48] : memref<10240x128xf32, #tpu.memory_space<vmem_shared>> -> memref<10240x128xf32, #tpu.memory_space<vmem_shared>>
    tpu.wait_indirect_dma semaphore(%arg18 : memref<!tpu.dma_semaphore, #tpu.memory_space<semaphore_mem>>) src(%arg12 : memref<80x128xf32, #tpu.memory_space<vmem>>) dst(%dma_wait3A_49 : memref<10240x128xf32, #tpu.memory_space<vmem_shared>>)
    %barrier3A_50 = arith.constant 0 : index
    tpu.barrier barrier_id(%barrier3A_50)
    %scan3A_51 = arith.constant 0 : i32
    %scan3A_52 = arith.constant 0 : i32
    %scan3A_53 = arith.constant 8 : i32
    %scan3A_54 = arith.addi %scan3A_52, %scan3A_53 : i32
    %scan3A_55 = arith.constant 1 : i32
    scf.for %scan3A_57 = %scan3A_52 to %scan3A_54 step %scan3A_55  : i32 {
      %mul3A_58 = arith.constant 80 : i32
      %mul3A_59 = arith.muli %scan3A_57, %mul3A_58 : i32
      %add3A_60 = arith.addi %mul3A_0, %mul3A_59 : i32
      %add3A_61 = arith.constant 0 : i32
      %add3A_62 = arith.addi %add3A_60, %add3A_61 : i32
      %iota3A = tpu.iota {dimensions = array<i32: 0>} : vector<16xi32>
      %add3A_63 = vector.broadcast %add3A_62 : i32 to vector<16xi32>
      %add3A_64 = arith.addi %add3A_63, %iota3A : vector<16xi32>
      %swap3A = arith.constant 0 : index
      %swap3A_65 = tpu.vector_load %arg15[%swap3A] {strides = array<i32>} : memref<80xi32, #tpu.memory_space<vmem>>, vector<16xi32>,
      %swap3A_66 = vector.shape_cast %swap3A_65 : vector<16xi32> to vector<16xi32>
      %swap3A_67 = vector.shape_cast %add3A_64 : vector<16xi32> to vector<16xi32>
      tpu.vector_store %arg15[%swap3A], %swap3A_67 {strides = array<i32>} : memref<80xi32, #tpu.memory_space<vmem>>, vector<16xi32>,
      %add3A_68 = arith.constant 16 : i32
      %add3A_69 = arith.addi %add3A_60, %add3A_68 : i32
      %iota3A_70 = tpu.iota {dimensions = array<i32: 0>} : vector<16xi32>
      %add3A_71 = vector.broadcast %add3A_69 : i32 to vector<16xi32>
      %add3A_72 = arith.addi %add3A_71, %iota3A_70 : vector<16xi32>
      %swap3A_73 = arith.constant 16 : index
      %swap3A_74 = tpu.vector_load %arg15[%swap3A_73] {strides = array<i32>} : memref<80xi32, #tpu.memory_space<vmem>>, vector<16xi32>,
      %swap3A_75 = vector.shape_cast %swap3A_74 : vector<16xi32> to vector<16xi32>
      %swap3A_76 = vector.shape_cast %add3A_72 : vector<16xi32> to vector<16xi32>
      tpu.vector_store %arg15[%swap3A_73], %swap3A_76 {strides = array<i32>} : memref<80xi32, #tpu.memory_space<vmem>>, vector<16xi32>,
      %add3A_77 = arith.constant 32 : i32
      %add3A_78 = arith.addi %add3A_60, %add3A_77 : i32
      %iota3A_79 = tpu.iota {dimensions = array<i32: 0>} : vector<16xi32>
      %add3A_80 = vector.broadcast %add3A_78 : i32 to vector<16xi32>
      %add3A_81 = arith.addi %add3A_80, %iota3A_79 : vector<16xi32>
      %swap3A_82 = arith.constant 32 : index
      %swap3A_83 = tpu.vector_load %arg15[%swap3A_82] {strides = array<i32>} : memref<80xi32, #tpu.memory_space<vmem>>, vector<16xi32>,
      %swap3A_84 = vector.shape_cast %swap3A_83 : vector<16xi32> to vector<16xi32>
      %swap3A_85 = vector.shape_cast %add3A_81 : vector<16xi32> to vector<16xi32>
      tpu.vector_store %arg15[%swap3A_82], %swap3A_85 {strides = array<i32>} : memref<80xi32, #tpu.memory_space<vmem>>, vector<16xi32>,
      %add3A_86 = arith.constant 48 : i32
      %add3A_87 = arith.addi %add3A_60, %add3A_86 : i32
      %iota3A_88 = tpu.iota {dimensions = array<i32: 0>} : vector<16xi32>
      %add3A_89 = vector.broadcast %add3A_87 : i32 to vector<16xi32>
      %add3A_90 = arith.addi %add3A_89, %iota3A_88 : vector<16xi32>
      %swap3A_91 = arith.constant 48 : index
      %swap3A_92 = tpu.vector_load %arg15[%swap3A_91] {strides = array<i32>} : memref<80xi32, #tpu.memory_space<vmem>>, vector<16xi32>,
      %swap3A_93 = vector.shape_cast %swap3A_92 : vector<16xi32> to vector<16xi32>
      %swap3A_94 = vector.shape_cast %add3A_90 : vector<16xi32> to vector<16xi32>
      tpu.vector_store %arg15[%swap3A_91], %swap3A_94 {strides = array<i32>} : memref<80xi32, #tpu.memory_space<vmem>>, vector<16xi32>,
      %add3A_95 = arith.constant 64 : i32
      %add3A_96 = arith.addi %add3A_60, %add3A_95 : i32
      %iota3A_97 = tpu.iota {dimensions = array<i32: 0>} : vector<16xi32>
      %add3A_98 = vector.broadcast %add3A_96 : i32 to vector<16xi32>
      %add3A_99 = arith.addi %add3A_98, %iota3A_97 : vector<16xi32>
      %swap3A_100 = arith.constant 64 : index
      %swap3A_101 = tpu.vector_load %arg15[%swap3A_100] {strides = array<i32>} : memref<80xi32, #tpu.memory_space<vmem>>, vector<16xi32>,
      %swap3A_102 = vector.shape_cast %swap3A_101 : vector<16xi32> to vector<16xi32>
      %swap3A_103 = vector.shape_cast %add3A_99 : vector<16xi32> to vector<16xi32>
      tpu.vector_store %arg15[%swap3A_100], %swap3A_103 {strides = array<i32>} : memref<80xi32, #tpu.memory_space<vmem>>, vector<16xi32>,
      %dma_start3A_104 = arith.constant 0 : i32
      %dma_start3A_105 = arith.constant 0 : i32
      %dma_start3A_106 = tpu.memref_slice %arg16[%dma_start3A_104, %dma_start3A_105] : memref<10240x128xf32, #tpu.memory_space<vmem_shared>> -> memref<10240x128xf32, #tpu.memory_space<vmem_shared>>
      tpu.enqueue_indirect_dma source(%dma_start3A_106 : memref<10240x128xf32, #tpu.memory_space<vmem_shared>>) target(%arg11 : memref<80x128xf32, #tpu.memory_space<vmem>>) offsets(%arg15 : memref<80xi32, #tpu.memory_space<vmem>>) semaphore(%arg17 : memref<!tpu.dma_semaphore, #tpu.memory_space<semaphore_mem>>)
      %dma_wait3A_107 = arith.constant 0 : i32
      %dma_wait3A_108 = arith.constant 0 : i32
      %dma_wait3A_109 = tpu.memref_slice %arg16[%dma_wait3A_107, %dma_wait3A_108] : memref<10240x128xf32, #tpu.memory_space<vmem_shared>> -> memref<10240x128xf32, #tpu.memory_space<vmem_shared>>
      tpu.wait_indirect_dma semaphore(%arg17 : memref<!tpu.dma_semaphore, #tpu.memory_space<semaphore_mem>>) src(%dma_wait3A_109 : memref<10240x128xf32, #tpu.memory_space<vmem_shared>>) dst(%arg11 : memref<80x128xf32, #tpu.memory_space<vmem>>)
      %eq3A_110 = arith.constant 0 : i32
      %eq3A_111 = arith.cmpi eq, %arg0, %eq3A_110 : i32
      %convert_element_type3A_112 = arith.extui %eq3A_111 : i1 to i32
      %cond3A_113 = arith.constant 0 : i32
      %cond3A_114 = arith.cmpi ne, %convert_element_type3A_112, %cond3A_113 : i32
      scf.if %cond3A_114 {
        "tpu.region"() ({
          %run_scoped3A = tpu.sem_alloc : memref<!tpu.dma_semaphore, #tpu.memory_space<semaphore_mem>>
          %dma_start3A_120 = arith.constant 0 : i32
          %dma_start3A_121 = tpu.memref_slice %arg5[%add3A_60, %dma_start3A_120] : memref<10240x128xf32, #tpu.memory_space<hbm>> -> memref<80x128xf32, #tpu.memory_space<hbm>>
          %dma_start3A_122 = arith.constant 0 : i32
          %dma_start3A_123 = tpu.memref_slice %arg5[%add3A_60, %dma_start3A_122] : memref<10240x128xf32, #tpu.memory_space<hbm>> -> memref<80x128xf32, #tpu.memory_space<hbm>>
          tpu.enqueue_dma source(%arg11 : memref<80x128xf32, #tpu.memory_space<vmem>>) target(%dma_start3A_123 : memref<80x128xf32, #tpu.memory_space<hbm>>) target_semaphore(%run_scoped3A : memref<!tpu.dma_semaphore, #tpu.memory_space<semaphore_mem>>)
          %dma_wait3A_124 = arith.constant 0 : i32
          %dma_wait3A_125 = tpu.memref_slice %arg5[%add3A_60, %dma_wait3A_124] : memref<10240x128xf32, #tpu.memory_space<hbm>> -> memref<80x128xf32, #tpu.memory_space<hbm>>
          %dma_wait3A_126 = arith.constant 0 : i32
          %dma_wait3A_127 = tpu.memref_slice %arg5[%add3A_60, %dma_wait3A_126] : memref<10240x128xf32, #tpu.memory_space<hbm>> -> memref<80x128xf32, #tpu.memory_space<hbm>>
          tpu.wait_dma2 semaphore(%run_scoped3A : memref<!tpu.dma_semaphore, #tpu.memory_space<semaphore_mem>>) src(%arg11 : memref<80x128xf32, #tpu.memory_space<vmem>>) dst(%dma_wait3A_127 : memref<80x128xf32, #tpu.memory_space<hbm>>)
          tpu.yield
        }) : () -> ()
      } else {
      }
      %eq3A_115 = arith.constant 1 : i32
      %eq3A_116 = arith.cmpi eq, %arg0, %eq3A_115 : i32
      %convert_element_type3A_117 = arith.extui %eq3A_116 : i1 to i32
      %cond3A_118 = arith.constant 0 : i32
      %cond3A_119 = arith.cmpi ne, %convert_element_type3A_117, %cond3A_118 : i32
      scf.if %cond3A_119 {
        "tpu.region"() ({
          %run_scoped3A = tpu.sem_alloc : memref<!tpu.dma_semaphore, #tpu.memory_space<semaphore_mem>>
          %dma_start3A_120 = arith.constant 0 : i32
          %dma_start3A_121 = tpu.memref_slice %arg6[%add3A_60, %dma_start3A_120] : memref<10240x128xf32, #tpu.memory_space<hbm>> -> memref<80x128xf32, #tpu.memory_space<hbm>>
          %dma_start3A_122 = arith.constant 0 : i32
          %dma_start3A_123 = tpu.memref_slice %arg6[%add3A_60, %dma_start3A_122] : memref<10240x128xf32, #tpu.memory_space<hbm>> -> memref<80x128xf32, #tpu.memory_space<hbm>>
          tpu.enqueue_dma source(%arg11 : memref<80x128xf32, #tpu.memory_space<vmem>>) target(%dma_start3A_123 : memref<80x128xf32, #tpu.memory_space<hbm>>) target_semaphore(%run_scoped3A : memref<!tpu.dma_semaphore, #tpu.memory_space<semaphore_mem>>)
          %dma_wait3A_124 = arith.constant 0 : i32
          %dma_wait3A_125 = tpu.memref_slice %arg6[%add3A_60, %dma_wait3A_124] : memref<10240x128xf32, #tpu.memory_space<hbm>> -> memref<80x128xf32, #tpu.memory_space<hbm>>
          %dma_wait3A_126 = arith.constant 0 : i32
          %dma_wait3A_127 = tpu.memref_slice %arg6[%add3A_60, %dma_wait3A_126] : memref<10240x128xf32, #tpu.memory_space<hbm>> -> memref<80x128xf32, #tpu.memory_space<hbm>>
          tpu.wait_dma2 semaphore(%run_scoped3A : memref<!tpu.dma_semaphore, #tpu.memory_space<semaphore_mem>>) src(%arg11 : memref<80x128xf32, #tpu.memory_space<vmem>>) dst(%dma_wait3A_127 : memref<80x128xf32, #tpu.memory_space<hbm>>)
          tpu.yield
        }) : () -> ()
      } else {
      }
    }
    %scan3A_56 = arith.constant 8 : i32
    return
  }
}

#map = affine_map<(d0, d1) -> (0, 0)>
#map1 = affine_map<(d0, d1) -> (0)>
module attributes {stable_mosaic.version = 14 : i64} {
  func.func @_scatter_e(%arg0: i32, %arg1: i32, %arg2: memref<320000x128xf32, #tpu.memory_space<hbm>>, %arg3: memref<320000xi32, #tpu.memory_space<hbm>>, %arg4: memref<10240x128xf32, #tpu.memory_space<hbm>>, %arg5: memref<80xi32, #tpu.memory_space<vmem>>, %arg6: memref<80xi32, #tpu.memory_space<vmem>>, %arg7: memref<80xi32, #tpu.memory_space<vmem>>, %arg8: memref<80xi32, #tpu.memory_space<vmem>>, %arg9: memref<80x128xf32, #tpu.memory_space<vmem>>, %arg10: memref<80x128xf32, #tpu.memory_space<vmem>>, %arg11: memref<80x128xf32, #tpu.memory_space<vmem>>, %arg12: memref<80x128xf32, #tpu.memory_space<vmem>>, %arg13: memref<80xi32, #tpu.memory_space<vmem>>, %arg14: memref<10240x128xf32, #tpu.memory_space<vmem_shared>>, %arg15: memref<!tpu.dma_semaphore, #tpu.memory_space<semaphore_mem>>, %arg16: memref<!tpu.dma_semaphore, #tpu.memory_space<semaphore_mem>>) attributes {dimension_semantics = [#tpu.dimension_semantics<core_parallel>, #tpu.dimension_semantics<subcore_parallel>], iteration_bounds = array<i64: 1, 16>, scalar_prefetch = 0 : i64, scratch_operands = 12 : i64, tpu.core_type = #tpu.core_type<sc_vector_subcore>, window_params = [{transform_indices = #map}, {transform_indices = #map1}, {transform_indices = #map}]} {
    %mul3A = arith.constant 640 : i32
    %mul3A_0 = arith.muli %arg1, %mul3A : i32
    %scan3A = arith.constant 0 : i32
    %scan3A_1 = arith.constant 0 : i32
    %scan3A_2 = arith.constant 80 : i32
    %scan3A_3 = arith.addi %scan3A_1, %scan3A_2 : i32
    %scan3A_4 = arith.constant 1 : i32
    scf.for %scan3A_66 = %scan3A_1 to %scan3A_3 step %scan3A_4  : i32 {
      %broadcast_in_dim3A = arith.constant 0.000000e+00 : f32
      %broadcast_in_dim3A_67 = vector.broadcast %broadcast_in_dim3A : f32 to vector<16xf32>
      %swap3A = arith.index_cast %scan3A_66 : i32 to index
      %swap3A_68 = arith.constant 0 : index
      %swap3A_69 = tpu.vector_load %arg9[%swap3A, %swap3A_68] {strides = array<i32>} : memref<80x128xf32, #tpu.memory_space<vmem>>, vector<1x16xf32>,
      %swap3A_70 = vector.shape_cast %swap3A_69 : vector<1x16xf32> to vector<16xf32>
      %swap3A_71 = vector.shape_cast %broadcast_in_dim3A_67 : vector<16xf32> to vector<1x16xf32>
      tpu.vector_store %arg9[%swap3A, %swap3A_68], %swap3A_71 {strides = array<i32>} : memref<80x128xf32, #tpu.memory_space<vmem>>, vector<1x16xf32>,
      %broadcast_in_dim3A_72 = arith.constant 0.000000e+00 : f32
      %broadcast_in_dim3A_73 = vector.broadcast %broadcast_in_dim3A_72 : f32 to vector<16xf32>
      %swap3A_74 = arith.index_cast %scan3A_66 : i32 to index
      %swap3A_75 = arith.constant 16 : index
      %swap3A_76 = tpu.vector_load %arg9[%swap3A_74, %swap3A_75] {strides = array<i32>} : memref<80x128xf32, #tpu.memory_space<vmem>>, vector<1x16xf32>,
      %swap3A_77 = vector.shape_cast %swap3A_76 : vector<1x16xf32> to vector<16xf32>
      %swap3A_78 = vector.shape_cast %broadcast_in_dim3A_73 : vector<16xf32> to vector<1x16xf32>
      tpu.vector_store %arg9[%swap3A_74, %swap3A_75], %swap3A_78 {strides = array<i32>} : memref<80x128xf32, #tpu.memory_space<vmem>>, vector<1x16xf32>,
      %broadcast_in_dim3A_79 = arith.constant 0.000000e+00 : f32
      %broadcast_in_dim3A_80 = vector.broadcast %broadcast_in_dim3A_79 : f32 to vector<16xf32>
      %swap3A_81 = arith.index_cast %scan3A_66 : i32 to index
      %swap3A_82 = arith.constant 32 : index
      %swap3A_83 = tpu.vector_load %arg9[%swap3A_81, %swap3A_82] {strides = array<i32>} : memref<80x128xf32, #tpu.memory_space<vmem>>, vector<1x16xf32>,
      %swap3A_84 = vector.shape_cast %swap3A_83 : vector<1x16xf32> to vector<16xf32>
      %swap3A_85 = vector.shape_cast %broadcast_in_dim3A_80 : vector<16xf32> to vector<1x16xf32>
      tpu.vector_store %arg9[%swap3A_81, %swap3A_82], %swap3A_85 {strides = array<i32>} : memref<80x128xf32, #tpu.memory_space<vmem>>, vector<1x16xf32>,
      %broadcast_in_dim3A_86 = arith.constant 0.000000e+00 : f32
      %broadcast_in_dim3A_87 = vector.broadcast %broadcast_in_dim3A_86 : f32 to vector<16xf32>
      %swap3A_88 = arith.index_cast %scan3A_66 : i32 to index
      %swap3A_89 = arith.constant 48 : index
      %swap3A_90 = tpu.vector_load %arg9[%swap3A_88, %swap3A_89] {strides = array<i32>} : memref<80x128xf32, #tpu.memory_space<vmem>>, vector<1x16xf32>,
      %swap3A_91 = vector.shape_cast %swap3A_90 : vector<1x16xf32> to vector<16xf32>
      %swap3A_92 = vector.shape_cast %broadcast_in_dim3A_87 : vector<16xf32> to vector<1x16xf32>
      tpu.vector_store %arg9[%swap3A_88, %swap3A_89], %swap3A_92 {strides = array<i32>} : memref<80x128xf32, #tpu.memory_space<vmem>>, vector<1x16xf32>,
      %broadcast_in_dim3A_93 = arith.constant 0.000000e+00 : f32
      %broadcast_in_dim3A_94 = vector.broadcast %broadcast_in_dim3A_93 : f32 to vector<16xf32>
      %swap3A_95 = arith.index_cast %scan3A_66 : i32 to index
      %swap3A_96 = arith.constant 64 : index
      %swap3A_97 = tpu.vector_load %arg9[%swap3A_95, %swap3A_96] {strides = array<i32>} : memref<80x128xf32, #tpu.memory_space<vmem>>, vector<1x16xf32>,
      %swap3A_98 = vector.shape_cast %swap3A_97 : vector<1x16xf32> to vector<16xf32>
      %swap3A_99 = vector.shape_cast %broadcast_in_dim3A_94 : vector<16xf32> to vector<1x16xf32>
      tpu.vector_store %arg9[%swap3A_95, %swap3A_96], %swap3A_99 {strides = array<i32>} : memref<80x128xf32, #tpu.memory_space<vmem>>, vector<1x16xf32>,
      %broadcast_in_dim3A_100 = arith.constant 0.000000e+00 : f32
      %broadcast_in_dim3A_101 = vector.broadcast %broadcast_in_dim3A_100 : f32 to vector<16xf32>
      %swap3A_102 = arith.index_cast %scan3A_66 : i32 to index
      %swap3A_103 = arith.constant 80 : index
      %swap3A_104 = tpu.vector_load %arg9[%swap3A_102, %swap3A_103] {strides = array<i32>} : memref<80x128xf32, #tpu.memory_space<vmem>>, vector<1x16xf32>,
      %swap3A_105 = vector.shape_cast %swap3A_104 : vector<1x16xf32> to vector<16xf32>
      %swap3A_106 = vector.shape_cast %broadcast_in_dim3A_101 : vector<16xf32> to vector<1x16xf32>
      tpu.vector_store %arg9[%swap3A_102, %swap3A_103], %swap3A_106 {strides = array<i32>} : memref<80x128xf32, #tpu.memory_space<vmem>>, vector<1x16xf32>,
      %broadcast_in_dim3A_107 = arith.constant 0.000000e+00 : f32
      %broadcast_in_dim3A_108 = vector.broadcast %broadcast_in_dim3A_107 : f32 to vector<16xf32>
      %swap3A_109 = arith.index_cast %scan3A_66 : i32 to index
      %swap3A_110 = arith.constant 96 : index
      %swap3A_111 = tpu.vector_load %arg9[%swap3A_109, %swap3A_110] {strides = array<i32>} : memref<80x128xf32, #tpu.memory_space<vmem>>, vector<1x16xf32>,
      %swap3A_112 = vector.shape_cast %swap3A_111 : vector<1x16xf32> to vector<16xf32>
      %swap3A_113 = vector.shape_cast %broadcast_in_dim3A_108 : vector<16xf32> to vector<1x16xf32>
      tpu.vector_store %arg9[%swap3A_109, %swap3A_110], %swap3A_113 {strides = array<i32>} : memref<80x128xf32, #tpu.memory_space<vmem>>, vector<1x16xf32>,
      %broadcast_in_dim3A_114 = arith.constant 0.000000e+00 : f32
      %broadcast_in_dim3A_115 = vector.broadcast %broadcast_in_dim3A_114 : f32 to vector<16xf32>
      %swap3A_116 = arith.index_cast %scan3A_66 : i32 to index
      %swap3A_117 = arith.constant 112 : index
      %swap3A_118 = tpu.vector_load %arg9[%swap3A_116, %swap3A_117] {strides = array<i32>} : memref<80x128xf32, #tpu.memory_space<vmem>>, vector<1x16xf32>,
      %swap3A_119 = vector.shape_cast %swap3A_118 : vector<1x16xf32> to vector<16xf32>
      %swap3A_120 = vector.shape_cast %broadcast_in_dim3A_115 : vector<16xf32> to vector<1x16xf32>
      tpu.vector_store %arg9[%swap3A_116, %swap3A_117], %swap3A_120 {strides = array<i32>} : memref<80x128xf32, #tpu.memory_space<vmem>>, vector<1x16xf32>,
    }
    %scan3A_5 = arith.constant 80 : i32
    %scan3A_6 = arith.constant 0 : i32
    %scan3A_7 = arith.constant 0 : i32
    %scan3A_8 = arith.constant 8 : i32
    %scan3A_9 = arith.addi %scan3A_7, %scan3A_8 : i32
    %scan3A_10 = arith.constant 1 : i32
    scf.for %scan3A_66 = %scan3A_7 to %scan3A_9 step %scan3A_10  : i32 {
      %mul3A_67 = arith.constant 80 : i32
      %mul3A_68 = arith.muli %scan3A_66, %mul3A_67 : i32
      %add3A_69 = arith.addi %mul3A_0, %mul3A_68 : i32
      %add3A_70 = arith.constant 0 : i32
      %add3A_71 = arith.addi %add3A_69, %add3A_70 : i32
      %iota3A = tpu.iota {dimensions = array<i32: 0>} : vector<16xi32>
      %add3A_72 = vector.broadcast %add3A_71 : i32 to vector<16xi32>
      %add3A_73 = arith.addi %add3A_72, %iota3A : vector<16xi32>
      %swap3A = arith.constant 0 : index
      %swap3A_74 = tpu.vector_load %arg13[%swap3A] {strides = array<i32>} : memref<80xi32, #tpu.memory_space<vmem>>, vector<16xi32>,
      %swap3A_75 = vector.shape_cast %swap3A_74 : vector<16xi32> to vector<16xi32>
      %swap3A_76 = vector.shape_cast %add3A_73 : vector<16xi32> to vector<16xi32>
      tpu.vector_store %arg13[%swap3A], %swap3A_76 {strides = array<i32>} : memref<80xi32, #tpu.memory_space<vmem>>, vector<16xi32>,
      %add3A_77 = arith.constant 16 : i32
      %add3A_78 = arith.addi %add3A_69, %add3A_77 : i32
      %iota3A_79 = tpu.iota {dimensions = array<i32: 0>} : vector<16xi32>
      %add3A_80 = vector.broadcast %add3A_78 : i32 to vector<16xi32>
      %add3A_81 = arith.addi %add3A_80, %iota3A_79 : vector<16xi32>
      %swap3A_82 = arith.constant 16 : index
      %swap3A_83 = tpu.vector_load %arg13[%swap3A_82] {strides = array<i32>} : memref<80xi32, #tpu.memory_space<vmem>>, vector<16xi32>,
      %swap3A_84 = vector.shape_cast %swap3A_83 : vector<16xi32> to vector<16xi32>
      %swap3A_85 = vector.shape_cast %add3A_81 : vector<16xi32> to vector<16xi32>
      tpu.vector_store %arg13[%swap3A_82], %swap3A_85 {strides = array<i32>} : memref<80xi32, #tpu.memory_space<vmem>>, vector<16xi32>,
      %add3A_86 = arith.constant 32 : i32
      %add3A_87 = arith.addi %add3A_69, %add3A_86 : i32
      %iota3A_88 = tpu.iota {dimensions = array<i32: 0>} : vector<16xi32>
      %add3A_89 = vector.broadcast %add3A_87 : i32 to vector<16xi32>
      %add3A_90 = arith.addi %add3A_89, %iota3A_88 : vector<16xi32>
      %swap3A_91 = arith.constant 32 : index
      %swap3A_92 = tpu.vector_load %arg13[%swap3A_91] {strides = array<i32>} : memref<80xi32, #tpu.memory_space<vmem>>, vector<16xi32>,
      %swap3A_93 = vector.shape_cast %swap3A_92 : vector<16xi32> to vector<16xi32>
      %swap3A_94 = vector.shape_cast %add3A_90 : vector<16xi32> to vector<16xi32>
      tpu.vector_store %arg13[%swap3A_91], %swap3A_94 {strides = array<i32>} : memref<80xi32, #tpu.memory_space<vmem>>, vector<16xi32>,
      %add3A_95 = arith.constant 48 : i32
      %add3A_96 = arith.addi %add3A_69, %add3A_95 : i32
      %iota3A_97 = tpu.iota {dimensions = array<i32: 0>} : vector<16xi32>
      %add3A_98 = vector.broadcast %add3A_96 : i32 to vector<16xi32>
      %add3A_99 = arith.addi %add3A_98, %iota3A_97 : vector<16xi32>
      %swap3A_100 = arith.constant 48 : index
      %swap3A_101 = tpu.vector_load %arg13[%swap3A_100] {strides = array<i32>} : memref<80xi32, #tpu.memory_space<vmem>>, vector<16xi32>,
      %swap3A_102 = vector.shape_cast %swap3A_101 : vector<16xi32> to vector<16xi32>
      %swap3A_103 = vector.shape_cast %add3A_99 : vector<16xi32> to vector<16xi32>
      tpu.vector_store %arg13[%swap3A_100], %swap3A_103 {strides = array<i32>} : memref<80xi32, #tpu.memory_space<vmem>>, vector<16xi32>,
      %add3A_104 = arith.constant 64 : i32
      %add3A_105 = arith.addi %add3A_69, %add3A_104 : i32
      %iota3A_106 = tpu.iota {dimensions = array<i32: 0>} : vector<16xi32>
      %add3A_107 = vector.broadcast %add3A_105 : i32 to vector<16xi32>
      %add3A_108 = arith.addi %add3A_107, %iota3A_106 : vector<16xi32>
      %swap3A_109 = arith.constant 64 : index
      %swap3A_110 = tpu.vector_load %arg13[%swap3A_109] {strides = array<i32>} : memref<80xi32, #tpu.memory_space<vmem>>, vector<16xi32>,
      %swap3A_111 = vector.shape_cast %swap3A_110 : vector<16xi32> to vector<16xi32>
      %swap3A_112 = vector.shape_cast %add3A_108 : vector<16xi32> to vector<16xi32>
      tpu.vector_store %arg13[%swap3A_109], %swap3A_112 {strides = array<i32>} : memref<80xi32, #tpu.memory_space<vmem>>, vector<16xi32>,
      "tpu.region"() ({
        %run_scoped3A = tpu.sem_alloc : memref<!tpu.dma_semaphore, #tpu.memory_space<semaphore_mem>>
        %dma_start3A_113 = arith.constant 0 : i32
        %dma_start3A_114 = arith.constant 0 : i32
        %dma_start3A_115 = tpu.memref_slice %arg14[%dma_start3A_113, %dma_start3A_114] : memref<10240x128xf32, #tpu.memory_space<vmem_shared>> -> memref<10240x128xf32, #tpu.memory_space<vmem_shared>>
        tpu.enqueue_indirect_dma source(%arg9 : memref<80x128xf32, #tpu.memory_space<vmem>>) target(%dma_start3A_115 : memref<10240x128xf32, #tpu.memory_space<vmem_shared>>) offsets(%arg13 : memref<80xi32, #tpu.memory_space<vmem>>) semaphore(%run_scoped3A : memref<!tpu.dma_semaphore, #tpu.memory_space<semaphore_mem>>)
        %dma_wait3A_116 = arith.constant 0 : i32
        %dma_wait3A_117 = arith.constant 0 : i32
        %dma_wait3A_118 = tpu.memref_slice %arg14[%dma_wait3A_116, %dma_wait3A_117] : memref<10240x128xf32, #tpu.memory_space<vmem_shared>> -> memref<10240x128xf32, #tpu.memory_space<vmem_shared>>
        tpu.wait_indirect_dma semaphore(%run_scoped3A : memref<!tpu.dma_semaphore, #tpu.memory_space<semaphore_mem>>) src(%arg9 : memref<80x128xf32, #tpu.memory_space<vmem>>) dst(%dma_wait3A_118 : memref<10240x128xf32, #tpu.memory_space<vmem_shared>>)
        tpu.yield
      }) : () -> ()
    }
    %scan3A_11 = arith.constant 8 : i32
    %barrier3A = arith.constant 0 : index
    tpu.barrier barrier_id(%barrier3A)
    %scan3A_12 = arith.constant 0 : i32
    %scan3A_13 = arith.constant 0 : i32
    %scan3A_14 = arith.constant 62 : i32
    %scan3A_15 = arith.addi %scan3A_13, %scan3A_14 : i32
    %scan3A_16 = arith.constant 1 : i32
    scf.for %scan3A_66 = %scan3A_13 to %scan3A_15 step %scan3A_16  : i32 {
      %mul3A_67 = arith.constant 4 : i32
      %mul3A_68 = arith.muli %scan3A_66, %mul3A_67 : i32
      %mul3A_69 = arith.constant 20000 : i32
      %mul3A_70 = arith.muli %arg1, %mul3A_69 : i32
      %add3A_71 = arith.constant 0 : i32
      %add3A_72 = arith.addi %mul3A_68, %add3A_71 : i32
      %mul3A_73 = arith.constant 80 : i32
      %mul3A_74 = arith.muli %add3A_72, %mul3A_73 : i32
      %add3A_75 = arith.addi %mul3A_70, %mul3A_74 : i32
      %dma_start3A_76 = tpu.memref_slice %arg3[%add3A_75] : memref<320000xi32, #tpu.memory_space<hbm>> -> memref<80xi32, #tpu.memory_space<hbm>>
      %dma_start3A_77 = tpu.memref_slice %arg3[%add3A_75] : memref<320000xi32, #tpu.memory_space<hbm>> -> memref<80xi32, #tpu.memory_space<hbm>>
      tpu.enqueue_dma source(%dma_start3A_77 : memref<80xi32, #tpu.memory_space<hbm>>) target(%arg5 : memref<80xi32, #tpu.memory_space<vmem>>) target_semaphore(%arg15 : memref<!tpu.dma_semaphore, #tpu.memory_space<semaphore_mem>>)
      %dma_start3A_78 = arith.constant 0 : i32
      %dma_start3A_79 = tpu.memref_slice %arg2[%add3A_75, %dma_start3A_78] : memref<320000x128xf32, #tpu.memory_space<hbm>> -> memref<80x128xf32, #tpu.memory_space<hbm>>
      %dma_start3A_80 = arith.constant 0 : i32
      %dma_start3A_81 = tpu.memref_slice %arg2[%add3A_75, %dma_start3A_80] : memref<320000x128xf32, #tpu.memory_space<hbm>> -> memref<80x128xf32, #tpu.memory_space<hbm>>
      tpu.enqueue_dma source(%dma_start3A_81 : memref<80x128xf32, #tpu.memory_space<hbm>>) target(%arg9 : memref<80x128xf32, #tpu.memory_space<vmem>>) target_semaphore(%arg16 : memref<!tpu.dma_semaphore, #tpu.memory_space<semaphore_mem>>)
      %mul3A_82 = arith.constant 20000 : i32
      %mul3A_83 = arith.muli %arg1, %mul3A_82 : i32
      %add3A_84 = arith.constant 1 : i32
      %add3A_85 = arith.addi %mul3A_68, %add3A_84 : i32
      %mul3A_86 = arith.constant 80 : i32
      %mul3A_87 = arith.muli %add3A_85, %mul3A_86 : i32
      %add3A_88 = arith.addi %mul3A_83, %mul3A_87 : i32
      %dma_start3A_89 = tpu.memref_slice %arg3[%add3A_88] : memref<320000xi32, #tpu.memory_space<hbm>> -> memref<80xi32, #tpu.memory_space<hbm>>
      %dma_start3A_90 = tpu.memref_slice %arg3[%add3A_88] : memref<320000xi32, #tpu.memory_space<hbm>> -> memref<80xi32, #tpu.memory_space<hbm>>
      tpu.enqueue_dma source(%dma_start3A_90 : memref<80xi32, #tpu.memory_space<hbm>>) target(%arg6 : memref<80xi32, #tpu.memory_space<vmem>>) target_semaphore(%arg15 : memref<!tpu.dma_semaphore, #tpu.memory_space<semaphore_mem>>)
      %dma_start3A_91 = arith.constant 0 : i32
      %dma_start3A_92 = tpu.memref_slice %arg2[%add3A_88, %dma_start3A_91] : memref<320000x128xf32, #tpu.memory_space<hbm>> -> memref<80x128xf32, #tpu.memory_space<hbm>>
      %dma_start3A_93 = arith.constant 0 : i32
      %dma_start3A_94 = tpu.memref_slice %arg2[%add3A_88, %dma_start3A_93] : memref<320000x128xf32, #tpu.memory_space<hbm>> -> memref<80x128xf32, #tpu.memory_space<hbm>>
      tpu.enqueue_dma source(%dma_start3A_94 : memref<80x128xf32, #tpu.memory_space<hbm>>) target(%arg10 : memref<80x128xf32, #tpu.memory_space<vmem>>) target_semaphore(%arg16 : memref<!tpu.dma_semaphore, #tpu.memory_space<semaphore_mem>>)
      %mul3A_95 = arith.constant 20000 : i32
      %mul3A_96 = arith.muli %arg1, %mul3A_95 : i32
      %add3A_97 = arith.constant 2 : i32
      %add3A_98 = arith.addi %mul3A_68, %add3A_97 : i32
      %mul3A_99 = arith.constant 80 : i32
      %mul3A_100 = arith.muli %add3A_98, %mul3A_99 : i32
      %add3A_101 = arith.addi %mul3A_96, %mul3A_100 : i32
      %dma_start3A_102 = tpu.memref_slice %arg3[%add3A_101] : memref<320000xi32, #tpu.memory_space<hbm>> -> memref<80xi32, #tpu.memory_space<hbm>>
      %dma_start3A_103 = tpu.memref_slice %arg3[%add3A_101] : memref<320000xi32, #tpu.memory_space<hbm>> -> memref<80xi32, #tpu.memory_space<hbm>>
      tpu.enqueue_dma source(%dma_start3A_103 : memref<80xi32, #tpu.memory_space<hbm>>) target(%arg7 : memref<80xi32, #tpu.memory_space<vmem>>) target_semaphore(%arg15 : memref<!tpu.dma_semaphore, #tpu.memory_space<semaphore_mem>>)
      %dma_start3A_104 = arith.constant 0 : i32
      %dma_start3A_105 = tpu.memref_slice %arg2[%add3A_101, %dma_start3A_104] : memref<320000x128xf32, #tpu.memory_space<hbm>> -> memref<80x128xf32, #tpu.memory_space<hbm>>
      %dma_start3A_106 = arith.constant 0 : i32
      %dma_start3A_107 = tpu.memref_slice %arg2[%add3A_101, %dma_start3A_106] : memref<320000x128xf32, #tpu.memory_space<hbm>> -> memref<80x128xf32, #tpu.memory_space<hbm>>
      tpu.enqueue_dma source(%dma_start3A_107 : memref<80x128xf32, #tpu.memory_space<hbm>>) target(%arg11 : memref<80x128xf32, #tpu.memory_space<vmem>>) target_semaphore(%arg16 : memref<!tpu.dma_semaphore, #tpu.memory_space<semaphore_mem>>)
      %mul3A_108 = arith.constant 20000 : i32
      %mul3A_109 = arith.muli %arg1, %mul3A_108 : i32
      %add3A_110 = arith.constant 3 : i32
      %add3A_111 = arith.addi %mul3A_68, %add3A_110 : i32
      %mul3A_112 = arith.constant 80 : i32
      %mul3A_113 = arith.muli %add3A_111, %mul3A_112 : i32
      %add3A_114 = arith.addi %mul3A_109, %mul3A_113 : i32
      %dma_start3A_115 = tpu.memref_slice %arg3[%add3A_114] : memref<320000xi32, #tpu.memory_space<hbm>> -> memref<80xi32, #tpu.memory_space<hbm>>
      %dma_start3A_116 = tpu.memref_slice %arg3[%add3A_114] : memref<320000xi32, #tpu.memory_space<hbm>> -> memref<80xi32, #tpu.memory_space<hbm>>
      tpu.enqueue_dma source(%dma_start3A_116 : memref<80xi32, #tpu.memory_space<hbm>>) target(%arg8 : memref<80xi32, #tpu.memory_space<vmem>>) target_semaphore(%arg15 : memref<!tpu.dma_semaphore, #tpu.memory_space<semaphore_mem>>)
      %dma_start3A_117 = arith.constant 0 : i32
      %dma_start3A_118 = tpu.memref_slice %arg2[%add3A_114, %dma_start3A_117] : memref<320000x128xf32, #tpu.memory_space<hbm>> -> memref<80x128xf32, #tpu.memory_space<hbm>>
      %dma_start3A_119 = arith.constant 0 : i32
      %dma_start3A_120 = tpu.memref_slice %arg2[%add3A_114, %dma_start3A_119] : memref<320000x128xf32, #tpu.memory_space<hbm>> -> memref<80x128xf32, #tpu.memory_space<hbm>>
      tpu.enqueue_dma source(%dma_start3A_120 : memref<80x128xf32, #tpu.memory_space<hbm>>) target(%arg12 : memref<80x128xf32, #tpu.memory_space<vmem>>) target_semaphore(%arg16 : memref<!tpu.dma_semaphore, #tpu.memory_space<semaphore_mem>>)
      %dma_wait3A_121 = tpu.memref_slice %arg3[%add3A_75] : memref<320000xi32, #tpu.memory_space<hbm>> -> memref<80xi32, #tpu.memory_space<hbm>>
      %dma_wait3A_122 = tpu.memref_slice %arg3[%add3A_75] : memref<320000xi32, #tpu.memory_space<hbm>> -> memref<80xi32, #tpu.memory_space<hbm>>
      tpu.wait_dma2 semaphore(%arg15 : memref<!tpu.dma_semaphore, #tpu.memory_space<semaphore_mem>>) src(%dma_wait3A_122 : memref<80xi32, #tpu.memory_space<hbm>>) dst(%arg5 : memref<80xi32, #tpu.memory_space<vmem>>)
      %dma_wait3A_123 = arith.constant 0 : i32
      %dma_wait3A_124 = tpu.memref_slice %arg2[%add3A_75, %dma_wait3A_123] : memref<320000x128xf32, #tpu.memory_space<hbm>> -> memref<80x128xf32, #tpu.memory_space<hbm>>
      %dma_wait3A_125 = arith.constant 0 : i32
      %dma_wait3A_126 = tpu.memref_slice %arg2[%add3A_75, %dma_wait3A_125] : memref<320000x128xf32, #tpu.memory_space<hbm>> -> memref<80x128xf32, #tpu.memory_space<hbm>>
      tpu.wait_dma2 semaphore(%arg16 : memref<!tpu.dma_semaphore, #tpu.memory_space<semaphore_mem>>) src(%dma_wait3A_126 : memref<80x128xf32, #tpu.memory_space<hbm>>) dst(%arg9 : memref<80x128xf32, #tpu.memory_space<vmem>>)
      %dma_wait3A_127 = tpu.memref_slice %arg3[%add3A_88] : memref<320000xi32, #tpu.memory_space<hbm>> -> memref<80xi32, #tpu.memory_space<hbm>>
      %dma_wait3A_128 = tpu.memref_slice %arg3[%add3A_88] : memref<320000xi32, #tpu.memory_space<hbm>> -> memref<80xi32, #tpu.memory_space<hbm>>
      tpu.wait_dma2 semaphore(%arg15 : memref<!tpu.dma_semaphore, #tpu.memory_space<semaphore_mem>>) src(%dma_wait3A_128 : memref<80xi32, #tpu.memory_space<hbm>>) dst(%arg6 : memref<80xi32, #tpu.memory_space<vmem>>)
      %dma_wait3A_129 = arith.constant 0 : i32
      %dma_wait3A_130 = tpu.memref_slice %arg2[%add3A_88, %dma_wait3A_129] : memref<320000x128xf32, #tpu.memory_space<hbm>> -> memref<80x128xf32, #tpu.memory_space<hbm>>
      %dma_wait3A_131 = arith.constant 0 : i32
      %dma_wait3A_132 = tpu.memref_slice %arg2[%add3A_88, %dma_wait3A_131] : memref<320000x128xf32, #tpu.memory_space<hbm>> -> memref<80x128xf32, #tpu.memory_space<hbm>>
      tpu.wait_dma2 semaphore(%arg16 : memref<!tpu.dma_semaphore, #tpu.memory_space<semaphore_mem>>) src(%dma_wait3A_132 : memref<80x128xf32, #tpu.memory_space<hbm>>) dst(%arg10 : memref<80x128xf32, #tpu.memory_space<vmem>>)
      %dma_wait3A_133 = tpu.memref_slice %arg3[%add3A_101] : memref<320000xi32, #tpu.memory_space<hbm>> -> memref<80xi32, #tpu.memory_space<hbm>>
      %dma_wait3A_134 = tpu.memref_slice %arg3[%add3A_101] : memref<320000xi32, #tpu.memory_space<hbm>> -> memref<80xi32, #tpu.memory_space<hbm>>
      tpu.wait_dma2 semaphore(%arg15 : memref<!tpu.dma_semaphore, #tpu.memory_space<semaphore_mem>>) src(%dma_wait3A_134 : memref<80xi32, #tpu.memory_space<hbm>>) dst(%arg7 : memref<80xi32, #tpu.memory_space<vmem>>)
      %dma_wait3A_135 = arith.constant 0 : i32
      %dma_wait3A_136 = tpu.memref_slice %arg2[%add3A_101, %dma_wait3A_135] : memref<320000x128xf32, #tpu.memory_space<hbm>> -> memref<80x128xf32, #tpu.memory_space<hbm>>
      %dma_wait3A_137 = arith.constant 0 : i32
      %dma_wait3A_138 = tpu.memref_slice %arg2[%add3A_101, %dma_wait3A_137] : memref<320000x128xf32, #tpu.memory_space<hbm>> -> memref<80x128xf32, #tpu.memory_space<hbm>>
      tpu.wait_dma2 semaphore(%arg16 : memref<!tpu.dma_semaphore, #tpu.memory_space<semaphore_mem>>) src(%dma_wait3A_138 : memref<80x128xf32, #tpu.memory_space<hbm>>) dst(%arg11 : memref<80x128xf32, #tpu.memory_space<vmem>>)
      %dma_wait3A_139 = tpu.memref_slice %arg3[%add3A_114] : memref<320000xi32, #tpu.memory_space<hbm>> -> memref<80xi32, #tpu.memory_space<hbm>>
      %dma_wait3A_140 = tpu.memref_slice %arg3[%add3A_114] : memref<320000xi32, #tpu.memory_space<hbm>> -> memref<80xi32, #tpu.memory_space<hbm>>
      tpu.wait_dma2 semaphore(%arg15 : memref<!tpu.dma_semaphore, #tpu.memory_space<semaphore_mem>>) src(%dma_wait3A_140 : memref<80xi32, #tpu.memory_space<hbm>>) dst(%arg8 : memref<80xi32, #tpu.memory_space<vmem>>)
      %dma_wait3A_141 = arith.constant 0 : i32
      %dma_wait3A_142 = tpu.memref_slice %arg2[%add3A_114, %dma_wait3A_141] : memref<320000x128xf32, #tpu.memory_space<hbm>> -> memref<80x128xf32, #tpu.memory_space<hbm>>
      %dma_wait3A_143 = arith.constant 0 : i32
      %dma_wait3A_144 = tpu.memref_slice %arg2[%add3A_114, %dma_wait3A_143] : memref<320000x128xf32, #tpu.memory_space<hbm>> -> memref<80x128xf32, #tpu.memory_space<hbm>>
      tpu.wait_dma2 semaphore(%arg16 : memref<!tpu.dma_semaphore, #tpu.memory_space<semaphore_mem>>) src(%dma_wait3A_144 : memref<80x128xf32, #tpu.memory_space<hbm>>) dst(%arg12 : memref<80x128xf32, #tpu.memory_space<vmem>>)
      %dma_start3A_145 = arith.constant 0 : i32
      %dma_start3A_146 = arith.constant 0 : i32
      %dma_start3A_147 = tpu.memref_slice %arg14[%dma_start3A_145, %dma_start3A_146] : memref<10240x128xf32, #tpu.memory_space<vmem_shared>> -> memref<10240x128xf32, #tpu.memory_space<vmem_shared>>
      tpu.enqueue_indirect_dma source(%arg9 : memref<80x128xf32, #tpu.memory_space<vmem>>) target(%dma_start3A_147 : memref<10240x128xf32, #tpu.memory_space<vmem_shared>>) offsets(%arg5 : memref<80xi32, #tpu.memory_space<vmem>>) semaphore(%arg16 : memref<!tpu.dma_semaphore, #tpu.memory_space<semaphore_mem>>) {add = true}
      %dma_start3A_148 = arith.constant 0 : i32
      %dma_start3A_149 = arith.constant 0 : i32
      %dma_start3A_150 = tpu.memref_slice %arg14[%dma_start3A_148, %dma_start3A_149] : memref<10240x128xf32, #tpu.memory_space<vmem_shared>> -> memref<10240x128xf32, #tpu.memory_space<vmem_shared>>
      tpu.enqueue_indirect_dma source(%arg10 : memref<80x128xf32, #tpu.memory_space<vmem>>) target(%dma_start3A_150 : memref<10240x128xf32, #tpu.memory_space<vmem_shared>>) offsets(%arg6 : memref<80xi32, #tpu.memory_space<vmem>>) semaphore(%arg16 : memref<!tpu.dma_semaphore, #tpu.memory_space<semaphore_mem>>) {add = true}
      %dma_start3A_151 = arith.constant 0 : i32
      %dma_start3A_152 = arith.constant 0 : i32
      %dma_start3A_153 = tpu.memref_slice %arg14[%dma_start3A_151, %dma_start3A_152] : memref<10240x128xf32, #tpu.memory_space<vmem_shared>> -> memref<10240x128xf32, #tpu.memory_space<vmem_shared>>
      tpu.enqueue_indirect_dma source(%arg11 : memref<80x128xf32, #tpu.memory_space<vmem>>) target(%dma_start3A_153 : memref<10240x128xf32, #tpu.memory_space<vmem_shared>>) offsets(%arg7 : memref<80xi32, #tpu.memory_space<vmem>>) semaphore(%arg16 : memref<!tpu.dma_semaphore, #tpu.memory_space<semaphore_mem>>) {add = true}
      %dma_start3A_154 = arith.constant 0 : i32
      %dma_start3A_155 = arith.constant 0 : i32
      %dma_start3A_156 = tpu.memref_slice %arg14[%dma_start3A_154, %dma_start3A_155] : memref<10240x128xf32, #tpu.memory_space<vmem_shared>> -> memref<10240x128xf32, #tpu.memory_space<vmem_shared>>
      tpu.enqueue_indirect_dma source(%arg12 : memref<80x128xf32, #tpu.memory_space<vmem>>) target(%dma_start3A_156 : memref<10240x128xf32, #tpu.memory_space<vmem_shared>>) offsets(%arg8 : memref<80xi32, #tpu.memory_space<vmem>>) semaphore(%arg16 : memref<!tpu.dma_semaphore, #tpu.memory_space<semaphore_mem>>) {add = true}
      %dma_wait3A_157 = arith.constant 0 : i32
      %dma_wait3A_158 = arith.constant 0 : i32
      %dma_wait3A_159 = tpu.memref_slice %arg14[%dma_wait3A_157, %dma_wait3A_158] : memref<10240x128xf32, #tpu.memory_space<vmem_shared>> -> memref<10240x128xf32, #tpu.memory_space<vmem_shared>>
      tpu.wait_indirect_dma semaphore(%arg16 : memref<!tpu.dma_semaphore, #tpu.memory_space<semaphore_mem>>) src(%arg9 : memref<80x128xf32, #tpu.memory_space<vmem>>) dst(%dma_wait3A_159 : memref<10240x128xf32, #tpu.memory_space<vmem_shared>>)
      %dma_wait3A_160 = arith.constant 0 : i32
      %dma_wait3A_161 = arith.constant 0 : i32
      %dma_wait3A_162 = tpu.memref_slice %arg14[%dma_wait3A_160, %dma_wait3A_161] : memref<10240x128xf32, #tpu.memory_space<vmem_shared>> -> memref<10240x128xf32, #tpu.memory_space<vmem_shared>>
      tpu.wait_indirect_dma semaphore(%arg16 : memref<!tpu.dma_semaphore, #tpu.memory_space<semaphore_mem>>) src(%arg10 : memref<80x128xf32, #tpu.memory_space<vmem>>) dst(%dma_wait3A_162 : memref<10240x128xf32, #tpu.memory_space<vmem_shared>>)
      %dma_wait3A_163 = arith.constant 0 : i32
      %dma_wait3A_164 = arith.constant 0 : i32
      %dma_wait3A_165 = tpu.memref_slice %arg14[%dma_wait3A_163, %dma_wait3A_164] : memref<10240x128xf32, #tpu.memory_space<vmem_shared>> -> memref<10240x128xf32, #tpu.memory_space<vmem_shared>>
      tpu.wait_indirect_dma semaphore(%arg16 : memref<!tpu.dma_semaphore, #tpu.memory_space<semaphore_mem>>) src(%arg11 : memref<80x128xf32, #tpu.memory_space<vmem>>) dst(%dma_wait3A_165 : memref<10240x128xf32, #tpu.memory_space<vmem_shared>>)
      %dma_wait3A_166 = arith.constant 0 : i32
      %dma_wait3A_167 = arith.constant 0 : i32
      %dma_wait3A_168 = tpu.memref_slice %arg14[%dma_wait3A_166, %dma_wait3A_167] : memref<10240x128xf32, #tpu.memory_space<vmem_shared>> -> memref<10240x128xf32, #tpu.memory_space<vmem_shared>>
      tpu.wait_indirect_dma semaphore(%arg16 : memref<!tpu.dma_semaphore, #tpu.memory_space<semaphore_mem>>) src(%arg12 : memref<80x128xf32, #tpu.memory_space<vmem>>) dst(%dma_wait3A_168 : memref<10240x128xf32, #tpu.memory_space<vmem_shared>>)
    }
    %scan3A_17 = arith.constant 62 : i32
    %mul3A_18 = arith.constant 20000 : i32
    %mul3A_19 = arith.muli %arg1, %mul3A_18 : i32
    %add3A = arith.constant 19840 : i32
    %add3A_20 = arith.addi %mul3A_19, %add3A : i32
    %dma_start3A = tpu.memref_slice %arg3[%add3A_20] : memref<320000xi32, #tpu.memory_space<hbm>> -> memref<80xi32, #tpu.memory_space<hbm>>
    %dma_start3A_21 = tpu.memref_slice %arg3[%add3A_20] : memref<320000xi32, #tpu.memory_space<hbm>> -> memref<80xi32, #tpu.memory_space<hbm>>
    tpu.enqueue_dma source(%dma_start3A_21 : memref<80xi32, #tpu.memory_space<hbm>>) target(%arg5 : memref<80xi32, #tpu.memory_space<vmem>>) target_semaphore(%arg15 : memref<!tpu.dma_semaphore, #tpu.memory_space<semaphore_mem>>)
    %dma_start3A_22 = arith.constant 0 : i32
    %dma_start3A_23 = tpu.memref_slice %arg2[%add3A_20, %dma_start3A_22] : memref<320000x128xf32, #tpu.memory_space<hbm>> -> memref<80x128xf32, #tpu.memory_space<hbm>>
    %dma_start3A_24 = arith.constant 0 : i32
    %dma_start3A_25 = tpu.memref_slice %arg2[%add3A_20, %dma_start3A_24] : memref<320000x128xf32, #tpu.memory_space<hbm>> -> memref<80x128xf32, #tpu.memory_space<hbm>>
    tpu.enqueue_dma source(%dma_start3A_25 : memref<80x128xf32, #tpu.memory_space<hbm>>) target(%arg9 : memref<80x128xf32, #tpu.memory_space<vmem>>) target_semaphore(%arg16 : memref<!tpu.dma_semaphore, #tpu.memory_space<semaphore_mem>>)
    %mul3A_26 = arith.constant 20000 : i32
    %mul3A_27 = arith.muli %arg1, %mul3A_26 : i32
    %add3A_28 = arith.constant 19920 : i32
    %add3A_29 = arith.addi %mul3A_27, %add3A_28 : i32
    %dma_start3A_30 = tpu.memref_slice %arg3[%add3A_29] : memref<320000xi32, #tpu.memory_space<hbm>> -> memref<80xi32, #tpu.memory_space<hbm>>
    %dma_start3A_31 = tpu.memref_slice %arg3[%add3A_29] : memref<320000xi32, #tpu.memory_space<hbm>> -> memref<80xi32, #tpu.memory_space<hbm>>
    tpu.enqueue_dma source(%dma_start3A_31 : memref<80xi32, #tpu.memory_space<hbm>>) target(%arg6 : memref<80xi32, #tpu.memory_space<vmem>>) target_semaphore(%arg15 : memref<!tpu.dma_semaphore, #tpu.memory_space<semaphore_mem>>)
    %dma_start3A_32 = arith.constant 0 : i32
    %dma_start3A_33 = tpu.memref_slice %arg2[%add3A_29, %dma_start3A_32] : memref<320000x128xf32, #tpu.memory_space<hbm>> -> memref<80x128xf32, #tpu.memory_space<hbm>>
    %dma_start3A_34 = arith.constant 0 : i32
    %dma_start3A_35 = tpu.memref_slice %arg2[%add3A_29, %dma_start3A_34] : memref<320000x128xf32, #tpu.memory_space<hbm>> -> memref<80x128xf32, #tpu.memory_space<hbm>>
    tpu.enqueue_dma source(%dma_start3A_35 : memref<80x128xf32, #tpu.memory_space<hbm>>) target(%arg10 : memref<80x128xf32, #tpu.memory_space<vmem>>) target_semaphore(%arg16 : memref<!tpu.dma_semaphore, #tpu.memory_space<semaphore_mem>>)
    %dma_wait3A = tpu.memref_slice %arg3[%add3A_20] : memref<320000xi32, #tpu.memory_space<hbm>> -> memref<80xi32, #tpu.memory_space<hbm>>
    %dma_wait3A_36 = tpu.memref_slice %arg3[%add3A_20] : memref<320000xi32, #tpu.memory_space<hbm>> -> memref<80xi32, #tpu.memory_space<hbm>>
    tpu.wait_dma2 semaphore(%arg15 : memref<!tpu.dma_semaphore, #tpu.memory_space<semaphore_mem>>) src(%dma_wait3A_36 : memref<80xi32, #tpu.memory_space<hbm>>) dst(%arg5 : memref<80xi32, #tpu.memory_space<vmem>>)
    %dma_wait3A_37 = arith.constant 0 : i32
    %dma_wait3A_38 = tpu.memref_slice %arg2[%add3A_20, %dma_wait3A_37] : memref<320000x128xf32, #tpu.memory_space<hbm>> -> memref<80x128xf32, #tpu.memory_space<hbm>>
    %dma_wait3A_39 = arith.constant 0 : i32
    %dma_wait3A_40 = tpu.memref_slice %arg2[%add3A_20, %dma_wait3A_39] : memref<320000x128xf32, #tpu.memory_space<hbm>> -> memref<80x128xf32, #tpu.memory_space<hbm>>
    tpu.wait_dma2 semaphore(%arg16 : memref<!tpu.dma_semaphore, #tpu.memory_space<semaphore_mem>>) src(%dma_wait3A_40 : memref<80x128xf32, #tpu.memory_space<hbm>>) dst(%arg9 : memref<80x128xf32, #tpu.memory_space<vmem>>)
    %dma_wait3A_41 = tpu.memref_slice %arg3[%add3A_29] : memref<320000xi32, #tpu.memory_space<hbm>> -> memref<80xi32, #tpu.memory_space<hbm>>
    %dma_wait3A_42 = tpu.memref_slice %arg3[%add3A_29] : memref<320000xi32, #tpu.memory_space<hbm>> -> memref<80xi32, #tpu.memory_space<hbm>>
    tpu.wait_dma2 semaphore(%arg15 : memref<!tpu.dma_semaphore, #tpu.memory_space<semaphore_mem>>) src(%dma_wait3A_42 : memref<80xi32, #tpu.memory_space<hbm>>) dst(%arg6 : memref<80xi32, #tpu.memory_space<vmem>>)
    %dma_wait3A_43 = arith.constant 0 : i32
    %dma_wait3A_44 = tpu.memref_slice %arg2[%add3A_29, %dma_wait3A_43] : memref<320000x128xf32, #tpu.memory_space<hbm>> -> memref<80x128xf32, #tpu.memory_space<hbm>>
    %dma_wait3A_45 = arith.constant 0 : i32
    %dma_wait3A_46 = tpu.memref_slice %arg2[%add3A_29, %dma_wait3A_45] : memref<320000x128xf32, #tpu.memory_space<hbm>> -> memref<80x128xf32, #tpu.memory_space<hbm>>
    tpu.wait_dma2 semaphore(%arg16 : memref<!tpu.dma_semaphore, #tpu.memory_space<semaphore_mem>>) src(%dma_wait3A_46 : memref<80x128xf32, #tpu.memory_space<hbm>>) dst(%arg10 : memref<80x128xf32, #tpu.memory_space<vmem>>)
    %dma_start3A_47 = arith.constant 0 : i32
    %dma_start3A_48 = arith.constant 0 : i32
    %dma_start3A_49 = tpu.memref_slice %arg14[%dma_start3A_47, %dma_start3A_48] : memref<10240x128xf32, #tpu.memory_space<vmem_shared>> -> memref<10240x128xf32, #tpu.memory_space<vmem_shared>>
    tpu.enqueue_indirect_dma source(%arg9 : memref<80x128xf32, #tpu.memory_space<vmem>>) target(%dma_start3A_49 : memref<10240x128xf32, #tpu.memory_space<vmem_shared>>) offsets(%arg5 : memref<80xi32, #tpu.memory_space<vmem>>) semaphore(%arg16 : memref<!tpu.dma_semaphore, #tpu.memory_space<semaphore_mem>>) {add = true}
    %dma_start3A_50 = arith.constant 0 : i32
    %dma_start3A_51 = arith.constant 0 : i32
    %dma_start3A_52 = tpu.memref_slice %arg14[%dma_start3A_50, %dma_start3A_51] : memref<10240x128xf32, #tpu.memory_space<vmem_shared>> -> memref<10240x128xf32, #tpu.memory_space<vmem_shared>>
    tpu.enqueue_indirect_dma source(%arg10 : memref<80x128xf32, #tpu.memory_space<vmem>>) target(%dma_start3A_52 : memref<10240x128xf32, #tpu.memory_space<vmem_shared>>) offsets(%arg6 : memref<80xi32, #tpu.memory_space<vmem>>) semaphore(%arg16 : memref<!tpu.dma_semaphore, #tpu.memory_space<semaphore_mem>>) {add = true}
    %dma_wait3A_53 = arith.constant 0 : i32
    %dma_wait3A_54 = arith.constant 0 : i32
    %dma_wait3A_55 = tpu.memref_slice %arg14[%dma_wait3A_53, %dma_wait3A_54] : memref<10240x128xf32, #tpu.memory_space<vmem_shared>> -> memref<10240x128xf32, #tpu.memory_space<vmem_shared>>
    tpu.wait_indirect_dma semaphore(%arg16 : memref<!tpu.dma_semaphore, #tpu.memory_space<semaphore_mem>>) src(%arg9 : memref<80x128xf32, #tpu.memory_space<vmem>>) dst(%dma_wait3A_55 : memref<10240x128xf32, #tpu.memory_space<vmem_shared>>)
    %dma_wait3A_56 = arith.constant 0 : i32
    %dma_wait3A_57 = arith.constant 0 : i32
    %dma_wait3A_58 = tpu.memref_slice %arg14[%dma_wait3A_56, %dma_wait3A_57] : memref<10240x128xf32, #tpu.memory_space<vmem_shared>> -> memref<10240x128xf32, #tpu.memory_space<vmem_shared>>
    tpu.wait_indirect_dma semaphore(%arg16 : memref<!tpu.dma_semaphore, #tpu.memory_space<semaphore_mem>>) src(%arg10 : memref<80x128xf32, #tpu.memory_space<vmem>>) dst(%dma_wait3A_58 : memref<10240x128xf32, #tpu.memory_space<vmem_shared>>)
    %barrier3A_59 = arith.constant 0 : index
    tpu.barrier barrier_id(%barrier3A_59)
    %scan3A_60 = arith.constant 0 : i32
    %scan3A_61 = arith.constant 0 : i32
    %scan3A_62 = arith.constant 8 : i32
    %scan3A_63 = arith.addi %scan3A_61, %scan3A_62 : i32
    %scan3A_64 = arith.constant 1 : i32
    scf.for %scan3A_66 = %scan3A_61 to %scan3A_63 step %scan3A_64  : i32 {
      %mul3A_67 = arith.constant 80 : i32
      %mul3A_68 = arith.muli %scan3A_66, %mul3A_67 : i32
      %add3A_69 = arith.addi %mul3A_0, %mul3A_68 : i32
      %add3A_70 = arith.constant 0 : i32
      %add3A_71 = arith.addi %add3A_69, %add3A_70 : i32
      %iota3A = tpu.iota {dimensions = array<i32: 0>} : vector<16xi32>
      %add3A_72 = vector.broadcast %add3A_71 : i32 to vector<16xi32>
      %add3A_73 = arith.addi %add3A_72, %iota3A : vector<16xi32>
      %swap3A = arith.constant 0 : index
      %swap3A_74 = tpu.vector_load %arg13[%swap3A] {strides = array<i32>} : memref<80xi32, #tpu.memory_space<vmem>>, vector<16xi32>,
      %swap3A_75 = vector.shape_cast %swap3A_74 : vector<16xi32> to vector<16xi32>
      %swap3A_76 = vector.shape_cast %add3A_73 : vector<16xi32> to vector<16xi32>
      tpu.vector_store %arg13[%swap3A], %swap3A_76 {strides = array<i32>} : memref<80xi32, #tpu.memory_space<vmem>>, vector<16xi32>,
      %add3A_77 = arith.constant 16 : i32
      %add3A_78 = arith.addi %add3A_69, %add3A_77 : i32
      %iota3A_79 = tpu.iota {dimensions = array<i32: 0>} : vector<16xi32>
      %add3A_80 = vector.broadcast %add3A_78 : i32 to vector<16xi32>
      %add3A_81 = arith.addi %add3A_80, %iota3A_79 : vector<16xi32>
      %swap3A_82 = arith.constant 16 : index
      %swap3A_83 = tpu.vector_load %arg13[%swap3A_82] {strides = array<i32>} : memref<80xi32, #tpu.memory_space<vmem>>, vector<16xi32>,
      %swap3A_84 = vector.shape_cast %swap3A_83 : vector<16xi32> to vector<16xi32>
      %swap3A_85 = vector.shape_cast %add3A_81 : vector<16xi32> to vector<16xi32>
      tpu.vector_store %arg13[%swap3A_82], %swap3A_85 {strides = array<i32>} : memref<80xi32, #tpu.memory_space<vmem>>, vector<16xi32>,
      %add3A_86 = arith.constant 32 : i32
      %add3A_87 = arith.addi %add3A_69, %add3A_86 : i32
      %iota3A_88 = tpu.iota {dimensions = array<i32: 0>} : vector<16xi32>
      %add3A_89 = vector.broadcast %add3A_87 : i32 to vector<16xi32>
      %add3A_90 = arith.addi %add3A_89, %iota3A_88 : vector<16xi32>
      %swap3A_91 = arith.constant 32 : index
      %swap3A_92 = tpu.vector_load %arg13[%swap3A_91] {strides = array<i32>} : memref<80xi32, #tpu.memory_space<vmem>>, vector<16xi32>,
      %swap3A_93 = vector.shape_cast %swap3A_92 : vector<16xi32> to vector<16xi32>
      %swap3A_94 = vector.shape_cast %add3A_90 : vector<16xi32> to vector<16xi32>
      tpu.vector_store %arg13[%swap3A_91], %swap3A_94 {strides = array<i32>} : memref<80xi32, #tpu.memory_space<vmem>>, vector<16xi32>,
      %add3A_95 = arith.constant 48 : i32
      %add3A_96 = arith.addi %add3A_69, %add3A_95 : i32
      %iota3A_97 = tpu.iota {dimensions = array<i32: 0>} : vector<16xi32>
      %add3A_98 = vector.broadcast %add3A_96 : i32 to vector<16xi32>
      %add3A_99 = arith.addi %add3A_98, %iota3A_97 : vector<16xi32>
      %swap3A_100 = arith.constant 48 : index
      %swap3A_101 = tpu.vector_load %arg13[%swap3A_100] {strides = array<i32>} : memref<80xi32, #tpu.memory_space<vmem>>, vector<16xi32>,
      %swap3A_102 = vector.shape_cast %swap3A_101 : vector<16xi32> to vector<16xi32>
      %swap3A_103 = vector.shape_cast %add3A_99 : vector<16xi32> to vector<16xi32>
      tpu.vector_store %arg13[%swap3A_100], %swap3A_103 {strides = array<i32>} : memref<80xi32, #tpu.memory_space<vmem>>, vector<16xi32>,
      %add3A_104 = arith.constant 64 : i32
      %add3A_105 = arith.addi %add3A_69, %add3A_104 : i32
      %iota3A_106 = tpu.iota {dimensions = array<i32: 0>} : vector<16xi32>
      %add3A_107 = vector.broadcast %add3A_105 : i32 to vector<16xi32>
      %add3A_108 = arith.addi %add3A_107, %iota3A_106 : vector<16xi32>
      %swap3A_109 = arith.constant 64 : index
      %swap3A_110 = tpu.vector_load %arg13[%swap3A_109] {strides = array<i32>} : memref<80xi32, #tpu.memory_space<vmem>>, vector<16xi32>,
      %swap3A_111 = vector.shape_cast %swap3A_110 : vector<16xi32> to vector<16xi32>
      %swap3A_112 = vector.shape_cast %add3A_108 : vector<16xi32> to vector<16xi32>
      tpu.vector_store %arg13[%swap3A_109], %swap3A_112 {strides = array<i32>} : memref<80xi32, #tpu.memory_space<vmem>>, vector<16xi32>,
      %dma_start3A_113 = arith.constant 0 : i32
      %dma_start3A_114 = arith.constant 0 : i32
      %dma_start3A_115 = tpu.memref_slice %arg14[%dma_start3A_113, %dma_start3A_114] : memref<10240x128xf32, #tpu.memory_space<vmem_shared>> -> memref<10240x128xf32, #tpu.memory_space<vmem_shared>>
      tpu.enqueue_indirect_dma source(%dma_start3A_115 : memref<10240x128xf32, #tpu.memory_space<vmem_shared>>) target(%arg9 : memref<80x128xf32, #tpu.memory_space<vmem>>) offsets(%arg13 : memref<80xi32, #tpu.memory_space<vmem>>) semaphore(%arg15 : memref<!tpu.dma_semaphore, #tpu.memory_space<semaphore_mem>>)
      %dma_wait3A_116 = arith.constant 0 : i32
      %dma_wait3A_117 = arith.constant 0 : i32
      %dma_wait3A_118 = tpu.memref_slice %arg14[%dma_wait3A_116, %dma_wait3A_117] : memref<10240x128xf32, #tpu.memory_space<vmem_shared>> -> memref<10240x128xf32, #tpu.memory_space<vmem_shared>>
      tpu.wait_indirect_dma semaphore(%arg15 : memref<!tpu.dma_semaphore, #tpu.memory_space<semaphore_mem>>) src(%dma_wait3A_118 : memref<10240x128xf32, #tpu.memory_space<vmem_shared>>) dst(%arg9 : memref<80x128xf32, #tpu.memory_space<vmem>>)
      "tpu.region"() ({
        %run_scoped3A = tpu.sem_alloc : memref<!tpu.dma_semaphore, #tpu.memory_space<semaphore_mem>>
        %dma_start3A_119 = arith.constant 0 : i32
        %dma_start3A_120 = tpu.memref_slice %arg4[%add3A_69, %dma_start3A_119] : memref<10240x128xf32, #tpu.memory_space<hbm>> -> memref<80x128xf32, #tpu.memory_space<hbm>>
        %dma_start3A_121 = arith.constant 0 : i32
        %dma_start3A_122 = tpu.memref_slice %arg4[%add3A_69, %dma_start3A_121] : memref<10240x128xf32, #tpu.memory_space<hbm>> -> memref<80x128xf32, #tpu.memory_space<hbm>>
        tpu.enqueue_dma source(%arg9 : memref<80x128xf32, #tpu.memory_space<vmem>>) target(%dma_start3A_122 : memref<80x128xf32, #tpu.memory_space<hbm>>) target_semaphore(%run_scoped3A : memref<!tpu.dma_semaphore, #tpu.memory_space<semaphore_mem>>)
        %dma_wait3A_123 = arith.constant 0 : i32
        %dma_wait3A_124 = tpu.memref_slice %arg4[%add3A_69, %dma_wait3A_123] : memref<10240x128xf32, #tpu.memory_space<hbm>> -> memref<80x128xf32, #tpu.memory_space<hbm>>
        %dma_wait3A_125 = arith.constant 0 : i32
        %dma_wait3A_126 = tpu.memref_slice %arg4[%add3A_69, %dma_wait3A_125] : memref<10240x128xf32, #tpu.memory_space<hbm>> -> memref<80x128xf32, #tpu.memory_space<hbm>>
        tpu.wait_dma2 semaphore(%run_scoped3A : memref<!tpu.dma_semaphore, #tpu.memory_space<semaphore_mem>>) src(%arg9 : memref<80x128xf32, #tpu.memory_space<vmem>>) dst(%dma_wait3A_126 : memref<80x128xf32, #tpu.memory_space<hbm>>)
        tpu.yield
      }) : () -> ()
    }
    %scan3A_65 = arith.constant 8 : i32
    return
  }
}

#map = affine_map<(d0, d1) -> (0, 0)>
#map1 = affine_map<(d0, d1) -> (0)>
module attributes {stable_mosaic.version = 14 : i64} {
  func.func @_gather3(%arg0: i32, %arg1: i32, %arg2: memref<10000x128xf32, #tpu.memory_space<hbm>>, %arg3: memref<10000x128xf32, #tpu.memory_space<hbm>>, %arg4: memref<10000x128xf32, #tpu.memory_space<hbm>>, %arg5: memref<320000xi32, #tpu.memory_space<hbm>>, %arg6: memref<320000xi32, #tpu.memory_space<hbm>>, %arg7: memref<320000x128xf32, #tpu.memory_space<hbm>>, %arg8: memref<320000x128xf32, #tpu.memory_space<hbm>>, %arg9: memref<320000x128xf32, #tpu.memory_space<hbm>>, %arg10: memref<80xi32, #tpu.memory_space<vmem>>, %arg11: memref<80xi32, #tpu.memory_space<vmem>>, %arg12: memref<80xi32, #tpu.memory_space<vmem>>, %arg13: memref<80xi32, #tpu.memory_space<vmem>>, %arg14: memref<80xi32, #tpu.memory_space<vmem>>, %arg15: memref<80xi32, #tpu.memory_space<vmem>>, %arg16: memref<80xi32, #tpu.memory_space<vmem>>, %arg17: memref<80xi32, #tpu.memory_space<vmem>>, %arg18: memref<80x128xf32, #tpu.memory_space<vmem>>, %arg19: memref<80x128xf32, #tpu.memory_space<vmem>>, %arg20: memref<80x128xf32, #tpu.memory_space<vmem>>, %arg21: memref<80x128xf32, #tpu.memory_space<vmem>>, %arg22: memref<80x128xf32, #tpu.memory_space<vmem>>, %arg23: memref<80x128xf32, #tpu.memory_space<vmem>>, %arg24: memref<80x128xf32, #tpu.memory_space<vmem>>, %arg25: memref<80x128xf32, #tpu.memory_space<vmem>>, %arg26: memref<80x128xf32, #tpu.memory_space<vmem>>, %arg27: memref<80x128xf32, #tpu.memory_space<vmem>>, %arg28: memref<80x128xf32, #tpu.memory_space<vmem>>, %arg29: memref<80x128xf32, #tpu.memory_space<vmem>>, %arg30: memref<!tpu.dma_semaphore, #tpu.memory_space<semaphore_mem>>, %arg31: memref<!tpu.dma_semaphore, #tpu.memory_space<semaphore_mem>>, %arg32: memref<!tpu.dma_semaphore, #tpu.memory_space<semaphore_mem>>) attributes {dimension_semantics = [#tpu.dimension_semantics<core_parallel>, #tpu.dimension_semantics<subcore_parallel>], iteration_bounds = array<i64: 2, 16>, scalar_prefetch = 0 : i64, scratch_operands = 23 : i64, tpu.core_type = #tpu.core_type<sc_vector_subcore>, window_params = [{transform_indices = #map}, {transform_indices = #map}, {transform_indices = #map}, {transform_indices = #map1}, {transform_indices = #map1}, {transform_indices = #map}, {transform_indices = #map}, {transform_indices = #map}]} {
    %mul3A = arith.constant 2 : i32
    %mul3A_0 = arith.muli %arg1, %mul3A : i32
    %add3A = arith.addi %mul3A_0, %arg0 : i32
    %scan3A = arith.constant 0 : i32
    %scan3A_1 = arith.constant 0 : i32
    %scan3A_2 = arith.constant 31 : i32
    %scan3A_3 = arith.addi %scan3A_1, %scan3A_2 : i32
    %scan3A_4 = arith.constant 1 : i32
    scf.for %scan3A_62 = %scan3A_1 to %scan3A_3 step %scan3A_4  : i32 {
      %mul3A_63 = arith.constant 4 : i32
      %mul3A_64 = arith.muli %scan3A_62, %mul3A_63 : i32
      %mul3A_65 = arith.constant 10000 : i32
      %mul3A_66 = arith.muli %add3A, %mul3A_65 : i32
      %add3A_67 = arith.constant 0 : i32
      %add3A_68 = arith.addi %mul3A_64, %add3A_67 : i32
      %mul3A_69 = arith.constant 80 : i32
      %mul3A_70 = arith.muli %add3A_68, %mul3A_69 : i32
      %add3A_71 = arith.addi %mul3A_66, %mul3A_70 : i32
      %dma_start3A_72 = tpu.memref_slice %arg6[%add3A_71] : memref<320000xi32, #tpu.memory_space<hbm>> -> memref<80xi32, #tpu.memory_space<hbm>>
      %dma_start3A_73 = tpu.memref_slice %arg6[%add3A_71] : memref<320000xi32, #tpu.memory_space<hbm>> -> memref<80xi32, #tpu.memory_space<hbm>>
      tpu.enqueue_dma source(%dma_start3A_73 : memref<80xi32, #tpu.memory_space<hbm>>) target(%arg10 : memref<80xi32, #tpu.memory_space<vmem>>) target_semaphore(%arg30 : memref<!tpu.dma_semaphore, #tpu.memory_space<semaphore_mem>>)
      %dma_start3A_74 = tpu.memref_slice %arg5[%add3A_71] : memref<320000xi32, #tpu.memory_space<hbm>> -> memref<80xi32, #tpu.memory_space<hbm>>
      %dma_start3A_75 = tpu.memref_slice %arg5[%add3A_71] : memref<320000xi32, #tpu.memory_space<hbm>> -> memref<80xi32, #tpu.memory_space<hbm>>
      tpu.enqueue_dma source(%dma_start3A_75 : memref<80xi32, #tpu.memory_space<hbm>>) target(%arg14 : memref<80xi32, #tpu.memory_space<vmem>>) target_semaphore(%arg30 : memref<!tpu.dma_semaphore, #tpu.memory_space<semaphore_mem>>)
      %mul3A_76 = arith.constant 10000 : i32
      %mul3A_77 = arith.muli %add3A, %mul3A_76 : i32
      %add3A_78 = arith.constant 1 : i32
      %add3A_79 = arith.addi %mul3A_64, %add3A_78 : i32
      %mul3A_80 = arith.constant 80 : i32
      %mul3A_81 = arith.muli %add3A_79, %mul3A_80 : i32
      %add3A_82 = arith.addi %mul3A_77, %mul3A_81 : i32
      %dma_start3A_83 = tpu.memref_slice %arg6[%add3A_82] : memref<320000xi32, #tpu.memory_space<hbm>> -> memref<80xi32, #tpu.memory_space<hbm>>
      %dma_start3A_84 = tpu.memref_slice %arg6[%add3A_82] : memref<320000xi32, #tpu.memory_space<hbm>> -> memref<80xi32, #tpu.memory_space<hbm>>
      tpu.enqueue_dma source(%dma_start3A_84 : memref<80xi32, #tpu.memory_space<hbm>>) target(%arg11 : memref<80xi32, #tpu.memory_space<vmem>>) target_semaphore(%arg30 : memref<!tpu.dma_semaphore, #tpu.memory_space<semaphore_mem>>)
      %dma_start3A_85 = tpu.memref_slice %arg5[%add3A_82] : memref<320000xi32, #tpu.memory_space<hbm>> -> memref<80xi32, #tpu.memory_space<hbm>>
      %dma_start3A_86 = tpu.memref_slice %arg5[%add3A_82] : memref<320000xi32, #tpu.memory_space<hbm>> -> memref<80xi32, #tpu.memory_space<hbm>>
      tpu.enqueue_dma source(%dma_start3A_86 : memref<80xi32, #tpu.memory_space<hbm>>) target(%arg15 : memref<80xi32, #tpu.memory_space<vmem>>) target_semaphore(%arg30 : memref<!tpu.dma_semaphore, #tpu.memory_space<semaphore_mem>>)
      %mul3A_87 = arith.constant 10000 : i32
      %mul3A_88 = arith.muli %add3A, %mul3A_87 : i32
      %add3A_89 = arith.constant 2 : i32
      %add3A_90 = arith.addi %mul3A_64, %add3A_89 : i32
      %mul3A_91 = arith.constant 80 : i32
      %mul3A_92 = arith.muli %add3A_90, %mul3A_91 : i32
      %add3A_93 = arith.addi %mul3A_88, %mul3A_92 : i32
      %dma_start3A_94 = tpu.memref_slice %arg6[%add3A_93] : memref<320000xi32, #tpu.memory_space<hbm>> -> memref<80xi32, #tpu.memory_space<hbm>>
      %dma_start3A_95 = tpu.memref_slice %arg6[%add3A_93] : memref<320000xi32, #tpu.memory_space<hbm>> -> memref<80xi32, #tpu.memory_space<hbm>>
      tpu.enqueue_dma source(%dma_start3A_95 : memref<80xi32, #tpu.memory_space<hbm>>) target(%arg12 : memref<80xi32, #tpu.memory_space<vmem>>) target_semaphore(%arg30 : memref<!tpu.dma_semaphore, #tpu.memory_space<semaphore_mem>>)
      %dma_start3A_96 = tpu.memref_slice %arg5[%add3A_93] : memref<320000xi32, #tpu.memory_space<hbm>> -> memref<80xi32, #tpu.memory_space<hbm>>
      %dma_start3A_97 = tpu.memref_slice %arg5[%add3A_93] : memref<320000xi32, #tpu.memory_space<hbm>> -> memref<80xi32, #tpu.memory_space<hbm>>
      tpu.enqueue_dma source(%dma_start3A_97 : memref<80xi32, #tpu.memory_space<hbm>>) target(%arg16 : memref<80xi32, #tpu.memory_space<vmem>>) target_semaphore(%arg30 : memref<!tpu.dma_semaphore, #tpu.memory_space<semaphore_mem>>)
      %mul3A_98 = arith.constant 10000 : i32
      %mul3A_99 = arith.muli %add3A, %mul3A_98 : i32
      %add3A_100 = arith.constant 3 : i32
      %add3A_101 = arith.addi %mul3A_64, %add3A_100 : i32
      %mul3A_102 = arith.constant 80 : i32
      %mul3A_103 = arith.muli %add3A_101, %mul3A_102 : i32
      %add3A_104 = arith.addi %mul3A_99, %mul3A_103 : i32
      %dma_start3A_105 = tpu.memref_slice %arg6[%add3A_104] : memref<320000xi32, #tpu.memory_space<hbm>> -> memref<80xi32, #tpu.memory_space<hbm>>
      %dma_start3A_106 = tpu.memref_slice %arg6[%add3A_104] : memref<320000xi32, #tpu.memory_space<hbm>> -> memref<80xi32, #tpu.memory_space<hbm>>
      tpu.enqueue_dma source(%dma_start3A_106 : memref<80xi32, #tpu.memory_space<hbm>>) target(%arg13 : memref<80xi32, #tpu.memory_space<vmem>>) target_semaphore(%arg30 : memref<!tpu.dma_semaphore, #tpu.memory_space<semaphore_mem>>)
      %dma_start3A_107 = tpu.memref_slice %arg5[%add3A_104] : memref<320000xi32, #tpu.memory_space<hbm>> -> memref<80xi32, #tpu.memory_space<hbm>>
      %dma_start3A_108 = tpu.memref_slice %arg5[%add3A_104] : memref<320000xi32, #tpu.memory_space<hbm>> -> memref<80xi32, #tpu.memory_space<hbm>>
      tpu.enqueue_dma source(%dma_start3A_108 : memref<80xi32, #tpu.memory_space<hbm>>) target(%arg17 : memref<80xi32, #tpu.memory_space<vmem>>) target_semaphore(%arg30 : memref<!tpu.dma_semaphore, #tpu.memory_space<semaphore_mem>>)
      %dma_wait3A_109 = tpu.memref_slice %arg6[%add3A_71] : memref<320000xi32, #tpu.memory_space<hbm>> -> memref<80xi32, #tpu.memory_space<hbm>>
      %dma_wait3A_110 = tpu.memref_slice %arg6[%add3A_71] : memref<320000xi32, #tpu.memory_space<hbm>> -> memref<80xi32, #tpu.memory_space<hbm>>
      tpu.wait_dma2 semaphore(%arg30 : memref<!tpu.dma_semaphore, #tpu.memory_space<semaphore_mem>>) src(%dma_wait3A_110 : memref<80xi32, #tpu.memory_space<hbm>>) dst(%arg10 : memref<80xi32, #tpu.memory_space<vmem>>)
      %dma_wait3A_111 = tpu.memref_slice %arg5[%add3A_71] : memref<320000xi32, #tpu.memory_space<hbm>> -> memref<80xi32, #tpu.memory_space<hbm>>
      %dma_wait3A_112 = tpu.memref_slice %arg5[%add3A_71] : memref<320000xi32, #tpu.memory_space<hbm>> -> memref<80xi32, #tpu.memory_space<hbm>>
      tpu.wait_dma2 semaphore(%arg30 : memref<!tpu.dma_semaphore, #tpu.memory_space<semaphore_mem>>) src(%dma_wait3A_112 : memref<80xi32, #tpu.memory_space<hbm>>) dst(%arg14 : memref<80xi32, #tpu.memory_space<vmem>>)
      %dma_wait3A_113 = tpu.memref_slice %arg6[%add3A_82] : memref<320000xi32, #tpu.memory_space<hbm>> -> memref<80xi32, #tpu.memory_space<hbm>>
      %dma_wait3A_114 = tpu.memref_slice %arg6[%add3A_82] : memref<320000xi32, #tpu.memory_space<hbm>> -> memref<80xi32, #tpu.memory_space<hbm>>
      tpu.wait_dma2 semaphore(%arg30 : memref<!tpu.dma_semaphore, #tpu.memory_space<semaphore_mem>>) src(%dma_wait3A_114 : memref<80xi32, #tpu.memory_space<hbm>>) dst(%arg11 : memref<80xi32, #tpu.memory_space<vmem>>)
      %dma_wait3A_115 = tpu.memref_slice %arg5[%add3A_82] : memref<320000xi32, #tpu.memory_space<hbm>> -> memref<80xi32, #tpu.memory_space<hbm>>
      %dma_wait3A_116 = tpu.memref_slice %arg5[%add3A_82] : memref<320000xi32, #tpu.memory_space<hbm>> -> memref<80xi32, #tpu.memory_space<hbm>>
      tpu.wait_dma2 semaphore(%arg30 : memref<!tpu.dma_semaphore, #tpu.memory_space<semaphore_mem>>) src(%dma_wait3A_116 : memref<80xi32, #tpu.memory_space<hbm>>) dst(%arg15 : memref<80xi32, #tpu.memory_space<vmem>>)
      %dma_wait3A_117 = tpu.memref_slice %arg6[%add3A_93] : memref<320000xi32, #tpu.memory_space<hbm>> -> memref<80xi32, #tpu.memory_space<hbm>>
      %dma_wait3A_118 = tpu.memref_slice %arg6[%add3A_93] : memref<320000xi32, #tpu.memory_space<hbm>> -> memref<80xi32, #tpu.memory_space<hbm>>
      tpu.wait_dma2 semaphore(%arg30 : memref<!tpu.dma_semaphore, #tpu.memory_space<semaphore_mem>>) src(%dma_wait3A_118 : memref<80xi32, #tpu.memory_space<hbm>>) dst(%arg12 : memref<80xi32, #tpu.memory_space<vmem>>)
      %dma_wait3A_119 = tpu.memref_slice %arg5[%add3A_93] : memref<320000xi32, #tpu.memory_space<hbm>> -> memref<80xi32, #tpu.memory_space<hbm>>
      %dma_wait3A_120 = tpu.memref_slice %arg5[%add3A_93] : memref<320000xi32, #tpu.memory_space<hbm>> -> memref<80xi32, #tpu.memory_space<hbm>>
      tpu.wait_dma2 semaphore(%arg30 : memref<!tpu.dma_semaphore, #tpu.memory_space<semaphore_mem>>) src(%dma_wait3A_120 : memref<80xi32, #tpu.memory_space<hbm>>) dst(%arg16 : memref<80xi32, #tpu.memory_space<vmem>>)
      %dma_wait3A_121 = tpu.memref_slice %arg6[%add3A_104] : memref<320000xi32, #tpu.memory_space<hbm>> -> memref<80xi32, #tpu.memory_space<hbm>>
      %dma_wait3A_122 = tpu.memref_slice %arg6[%add3A_104] : memref<320000xi32, #tpu.memory_space<hbm>> -> memref<80xi32, #tpu.memory_space<hbm>>
      tpu.wait_dma2 semaphore(%arg30 : memref<!tpu.dma_semaphore, #tpu.memory_space<semaphore_mem>>) src(%dma_wait3A_122 : memref<80xi32, #tpu.memory_space<hbm>>) dst(%arg13 : memref<80xi32, #tpu.memory_space<vmem>>)
      %dma_wait3A_123 = tpu.memref_slice %arg5[%add3A_104] : memref<320000xi32, #tpu.memory_space<hbm>> -> memref<80xi32, #tpu.memory_space<hbm>>
      %dma_wait3A_124 = tpu.memref_slice %arg5[%add3A_104] : memref<320000xi32, #tpu.memory_space<hbm>> -> memref<80xi32, #tpu.memory_space<hbm>>
      tpu.wait_dma2 semaphore(%arg30 : memref<!tpu.dma_semaphore, #tpu.memory_space<semaphore_mem>>) src(%dma_wait3A_124 : memref<80xi32, #tpu.memory_space<hbm>>) dst(%arg17 : memref<80xi32, #tpu.memory_space<vmem>>)
      %dma_start3A_125 = arith.constant 0 : i32
      %dma_start3A_126 = arith.constant 0 : i32
      %dma_start3A_127 = tpu.memref_slice %arg2[%dma_start3A_125, %dma_start3A_126] : memref<10000x128xf32, #tpu.memory_space<hbm>> -> memref<10000x128xf32, #tpu.memory_space<hbm>>
      tpu.enqueue_indirect_dma source(%dma_start3A_127 : memref<10000x128xf32, #tpu.memory_space<hbm>>) target(%arg18 : memref<80x128xf32, #tpu.memory_space<vmem>>) offsets(%arg10 : memref<80xi32, #tpu.memory_space<vmem>>) semaphore(%arg31 : memref<!tpu.dma_semaphore, #tpu.memory_space<semaphore_mem>>)
      %dma_start3A_128 = arith.constant 0 : i32
      %dma_start3A_129 = arith.constant 0 : i32
      %dma_start3A_130 = tpu.memref_slice %arg3[%dma_start3A_128, %dma_start3A_129] : memref<10000x128xf32, #tpu.memory_space<hbm>> -> memref<10000x128xf32, #tpu.memory_space<hbm>>
      tpu.enqueue_indirect_dma source(%dma_start3A_130 : memref<10000x128xf32, #tpu.memory_space<hbm>>) target(%arg22 : memref<80x128xf32, #tpu.memory_space<vmem>>) offsets(%arg14 : memref<80xi32, #tpu.memory_space<vmem>>) semaphore(%arg31 : memref<!tpu.dma_semaphore, #tpu.memory_space<semaphore_mem>>)
      %dma_start3A_131 = arith.constant 0 : i32
      %dma_start3A_132 = arith.constant 0 : i32
      %dma_start3A_133 = tpu.memref_slice %arg4[%dma_start3A_131, %dma_start3A_132] : memref<10000x128xf32, #tpu.memory_space<hbm>> -> memref<10000x128xf32, #tpu.memory_space<hbm>>
      tpu.enqueue_indirect_dma source(%dma_start3A_133 : memref<10000x128xf32, #tpu.memory_space<hbm>>) target(%arg26 : memref<80x128xf32, #tpu.memory_space<vmem>>) offsets(%arg14 : memref<80xi32, #tpu.memory_space<vmem>>) semaphore(%arg31 : memref<!tpu.dma_semaphore, #tpu.memory_space<semaphore_mem>>)
      %dma_start3A_134 = arith.constant 0 : i32
      %dma_start3A_135 = arith.constant 0 : i32
      %dma_start3A_136 = tpu.memref_slice %arg2[%dma_start3A_134, %dma_start3A_135] : memref<10000x128xf32, #tpu.memory_space<hbm>> -> memref<10000x128xf32, #tpu.memory_space<hbm>>
      tpu.enqueue_indirect_dma source(%dma_start3A_136 : memref<10000x128xf32, #tpu.memory_space<hbm>>) target(%arg19 : memref<80x128xf32, #tpu.memory_space<vmem>>) offsets(%arg11 : memref<80xi32, #tpu.memory_space<vmem>>) semaphore(%arg31 : memref<!tpu.dma_semaphore, #tpu.memory_space<semaphore_mem>>)
      %dma_start3A_137 = arith.constant 0 : i32
      %dma_start3A_138 = arith.constant 0 : i32
      %dma_start3A_139 = tpu.memref_slice %arg3[%dma_start3A_137, %dma_start3A_138] : memref<10000x128xf32, #tpu.memory_space<hbm>> -> memref<10000x128xf32, #tpu.memory_space<hbm>>
      tpu.enqueue_indirect_dma source(%dma_start3A_139 : memref<10000x128xf32, #tpu.memory_space<hbm>>) target(%arg23 : memref<80x128xf32, #tpu.memory_space<vmem>>) offsets(%arg15 : memref<80xi32, #tpu.memory_space<vmem>>) semaphore(%arg31 : memref<!tpu.dma_semaphore, #tpu.memory_space<semaphore_mem>>)
      %dma_start3A_140 = arith.constant 0 : i32
      %dma_start3A_141 = arith.constant 0 : i32
      %dma_start3A_142 = tpu.memref_slice %arg4[%dma_start3A_140, %dma_start3A_141] : memref<10000x128xf32, #tpu.memory_space<hbm>> -> memref<10000x128xf32, #tpu.memory_space<hbm>>
      tpu.enqueue_indirect_dma source(%dma_start3A_142 : memref<10000x128xf32, #tpu.memory_space<hbm>>) target(%arg27 : memref<80x128xf32, #tpu.memory_space<vmem>>) offsets(%arg15 : memref<80xi32, #tpu.memory_space<vmem>>) semaphore(%arg31 : memref<!tpu.dma_semaphore, #tpu.memory_space<semaphore_mem>>)
      %dma_start3A_143 = arith.constant 0 : i32
      %dma_start3A_144 = arith.constant 0 : i32
      %dma_start3A_145 = tpu.memref_slice %arg2[%dma_start3A_143, %dma_start3A_144] : memref<10000x128xf32, #tpu.memory_space<hbm>> -> memref<10000x128xf32, #tpu.memory_space<hbm>>
      tpu.enqueue_indirect_dma source(%dma_start3A_145 : memref<10000x128xf32, #tpu.memory_space<hbm>>) target(%arg20 : memref<80x128xf32, #tpu.memory_space<vmem>>) offsets(%arg12 : memref<80xi32, #tpu.memory_space<vmem>>) semaphore(%arg31 : memref<!tpu.dma_semaphore, #tpu.memory_space<semaphore_mem>>)
      %dma_start3A_146 = arith.constant 0 : i32
      %dma_start3A_147 = arith.constant 0 : i32
      %dma_start3A_148 = tpu.memref_slice %arg3[%dma_start3A_146, %dma_start3A_147] : memref<10000x128xf32, #tpu.memory_space<hbm>> -> memref<10000x128xf32, #tpu.memory_space<hbm>>
      tpu.enqueue_indirect_dma source(%dma_start3A_148 : memref<10000x128xf32, #tpu.memory_space<hbm>>) target(%arg24 : memref<80x128xf32, #tpu.memory_space<vmem>>) offsets(%arg16 : memref<80xi32, #tpu.memory_space<vmem>>) semaphore(%arg31 : memref<!tpu.dma_semaphore, #tpu.memory_space<semaphore_mem>>)
      %dma_start3A_149 = arith.constant 0 : i32
      %dma_start3A_150 = arith.constant 0 : i32
      %dma_start3A_151 = tpu.memref_slice %arg4[%dma_start3A_149, %dma_start3A_150] : memref<10000x128xf32, #tpu.memory_space<hbm>> -> memref<10000x128xf32, #tpu.memory_space<hbm>>
      tpu.enqueue_indirect_dma source(%dma_start3A_151 : memref<10000x128xf32, #tpu.memory_space<hbm>>) target(%arg28 : memref<80x128xf32, #tpu.memory_space<vmem>>) offsets(%arg16 : memref<80xi32, #tpu.memory_space<vmem>>) semaphore(%arg31 : memref<!tpu.dma_semaphore, #tpu.memory_space<semaphore_mem>>)
      %dma_start3A_152 = arith.constant 0 : i32
      %dma_start3A_153 = arith.constant 0 : i32
      %dma_start3A_154 = tpu.memref_slice %arg2[%dma_start3A_152, %dma_start3A_153] : memref<10000x128xf32, #tpu.memory_space<hbm>> -> memref<10000x128xf32, #tpu.memory_space<hbm>>
      tpu.enqueue_indirect_dma source(%dma_start3A_154 : memref<10000x128xf32, #tpu.memory_space<hbm>>) target(%arg21 : memref<80x128xf32, #tpu.memory_space<vmem>>) offsets(%arg13 : memref<80xi32, #tpu.memory_space<vmem>>) semaphore(%arg31 : memref<!tpu.dma_semaphore, #tpu.memory_space<semaphore_mem>>)
      %dma_start3A_155 = arith.constant 0 : i32
      %dma_start3A_156 = arith.constant 0 : i32
      %dma_start3A_157 = tpu.memref_slice %arg3[%dma_start3A_155, %dma_start3A_156] : memref<10000x128xf32, #tpu.memory_space<hbm>> -> memref<10000x128xf32, #tpu.memory_space<hbm>>
      tpu.enqueue_indirect_dma source(%dma_start3A_157 : memref<10000x128xf32, #tpu.memory_space<hbm>>) target(%arg25 : memref<80x128xf32, #tpu.memory_space<vmem>>) offsets(%arg17 : memref<80xi32, #tpu.memory_space<vmem>>) semaphore(%arg31 : memref<!tpu.dma_semaphore, #tpu.memory_space<semaphore_mem>>)
      %dma_start3A_158 = arith.constant 0 : i32
      %dma_start3A_159 = arith.constant 0 : i32
      %dma_start3A_160 = tpu.memref_slice %arg4[%dma_start3A_158, %dma_start3A_159] : memref<10000x128xf32, #tpu.memory_space<hbm>> -> memref<10000x128xf32, #tpu.memory_space<hbm>>
      tpu.enqueue_indirect_dma source(%dma_start3A_160 : memref<10000x128xf32, #tpu.memory_space<hbm>>) target(%arg29 : memref<80x128xf32, #tpu.memory_space<vmem>>) offsets(%arg17 : memref<80xi32, #tpu.memory_space<vmem>>) semaphore(%arg31 : memref<!tpu.dma_semaphore, #tpu.memory_space<semaphore_mem>>)
      %dma_wait3A_161 = arith.constant 0 : i32
      %dma_wait3A_162 = arith.constant 0 : i32
      %dma_wait3A_163 = tpu.memref_slice %arg2[%dma_wait3A_161, %dma_wait3A_162] : memref<10000x128xf32, #tpu.memory_space<hbm>> -> memref<10000x128xf32, #tpu.memory_space<hbm>>
      tpu.wait_indirect_dma semaphore(%arg31 : memref<!tpu.dma_semaphore, #tpu.memory_space<semaphore_mem>>) src(%dma_wait3A_163 : memref<10000x128xf32, #tpu.memory_space<hbm>>) dst(%arg18 : memref<80x128xf32, #tpu.memory_space<vmem>>)
      %dma_wait3A_164 = arith.constant 0 : i32
      %dma_wait3A_165 = arith.constant 0 : i32
      %dma_wait3A_166 = tpu.memref_slice %arg3[%dma_wait3A_164, %dma_wait3A_165] : memref<10000x128xf32, #tpu.memory_space<hbm>> -> memref<10000x128xf32, #tpu.memory_space<hbm>>
      tpu.wait_indirect_dma semaphore(%arg31 : memref<!tpu.dma_semaphore, #tpu.memory_space<semaphore_mem>>) src(%dma_wait3A_166 : memref<10000x128xf32, #tpu.memory_space<hbm>>) dst(%arg22 : memref<80x128xf32, #tpu.memory_space<vmem>>)
      %dma_wait3A_167 = arith.constant 0 : i32
      %dma_wait3A_168 = arith.constant 0 : i32
      %dma_wait3A_169 = tpu.memref_slice %arg4[%dma_wait3A_167, %dma_wait3A_168] : memref<10000x128xf32, #tpu.memory_space<hbm>> -> memref<10000x128xf32, #tpu.memory_space<hbm>>
      tpu.wait_indirect_dma semaphore(%arg31 : memref<!tpu.dma_semaphore, #tpu.memory_space<semaphore_mem>>) src(%dma_wait3A_169 : memref<10000x128xf32, #tpu.memory_space<hbm>>) dst(%arg26 : memref<80x128xf32, #tpu.memory_space<vmem>>)
      %dma_wait3A_170 = arith.constant 0 : i32
      %dma_wait3A_171 = arith.constant 0 : i32
      %dma_wait3A_172 = tpu.memref_slice %arg2[%dma_wait3A_170, %dma_wait3A_171] : memref<10000x128xf32, #tpu.memory_space<hbm>> -> memref<10000x128xf32, #tpu.memory_space<hbm>>
      tpu.wait_indirect_dma semaphore(%arg31 : memref<!tpu.dma_semaphore, #tpu.memory_space<semaphore_mem>>) src(%dma_wait3A_172 : memref<10000x128xf32, #tpu.memory_space<hbm>>) dst(%arg19 : memref<80x128xf32, #tpu.memory_space<vmem>>)
      %dma_wait3A_173 = arith.constant 0 : i32
      %dma_wait3A_174 = arith.constant 0 : i32
      %dma_wait3A_175 = tpu.memref_slice %arg3[%dma_wait3A_173, %dma_wait3A_174] : memref<10000x128xf32, #tpu.memory_space<hbm>> -> memref<10000x128xf32, #tpu.memory_space<hbm>>
      tpu.wait_indirect_dma semaphore(%arg31 : memref<!tpu.dma_semaphore, #tpu.memory_space<semaphore_mem>>) src(%dma_wait3A_175 : memref<10000x128xf32, #tpu.memory_space<hbm>>) dst(%arg23 : memref<80x128xf32, #tpu.memory_space<vmem>>)
      %dma_wait3A_176 = arith.constant 0 : i32
      %dma_wait3A_177 = arith.constant 0 : i32
      %dma_wait3A_178 = tpu.memref_slice %arg4[%dma_wait3A_176, %dma_wait3A_177] : memref<10000x128xf32, #tpu.memory_space<hbm>> -> memref<10000x128xf32, #tpu.memory_space<hbm>>
      tpu.wait_indirect_dma semaphore(%arg31 : memref<!tpu.dma_semaphore, #tpu.memory_space<semaphore_mem>>) src(%dma_wait3A_178 : memref<10000x128xf32, #tpu.memory_space<hbm>>) dst(%arg27 : memref<80x128xf32, #tpu.memory_space<vmem>>)
      %dma_wait3A_179 = arith.constant 0 : i32
      %dma_wait3A_180 = arith.constant 0 : i32
      %dma_wait3A_181 = tpu.memref_slice %arg2[%dma_wait3A_179, %dma_wait3A_180] : memref<10000x128xf32, #tpu.memory_space<hbm>> -> memref<10000x128xf32, #tpu.memory_space<hbm>>
      tpu.wait_indirect_dma semaphore(%arg31 : memref<!tpu.dma_semaphore, #tpu.memory_space<semaphore_mem>>) src(%dma_wait3A_181 : memref<10000x128xf32, #tpu.memory_space<hbm>>) dst(%arg20 : memref<80x128xf32, #tpu.memory_space<vmem>>)
      %dma_wait3A_182 = arith.constant 0 : i32
      %dma_wait3A_183 = arith.constant 0 : i32
      %dma_wait3A_184 = tpu.memref_slice %arg3[%dma_wait3A_182, %dma_wait3A_183] : memref<10000x128xf32, #tpu.memory_space<hbm>> -> memref<10000x128xf32, #tpu.memory_space<hbm>>
      tpu.wait_indirect_dma semaphore(%arg31 : memref<!tpu.dma_semaphore, #tpu.memory_space<semaphore_mem>>) src(%dma_wait3A_184 : memref<10000x128xf32, #tpu.memory_space<hbm>>) dst(%arg24 : memref<80x128xf32, #tpu.memory_space<vmem>>)
      %dma_wait3A_185 = arith.constant 0 : i32
      %dma_wait3A_186 = arith.constant 0 : i32
      %dma_wait3A_187 = tpu.memref_slice %arg4[%dma_wait3A_185, %dma_wait3A_186] : memref<10000x128xf32, #tpu.memory_space<hbm>> -> memref<10000x128xf32, #tpu.memory_space<hbm>>
      tpu.wait_indirect_dma semaphore(%arg31 : memref<!tpu.dma_semaphore, #tpu.memory_space<semaphore_mem>>) src(%dma_wait3A_187 : memref<10000x128xf32, #tpu.memory_space<hbm>>) dst(%arg28 : memref<80x128xf32, #tpu.memory_space<vmem>>)
      %dma_wait3A_188 = arith.constant 0 : i32
      %dma_wait3A_189 = arith.constant 0 : i32
      %dma_wait3A_190 = tpu.memref_slice %arg2[%dma_wait3A_188, %dma_wait3A_189] : memref<10000x128xf32, #tpu.memory_space<hbm>> -> memref<10000x128xf32, #tpu.memory_space<hbm>>
      tpu.wait_indirect_dma semaphore(%arg31 : memref<!tpu.dma_semaphore, #tpu.memory_space<semaphore_mem>>) src(%dma_wait3A_190 : memref<10000x128xf32, #tpu.memory_space<hbm>>) dst(%arg21 : memref<80x128xf32, #tpu.memory_space<vmem>>)
      %dma_wait3A_191 = arith.constant 0 : i32
      %dma_wait3A_192 = arith.constant 0 : i32
      %dma_wait3A_193 = tpu.memref_slice %arg3[%dma_wait3A_191, %dma_wait3A_192] : memref<10000x128xf32, #tpu.memory_space<hbm>> -> memref<10000x128xf32, #tpu.memory_space<hbm>>
      tpu.wait_indirect_dma semaphore(%arg31 : memref<!tpu.dma_semaphore, #tpu.memory_space<semaphore_mem>>) src(%dma_wait3A_193 : memref<10000x128xf32, #tpu.memory_space<hbm>>) dst(%arg25 : memref<80x128xf32, #tpu.memory_space<vmem>>)
      %dma_wait3A_194 = arith.constant 0 : i32
      %dma_wait3A_195 = arith.constant 0 : i32
      %dma_wait3A_196 = tpu.memref_slice %arg4[%dma_wait3A_194, %dma_wait3A_195] : memref<10000x128xf32, #tpu.memory_space<hbm>> -> memref<10000x128xf32, #tpu.memory_space<hbm>>
      tpu.wait_indirect_dma semaphore(%arg31 : memref<!tpu.dma_semaphore, #tpu.memory_space<semaphore_mem>>) src(%dma_wait3A_196 : memref<10000x128xf32, #tpu.memory_space<hbm>>) dst(%arg29 : memref<80x128xf32, #tpu.memory_space<vmem>>)
      %mul3A_197 = arith.constant 10000 : i32
      %mul3A_198 = arith.muli %add3A, %mul3A_197 : i32
      %add3A_199 = arith.constant 0 : i32
      %add3A_200 = arith.addi %mul3A_64, %add3A_199 : i32
      %mul3A_201 = arith.constant 80 : i32
      %mul3A_202 = arith.muli %add3A_200, %mul3A_201 : i32
      %add3A_203 = arith.addi %mul3A_198, %mul3A_202 : i32
      %dma_start3A_204 = arith.constant 0 : i32
      %dma_start3A_205 = tpu.memref_slice %arg7[%add3A_203, %dma_start3A_204] : memref<320000x128xf32, #tpu.memory_space<hbm>> -> memref<80x128xf32, #tpu.memory_space<hbm>>
      %dma_start3A_206 = arith.constant 0 : i32
      %dma_start3A_207 = tpu.memref_slice %arg7[%add3A_203, %dma_start3A_206] : memref<320000x128xf32, #tpu.memory_space<hbm>> -> memref<80x128xf32, #tpu.memory_space<hbm>>
      tpu.enqueue_dma source(%arg18 : memref<80x128xf32, #tpu.memory_space<vmem>>) target(%dma_start3A_207 : memref<80x128xf32, #tpu.memory_space<hbm>>) target_semaphore(%arg32 : memref<!tpu.dma_semaphore, #tpu.memory_space<semaphore_mem>>)
      %dma_start3A_208 = arith.constant 0 : i32
      %dma_start3A_209 = tpu.memref_slice %arg8[%add3A_203, %dma_start3A_208] : memref<320000x128xf32, #tpu.memory_space<hbm>> -> memref<80x128xf32, #tpu.memory_space<hbm>>
      %dma_start3A_210 = arith.constant 0 : i32
      %dma_start3A_211 = tpu.memref_slice %arg8[%add3A_203, %dma_start3A_210] : memref<320000x128xf32, #tpu.memory_space<hbm>> -> memref<80x128xf32, #tpu.memory_space<hbm>>
      tpu.enqueue_dma source(%arg22 : memref<80x128xf32, #tpu.memory_space<vmem>>) target(%dma_start3A_211 : memref<80x128xf32, #tpu.memory_space<hbm>>) target_semaphore(%arg32 : memref<!tpu.dma_semaphore, #tpu.memory_space<semaphore_mem>>)
      %dma_start3A_212 = arith.constant 0 : i32
      %dma_start3A_213 = tpu.memref_slice %arg9[%add3A_203, %dma_start3A_212] : memref<320000x128xf32, #tpu.memory_space<hbm>> -> memref<80x128xf32, #tpu.memory_space<hbm>>
      %dma_start3A_214 = arith.constant 0 : i32
      %dma_start3A_215 = tpu.memref_slice %arg9[%add3A_203, %dma_start3A_214] : memref<320000x128xf32, #tpu.memory_space<hbm>> -> memref<80x128xf32, #tpu.memory_space<hbm>>
      tpu.enqueue_dma source(%arg26 : memref<80x128xf32, #tpu.memory_space<vmem>>) target(%dma_start3A_215 : memref<80x128xf32, #tpu.memory_space<hbm>>) target_semaphore(%arg32 : memref<!tpu.dma_semaphore, #tpu.memory_space<semaphore_mem>>)
      %mul3A_216 = arith.constant 10000 : i32
      %mul3A_217 = arith.muli %add3A, %mul3A_216 : i32
      %add3A_218 = arith.constant 1 : i32
      %add3A_219 = arith.addi %mul3A_64, %add3A_218 : i32
      %mul3A_220 = arith.constant 80 : i32
      %mul3A_221 = arith.muli %add3A_219, %mul3A_220 : i32
      %add3A_222 = arith.addi %mul3A_217, %mul3A_221 : i32
      %dma_start3A_223 = arith.constant 0 : i32
      %dma_start3A_224 = tpu.memref_slice %arg7[%add3A_222, %dma_start3A_223] : memref<320000x128xf32, #tpu.memory_space<hbm>> -> memref<80x128xf32, #tpu.memory_space<hbm>>
      %dma_start3A_225 = arith.constant 0 : i32
      %dma_start3A_226 = tpu.memref_slice %arg7[%add3A_222, %dma_start3A_225] : memref<320000x128xf32, #tpu.memory_space<hbm>> -> memref<80x128xf32, #tpu.memory_space<hbm>>
      tpu.enqueue_dma source(%arg19 : memref<80x128xf32, #tpu.memory_space<vmem>>) target(%dma_start3A_226 : memref<80x128xf32, #tpu.memory_space<hbm>>) target_semaphore(%arg32 : memref<!tpu.dma_semaphore, #tpu.memory_space<semaphore_mem>>)
      %dma_start3A_227 = arith.constant 0 : i32
      %dma_start3A_228 = tpu.memref_slice %arg8[%add3A_222, %dma_start3A_227] : memref<320000x128xf32, #tpu.memory_space<hbm>> -> memref<80x128xf32, #tpu.memory_space<hbm>>
      %dma_start3A_229 = arith.constant 0 : i32
      %dma_start3A_230 = tpu.memref_slice %arg8[%add3A_222, %dma_start3A_229] : memref<320000x128xf32, #tpu.memory_space<hbm>> -> memref<80x128xf32, #tpu.memory_space<hbm>>
      tpu.enqueue_dma source(%arg23 : memref<80x128xf32, #tpu.memory_space<vmem>>) target(%dma_start3A_230 : memref<80x128xf32, #tpu.memory_space<hbm>>) target_semaphore(%arg32 : memref<!tpu.dma_semaphore, #tpu.memory_space<semaphore_mem>>)
      %dma_start3A_231 = arith.constant 0 : i32
      %dma_start3A_232 = tpu.memref_slice %arg9[%add3A_222, %dma_start3A_231] : memref<320000x128xf32, #tpu.memory_space<hbm>> -> memref<80x128xf32, #tpu.memory_space<hbm>>
      %dma_start3A_233 = arith.constant 0 : i32
      %dma_start3A_234 = tpu.memref_slice %arg9[%add3A_222, %dma_start3A_233] : memref<320000x128xf32, #tpu.memory_space<hbm>> -> memref<80x128xf32, #tpu.memory_space<hbm>>
      tpu.enqueue_dma source(%arg27 : memref<80x128xf32, #tpu.memory_space<vmem>>) target(%dma_start3A_234 : memref<80x128xf32, #tpu.memory_space<hbm>>) target_semaphore(%arg32 : memref<!tpu.dma_semaphore, #tpu.memory_space<semaphore_mem>>)
      %mul3A_235 = arith.constant 10000 : i32
      %mul3A_236 = arith.muli %add3A, %mul3A_235 : i32
      %add3A_237 = arith.constant 2 : i32
      %add3A_238 = arith.addi %mul3A_64, %add3A_237 : i32
      %mul3A_239 = arith.constant 80 : i32
      %mul3A_240 = arith.muli %add3A_238, %mul3A_239 : i32
      %add3A_241 = arith.addi %mul3A_236, %mul3A_240 : i32
      %dma_start3A_242 = arith.constant 0 : i32
      %dma_start3A_243 = tpu.memref_slice %arg7[%add3A_241, %dma_start3A_242] : memref<320000x128xf32, #tpu.memory_space<hbm>> -> memref<80x128xf32, #tpu.memory_space<hbm>>
      %dma_start3A_244 = arith.constant 0 : i32
      %dma_start3A_245 = tpu.memref_slice %arg7[%add3A_241, %dma_start3A_244] : memref<320000x128xf32, #tpu.memory_space<hbm>> -> memref<80x128xf32, #tpu.memory_space<hbm>>
      tpu.enqueue_dma source(%arg20 : memref<80x128xf32, #tpu.memory_space<vmem>>) target(%dma_start3A_245 : memref<80x128xf32, #tpu.memory_space<hbm>>) target_semaphore(%arg32 : memref<!tpu.dma_semaphore, #tpu.memory_space<semaphore_mem>>)
      %dma_start3A_246 = arith.constant 0 : i32
      %dma_start3A_247 = tpu.memref_slice %arg8[%add3A_241, %dma_start3A_246] : memref<320000x128xf32, #tpu.memory_space<hbm>> -> memref<80x128xf32, #tpu.memory_space<hbm>>
      %dma_start3A_248 = arith.constant 0 : i32
      %dma_start3A_249 = tpu.memref_slice %arg8[%add3A_241, %dma_start3A_248] : memref<320000x128xf32, #tpu.memory_space<hbm>> -> memref<80x128xf32, #tpu.memory_space<hbm>>
      tpu.enqueue_dma source(%arg24 : memref<80x128xf32, #tpu.memory_space<vmem>>) target(%dma_start3A_249 : memref<80x128xf32, #tpu.memory_space<hbm>>) target_semaphore(%arg32 : memref<!tpu.dma_semaphore, #tpu.memory_space<semaphore_mem>>)
      %dma_start3A_250 = arith.constant 0 : i32
      %dma_start3A_251 = tpu.memref_slice %arg9[%add3A_241, %dma_start3A_250] : memref<320000x128xf32, #tpu.memory_space<hbm>> -> memref<80x128xf32, #tpu.memory_space<hbm>>
      %dma_start3A_252 = arith.constant 0 : i32
      %dma_start3A_253 = tpu.memref_slice %arg9[%add3A_241, %dma_start3A_252] : memref<320000x128xf32, #tpu.memory_space<hbm>> -> memref<80x128xf32, #tpu.memory_space<hbm>>
      tpu.enqueue_dma source(%arg28 : memref<80x128xf32, #tpu.memory_space<vmem>>) target(%dma_start3A_253 : memref<80x128xf32, #tpu.memory_space<hbm>>) target_semaphore(%arg32 : memref<!tpu.dma_semaphore, #tpu.memory_space<semaphore_mem>>)
      %mul3A_254 = arith.constant 10000 : i32
      %mul3A_255 = arith.muli %add3A, %mul3A_254 : i32
      %add3A_256 = arith.constant 3 : i32
      %add3A_257 = arith.addi %mul3A_64, %add3A_256 : i32
      %mul3A_258 = arith.constant 80 : i32
      %mul3A_259 = arith.muli %add3A_257, %mul3A_258 : i32
      %add3A_260 = arith.addi %mul3A_255, %mul3A_259 : i32
      %dma_start3A_261 = arith.constant 0 : i32
      %dma_start3A_262 = tpu.memref_slice %arg7[%add3A_260, %dma_start3A_261] : memref<320000x128xf32, #tpu.memory_space<hbm>> -> memref<80x128xf32, #tpu.memory_space<hbm>>
      %dma_start3A_263 = arith.constant 0 : i32
      %dma_start3A_264 = tpu.memref_slice %arg7[%add3A_260, %dma_start3A_263] : memref<320000x128xf32, #tpu.memory_space<hbm>> -> memref<80x128xf32, #tpu.memory_space<hbm>>
      tpu.enqueue_dma source(%arg21 : memref<80x128xf32, #tpu.memory_space<vmem>>) target(%dma_start3A_264 : memref<80x128xf32, #tpu.memory_space<hbm>>) target_semaphore(%arg32 : memref<!tpu.dma_semaphore, #tpu.memory_space<semaphore_mem>>)
      %dma_start3A_265 = arith.constant 0 : i32
      %dma_start3A_266 = tpu.memref_slice %arg8[%add3A_260, %dma_start3A_265] : memref<320000x128xf32, #tpu.memory_space<hbm>> -> memref<80x128xf32, #tpu.memory_space<hbm>>
      %dma_start3A_267 = arith.constant 0 : i32
      %dma_start3A_268 = tpu.memref_slice %arg8[%add3A_260, %dma_start3A_267] : memref<320000x128xf32, #tpu.memory_space<hbm>> -> memref<80x128xf32, #tpu.memory_space<hbm>>
      tpu.enqueue_dma source(%arg25 : memref<80x128xf32, #tpu.memory_space<vmem>>) target(%dma_start3A_268 : memref<80x128xf32, #tpu.memory_space<hbm>>) target_semaphore(%arg32 : memref<!tpu.dma_semaphore, #tpu.memory_space<semaphore_mem>>)
      %dma_start3A_269 = arith.constant 0 : i32
      %dma_start3A_270 = tpu.memref_slice %arg9[%add3A_260, %dma_start3A_269] : memref<320000x128xf32, #tpu.memory_space<hbm>> -> memref<80x128xf32, #tpu.memory_space<hbm>>
      %dma_start3A_271 = arith.constant 0 : i32
      %dma_start3A_272 = tpu.memref_slice %arg9[%add3A_260, %dma_start3A_271] : memref<320000x128xf32, #tpu.memory_space<hbm>> -> memref<80x128xf32, #tpu.memory_space<hbm>>
      tpu.enqueue_dma source(%arg29 : memref<80x128xf32, #tpu.memory_space<vmem>>) target(%dma_start3A_272 : memref<80x128xf32, #tpu.memory_space<hbm>>) target_semaphore(%arg32 : memref<!tpu.dma_semaphore, #tpu.memory_space<semaphore_mem>>)
      %dma_wait3A_273 = arith.constant 0 : i32
      %dma_wait3A_274 = tpu.memref_slice %arg7[%add3A_203, %dma_wait3A_273] : memref<320000x128xf32, #tpu.memory_space<hbm>> -> memref<80x128xf32, #tpu.memory_space<hbm>>
      %dma_wait3A_275 = arith.constant 0 : i32
      %dma_wait3A_276 = tpu.memref_slice %arg7[%add3A_203, %dma_wait3A_275] : memref<320000x128xf32, #tpu.memory_space<hbm>> -> memref<80x128xf32, #tpu.memory_space<hbm>>
      tpu.wait_dma2 semaphore(%arg32 : memref<!tpu.dma_semaphore, #tpu.memory_space<semaphore_mem>>) src(%arg18 : memref<80x128xf32, #tpu.memory_space<vmem>>) dst(%dma_wait3A_276 : memref<80x128xf32, #tpu.memory_space<hbm>>)
      %dma_wait3A_277 = arith.constant 0 : i32
      %dma_wait3A_278 = tpu.memref_slice %arg8[%add3A_203, %dma_wait3A_277] : memref<320000x128xf32, #tpu.memory_space<hbm>> -> memref<80x128xf32, #tpu.memory_space<hbm>>
      %dma_wait3A_279 = arith.constant 0 : i32
      %dma_wait3A_280 = tpu.memref_slice %arg8[%add3A_203, %dma_wait3A_279] : memref<320000x128xf32, #tpu.memory_space<hbm>> -> memref<80x128xf32, #tpu.memory_space<hbm>>
      tpu.wait_dma2 semaphore(%arg32 : memref<!tpu.dma_semaphore, #tpu.memory_space<semaphore_mem>>) src(%arg22 : memref<80x128xf32, #tpu.memory_space<vmem>>) dst(%dma_wait3A_280 : memref<80x128xf32, #tpu.memory_space<hbm>>)
      %dma_wait3A_281 = arith.constant 0 : i32
      %dma_wait3A_282 = tpu.memref_slice %arg9[%add3A_203, %dma_wait3A_281] : memref<320000x128xf32, #tpu.memory_space<hbm>> -> memref<80x128xf32, #tpu.memory_space<hbm>>
      %dma_wait3A_283 = arith.constant 0 : i32
      %dma_wait3A_284 = tpu.memref_slice %arg9[%add3A_203, %dma_wait3A_283] : memref<320000x128xf32, #tpu.memory_space<hbm>> -> memref<80x128xf32, #tpu.memory_space<hbm>>
      tpu.wait_dma2 semaphore(%arg32 : memref<!tpu.dma_semaphore, #tpu.memory_space<semaphore_mem>>) src(%arg26 : memref<80x128xf32, #tpu.memory_space<vmem>>) dst(%dma_wait3A_284 : memref<80x128xf32, #tpu.memory_space<hbm>>)
      %dma_wait3A_285 = arith.constant 0 : i32
      %dma_wait3A_286 = tpu.memref_slice %arg7[%add3A_222, %dma_wait3A_285] : memref<320000x128xf32, #tpu.memory_space<hbm>> -> memref<80x128xf32, #tpu.memory_space<hbm>>
      %dma_wait3A_287 = arith.constant 0 : i32
      %dma_wait3A_288 = tpu.memref_slice %arg7[%add3A_222, %dma_wait3A_287] : memref<320000x128xf32, #tpu.memory_space<hbm>> -> memref<80x128xf32, #tpu.memory_space<hbm>>
      tpu.wait_dma2 semaphore(%arg32 : memref<!tpu.dma_semaphore, #tpu.memory_space<semaphore_mem>>) src(%arg19 : memref<80x128xf32, #tpu.memory_space<vmem>>) dst(%dma_wait3A_288 : memref<80x128xf32, #tpu.memory_space<hbm>>)
      %dma_wait3A_289 = arith.constant 0 : i32
      %dma_wait3A_290 = tpu.memref_slice %arg8[%add3A_222, %dma_wait3A_289] : memref<320000x128xf32, #tpu.memory_space<hbm>> -> memref<80x128xf32, #tpu.memory_space<hbm>>
      %dma_wait3A_291 = arith.constant 0 : i32
      %dma_wait3A_292 = tpu.memref_slice %arg8[%add3A_222, %dma_wait3A_291] : memref<320000x128xf32, #tpu.memory_space<hbm>> -> memref<80x128xf32, #tpu.memory_space<hbm>>
      tpu.wait_dma2 semaphore(%arg32 : memref<!tpu.dma_semaphore, #tpu.memory_space<semaphore_mem>>) src(%arg23 : memref<80x128xf32, #tpu.memory_space<vmem>>) dst(%dma_wait3A_292 : memref<80x128xf32, #tpu.memory_space<hbm>>)
      %dma_wait3A_293 = arith.constant 0 : i32
      %dma_wait3A_294 = tpu.memref_slice %arg9[%add3A_222, %dma_wait3A_293] : memref<320000x128xf32, #tpu.memory_space<hbm>> -> memref<80x128xf32, #tpu.memory_space<hbm>>
      %dma_wait3A_295 = arith.constant 0 : i32
      %dma_wait3A_296 = tpu.memref_slice %arg9[%add3A_222, %dma_wait3A_295] : memref<320000x128xf32, #tpu.memory_space<hbm>> -> memref<80x128xf32, #tpu.memory_space<hbm>>
      tpu.wait_dma2 semaphore(%arg32 : memref<!tpu.dma_semaphore, #tpu.memory_space<semaphore_mem>>) src(%arg27 : memref<80x128xf32, #tpu.memory_space<vmem>>) dst(%dma_wait3A_296 : memref<80x128xf32, #tpu.memory_space<hbm>>)
      %dma_wait3A_297 = arith.constant 0 : i32
      %dma_wait3A_298 = tpu.memref_slice %arg7[%add3A_241, %dma_wait3A_297] : memref<320000x128xf32, #tpu.memory_space<hbm>> -> memref<80x128xf32, #tpu.memory_space<hbm>>
      %dma_wait3A_299 = arith.constant 0 : i32
      %dma_wait3A_300 = tpu.memref_slice %arg7[%add3A_241, %dma_wait3A_299] : memref<320000x128xf32, #tpu.memory_space<hbm>> -> memref<80x128xf32, #tpu.memory_space<hbm>>
      tpu.wait_dma2 semaphore(%arg32 : memref<!tpu.dma_semaphore, #tpu.memory_space<semaphore_mem>>) src(%arg20 : memref<80x128xf32, #tpu.memory_space<vmem>>) dst(%dma_wait3A_300 : memref<80x128xf32, #tpu.memory_space<hbm>>)
      %dma_wait3A_301 = arith.constant 0 : i32
      %dma_wait3A_302 = tpu.memref_slice %arg8[%add3A_241, %dma_wait3A_301] : memref<320000x128xf32, #tpu.memory_space<hbm>> -> memref<80x128xf32, #tpu.memory_space<hbm>>
      %dma_wait3A_303 = arith.constant 0 : i32
      %dma_wait3A_304 = tpu.memref_slice %arg8[%add3A_241, %dma_wait3A_303] : memref<320000x128xf32, #tpu.memory_space<hbm>> -> memref<80x128xf32, #tpu.memory_space<hbm>>
      tpu.wait_dma2 semaphore(%arg32 : memref<!tpu.dma_semaphore, #tpu.memory_space<semaphore_mem>>) src(%arg24 : memref<80x128xf32, #tpu.memory_space<vmem>>) dst(%dma_wait3A_304 : memref<80x128xf32, #tpu.memory_space<hbm>>)
      %dma_wait3A_305 = arith.constant 0 : i32
      %dma_wait3A_306 = tpu.memref_slice %arg9[%add3A_241, %dma_wait3A_305] : memref<320000x128xf32, #tpu.memory_space<hbm>> -> memref<80x128xf32, #tpu.memory_space<hbm>>
      %dma_wait3A_307 = arith.constant 0 : i32
      %dma_wait3A_308 = tpu.memref_slice %arg9[%add3A_241, %dma_wait3A_307] : memref<320000x128xf32, #tpu.memory_space<hbm>> -> memref<80x128xf32, #tpu.memory_space<hbm>>
      tpu.wait_dma2 semaphore(%arg32 : memref<!tpu.dma_semaphore, #tpu.memory_space<semaphore_mem>>) src(%arg28 : memref<80x128xf32, #tpu.memory_space<vmem>>) dst(%dma_wait3A_308 : memref<80x128xf32, #tpu.memory_space<hbm>>)
      %dma_wait3A_309 = arith.constant 0 : i32
      %dma_wait3A_310 = tpu.memref_slice %arg7[%add3A_260, %dma_wait3A_309] : memref<320000x128xf32, #tpu.memory_space<hbm>> -> memref<80x128xf32, #tpu.memory_space<hbm>>
      %dma_wait3A_311 = arith.constant 0 : i32
      %dma_wait3A_312 = tpu.memref_slice %arg7[%add3A_260, %dma_wait3A_311] : memref<320000x128xf32, #tpu.memory_space<hbm>> -> memref<80x128xf32, #tpu.memory_space<hbm>>
      tpu.wait_dma2 semaphore(%arg32 : memref<!tpu.dma_semaphore, #tpu.memory_space<semaphore_mem>>) src(%arg21 : memref<80x128xf32, #tpu.memory_space<vmem>>) dst(%dma_wait3A_312 : memref<80x128xf32, #tpu.memory_space<hbm>>)
      %dma_wait3A_313 = arith.constant 0 : i32
      %dma_wait3A_314 = tpu.memref_slice %arg8[%add3A_260, %dma_wait3A_313] : memref<320000x128xf32, #tpu.memory_space<hbm>> -> memref<80x128xf32, #tpu.memory_space<hbm>>
      %dma_wait3A_315 = arith.constant 0 : i32
      %dma_wait3A_316 = tpu.memref_slice %arg8[%add3A_260, %dma_wait3A_315] : memref<320000x128xf32, #tpu.memory_space<hbm>> -> memref<80x128xf32, #tpu.memory_space<hbm>>
      tpu.wait_dma2 semaphore(%arg32 : memref<!tpu.dma_semaphore, #tpu.memory_space<semaphore_mem>>) src(%arg25 : memref<80x128xf32, #tpu.memory_space<vmem>>) dst(%dma_wait3A_316 : memref<80x128xf32, #tpu.memory_space<hbm>>)
      %dma_wait3A_317 = arith.constant 0 : i32
      %dma_wait3A_318 = tpu.memref_slice %arg9[%add3A_260, %dma_wait3A_317] : memref<320000x128xf32, #tpu.memory_space<hbm>> -> memref<80x128xf32, #tpu.memory_space<hbm>>
      %dma_wait3A_319 = arith.constant 0 : i32
      %dma_wait3A_320 = tpu.memref_slice %arg9[%add3A_260, %dma_wait3A_319] : memref<320000x128xf32, #tpu.memory_space<hbm>> -> memref<80x128xf32, #tpu.memory_space<hbm>>
      tpu.wait_dma2 semaphore(%arg32 : memref<!tpu.dma_semaphore, #tpu.memory_space<semaphore_mem>>) src(%arg29 : memref<80x128xf32, #tpu.memory_space<vmem>>) dst(%dma_wait3A_320 : memref<80x128xf32, #tpu.memory_space<hbm>>)
    }
    %scan3A_5 = arith.constant 31 : i32
    %mul3A_6 = arith.constant 10000 : i32
    %mul3A_7 = arith.muli %add3A, %mul3A_6 : i32
    %add3A_8 = arith.constant 9920 : i32
    %add3A_9 = arith.addi %mul3A_7, %add3A_8 : i32
    %dma_start3A = tpu.memref_slice %arg6[%add3A_9] : memref<320000xi32, #tpu.memory_space<hbm>> -> memref<80xi32, #tpu.memory_space<hbm>>
    %dma_start3A_10 = tpu.memref_slice %arg6[%add3A_9] : memref<320000xi32, #tpu.memory_space<hbm>> -> memref<80xi32, #tpu.memory_space<hbm>>
    tpu.enqueue_dma source(%dma_start3A_10 : memref<80xi32, #tpu.memory_space<hbm>>) target(%arg10 : memref<80xi32, #tpu.memory_space<vmem>>) target_semaphore(%arg30 : memref<!tpu.dma_semaphore, #tpu.memory_space<semaphore_mem>>)
    %dma_start3A_11 = tpu.memref_slice %arg5[%add3A_9] : memref<320000xi32, #tpu.memory_space<hbm>> -> memref<80xi32, #tpu.memory_space<hbm>>
    %dma_start3A_12 = tpu.memref_slice %arg5[%add3A_9] : memref<320000xi32, #tpu.memory_space<hbm>> -> memref<80xi32, #tpu.memory_space<hbm>>
    tpu.enqueue_dma source(%dma_start3A_12 : memref<80xi32, #tpu.memory_space<hbm>>) target(%arg14 : memref<80xi32, #tpu.memory_space<vmem>>) target_semaphore(%arg30 : memref<!tpu.dma_semaphore, #tpu.memory_space<semaphore_mem>>)
    %dma_wait3A = tpu.memref_slice %arg6[%add3A_9] : memref<320000xi32, #tpu.memory_space<hbm>> -> memref<80xi32, #tpu.memory_space<hbm>>
    %dma_wait3A_13 = tpu.memref_slice %arg6[%add3A_9] : memref<320000xi32, #tpu.memory_space<hbm>> -> memref<80xi32, #tpu.memory_space<hbm>>
    tpu.wait_dma2 semaphore(%arg30 : memref<!tpu.dma_semaphore, #tpu.memory_space<semaphore_mem>>) src(%dma_wait3A_13 : memref<80xi32, #tpu.memory_space<hbm>>) dst(%arg10 : memref<80xi32, #tpu.memory_space<vmem>>)
    %dma_wait3A_14 = tpu.memref_slice %arg5[%add3A_9] : memref<320000xi32, #tpu.memory_space<hbm>> -> memref<80xi32, #tpu.memory_space<hbm>>
    %dma_wait3A_15 = tpu.memref_slice %arg5[%add3A_9] : memref<320000xi32, #tpu.memory_space<hbm>> -> memref<80xi32, #tpu.memory_space<hbm>>
    tpu.wait_dma2 semaphore(%arg30 : memref<!tpu.dma_semaphore, #tpu.memory_space<semaphore_mem>>) src(%dma_wait3A_15 : memref<80xi32, #tpu.memory_space<hbm>>) dst(%arg14 : memref<80xi32, #tpu.memory_space<vmem>>)
    %dma_start3A_16 = arith.constant 0 : i32
    %dma_start3A_17 = arith.constant 0 : i32
    %dma_start3A_18 = tpu.memref_slice %arg2[%dma_start3A_16, %dma_start3A_17] : memref<10000x128xf32, #tpu.memory_space<hbm>> -> memref<10000x128xf32, #tpu.memory_space<hbm>>
    tpu.enqueue_indirect_dma source(%dma_start3A_18 : memref<10000x128xf32, #tpu.memory_space<hbm>>) target(%arg18 : memref<80x128xf32, #tpu.memory_space<vmem>>) offsets(%arg10 : memref<80xi32, #tpu.memory_space<vmem>>) semaphore(%arg31 : memref<!tpu.dma_semaphore, #tpu.memory_space<semaphore_mem>>)
    %dma_start3A_19 = arith.constant 0 : i32
    %dma_start3A_20 = arith.constant 0 : i32
    %dma_start3A_21 = tpu.memref_slice %arg3[%dma_start3A_19, %dma_start3A_20] : memref<10000x128xf32, #tpu.memory_space<hbm>> -> memref<10000x128xf32, #tpu.memory_space<hbm>>
    tpu.enqueue_indirect_dma source(%dma_start3A_21 : memref<10000x128xf32, #tpu.memory_space<hbm>>) target(%arg22 : memref<80x128xf32, #tpu.memory_space<vmem>>) offsets(%arg14 : memref<80xi32, #tpu.memory_space<vmem>>) semaphore(%arg31 : memref<!tpu.dma_semaphore, #tpu.memory_space<semaphore_mem>>)
    %dma_start3A_22 = arith.constant 0 : i32
    %dma_start3A_23 = arith.constant 0 : i32
    %dma_start3A_24 = tpu.memref_slice %arg4[%dma_start3A_22, %dma_start3A_23] : memref<10000x128xf32, #tpu.memory_space<hbm>> -> memref<10000x128xf32, #tpu.memory_space<hbm>>
    tpu.enqueue_indirect_dma source(%dma_start3A_24 : memref<10000x128xf32, #tpu.memory_space<hbm>>) target(%arg26 : memref<80x128xf32, #tpu.memory_space<vmem>>) offsets(%arg14 : memref<80xi32, #tpu.memory_space<vmem>>) semaphore(%arg31 : memref<!tpu.dma_semaphore, #tpu.memory_space<semaphore_mem>>)
    %dma_wait3A_25 = arith.constant 0 : i32
    %dma_wait3A_26 = arith.constant 0 : i32
    %dma_wait3A_27 = tpu.memref_slice %arg2[%dma_wait3A_25, %dma_wait3A_26] : memref<10000x128xf32, #tpu.memory_space<hbm>> -> memref<10000x128xf32, #tpu.memory_space<hbm>>
    tpu.wait_indirect_dma semaphore(%arg31 : memref<!tpu.dma_semaphore, #tpu.memory_space<semaphore_mem>>) src(%dma_wait3A_27 : memref<10000x128xf32, #tpu.memory_space<hbm>>) dst(%arg18 : memref<80x128xf32, #tpu.memory_space<vmem>>)
    %dma_wait3A_28 = arith.constant 0 : i32
    %dma_wait3A_29 = arith.constant 0 : i32
    %dma_wait3A_30 = tpu.memref_slice %arg3[%dma_wait3A_28, %dma_wait3A_29] : memref<10000x128xf32, #tpu.memory_space<hbm>> -> memref<10000x128xf32, #tpu.memory_space<hbm>>
    tpu.wait_indirect_dma semaphore(%arg31 : memref<!tpu.dma_semaphore, #tpu.memory_space<semaphore_mem>>) src(%dma_wait3A_30 : memref<10000x128xf32, #tpu.memory_space<hbm>>) dst(%arg22 : memref<80x128xf32, #tpu.memory_space<vmem>>)
    %dma_wait3A_31 = arith.constant 0 : i32
    %dma_wait3A_32 = arith.constant 0 : i32
    %dma_wait3A_33 = tpu.memref_slice %arg4[%dma_wait3A_31, %dma_wait3A_32] : memref<10000x128xf32, #tpu.memory_space<hbm>> -> memref<10000x128xf32, #tpu.memory_space<hbm>>
    tpu.wait_indirect_dma semaphore(%arg31 : memref<!tpu.dma_semaphore, #tpu.memory_space<semaphore_mem>>) src(%dma_wait3A_33 : memref<10000x128xf32, #tpu.memory_space<hbm>>) dst(%arg26 : memref<80x128xf32, #tpu.memory_space<vmem>>)
    %mul3A_34 = arith.constant 10000 : i32
    %mul3A_35 = arith.muli %add3A, %mul3A_34 : i32
    %add3A_36 = arith.constant 9920 : i32
    %add3A_37 = arith.addi %mul3A_35, %add3A_36 : i32
    %dma_start3A_38 = arith.constant 0 : i32
    %dma_start3A_39 = tpu.memref_slice %arg7[%add3A_37, %dma_start3A_38] : memref<320000x128xf32, #tpu.memory_space<hbm>> -> memref<80x128xf32, #tpu.memory_space<hbm>>
    %dma_start3A_40 = arith.constant 0 : i32
    %dma_start3A_41 = tpu.memref_slice %arg7[%add3A_37, %dma_start3A_40] : memref<320000x128xf32, #tpu.memory_space<hbm>> -> memref<80x128xf32, #tpu.memory_space<hbm>>
    tpu.enqueue_dma source(%arg18 : memref<80x128xf32, #tpu.memory_space<vmem>>) target(%dma_start3A_41 : memref<80x128xf32, #tpu.memory_space<hbm>>) target_semaphore(%arg32 : memref<!tpu.dma_semaphore, #tpu.memory_space<semaphore_mem>>)
    %dma_start3A_42 = arith.constant 0 : i32
    %dma_start3A_43 = tpu.memref_slice %arg8[%add3A_37, %dma_start3A_42] : memref<320000x128xf32, #tpu.memory_space<hbm>> -> memref<80x128xf32, #tpu.memory_space<hbm>>
    %dma_start3A_44 = arith.constant 0 : i32
    %dma_start3A_45 = tpu.memref_slice %arg8[%add3A_37, %dma_start3A_44] : memref<320000x128xf32, #tpu.memory_space<hbm>> -> memref<80x128xf32, #tpu.memory_space<hbm>>
    tpu.enqueue_dma source(%arg22 : memref<80x128xf32, #tpu.memory_space<vmem>>) target(%dma_start3A_45 : memref<80x128xf32, #tpu.memory_space<hbm>>) target_semaphore(%arg32 : memref<!tpu.dma_semaphore, #tpu.memory_space<semaphore_mem>>)
    %dma_start3A_46 = arith.constant 0 : i32
    %dma_start3A_47 = tpu.memref_slice %arg9[%add3A_37, %dma_start3A_46] : memref<320000x128xf32, #tpu.memory_space<hbm>> -> memref<80x128xf32, #tpu.memory_space<hbm>>
    %dma_start3A_48 = arith.constant 0 : i32
    %dma_start3A_49 = tpu.memref_slice %arg9[%add3A_37, %dma_start3A_48] : memref<320000x128xf32, #tpu.memory_space<hbm>> -> memref<80x128xf32, #tpu.memory_space<hbm>>
    tpu.enqueue_dma source(%arg26 : memref<80x128xf32, #tpu.memory_space<vmem>>) target(%dma_start3A_49 : memref<80x128xf32, #tpu.memory_space<hbm>>) target_semaphore(%arg32 : memref<!tpu.dma_semaphore, #tpu.memory_space<semaphore_mem>>)
    %dma_wait3A_50 = arith.constant 0 : i32
    %dma_wait3A_51 = tpu.memref_slice %arg7[%add3A_37, %dma_wait3A_50] : memref<320000x128xf32, #tpu.memory_space<hbm>> -> memref<80x128xf32, #tpu.memory_space<hbm>>
    %dma_wait3A_52 = arith.constant 0 : i32
    %dma_wait3A_53 = tpu.memref_slice %arg7[%add3A_37, %dma_wait3A_52] : memref<320000x128xf32, #tpu.memory_space<hbm>> -> memref<80x128xf32, #tpu.memory_space<hbm>>
    tpu.wait_dma2 semaphore(%arg32 : memref<!tpu.dma_semaphore, #tpu.memory_space<semaphore_mem>>) src(%arg18 : memref<80x128xf32, #tpu.memory_space<vmem>>) dst(%dma_wait3A_53 : memref<80x128xf32, #tpu.memory_space<hbm>>)
    %dma_wait3A_54 = arith.constant 0 : i32
    %dma_wait3A_55 = tpu.memref_slice %arg8[%add3A_37, %dma_wait3A_54] : memref<320000x128xf32, #tpu.memory_space<hbm>> -> memref<80x128xf32, #tpu.memory_space<hbm>>
    %dma_wait3A_56 = arith.constant 0 : i32
    %dma_wait3A_57 = tpu.memref_slice %arg8[%add3A_37, %dma_wait3A_56] : memref<320000x128xf32, #tpu.memory_space<hbm>> -> memref<80x128xf32, #tpu.memory_space<hbm>>
    tpu.wait_dma2 semaphore(%arg32 : memref<!tpu.dma_semaphore, #tpu.memory_space<semaphore_mem>>) src(%arg22 : memref<80x128xf32, #tpu.memory_space<vmem>>) dst(%dma_wait3A_57 : memref<80x128xf32, #tpu.memory_space<hbm>>)
    %dma_wait3A_58 = arith.constant 0 : i32
    %dma_wait3A_59 = tpu.memref_slice %arg9[%add3A_37, %dma_wait3A_58] : memref<320000x128xf32, #tpu.memory_space<hbm>> -> memref<80x128xf32, #tpu.memory_space<hbm>>
    %dma_wait3A_60 = arith.constant 0 : i32
    %dma_wait3A_61 = tpu.memref_slice %arg9[%add3A_37, %dma_wait3A_60] : memref<320000x128xf32, #tpu.memory_space<hbm>> -> memref<80x128xf32, #tpu.memory_space<hbm>>
    tpu.wait_dma2 semaphore(%arg32 : memref<!tpu.dma_semaphore, #tpu.memory_space<semaphore_mem>>) src(%arg26 : memref<80x128xf32, #tpu.memory_space<vmem>>) dst(%dma_wait3A_61 : memref<80x128xf32, #tpu.memory_space<hbm>>)
    return
  }
}

module attributes {stable_mosaic.version = 14 : i64} {
  func.func @_node_body(%arg0: i32, %arg1: memref<400x128xf32, #tpu.memory_space<vmem>>, %arg2: memref<128x128xf32, #tpu.memory_space<vmem>>, %arg3: memref<128x128xf32, #tpu.memory_space<vmem>>, %arg4: memref<128x128xf32, #tpu.memory_space<vmem>>, %arg5: memref<128x128xf32, #tpu.memory_space<vmem>>, %arg6: memref<128x128xf32, #tpu.memory_space<vmem>>, %arg7: memref<128x128xf32, #tpu.memory_space<vmem>>, %arg8: memref<8x128xf32, #tpu.memory_space<vmem>>, %arg9: memref<400x128xf32, #tpu.memory_space<vmem>>, %arg10: memref<400x128xf32, #tpu.memory_space<vmem>>, %arg11: memref<400x128xf32, #tpu.memory_space<vmem>>) attributes {dimension_semantics = [#tpu.dimension_semantics<arbitrary>], iteration_bounds = array<i64: 25>, scalar_prefetch = 0 : i64, scratch_operands = 0 : i64, tpu.core_type = #tpu.core_type<tc>, window_params = [{transform_indices = @transform_0, window_bounds = array<i64: 400, 128>}, {pipeline_mode = #tpu.pipeline_mode<synchronous>, transform_indices = @transform_1, window_bounds = array<i64: 128, 128>}, {pipeline_mode = #tpu.pipeline_mode<synchronous>, transform_indices = @transform_2, window_bounds = array<i64: 128, 128>}, {pipeline_mode = #tpu.pipeline_mode<synchronous>, transform_indices = @transform_3, window_bounds = array<i64: 128, 128>}, {pipeline_mode = #tpu.pipeline_mode<synchronous>, transform_indices = @transform_4, window_bounds = array<i64: 128, 128>}, {pipeline_mode = #tpu.pipeline_mode<synchronous>, transform_indices = @transform_5, window_bounds = array<i64: 128, 128>}, {pipeline_mode = #tpu.pipeline_mode<synchronous>, transform_indices = @transform_6, window_bounds = array<i64: 128, 128>}, {pipeline_mode = #tpu.pipeline_mode<synchronous>, transform_indices = @transform_7, window_bounds = array<i64: 8, 128>}, {transform_indices = @transform_8, window_bounds = array<i64: 400, 128>}, {transform_indices = @transform_9, window_bounds = array<i64: 400, 128>}, {transform_indices = @transform_10, window_bounds = array<i64: 400, 128>}]} {
    %get3A = arith.constant 0 : index
    %get3A_0 = arith.constant 0 : index
    %get3A_1 = vector.load %arg1[%get3A, %get3A_0] : memref<400x128xf32, #tpu.memory_space<vmem>>, vector<400x128xf32>
    %get3A_2 = arith.constant 0 : index
    %get3A_3 = arith.constant 0 : index
    %get3A_4 = vector.load %arg7[%get3A_2, %get3A_3] : memref<128x128xf32, #tpu.memory_space<vmem>>, vector<128x128xf32>
    %get3A_5 = arith.constant 0 : index
    %get3A_6 = arith.constant 0 : index
    %get3A_7 = vector.load %arg2[%get3A_5, %get3A_6] : memref<128x128xf32, #tpu.memory_space<vmem>>, vector<128x128xf32>
    %dot_general3A = arith.constant dense<0.000000e+00> : vector<400x128xf32>
    %dot_general3A_8 = tpu.matmul %get3A_1, %get3A_7, %dot_general3A {dimension_numbers = #tpu.dot_dimension_numbers<[1], [0], [0], [1], [0, 0, 1, 1], [], []>, transpose_lhs_hint = false} : vector<400x128xf32>, vector<128x128xf32>, vector<400x128xf32> -> vector<400x128xf32>
    %dot_general3A_9 = arith.constant dense<0.000000e+00> : vector<400x128xf32>
    %dot_general3A_10 = tpu.matmul %dot_general3A_8, %get3A_4, %dot_general3A_9 {dimension_numbers = #tpu.dot_dimension_numbers<[1], [0], [0], [1], [0, 0, 1, 1], [], []>, transpose_lhs_hint = false} : vector<400x128xf32>, vector<128x128xf32>, vector<400x128xf32> -> vector<400x128xf32>
    %mul3A = arith.mulf %dot_general3A_8, %dot_general3A_8 : vector<400x128xf32>
    %dot_general3A_11 = arith.constant dense<0.000000e+00> : vector<400x128xf32>
    %dot_general3A_12 = tpu.matmul %mul3A, %get3A_4, %dot_general3A_11 {dimension_numbers = #tpu.dot_dimension_numbers<[1], [0], [0], [1], [0, 0, 1, 1], [], []>, transpose_lhs_hint = false} : vector<400x128xf32>, vector<128x128xf32>, vector<400x128xf32> -> vector<400x128xf32>
    %mul3A_13 = arith.mulf %dot_general3A_10, %dot_general3A_10 : vector<400x128xf32>
    %sub3A = arith.subf %dot_general3A_12, %mul3A_13 : vector<400x128xf32>
    %add3A = arith.constant 9.99999974E-6 : f32
    %add3A_14 = vector.broadcast %add3A : f32 to vector<400x128xf32>
    %add3A_15 = arith.addf %sub3A, %add3A_14 : vector<400x128xf32>
    %rsqrt3A = math.rsqrt %add3A_15 : vector<400x128xf32>
    %sub3A_16 = arith.subf %dot_general3A_8, %dot_general3A_10 : vector<400x128xf32>
    %mul3A_17 = arith.mulf %sub3A_16, %rsqrt3A : vector<400x128xf32>
    %get3A_18 = arith.constant 0 : index
    %get3A_19 = arith.constant 0 : index
    %get3A_20 = vector.load %arg8[%get3A_18, %get3A_19] : memref<8x128xf32, #tpu.memory_space<vmem>>, vector<1x128xf32>
    %mul3A_21 = vector.broadcast %get3A_20 : vector<1x128xf32> to vector<400x128xf32>
    %mul3A_22 = arith.mulf %mul3A_17, %mul3A_21 : vector<400x128xf32>
    %get3A_23 = arith.constant 1 : index
    %get3A_24 = arith.constant 0 : index
    %get3A_25 = vector.load %arg8[%get3A_23, %get3A_24] : memref<8x128xf32, #tpu.memory_space<vmem>>, vector<1x128xf32>
    %add3A_26 = vector.broadcast %get3A_25 : vector<1x128xf32> to vector<400x128xf32>
    %add3A_27 = arith.addf %mul3A_22, %add3A_26 : vector<400x128xf32>
    %mul3A_28 = arith.constant 2.500000e-01 : f32
    %mul3A_29 = vector.broadcast %mul3A_28 : f32 to vector<400x128xf32>
    %mul3A_30 = arith.mulf %add3A_27, %mul3A_29 : vector<400x128xf32>
    %swap3A = arith.constant 0 : index
    %swap3A_31 = arith.constant 0 : index
    %swap3A_32 = vector.load %arg9[%swap3A, %swap3A_31] : memref<400x128xf32, #tpu.memory_space<vmem>>, vector<400x128xf32>
    tpu.vector_store %arg9[%swap3A, %swap3A_31], %mul3A_30 {strides = array<i32>} : memref<400x128xf32, #tpu.memory_space<vmem>>, vector<400x128xf32>,
    %get3A_33 = arith.constant 0 : index
    %get3A_34 = arith.constant 0 : index
    %get3A_35 = vector.load %arg3[%get3A_33, %get3A_34] : memref<128x128xf32, #tpu.memory_space<vmem>>, vector<128x128xf32>
    %dot_general3A_36 = arith.constant dense<0.000000e+00> : vector<400x128xf32>
    %dot_general3A_37 = tpu.matmul %get3A_1, %get3A_35, %dot_general3A_36 {dimension_numbers = #tpu.dot_dimension_numbers<[1], [0], [0], [1], [0, 0, 1, 1], [], []>, transpose_lhs_hint = false} : vector<400x128xf32>, vector<128x128xf32>, vector<400x128xf32> -> vector<400x128xf32>
    %dot_general3A_38 = arith.constant dense<0.000000e+00> : vector<400x128xf32>
    %dot_general3A_39 = tpu.matmul %dot_general3A_37, %get3A_4, %dot_general3A_38 {dimension_numbers = #tpu.dot_dimension_numbers<[1], [0], [0], [1], [0, 0, 1, 1], [], []>, transpose_lhs_hint = false} : vector<400x128xf32>, vector<128x128xf32>, vector<400x128xf32> -> vector<400x128xf32>
    %mul3A_40 = arith.mulf %dot_general3A_37, %dot_general3A_37 : vector<400x128xf32>
    %dot_general3A_41 = arith.constant dense<0.000000e+00> : vector<400x128xf32>
    %dot_general3A_42 = tpu.matmul %mul3A_40, %get3A_4, %dot_general3A_41 {dimension_numbers = #tpu.dot_dimension_numbers<[1], [0], [0], [1], [0, 0, 1, 1], [], []>, transpose_lhs_hint = false} : vector<400x128xf32>, vector<128x128xf32>, vector<400x128xf32> -> vector<400x128xf32>
    %mul3A_43 = arith.mulf %dot_general3A_39, %dot_general3A_39 : vector<400x128xf32>
    %sub3A_44 = arith.subf %dot_general3A_42, %mul3A_43 : vector<400x128xf32>
    %add3A_45 = arith.constant 9.99999974E-6 : f32
    %add3A_46 = vector.broadcast %add3A_45 : f32 to vector<400x128xf32>
    %add3A_47 = arith.addf %sub3A_44, %add3A_46 : vector<400x128xf32>
    %rsqrt3A_48 = math.rsqrt %add3A_47 : vector<400x128xf32>
    %sub3A_49 = arith.subf %dot_general3A_37, %dot_general3A_39 : vector<400x128xf32>
    %mul3A_50 = arith.mulf %sub3A_49, %rsqrt3A_48 : vector<400x128xf32>
    %get3A_51 = arith.constant 2 : index
    %get3A_52 = arith.constant 0 : index
    %get3A_53 = vector.load %arg8[%get3A_51, %get3A_52] : memref<8x128xf32, #tpu.memory_space<vmem>>, vector<1x128xf32>
    %mul3A_54 = vector.broadcast %get3A_53 : vector<1x128xf32> to vector<400x128xf32>
    %mul3A_55 = arith.mulf %mul3A_50, %mul3A_54 : vector<400x128xf32>
    %get3A_56 = arith.constant 3 : index
    %get3A_57 = arith.constant 0 : index
    %get3A_58 = vector.load %arg8[%get3A_56, %get3A_57] : memref<8x128xf32, #tpu.memory_space<vmem>>, vector<1x128xf32>
    %add3A_59 = vector.broadcast %get3A_58 : vector<1x128xf32> to vector<400x128xf32>
    %add3A_60 = arith.addf %mul3A_55, %add3A_59 : vector<400x128xf32>
    %get3A_61 = arith.constant 0 : index
    %get3A_62 = arith.constant 0 : index
    %get3A_63 = vector.load %arg5[%get3A_61, %get3A_62] : memref<128x128xf32, #tpu.memory_space<vmem>>, vector<128x128xf32>
    %dot_general3A_64 = arith.constant dense<0.000000e+00> : vector<400x128xf32>
    %dot_general3A_65 = tpu.matmul %add3A_60, %get3A_63, %dot_general3A_64 {dimension_numbers = #tpu.dot_dimension_numbers<[1], [0], [0], [1], [0, 0, 1, 1], [], []>, transpose_lhs_hint = false} : vector<400x128xf32>, vector<128x128xf32>, vector<400x128xf32> -> vector<400x128xf32>
    %swap3A_66 = arith.constant 0 : index
    %swap3A_67 = arith.constant 0 : index
    %swap3A_68 = vector.load %arg10[%swap3A_66, %swap3A_67] : memref<400x128xf32, #tpu.memory_space<vmem>>, vector<400x128xf32>
    tpu.vector_store %arg10[%swap3A_66, %swap3A_67], %dot_general3A_65 {strides = array<i32>} : memref<400x128xf32, #tpu.memory_space<vmem>>, vector<400x128xf32>,
    %get3A_69 = arith.constant 0 : index
    %get3A_70 = arith.constant 0 : index
    %get3A_71 = vector.load %arg4[%get3A_69, %get3A_70] : memref<128x128xf32, #tpu.memory_space<vmem>>, vector<128x128xf32>
    %dot_general3A_72 = arith.constant dense<0.000000e+00> : vector<400x128xf32>
    %dot_general3A_73 = tpu.matmul %get3A_1, %get3A_71, %dot_general3A_72 {dimension_numbers = #tpu.dot_dimension_numbers<[1], [0], [0], [1], [0, 0, 1, 1], [], []>, transpose_lhs_hint = false} : vector<400x128xf32>, vector<128x128xf32>, vector<400x128xf32> -> vector<400x128xf32>
    %dot_general3A_74 = arith.constant dense<0.000000e+00> : vector<400x128xf32>
    %dot_general3A_75 = tpu.matmul %dot_general3A_73, %get3A_4, %dot_general3A_74 {dimension_numbers = #tpu.dot_dimension_numbers<[1], [0], [0], [1], [0, 0, 1, 1], [], []>, transpose_lhs_hint = false} : vector<400x128xf32>, vector<128x128xf32>, vector<400x128xf32> -> vector<400x128xf32>
    %mul3A_76 = arith.mulf %dot_general3A_73, %dot_general3A_73 : vector<400x128xf32>
    %dot_general3A_77 = arith.constant dense<0.000000e+00> : vector<400x128xf32>
    %dot_general3A_78 = tpu.matmul %mul3A_76, %get3A_4, %dot_general3A_77 {dimension_numbers = #tpu.dot_dimension_numbers<[1], [0], [0], [1], [0, 0, 1, 1], [], []>, transpose_lhs_hint = false} : vector<400x128xf32>, vector<128x128xf32>, vector<400x128xf32> -> vector<400x128xf32>
    %mul3A_79 = arith.mulf %dot_general3A_75, %dot_general3A_75 : vector<400x128xf32>
    %sub3A_80 = arith.subf %dot_general3A_78, %mul3A_79 : vector<400x128xf32>
    %add3A_81 = arith.constant 9.99999974E-6 : f32
    %add3A_82 = vector.broadcast %add3A_81 : f32 to vector<400x128xf32>
    %add3A_83 = arith.addf %sub3A_80, %add3A_82 : vector<400x128xf32>
    %rsqrt3A_84 = math.rsqrt %add3A_83 : vector<400x128xf32>
    %sub3A_85 = arith.subf %dot_general3A_73, %dot_general3A_75 : vector<400x128xf32>
    %mul3A_86 = arith.mulf %sub3A_85, %rsqrt3A_84 : vector<400x128xf32>
    %get3A_87 = arith.constant 4 : index
    %get3A_88 = arith.constant 0 : index
    %get3A_89 = vector.load %arg8[%get3A_87, %get3A_88] : memref<8x128xf32, #tpu.memory_space<vmem>>, vector<1x128xf32>
    %mul3A_90 = vector.broadcast %get3A_89 : vector<1x128xf32> to vector<400x128xf32>
    %mul3A_91 = arith.mulf %mul3A_86, %mul3A_90 : vector<400x128xf32>
    %get3A_92 = arith.constant 5 : index
    %get3A_93 = arith.constant 0 : index
    %get3A_94 = vector.load %arg8[%get3A_92, %get3A_93] : memref<8x128xf32, #tpu.memory_space<vmem>>, vector<1x128xf32>
    %add3A_95 = vector.broadcast %get3A_94 : vector<1x128xf32> to vector<400x128xf32>
    %add3A_96 = arith.addf %mul3A_91, %add3A_95 : vector<400x128xf32>
    %get3A_97 = arith.constant 0 : index
    %get3A_98 = arith.constant 0 : index
    %get3A_99 = vector.load %arg6[%get3A_97, %get3A_98] : memref<128x128xf32, #tpu.memory_space<vmem>>, vector<128x128xf32>
    %dot_general3A_100 = arith.constant dense<0.000000e+00> : vector<400x128xf32>
    %dot_general3A_101 = tpu.matmul %add3A_96, %get3A_99, %dot_general3A_100 {dimension_numbers = #tpu.dot_dimension_numbers<[1], [0], [0], [1], [0, 0, 1, 1], [], []>, transpose_lhs_hint = false} : vector<400x128xf32>, vector<128x128xf32>, vector<400x128xf32> -> vector<400x128xf32>
    %swap3A_102 = arith.constant 0 : index
    %swap3A_103 = arith.constant 0 : index
    %swap3A_104 = vector.load %arg11[%swap3A_102, %swap3A_103] : memref<400x128xf32, #tpu.memory_space<vmem>>, vector<400x128xf32>
    tpu.vector_store %arg11[%swap3A_102, %swap3A_103], %dot_general3A_101 {strides = array<i32>} : memref<400x128xf32, #tpu.memory_space<vmem>>, vector<400x128xf32>,
    return
  }
  func.func @transform_0(%arg0: i32) -> (i32, i32) {
    %c0_i32 = arith.constant 0 : i32
    %c0_i32_0 = arith.constant 0 : i32
    return %arg0, %c0_i32 : i32, i32
  }
  func.func @transform_1(%arg0: i32) -> (i32, i32) {
    %c0_i32 = arith.constant 0 : i32
    %c0_i32_0 = arith.constant 0 : i32
    %c0_i32_1 = arith.constant 0 : i32
    return %c0_i32, %c0_i32_0 : i32, i32
  }
  func.func @transform_2(%arg0: i32) -> (i32, i32) {
    %c0_i32 = arith.constant 0 : i32
    %c0_i32_0 = arith.constant 0 : i32
    %c0_i32_1 = arith.constant 0 : i32
    return %c0_i32, %c0_i32_0 : i32, i32
  }
  func.func @transform_3(%arg0: i32) -> (i32, i32) {
    %c0_i32 = arith.constant 0 : i32
    %c0_i32_0 = arith.constant 0 : i32
    %c0_i32_1 = arith.constant 0 : i32
    return %c0_i32, %c0_i32_0 : i32, i32
  }
  func.func @transform_4(%arg0: i32) -> (i32, i32) {
    %c0_i32 = arith.constant 0 : i32
    %c0_i32_0 = arith.constant 0 : i32
    %c0_i32_1 = arith.constant 0 : i32
    return %c0_i32, %c0_i32_0 : i32, i32
  }
  func.func @transform_5(%arg0: i32) -> (i32, i32) {
    %c0_i32 = arith.constant 0 : i32
    %c0_i32_0 = arith.constant 0 : i32
    %c0_i32_1 = arith.constant 0 : i32
    return %c0_i32, %c0_i32_0 : i32, i32
  }
  func.func @transform_6(%arg0: i32) -> (i32, i32) {
    %c0_i32 = arith.constant 0 : i32
    %c0_i32_0 = arith.constant 0 : i32
    %c0_i32_1 = arith.constant 0 : i32
    return %c0_i32, %c0_i32_0 : i32, i32
  }
  func.func @transform_7(%arg0: i32) -> (i32, i32) {
    %c0_i32 = arith.constant 0 : i32
    %c0_i32_0 = arith.constant 0 : i32
    %c0_i32_1 = arith.constant 0 : i32
    return %c0_i32, %c0_i32_0 : i32, i32
  }
  func.func @transform_8(%arg0: i32) -> (i32, i32) {
    %c0_i32 = arith.constant 0 : i32
    %c0_i32_0 = arith.constant 0 : i32
    return %arg0, %c0_i32 : i32, i32
  }
  func.func @transform_9(%arg0: i32) -> (i32, i32) {
    %c0_i32 = arith.constant 0 : i32
    %c0_i32_0 = arith.constant 0 : i32
    return %arg0, %c0_i32 : i32, i32
  }
  func.func @transform_10(%arg0: i32) -> (i32, i32) {
    %c0_i32 = arith.constant 0 : i32
    %c0_i32_0 = arith.constant 0 : i32
    return %arg0, %c0_i32 : i32, i32
  }
}

module attributes {stable_mosaic.version = 14 : i64} {
  func.func @_edge_body(%arg0: i32, %arg1: memref<512x128xf32, #tpu.memory_space<vmem>>, %arg2: memref<512x128xf32, #tpu.memory_space<vmem>>, %arg3: memref<512x128xf32, #tpu.memory_space<vmem>>, %arg4: memref<512x128xf32, #tpu.memory_space<vmem>>, %arg5: memref<128x128xf32, #tpu.memory_space<vmem>>, %arg6: memref<128x128xf32, #tpu.memory_space<vmem>>, %arg7: memref<128x128xf32, #tpu.memory_space<vmem>>, %arg8: memref<128x128xf32, #tpu.memory_space<vmem>>, %arg9: memref<128x128xf32, #tpu.memory_space<vmem>>, %arg10: memref<128x128xf32, #tpu.memory_space<vmem>>, %arg11: memref<16x128xf32, #tpu.memory_space<vmem>>, %arg12: memref<512x128xf32, #tpu.memory_space<vmem>>, %arg13: memref<512x128xf32, #tpu.memory_space<vmem>>, %arg14: memref<512x128xf32, #tpu.memory_space<vmem>>) attributes {dimension_semantics = [#tpu.dimension_semantics<arbitrary>], iteration_bounds = array<i64: 625>, scalar_prefetch = 0 : i64, scratch_operands = 0 : i64, tpu.core_type = #tpu.core_type<tc>, window_params = [{transform_indices = @transform_0, window_bounds = array<i64: 512, 128>}, {transform_indices = @transform_1, window_bounds = array<i64: 512, 128>}, {transform_indices = @transform_2, window_bounds = array<i64: 512, 128>}, {transform_indices = @transform_3, window_bounds = array<i64: 512, 128>}, {pipeline_mode = #tpu.pipeline_mode<synchronous>, transform_indices = @transform_4, window_bounds = array<i64: 128, 128>}, {pipeline_mode = #tpu.pipeline_mode<synchronous>, transform_indices = @transform_5, window_bounds = array<i64: 128, 128>}, {pipeline_mode = #tpu.pipeline_mode<synchronous>, transform_indices = @transform_6, window_bounds = array<i64: 128, 128>}, {pipeline_mode = #tpu.pipeline_mode<synchronous>, transform_indices = @transform_7, window_bounds = array<i64: 128, 128>}, {pipeline_mode = #tpu.pipeline_mode<synchronous>, transform_indices = @transform_8, window_bounds = array<i64: 128, 128>}, {pipeline_mode = #tpu.pipeline_mode<synchronous>, transform_indices = @transform_9, window_bounds = array<i64: 128, 128>}, {pipeline_mode = #tpu.pipeline_mode<synchronous>, transform_indices = @transform_10, window_bounds = array<i64: 16, 128>}, {transform_indices = @transform_11, window_bounds = array<i64: 512, 128>}, {transform_indices = @transform_12, window_bounds = array<i64: 512, 128>}, {transform_indices = @transform_13, window_bounds = array<i64: 512, 128>}]} {
    %get3A = arith.constant 0 : index
    %get3A_0 = arith.constant 0 : index
    %get3A_1 = vector.load %arg1[%get3A, %get3A_0] : memref<512x128xf32, #tpu.memory_space<vmem>>, vector<512x128xf32>
    %get3A_2 = arith.constant 0 : index
    %get3A_3 = arith.constant 0 : index
    %get3A_4 = vector.load %arg9[%get3A_2, %get3A_3] : memref<128x128xf32, #tpu.memory_space<vmem>>, vector<128x128xf32>
    %get3A_5 = arith.constant 0 : index
    %get3A_6 = arith.constant 0 : index
    %get3A_7 = vector.load %arg5[%get3A_5, %get3A_6] : memref<128x128xf32, #tpu.memory_space<vmem>>, vector<128x128xf32>
    %dot_general3A = arith.constant dense<0.000000e+00> : vector<512x128xf32>
    %dot_general3A_8 = tpu.matmul %get3A_1, %get3A_7, %dot_general3A {dimension_numbers = #tpu.dot_dimension_numbers<[1], [0], [0], [1], [0, 0, 1, 1], [], []>, transpose_lhs_hint = false} : vector<512x128xf32>, vector<128x128xf32>, vector<512x128xf32> -> vector<512x128xf32>
    %dot_general3A_9 = arith.constant dense<0.000000e+00> : vector<512x128xf32>
    %dot_general3A_10 = tpu.matmul %dot_general3A_8, %get3A_4, %dot_general3A_9 {dimension_numbers = #tpu.dot_dimension_numbers<[1], [0], [0], [1], [0, 0, 1, 1], [], []>, transpose_lhs_hint = false} : vector<512x128xf32>, vector<128x128xf32>, vector<512x128xf32> -> vector<512x128xf32>
    %mul3A = arith.mulf %dot_general3A_8, %dot_general3A_8 : vector<512x128xf32>
    %dot_general3A_11 = arith.constant dense<0.000000e+00> : vector<512x128xf32>
    %dot_general3A_12 = tpu.matmul %mul3A, %get3A_4, %dot_general3A_11 {dimension_numbers = #tpu.dot_dimension_numbers<[1], [0], [0], [1], [0, 0, 1, 1], [], []>, transpose_lhs_hint = false} : vector<512x128xf32>, vector<128x128xf32>, vector<512x128xf32> -> vector<512x128xf32>
    %mul3A_13 = arith.mulf %dot_general3A_10, %dot_general3A_10 : vector<512x128xf32>
    %sub3A = arith.subf %dot_general3A_12, %mul3A_13 : vector<512x128xf32>
    %add3A = arith.constant 9.99999974E-6 : f32
    %add3A_14 = vector.broadcast %add3A : f32 to vector<512x128xf32>
    %add3A_15 = arith.addf %sub3A, %add3A_14 : vector<512x128xf32>
    %rsqrt3A = math.rsqrt %add3A_15 : vector<512x128xf32>
    %sub3A_16 = arith.subf %dot_general3A_8, %dot_general3A_10 : vector<512x128xf32>
    %mul3A_17 = arith.mulf %sub3A_16, %rsqrt3A : vector<512x128xf32>
    %get3A_18 = arith.constant 0 : index
    %get3A_19 = arith.constant 0 : index
    %get3A_20 = vector.load %arg11[%get3A_18, %get3A_19] : memref<16x128xf32, #tpu.memory_space<vmem>>, vector<1x128xf32>
    %mul3A_21 = vector.broadcast %get3A_20 : vector<1x128xf32> to vector<512x128xf32>
    %mul3A_22 = arith.mulf %mul3A_17, %mul3A_21 : vector<512x128xf32>
    %get3A_23 = arith.constant 1 : index
    %get3A_24 = arith.constant 0 : index
    %get3A_25 = vector.load %arg11[%get3A_23, %get3A_24] : memref<16x128xf32, #tpu.memory_space<vmem>>, vector<1x128xf32>
    %add3A_26 = vector.broadcast %get3A_25 : vector<1x128xf32> to vector<512x128xf32>
    %add3A_27 = arith.addf %mul3A_22, %add3A_26 : vector<512x128xf32>
    %get3A_28 = arith.constant 0 : index
    %get3A_29 = arith.constant 0 : index
    %get3A_30 = vector.load %arg7[%get3A_28, %get3A_29] : memref<128x128xf32, #tpu.memory_space<vmem>>, vector<128x128xf32>
    %dot_general3A_31 = arith.constant dense<0.000000e+00> : vector<512x128xf32>
    %dot_general3A_32 = tpu.matmul %add3A_27, %get3A_30, %dot_general3A_31 {dimension_numbers = #tpu.dot_dimension_numbers<[1], [0], [0], [1], [0, 0, 1, 1], [], []>, transpose_lhs_hint = false} : vector<512x128xf32>, vector<128x128xf32>, vector<512x128xf32> -> vector<512x128xf32>
    %get3A_33 = arith.constant 8 : index
    %get3A_34 = arith.constant 0 : index
    %get3A_35 = vector.load %arg11[%get3A_33, %get3A_34] : memref<16x128xf32, #tpu.memory_space<vmem>>, vector<1x128xf32>
    %add3A_36 = vector.broadcast %get3A_35 : vector<1x128xf32> to vector<512x128xf32>
    %add3A_37 = arith.addf %dot_general3A_32, %add3A_36 : vector<512x128xf32>
    %get3A_38 = arith.constant 0 : index
    %get3A_39 = arith.constant 0 : index
    %get3A_40 = vector.load %arg3[%get3A_38, %get3A_39] : memref<512x128xf32, #tpu.memory_space<vmem>>, vector<512x128xf32>
    %add3A_41 = arith.addf %add3A_37, %get3A_40 : vector<512x128xf32>
    %dot_general3A_42 = arith.constant dense<0.000000e+00> : vector<512x128xf32>
    %dot_general3A_43 = tpu.matmul %add3A_41, %get3A_4, %dot_general3A_42 {dimension_numbers = #tpu.dot_dimension_numbers<[1], [0], [0], [1], [0, 0, 1, 1], [], []>, transpose_lhs_hint = false} : vector<512x128xf32>, vector<128x128xf32>, vector<512x128xf32> -> vector<512x128xf32>
    %mul3A_44 = arith.mulf %add3A_41, %add3A_41 : vector<512x128xf32>
    %dot_general3A_45 = arith.constant dense<0.000000e+00> : vector<512x128xf32>
    %dot_general3A_46 = tpu.matmul %mul3A_44, %get3A_4, %dot_general3A_45 {dimension_numbers = #tpu.dot_dimension_numbers<[1], [0], [0], [1], [0, 0, 1, 1], [], []>, transpose_lhs_hint = false} : vector<512x128xf32>, vector<128x128xf32>, vector<512x128xf32> -> vector<512x128xf32>
    %mul3A_47 = arith.mulf %dot_general3A_43, %dot_general3A_43 : vector<512x128xf32>
    %sub3A_48 = arith.subf %dot_general3A_46, %mul3A_47 : vector<512x128xf32>
    %add3A_49 = arith.constant 9.99999974E-6 : f32
    %add3A_50 = vector.broadcast %add3A_49 : f32 to vector<512x128xf32>
    %add3A_51 = arith.addf %sub3A_48, %add3A_50 : vector<512x128xf32>
    %rsqrt3A_52 = math.rsqrt %add3A_51 : vector<512x128xf32>
    %sub3A_53 = arith.subf %add3A_41, %dot_general3A_43 : vector<512x128xf32>
    %mul3A_54 = arith.mulf %sub3A_53, %rsqrt3A_52 : vector<512x128xf32>
    %get3A_55 = arith.constant 4 : index
    %get3A_56 = arith.constant 0 : index
    %get3A_57 = vector.load %arg11[%get3A_55, %get3A_56] : memref<16x128xf32, #tpu.memory_space<vmem>>, vector<1x128xf32>
    %mul3A_58 = vector.broadcast %get3A_57 : vector<1x128xf32> to vector<512x128xf32>
    %mul3A_59 = arith.mulf %mul3A_54, %mul3A_58 : vector<512x128xf32>
    %get3A_60 = arith.constant 5 : index
    %get3A_61 = arith.constant 0 : index
    %get3A_62 = vector.load %arg11[%get3A_60, %get3A_61] : memref<16x128xf32, #tpu.memory_space<vmem>>, vector<1x128xf32>
    %add3A_63 = vector.broadcast %get3A_62 : vector<1x128xf32> to vector<512x128xf32>
    %add3A_64 = arith.addf %mul3A_59, %add3A_63 : vector<512x128xf32>
    %get3A_65 = arith.constant 0 : index
    %get3A_66 = arith.constant 0 : index
    %get3A_67 = vector.load %arg2[%get3A_65, %get3A_66] : memref<512x128xf32, #tpu.memory_space<vmem>>, vector<512x128xf32>
    %mul3A_68 = arith.mulf %get3A_67, %add3A_64 : vector<512x128xf32>
    %get3A_69 = arith.constant 0 : index
    %get3A_70 = arith.constant 0 : index
    %get3A_71 = vector.load %arg10[%get3A_69, %get3A_70] : memref<128x128xf32, #tpu.memory_space<vmem>>, vector<128x128xf32>
    %dot_general3A_72 = arith.constant dense<0.000000e+00> : vector<512x128xf32>
    %dot_general3A_73 = tpu.matmul %mul3A_68, %get3A_71, %dot_general3A_72 {dimension_numbers = #tpu.dot_dimension_numbers<[1], [0], [0], [1], [0, 0, 1, 1], [], []>, transpose_lhs_hint = false} : vector<512x128xf32>, vector<128x128xf32>, vector<512x128xf32> -> vector<512x128xf32>
    %exp3A = math.exp %dot_general3A_73 : vector<512x128xf32>
    %swap3A = arith.constant 0 : index
    %swap3A_74 = arith.constant 0 : index
    %swap3A_75 = vector.load %arg14[%swap3A, %swap3A_74] : memref<512x128xf32, #tpu.memory_space<vmem>>, vector<512x128xf32>
    tpu.vector_store %arg14[%swap3A, %swap3A_74], %exp3A {strides = array<i32>} : memref<512x128xf32, #tpu.memory_space<vmem>>, vector<512x128xf32>,
    %get3A_76 = arith.constant 0 : index
    %get3A_77 = arith.constant 0 : index
    %get3A_78 = vector.load %arg6[%get3A_76, %get3A_77] : memref<128x128xf32, #tpu.memory_space<vmem>>, vector<128x128xf32>
    %dot_general3A_79 = arith.constant dense<0.000000e+00> : vector<512x128xf32>
    %dot_general3A_80 = tpu.matmul %get3A_1, %get3A_78, %dot_general3A_79 {dimension_numbers = #tpu.dot_dimension_numbers<[1], [0], [0], [1], [0, 0, 1, 1], [], []>, transpose_lhs_hint = false} : vector<512x128xf32>, vector<128x128xf32>, vector<512x128xf32> -> vector<512x128xf32>
    %dot_general3A_81 = arith.constant dense<0.000000e+00> : vector<512x128xf32>
    %dot_general3A_82 = tpu.matmul %dot_general3A_80, %get3A_4, %dot_general3A_81 {dimension_numbers = #tpu.dot_dimension_numbers<[1], [0], [0], [1], [0, 0, 1, 1], [], []>, transpose_lhs_hint = false} : vector<512x128xf32>, vector<128x128xf32>, vector<512x128xf32> -> vector<512x128xf32>
    %mul3A_83 = arith.mulf %dot_general3A_80, %dot_general3A_80 : vector<512x128xf32>
    %dot_general3A_84 = arith.constant dense<0.000000e+00> : vector<512x128xf32>
    %dot_general3A_85 = tpu.matmul %mul3A_83, %get3A_4, %dot_general3A_84 {dimension_numbers = #tpu.dot_dimension_numbers<[1], [0], [0], [1], [0, 0, 1, 1], [], []>, transpose_lhs_hint = false} : vector<512x128xf32>, vector<128x128xf32>, vector<512x128xf32> -> vector<512x128xf32>
    %mul3A_86 = arith.mulf %dot_general3A_82, %dot_general3A_82 : vector<512x128xf32>
    %sub3A_87 = arith.subf %dot_general3A_85, %mul3A_86 : vector<512x128xf32>
    %add3A_88 = arith.constant 9.99999974E-6 : f32
    %add3A_89 = vector.broadcast %add3A_88 : f32 to vector<512x128xf32>
    %add3A_90 = arith.addf %sub3A_87, %add3A_89 : vector<512x128xf32>
    %rsqrt3A_91 = math.rsqrt %add3A_90 : vector<512x128xf32>
    %sub3A_92 = arith.subf %dot_general3A_80, %dot_general3A_82 : vector<512x128xf32>
    %mul3A_93 = arith.mulf %sub3A_92, %rsqrt3A_91 : vector<512x128xf32>
    %get3A_94 = arith.constant 2 : index
    %get3A_95 = arith.constant 0 : index
    %get3A_96 = vector.load %arg11[%get3A_94, %get3A_95] : memref<16x128xf32, #tpu.memory_space<vmem>>, vector<1x128xf32>
    %mul3A_97 = vector.broadcast %get3A_96 : vector<1x128xf32> to vector<512x128xf32>
    %mul3A_98 = arith.mulf %mul3A_93, %mul3A_97 : vector<512x128xf32>
    %get3A_99 = arith.constant 3 : index
    %get3A_100 = arith.constant 0 : index
    %get3A_101 = vector.load %arg11[%get3A_99, %get3A_100] : memref<16x128xf32, #tpu.memory_space<vmem>>, vector<1x128xf32>
    %add3A_102 = vector.broadcast %get3A_101 : vector<1x128xf32> to vector<512x128xf32>
    %add3A_103 = arith.addf %mul3A_98, %add3A_102 : vector<512x128xf32>
    %get3A_104 = arith.constant 0 : index
    %get3A_105 = arith.constant 0 : index
    %get3A_106 = vector.load %arg8[%get3A_104, %get3A_105] : memref<128x128xf32, #tpu.memory_space<vmem>>, vector<128x128xf32>
    %dot_general3A_107 = arith.constant dense<0.000000e+00> : vector<512x128xf32>
    %dot_general3A_108 = tpu.matmul %add3A_103, %get3A_106, %dot_general3A_107 {dimension_numbers = #tpu.dot_dimension_numbers<[1], [0], [0], [1], [0, 0, 1, 1], [], []>, transpose_lhs_hint = false} : vector<512x128xf32>, vector<128x128xf32>, vector<512x128xf32> -> vector<512x128xf32>
    %get3A_109 = arith.constant 9 : index
    %get3A_110 = arith.constant 0 : index
    %get3A_111 = vector.load %arg11[%get3A_109, %get3A_110] : memref<16x128xf32, #tpu.memory_space<vmem>>, vector<1x128xf32>
    %add3A_112 = vector.broadcast %get3A_111 : vector<1x128xf32> to vector<512x128xf32>
    %add3A_113 = arith.addf %dot_general3A_108, %add3A_112 : vector<512x128xf32>
    %get3A_114 = arith.constant 0 : index
    %get3A_115 = arith.constant 0 : index
    %get3A_116 = vector.load %arg4[%get3A_114, %get3A_115] : memref<512x128xf32, #tpu.memory_space<vmem>>, vector<512x128xf32>
    %add3A_117 = arith.addf %add3A_113, %get3A_116 : vector<512x128xf32>
    %dot_general3A_118 = arith.constant dense<0.000000e+00> : vector<512x128xf32>
    %dot_general3A_119 = tpu.matmul %add3A_117, %get3A_4, %dot_general3A_118 {dimension_numbers = #tpu.dot_dimension_numbers<[1], [0], [0], [1], [0, 0, 1, 1], [], []>, transpose_lhs_hint = false} : vector<512x128xf32>, vector<128x128xf32>, vector<512x128xf32> -> vector<512x128xf32>
    %mul3A_120 = arith.mulf %add3A_117, %add3A_117 : vector<512x128xf32>
    %dot_general3A_121 = arith.constant dense<0.000000e+00> : vector<512x128xf32>
    %dot_general3A_122 = tpu.matmul %mul3A_120, %get3A_4, %dot_general3A_121 {dimension_numbers = #tpu.dot_dimension_numbers<[1], [0], [0], [1], [0, 0, 1, 1], [], []>, transpose_lhs_hint = false} : vector<512x128xf32>, vector<128x128xf32>, vector<512x128xf32> -> vector<512x128xf32>
    %mul3A_123 = arith.mulf %dot_general3A_119, %dot_general3A_119 : vector<512x128xf32>
    %sub3A_124 = arith.subf %dot_general3A_122, %mul3A_123 : vector<512x128xf32>
    %add3A_125 = arith.constant 9.99999974E-6 : f32
    %add3A_126 = vector.broadcast %add3A_125 : f32 to vector<512x128xf32>
    %add3A_127 = arith.addf %sub3A_124, %add3A_126 : vector<512x128xf32>
    %rsqrt3A_128 = math.rsqrt %add3A_127 : vector<512x128xf32>
    %sub3A_129 = arith.subf %add3A_117, %dot_general3A_119 : vector<512x128xf32>
    %mul3A_130 = arith.mulf %sub3A_129, %rsqrt3A_128 : vector<512x128xf32>
    %get3A_131 = arith.constant 6 : index
    %get3A_132 = arith.constant 0 : index
    %get3A_133 = vector.load %arg11[%get3A_131, %get3A_132] : memref<16x128xf32, #tpu.memory_space<vmem>>, vector<1x128xf32>
    %mul3A_134 = vector.broadcast %get3A_133 : vector<1x128xf32> to vector<512x128xf32>
    %mul3A_135 = arith.mulf %mul3A_130, %mul3A_134 : vector<512x128xf32>
    %get3A_136 = arith.constant 7 : index
    %get3A_137 = arith.constant 0 : index
    %get3A_138 = vector.load %arg11[%get3A_136, %get3A_137] : memref<16x128xf32, #tpu.memory_space<vmem>>, vector<1x128xf32>
    %add3A_139 = vector.broadcast %get3A_138 : vector<1x128xf32> to vector<512x128xf32>
    %add3A_140 = arith.addf %mul3A_135, %add3A_139 : vector<512x128xf32>
    %swap3A_141 = arith.constant 0 : index
    %swap3A_142 = arith.constant 0 : index
    %swap3A_143 = vector.load %arg12[%swap3A_141, %swap3A_142] : memref<512x128xf32, #tpu.memory_space<vmem>>, vector<512x128xf32>
    tpu.vector_store %arg12[%swap3A_141, %swap3A_142], %add3A_140 {strides = array<i32>} : memref<512x128xf32, #tpu.memory_space<vmem>>, vector<512x128xf32>,
    %mul3A_144 = arith.mulf %dot_general3A_73, %add3A_140 : vector<512x128xf32>
    %swap3A_145 = arith.constant 0 : index
    %swap3A_146 = arith.constant 0 : index
    %swap3A_147 = vector.load %arg13[%swap3A_145, %swap3A_146] : memref<512x128xf32, #tpu.memory_space<vmem>>, vector<512x128xf32>
    tpu.vector_store %arg13[%swap3A_145, %swap3A_146], %mul3A_144 {strides = array<i32>} : memref<512x128xf32, #tpu.memory_space<vmem>>, vector<512x128xf32>,
    return
  }
  func.func @transform_0(%arg0: i32) -> (i32, i32) {
    %c0_i32 = arith.constant 0 : i32
    %c0_i32_0 = arith.constant 0 : i32
    return %arg0, %c0_i32 : i32, i32
  }
  func.func @transform_1(%arg0: i32) -> (i32, i32) {
    %c0_i32 = arith.constant 0 : i32
    %c0_i32_0 = arith.constant 0 : i32
    return %arg0, %c0_i32 : i32, i32
  }
  func.func @transform_2(%arg0: i32) -> (i32, i32) {
    %c0_i32 = arith.constant 0 : i32
    %c0_i32_0 = arith.constant 0 : i32
    return %arg0, %c0_i32 : i32, i32
  }
  func.func @transform_3(%arg0: i32) -> (i32, i32) {
    %c0_i32 = arith.constant 0 : i32
    %c0_i32_0 = arith.constant 0 : i32
    return %arg0, %c0_i32 : i32, i32
  }
  func.func @transform_4(%arg0: i32) -> (i32, i32) {
    %c0_i32 = arith.constant 0 : i32
    %c0_i32_0 = arith.constant 0 : i32
    %c0_i32_1 = arith.constant 0 : i32
    return %c0_i32, %c0_i32_0 : i32, i32
  }
  func.func @transform_5(%arg0: i32) -> (i32, i32) {
    %c0_i32 = arith.constant 0 : i32
    %c0_i32_0 = arith.constant 0 : i32
    %c0_i32_1 = arith.constant 0 : i32
    return %c0_i32, %c0_i32_0 : i32, i32
  }
  func.func @transform_6(%arg0: i32) -> (i32, i32) {
    %c0_i32 = arith.constant 0 : i32
    %c0_i32_0 = arith.constant 0 : i32
    %c0_i32_1 = arith.constant 0 : i32
    return %c0_i32, %c0_i32_0 : i32, i32
  }
  func.func @transform_7(%arg0: i32) -> (i32, i32) {
    %c0_i32 = arith.constant 0 : i32
    %c0_i32_0 = arith.constant 0 : i32
    %c0_i32_1 = arith.constant 0 : i32
    return %c0_i32, %c0_i32_0 : i32, i32
  }
  func.func @transform_8(%arg0: i32) -> (i32, i32) {
    %c0_i32 = arith.constant 0 : i32
    %c0_i32_0 = arith.constant 0 : i32
    %c0_i32_1 = arith.constant 0 : i32
    return %c0_i32, %c0_i32_0 : i32, i32
  }
  func.func @transform_9(%arg0: i32) -> (i32, i32) {
    %c0_i32 = arith.constant 0 : i32
    %c0_i32_0 = arith.constant 0 : i32
    %c0_i32_1 = arith.constant 0 : i32
    return %c0_i32, %c0_i32_0 : i32, i32
  }
  func.func @transform_10(%arg0: i32) -> (i32, i32) {
    %c0_i32 = arith.constant 0 : i32
    %c0_i32_0 = arith.constant 0 : i32
    %c0_i32_1 = arith.constant 0 : i32
    return %c0_i32, %c0_i32_0 : i32, i32
  }
  func.func @transform_11(%arg0: i32) -> (i32, i32) {
    %c0_i32 = arith.constant 0 : i32
    %c0_i32_0 = arith.constant 0 : i32
    return %arg0, %c0_i32 : i32, i32
  }
  func.func @transform_12(%arg0: i32) -> (i32, i32) {
    %c0_i32 = arith.constant 0 : i32
    %c0_i32_0 = arith.constant 0 : i32
    return %arg0, %c0_i32 : i32, i32
  }
  func.func @transform_13(%arg0: i32) -> (i32, i32) {
    %c0_i32 = arith.constant 0 : i32
    %c0_i32_0 = arith.constant 0 : i32
    return %arg0, %c0_i32 : i32, i32
  }
}

module attributes {stable_mosaic.version = 14 : i64} {
  func.func @_final_body(%arg0: i32, %arg1: memref<400x128xf32, #tpu.memory_space<vmem>>, %arg2: memref<400x128xf32, #tpu.memory_space<vmem>>, %arg3: memref<400x128xf32, #tpu.memory_space<vmem>>, %arg4: memref<128x128xf32, #tpu.memory_space<vmem>>, %arg5: memref<128x128xf32, #tpu.memory_space<vmem>>, %arg6: memref<8x128xf32, #tpu.memory_space<vmem>>, %arg7: memref<400x128xf32, #tpu.memory_space<vmem>>) attributes {dimension_semantics = [#tpu.dimension_semantics<arbitrary>], iteration_bounds = array<i64: 25>, scalar_prefetch = 0 : i64, scratch_operands = 0 : i64, tpu.core_type = #tpu.core_type<tc>, window_params = [{transform_indices = @transform_0, window_bounds = array<i64: 400, 128>}, {transform_indices = @transform_1, window_bounds = array<i64: 400, 128>}, {transform_indices = @transform_2, window_bounds = array<i64: 400, 128>}, {pipeline_mode = #tpu.pipeline_mode<synchronous>, transform_indices = @transform_3, window_bounds = array<i64: 128, 128>}, {pipeline_mode = #tpu.pipeline_mode<synchronous>, transform_indices = @transform_4, window_bounds = array<i64: 128, 128>}, {pipeline_mode = #tpu.pipeline_mode<synchronous>, transform_indices = @transform_5, window_bounds = array<i64: 8, 128>}, {transform_indices = @transform_6, window_bounds = array<i64: 400, 128>}]} {
    %get3A = arith.constant 0 : index
    %get3A_0 = arith.constant 0 : index
    %get3A_1 = vector.load %arg5[%get3A, %get3A_0] : memref<128x128xf32, #tpu.memory_space<vmem>>, vector<128x128xf32>
    %get3A_2 = arith.constant 0 : index
    %get3A_3 = arith.constant 0 : index
    %get3A_4 = vector.load %arg3[%get3A_2, %get3A_3] : memref<400x128xf32, #tpu.memory_space<vmem>>, vector<400x128xf32>
    %max3A = arith.constant 1.000000e-30 : f32
    %max3A_5 = vector.broadcast %max3A : f32 to vector<400x128xf32>
    %max3A_6 = arith.maximumf %get3A_4, %max3A_5 : vector<400x128xf32>
    %log3A = math.log %max3A_6 : vector<400x128xf32>
    %get3A_7 = arith.constant 0 : index
    %get3A_8 = arith.constant 0 : index
    %get3A_9 = vector.load %arg2[%get3A_7, %get3A_8] : memref<400x128xf32, #tpu.memory_space<vmem>>, vector<400x128xf32>
    %get3A_10 = arith.constant 0 : index
    %get3A_11 = arith.constant 0 : index
    %get3A_12 = vector.load %arg1[%get3A_10, %get3A_11] : memref<400x128xf32, #tpu.memory_space<vmem>>, vector<400x128xf32>
    %mul3A = arith.mulf %log3A, %get3A_12 : vector<400x128xf32>
    %sub3A = arith.subf %get3A_9, %mul3A : vector<400x128xf32>
    %get3A_13 = arith.constant 0 : index
    %get3A_14 = arith.constant 0 : index
    %get3A_15 = vector.load %arg4[%get3A_13, %get3A_14] : memref<128x128xf32, #tpu.memory_space<vmem>>, vector<128x128xf32>
    %dot_general3A = arith.constant dense<0.000000e+00> : vector<400x128xf32>
    %dot_general3A_16 = tpu.matmul %sub3A, %get3A_15, %dot_general3A {dimension_numbers = #tpu.dot_dimension_numbers<[1], [0], [0], [1], [0, 0, 1, 1], [], []>, transpose_lhs_hint = false} : vector<400x128xf32>, vector<128x128xf32>, vector<400x128xf32> -> vector<400x128xf32>
    %get3A_17 = arith.constant 2 : index
    %get3A_18 = arith.constant 0 : index
    %get3A_19 = vector.load %arg6[%get3A_17, %get3A_18] : memref<8x128xf32, #tpu.memory_space<vmem>>, vector<1x128xf32>
    %add3A = vector.broadcast %get3A_19 : vector<1x128xf32> to vector<400x128xf32>
    %add3A_20 = arith.addf %dot_general3A_16, %add3A : vector<400x128xf32>
    %max3A_21 = arith.constant 0.000000e+00 : f32
    %max3A_22 = vector.broadcast %max3A_21 : f32 to vector<400x128xf32>
    %max3A_23 = arith.maximumf %add3A_20, %max3A_22 : vector<400x128xf32>
    %dot_general3A_24 = arith.constant dense<0.000000e+00> : vector<400x128xf32>
    %dot_general3A_25 = tpu.matmul %max3A_23, %get3A_1, %dot_general3A_24 {dimension_numbers = #tpu.dot_dimension_numbers<[1], [0], [0], [1], [0, 0, 1, 1], [], []>, transpose_lhs_hint = false} : vector<400x128xf32>, vector<128x128xf32>, vector<400x128xf32> -> vector<400x128xf32>
    %mul3A_26 = arith.mulf %max3A_23, %max3A_23 : vector<400x128xf32>
    %dot_general3A_27 = arith.constant dense<0.000000e+00> : vector<400x128xf32>
    %dot_general3A_28 = tpu.matmul %mul3A_26, %get3A_1, %dot_general3A_27 {dimension_numbers = #tpu.dot_dimension_numbers<[1], [0], [0], [1], [0, 0, 1, 1], [], []>, transpose_lhs_hint = false} : vector<400x128xf32>, vector<128x128xf32>, vector<400x128xf32> -> vector<400x128xf32>
    %mul3A_29 = arith.mulf %dot_general3A_25, %dot_general3A_25 : vector<400x128xf32>
    %sub3A_30 = arith.subf %dot_general3A_28, %mul3A_29 : vector<400x128xf32>
    %add3A_31 = arith.constant 9.99999974E-6 : f32
    %add3A_32 = vector.broadcast %add3A_31 : f32 to vector<400x128xf32>
    %add3A_33 = arith.addf %sub3A_30, %add3A_32 : vector<400x128xf32>
    %rsqrt3A = math.rsqrt %add3A_33 : vector<400x128xf32>
    %sub3A_34 = arith.subf %max3A_23, %dot_general3A_25 : vector<400x128xf32>
    %mul3A_35 = arith.mulf %sub3A_34, %rsqrt3A : vector<400x128xf32>
    %get3A_36 = arith.constant 0 : index
    %get3A_37 = arith.constant 0 : index
    %get3A_38 = vector.load %arg6[%get3A_36, %get3A_37] : memref<8x128xf32, #tpu.memory_space<vmem>>, vector<1x128xf32>
    %mul3A_39 = vector.broadcast %get3A_38 : vector<1x128xf32> to vector<400x128xf32>
    %mul3A_40 = arith.mulf %mul3A_35, %mul3A_39 : vector<400x128xf32>
    %get3A_41 = arith.constant 1 : index
    %get3A_42 = arith.constant 0 : index
    %get3A_43 = vector.load %arg6[%get3A_41, %get3A_42] : memref<8x128xf32, #tpu.memory_space<vmem>>, vector<1x128xf32>
    %add3A_44 = vector.broadcast %get3A_43 : vector<1x128xf32> to vector<400x128xf32>
    %add3A_45 = arith.addf %mul3A_40, %add3A_44 : vector<400x128xf32>
    %swap3A = arith.constant 0 : index
    %swap3A_46 = arith.constant 0 : index
    %swap3A_47 = vector.load %arg7[%swap3A, %swap3A_46] : memref<400x128xf32, #tpu.memory_space<vmem>>, vector<400x128xf32>
    tpu.vector_store %arg7[%swap3A, %swap3A_46], %add3A_45 {strides = array<i32>} : memref<400x128xf32, #tpu.memory_space<vmem>>, vector<400x128xf32>,
    return
  }
  func.func @transform_0(%arg0: i32) -> (i32, i32) {
    %c0_i32 = arith.constant 0 : i32
    %c0_i32_0 = arith.constant 0 : i32
    return %arg0, %c0_i32 : i32, i32
  }
  func.func @transform_1(%arg0: i32) -> (i32, i32) {
    %c0_i32 = arith.constant 0 : i32
    %c0_i32_0 = arith.constant 0 : i32
    return %arg0, %c0_i32 : i32, i32
  }
  func.func @transform_2(%arg0: i32) -> (i32, i32) {
    %c0_i32 = arith.constant 0 : i32
    %c0_i32_0 = arith.constant 0 : i32
    return %arg0, %c0_i32 : i32, i32
  }
  func.func @transform_3(%arg0: i32) -> (i32, i32) {
    %c0_i32 = arith.constant 0 : i32
    %c0_i32_0 = arith.constant 0 : i32
    %c0_i32_1 = arith.constant 0 : i32
    return %c0_i32, %c0_i32_0 : i32, i32
  }
  func.func @transform_4(%arg0: i32) -> (i32, i32) {
    %c0_i32 = arith.constant 0 : i32
    %c0_i32_0 = arith.constant 0 : i32
    %c0_i32_1 = arith.constant 0 : i32
    return %c0_i32, %c0_i32_0 : i32, i32
  }
  func.func @transform_5(%arg0: i32) -> (i32, i32) {
    %c0_i32 = arith.constant 0 : i32
    %c0_i32_0 = arith.constant 0 : i32
    %c0_i32_1 = arith.constant 0 : i32
    return %c0_i32, %c0_i32_0 : i32, i32
  }
  func.func @transform_6(%arg0: i32) -> (i32, i32) {
    %c0_i32 = arith.constant 0 : i32
    %c0_i32_0 = arith.constant 0 : i32
    return %arg0, %c0_i32 : i32, i32
  }
}

</mosaic_0001>

<sc_bundles>
// kernel: kernel.11.cloned.1.call-start
scs
__scs_entry_jumppad:
0x0: {  	(pc) =	sbr.rel $0x88, $3  }
0x1: {  	(tag) =	ssettag $0x0;
	lr =	simm.s32 $0x1  }
0x2: {  	[smem:$0x3F83] =	sst lr;
	_ =	strace $0xD0000000  }
0x3: {  	_ = 	snop  }
0x4: {  	_ = 	snop  }
0x5: {  	_ = 	snop  }
0x6: {  	_ = 	snop  }
0x7: {  	_ = 	snop  }
__scs_overlays_trampoline_lowered:
0x8: {  	[smem:$0x3F92] =	sst s0  }
0x9: {  	[smem:$0x3F93] =	sst s1  }
0xa: {  	[smem:$0x3F94] =	sst s2  }
0xb: {  	[smem:$0x3F95] =	sst s3  }
0xc: {  	[smem:$0x3F96] =	sst s4  }
0xd: {  	[smem:$0x3F97] =	sst s5  }
0xe: {  	[smem:$0x3F98] =	sst s6  }
0xf: {  	[smem:$0x3F99] =	sst s7  }
0x10: {  	[smem:$0x3F9A] =	sst s8  }
0x11: {  	[smem:$0x3F9B] =	sst s9;
	s0 =	simm.s32 @!p0 $0x0  }
0x12: {  	s1 =	sld [smem:$0x3F81];
	s0 =	simm.s32 @p0 $0x1  }
0x13: {  	[smem:$0x3F9C] =	sst s0;
	s0 =	simm.s32 @!p1 $0x0  }
0x14: {  	s2 =	sld [smem:$0x3F80];
	s0 =	simm.s32 @p1 $0x1  }
0x15: {  	[smem:$0x3F9D] =	sst s0;
	s0 =	simm.s32 @!p2 $0x0  }
0x16: {  	s3 =	sld [smem:$0x3FDB];
	s0 =	simm.s32 @p2 $0x1  }
0x17: {  	s4 =	simm.s32 $0x1BF5;
	[smem:$0x3F9F] =	sst s0  }
0x18: {  	s0 =	sld [smem:$0x3F82];
	_ =	swait.ge [sflag:s4], $0x0  }
0x19: {  	s7 =	sld [smem:$0x3F83]  }
0x1a: {  	s8 =	sadd.s32 $0xFFFFE003, lr  }
0x1b: {  	s9 =	sadd.s32 $0xFFFFFEF7, lr;
	s5 =	simm.s32 $0xFFFFFFFF;
	p2 =	slt.u32 s8, $0xFFFFF086  }
0x1c: {  	p1 =	slt.u32 s9, $0xF7A;
	s5 =	simm.s32 @!p2 $0x0  }
0x1d: {  	s5 =	simm.s32 @p1 $0x1;
	p0 =	seq.s32 s7, s2  }
0x1e: {  	s7 =	smul.u32 @!p0 $0xF7A, s2;
	p2 =	seq.s32 @!p0 s5, $0x0  }
0x1f: {  	s9 =	smul.u32 $0xF7A, s1;
	s8 =	simm.s32 @!p0 $0x1BF5;
	p2 =	por !p2, p0  }
0x20: {  	[sflag:s8] =	ssyncset.s32 @!p0 $0xFFFFF086;
	s6 =	sadd.s32 @!p0 s3, s7;
	s7 =	simm.s32 @!p0 $0x108  }
0x21: {  	s3 =	sadd.s32 s3, s9;
	s6 =	sadd.s32 @!p0 $0x88, s6;
	s7 =	simm.s32 @p2 $0x1082  }
0x22: {  	[simem:s7], [sflag:s8] =	dma.local @!p0 [hbm:s6], $0xF7A  }
0x23: {  	s9 =	sor.u32 $0xD0000000, s2;
	s6 =	simm.s32 $0x108;
	_ =	swait.ge @!p0 [sflag:s8], $0x0  }
0x24: {  	s3 =	sadd.s32 $0x88, s3;
	s6 =	simm.s32 @!p1 $0x1082;
	[sflag:s4] =	ssyncset.s32 $0xFFFFF086  }
0x25: {  	[simem:s6], [sflag:s4] =	dma.local [hbm:s3], $0xF7A  }
0x26: {  	[smem:$0x3F83] =	sst s1;
	(tag) =	ssettag s2;
	_ =	strace s9  }
0x27: {  	s1 =	sld [smem:$0x3F93]  }
0x28: {  	s2 =	sld [smem:$0x3F94]  }
0x29: {  	s4 =	sld [smem:$0x3F96]  }
0x2a: {  	p0 =	seq.s32 s5, $0x0;
	s5 =	sld [smem:$0x3F97]  }
0x2b: {  	s6 =	sld [smem:$0x3F98]  }
0x2c: {  	s7 =	sld [smem:$0x3F99]  }
0x2d: {  	s3 =	simm.s32 $0x108;
	s8 =	sld [smem:$0x3F9A]  }
0x2e: {  	s3 =	simm.s32 @!p0 $0x1082;
	s9 =	sld [smem:$0x3F9B]  }
0x2f: {  	lr =	sadd.s32 s0, s3;
	s0 =	sld [smem:$0x3F92]  }
0x30: {  	s3 =	sld [smem:$0x3F95]  }
0x31: {  	[smem:$0x3F9E] =	sst s10  }
0x32: {  	s10 =	sld [smem:$0x3F9C];
	_ =	sdelay $0x3  }
0x33: {  	p0 =	seq.s32 s10, $0x1;
	s10 =	sld [smem:$0x3F9E];
	_ =	sdelay $0x3  }
0x34: {  	[smem:$0x3F9E] =	sst s10  }
0x35: {  	s10 =	sld [smem:$0x3F9D];
	_ =	sdelay $0x3  }
0x36: {  	p1 =	seq.s32 s10, $0x1;
	s10 =	sld [smem:$0x3F9E];
	_ =	sdelay $0x3  }
0x37: {  	[smem:$0x3F9E] =	sst s10  }
0x38: {  	s10 =	sld [smem:$0x3F9F]  }
0x39: {  	_ = 	snop;
	(pc) =	sbr.ind lr, $3  }
0x3a: {  	_ = 	snop  }
0x3b: {  	_ = 	snop  }
0x3c: {  	p2 =	seq.s32 s10, $0x1;
	s10 =	sld [smem:$0x3F9E]  }
0x3d: {  	_ =	shalt  }
0x3e: {  	_ =	shalt  }
0x3f: {  	_ =	shalt  }
0x40: {  	_ =	shalt  }
0x41: {  	_ =	shalt  }
0x42: {  	_ =	shalt  }
0x43: {  	_ =	shalt  }
0x44: {  	_ =	shalt  }
0x45: {  	_ =	shalt  }
0x46: {  	_ =	shalt  }
0x47: {  	_ =	shalt  }
0x48: {  	_ =	shalt  }
0x49: {  	_ =	shalt  }
0x4a: {  	_ =	shalt  }
0x4b: {  	_ =	shalt  }
0x4c: {  	_ =	shalt  }
0x4d: {  	_ =	shalt  }
0x4e: {  	_ =	shalt  }
0x4f: {  	_ =	shalt  }
0x50: {  	_ =	shalt  }
0x51: {  	_ =	shalt  }
0x52: {  	_ =	shalt  }
0x53: {  	_ =	shalt  }
0x54: {  	_ =	shalt  }
0x55: {  	_ =	shalt  }
0x56: {  	_ =	shalt  }
0x57: {  	_ =	shalt  }
0x58: {  	_ =	shalt  }
0x59: {  	_ =	shalt  }
0x5a: {  	_ =	shalt  }
0x5b: {  	_ =	shalt  }
0x5c: {  	_ =	shalt  }
0x5d: {  	_ =	shalt  }
0x5e: {  	_ =	shalt  }
0x5f: {  	_ =	shalt  }
0x60: {  	_ =	shalt  }
0x61: {  	_ =	shalt  }
0x62: {  	_ =	shalt  }
0x63: {  	_ =	shalt  }
0x64: {  	_ =	shalt  }
0x65: {  	_ =	shalt  }
0x66: {  	_ =	shalt  }
0x67: {  	_ =	shalt  }
0x68: {  	_ =	shalt  }
0x69: {  	_ =	shalt  }
0x6a: {  	_ =	shalt  }
0x6b: {  	_ =	shalt  }
0x6c: {  	_ =	shalt  }
0x6d: {  	_ =	shalt  }
0x6e: {  	_ =	shalt  }
0x6f: {  	_ =	shalt  }
0x70: {  	_ =	shalt  }
0x71: {  	_ =	shalt  }
0x72: {  	_ =	shalt  }
0x73: {  	_ =	shalt  }
0x74: {  	_ =	shalt  }
0x75: {  	_ =	shalt  }
0x76: {  	_ =	shalt  }
0x77: {  	_ =	shalt  }
0x78: {  	_ =	shalt  }
0x79: {  	_ =	shalt  }
0x7a: {  	_ =	shalt  }
0x7b: {  	_ =	shalt  }
0x7c: {  	_ =	shalt  }
0x7d: {  	_ =	shalt  }
0x7e: {  	_ =	shalt  }
0x7f: {  	_ =	shalt  }
0x80: {  	_ =	shalt  }
0x81: {  	_ =	shalt  }
0x82: {  	_ =	shalt  }
0x83: {  	_ =	shalt  }
0x84: {  	_ =	shalt  }
0x85: {  	_ =	shalt  }
0x86: {  	_ =	shalt  }
0x87: {  	_ =	shalt  }
.Lfunc_end0:
.L_simem_size_0:
called_computation.1_lowered:
.L_overlay_start_0:
0x88: {  	s2 =	sld [smem:$0x3FD9]  }
0x89: {  	s3 =	sld [smem:$0x3FFE];
	_ =	sdelay $0x1  }
0x8a: {  	s1 =	srdreg.scid  }
0x8b: {  	s0 =	sand.u32 $0x1, s1  }
0x8c: {  	s16 =	sshll.u32 s0, $0xA;
	s2 =	sadd.s32 s3, s2  }
0x8d: {  	s2 =	sadd.s32 s2, s16  }
0x8e: {  	[smem:$0x3FAA] =	sst s2  }
0x8f: {  	_ = 	snop  }
0x90: {  	(tm) =	ssettm $0x1  }
0x91: {  	s17 =	sld [smem:$0x3FFB];
	_ =	sdelay $0x3  }
0x92: {  	_ =	strace s17  }
0x93: {  	s2 =	sld [smem:$0x3FFC];
	_ =	sdelay $0x3  }
0x94: {  	_ =	strace s2  }
0x95: {  	s2 =	sld [smem:$0x3FFD];
	_ =	sdelay $0x3  }
0x96: {  	_ =	strace s2  }
0x97: {  	_ =	strace $0x8FFFFFFF  }
0x98: {  	s18 =	sld [smem:$0x3FDB];
	_ =	sdelay $0x1  }
0x99: {  	s19 =	simm.s32 $_scs_section_size  }
0x9a: {  	s4 =	simm.s32 $_size__tile_overlayer_lowered;
	s5 =	simm.s32 $_tile_overlayer_lowered  }
0x9b: {  	s22 =	simm.s32 $0x1BFF;
	s21 =	sshll.u32 s5, $0x1;
	s2 =	sadd.s32 s19, s18  }
0x9c: {  	s6 =	simm.s32 $0x0;
	s20 =	sshll.u32 s4, $0x1;
	s4 =	sadd.s32 s21, s2  }
0x9d: {  	[timem:s6], [sflag:s22] =	dma.local [hbm:s4], s20  }
0x9e: {  	_ =	swait.ge [sflag:s22], s20  }
0x9f: {  	s3 =	ssub.s32 $0x0, s20;
	[sflag:s22] =	ssyncset.done $0x0  }
0xa0: {  	[sflag:s22] =	ssyncadd.s32 s3;
	_ =	sdelay $0x1  }
0xa1: {  	s23 =	simm.s32 $0x1B8B  }
0xa2: {  	_ =	swait.ge [sflag:s23], $0x1  }
0xa3: {  	[sflag:s23] =	ssyncset.done $0x0  }
0xa4: {  	s25 =	simm.s32 $0x1B8E;
	s24 =	sld [smem:$0x3FFE];
	[sflag:s23] =	ssyncadd.s32 $0xFFFFFFFF  }
0xa5: {  	s26 =	simm.s32 $execute0_lowered;
	[smem:$0x3FD2] =	sst s25  }
0xa6: {  	s4 =	sshll.u32 s26, $0x1;
	_ =	strace $0x80000049;
	[dreg:$0x1] =	wrdreg $0xFFFFFFFF  }
0xa7: {  	s28 =	simm.s32 $_size_execute0_lowered;
	s2 =	sadd.s32 s2, s4;
	[dreg:$0x0] =	wrdreg $0x0  }
0xa8: {  	s4 =	sshll.u32 s28, $0x1;
	[dreg:$0x2] =	wrdreg s2  }
0xa9: {  	[dreg:$0x3] =	wrdreg s4  }
0xaa: {  	[dreg:$0x4] =	wrdreg $0xC0  }
0xab: {  	_ =	task [dreg:s6], $0x5FFFF  }
0xac: {  	[dreg:$0x1] =	wrdreg $0xFFFFFFFF  }
0xad: {  	[dreg:$0x0] =	wrdreg $0x60  }
0xae: {  	[dreg:$0x2] =	wrdreg s24  }
0xaf: {  	[dreg:$0x3] =	wrdreg $0xA2800  }
0xb0: {  	[dreg:$0x4] =	wrdreg $0x9  }
0xb1: {  	_ =	task.clear_ibuf [dreg:s6], $0x5FFFF;
	_ =	strace $0x90000049  }
0xb2: {  	s29 =	simm.s32 $0x9;
	_ =	strace $0x8000004B  }
0xb3: {  	_ =	swait.ge [sflag:s29], $0x1  }
0xb4: {  	[sflag:s29] =	ssyncadd.s32 $0xFFFFFFFF  }
0xb5: {  	_ =	strace $0x9000004B  }
0xb6: {  	_ =	sfence  }
0xb7: {  	s30 =	sld [smem:$0x0];
	_ =	sdelay $0x2  }
0xb8: {  	s31 =	sshll.u32 s1, $0xD;
	s1 =	sshrl.u32 s1, $0x2  }
0xb9: {  	s3 =	sand.u32 $0x4000, s31;
	s1 =	sadd.s32 s1, s30  }
0xba: {  	s0 =	sor.u32 s3, s0;
	s1 =	sshll.u32 s1, $0x11  }
0xbb: {  	s0 =	sor.u32 s1, s0  }
0xbc: {  	s0 =	sadd.s32 $0x8F2B, s0  }
0xbd: {  	[sflag:s0] =	ssyncadd.remote.s32 $0x1  }
0xbe: {  	_ =	sfence.sel $0xFFFF  }
0xbf: {  	[dreg:$0x0] =	wrdreg $0xFFFFFFFF;
	(pc) =	sbr.abs _section_cstart, $3  }
0xc0: {  	[dreg:$0x1] =	wrdreg $0xFFFFFFFF  }
0xc1: {  	_ =	task.clear_ibuf [dreg:s6], $0x2FFFF;
	_ =	strace $0x9FFFFFFF  }
0xc2: {  	(tm) =	ssettm $0x7FFFFFFF  }
0xc3: {  	_ =	shalt  }
tec
execute0_lowered:
.L_overlay_start_1:
0x0: {  	(tag) =	ssettag $0x1  }
0x1: {  	s5 =	rddreg [dreg:$0x0]  }
0x2: {  	s1 =	rddreg [dreg:$0x1];
	s2 =	simm.s32 $0x0;
	s4 =	srdreg.scid  }
0x3: {  	s0 =	stileid.u32;
	s17 =	simm.s32 $0x3;
	s18 =	simm.s32 $0x80  }
0x4: {  	s19 =	simm.s32 $0x100;
	s20 =	simm.s32 $0x180;
	s21 =	simm.s32 $0x2A00  }
0x5: {  	s22 =	simm.s32 $0x5200;
	s9 =	sadd.s32 $0xF11400, s5;
	s24 =	sand.u32 $0x1, s4  }
0x6: {  	s10 =	sadd.s32 $0x13F3400, s5;
	s7 =	smul.u32 $0x4E20, s0;
	s11 =	sadd.s32 $0xF000, s5  }
0x7: {  	s4 =	sadd.s32 $0x1CE00, s5;
	s25 =	sadd.s32 $0x44E00, s5;
	s5 =	smul.u32 $0x280, s0  }
0x8: {  	s23 =	simm.s32 $0x7A00;
	[smem:$0x7FF] =	sst s2;
	s15 =	smul.u32 $0x9C4, s0  }
0x9: {  	s26 =	simm.s32 $0x0;
	s16 =	smul.u32 $0x4E200, s0;
	_ =	strace $0x8000004A  }
0xa: {  	s6 =	ssub.s32 $0x2, s24;
	p0 =	seq.s32 s24, $0x1;
	p1 =	seq.s32 s24, $0x0  }
0xb: {  	s14 =	smov.u32 s9;
	s8 =	sshrl.u32 s6, $0x1;
	s12 =	sadd.s32 $0x4D80, s7  }
0xc: {  	s13 =	sadd.s32 $0x4DD0, s7;
	s14 =	smov.u32 @p0 s10;
	s10 =	smov.u32 @p1 s9  }
0xd: {  	s31 =	sadd.s32 s15, s11;
	s15 =	simm.s32 $0xA200;
	p0 =	sne.s32 s24, $0x0  }
0xe: {  	s24 =	simm.s32 $0x2;
	s8 =	ssub.s32 s6, s8;
	s30 =	sshrl.u32 s12, $0x3  }
0xf: {  	s7 =	sshrl.u32 s13, $0x3;
	s12 =	sshll.u32 s12, $0x4;
	s13 =	sshll.u32 s13, $0x4  }
0x10: {  	s4 =	smov.u32 @p0 s25;
	s25 =	simm.s32 $0x1;
	s6 =	sadd.s32 s11, s30  }
0x11: {  	s7 =	sadd.s32 s11, s7;
	s8 =	smax.u32 s8, $0x1;
	s9 =	sadd.s32 s10, s12  }
0x12: {  	s10 =	sadd.s32 s10, s13;
	s11 =	sadd.s32 s16, s14;
	s12 =	sadd.s32 $0x1E, s31  }
0x13: {  	v0 =	vimm.f32 $0.0e+00;
	v1 =	vlaneseq.u32;
	s13 =	smul.u32 $0x2800, s0;
	s14 =	simm.s32 $0x50;
	s16 =	simm.s32 $0x200  }
.LBB2_1:
0x14: {  	s28 =	simm.s32 $0x0;
	s29 =	simm.s32 $0x200  }
.LBB2_2:
0x15: {  	p1 =	sne.s32 s29, $0x9E00;
	[tilespmem:s28+$0x270] =	vst v0  }
0x16: {  	[tilespmem:s28+$0x200] =	vst v0  }
0x17: {  	[tilespmem:s28+$0x210] =	vst v0  }
.Ltmp0:
0x18: {  	[tilespmem:s28+$0x220] =	vst v0;
	(pc) =	sbr.rel @p1 .LBB2_2-.Ltmp0, $4  }
0x19: {  	[tilespmem:s28+$0x230] =	vst v0  }
0x1a: {  	[tilespmem:s28+$0x240] =	vst v0  }
0x1b: {  	[tilespmem:s28+$0x250] =	vst v0  }
0x1c: {  	[tilespmem:s28+$0x260] =	vst v0;
	s28 =	sshra.s32 s29, $0x2;
	s29 =	sadd.s32 $0x200, s29  }
0x1d: {  	[tilespmem:s28+$0x270] =	vst v0  }
0x1e: {  	[tilespmem:s28+$0x200] =	vst v0  }
0x1f: {  	[tilespmem:s28+$0x210] =	vst v0  }
0x20: {  	[tilespmem:s28+$0x220] =	vst v0  }
0x21: {  	[tilespmem:s28+$0x230] =	vst v0  }
0x22: {  	[tilespmem:s28+$0x240] =	vst v0  }
0x23: {  	[tilespmem:s28+$0x250] =	vst v0;
	s29 =	sadd.s32 $0x0, s5  }
0x24: {  	[tilespmem:s28+$0x260] =	vst v0;
	v2 =	vor.u32 s29, v1;
	s28 =	sadd.s32 $0x40, s29  }
0x25: {  	s30 =	sadd.s32 $0x30, s29;
	[tilespmem:$0xA200] =	vst v2;
	v2 =	vor.u32 s28, v1  }
0x26: {  	s28 =	sadd.s32 $0x20, s29;
	v3 =	vor.u32 s30, v1;
	[tilespmem:$0xA240] =	vst v2  }
0x27: {  	s29 =	sadd.s32 $0x10, s29;
	v2 =	vor.u32 s28, v1;
	[tilespmem:$0xA230] =	vst v3;
	s28 =	simm.s32 $0x50  }
.LBB2_4:
0x28: {  	p1 =	sne.s32 s28, $0x230;
	v3 =	vor.u32 s29, v1;
	[tilespmem:$0xA220] =	vst v2  }
0x29: {  	[tilespmem:$0xA210] =	vst v3;
	[spmem:s1] =	stream.indirect.scatter [tilespmem:s16], [sflag:$0x3], $0x80, s15, s14, $0xb8  }
0x2a: {  	_ =	swait.ge [sflag:s17], $0x2800  }
.Ltmp1:
0x2b: {  	s29 =	sadd.s32 s28, s5;
	[sflag:s17] =	ssyncset.done $0x0;
	(pc) =	sbr.rel @p1 .LBB2_4-.Ltmp1, $4  }
0x2c: {  	v2 =	vor.u32 s29, v1;
	s30 =	sadd.s32 $0x40, s29;
	[sflag:s17] =	ssyncadd.s32 $0xFFFFD800  }
0x2d: {  	s31 =	sadd.s32 $0x30, s29;
	[tilespmem:$0xA200] =	vst v2;
	v2 =	vor.u32 s30, v1  }
0x2e: {  	v3 =	vor.u32 s31, v1;
	s30 =	sadd.s32 $0x20, s29;
	[tilespmem:$0xA240] =	vst v2  }
0x2f: {  	s28 =	sadd.s32 $0x50, s28;
	s29 =	sadd.s32 $0x10, s29;
	v2 =	vor.u32 s30, v1;
	[tilespmem:$0xA230] =	vst v3  }
0x30: {  	v3 =	vor.u32 s29, v1;
	[tilespmem:$0xA220] =	vst v2  }
0x31: {  	[tilespmem:$0xA210] =	vst v3  }
0x32: {  	[spmem:s1] =	stream.indirect.scatter [tilespmem:s16], [sflag:$0x3], $0x80, s15, s14, $0xb8;
	[tilespmem:$0x1E280] =	vst v63  }
0x33: {  	_ =	swait.ge [sflag:s17], $0x2800  }
0x34: {  	[sflag:s17] =	ssyncset.done $0x0  }
0x35: {  	[sflag:s17] =	ssyncadd.s32 $0xFFFFD800  }
0x36: {  	s28 =	sadd.s32 $0xFFFFFFE2, s12;
	[bflag:$0x0] =	sbarrier.arrive $0xFFFF  }
0x37: {  	[tilespmem:s2], [sflag:$0x1] =	stream.linear.gather [hbm4b:s28+s2], $0x50, $0x38;
	[tilespmem:$0x1E280] =	vst v63  }
0x38: {  	s28 =	sadd.s32 $0xFFFFFFEC, s12  }
0x39: {  	[tilespmem:s18], [sflag:$0x1] =	stream.linear.gather [hbm4b:s28+s2], $0x50, $0x38;
	[tilespmem:$0x1E280] =	vst v63  }
0x3a: {  	s28 =	sadd.s32 $0xFFFFFFF6, s12  }
0x3b: {  	[tilespmem:s19], [sflag:$0x1] =	stream.linear.gather [hbm4b:s28+s2], $0x50, $0x38;
	[tilespmem:$0x1E280] =	vst v63  }
0x3c: {  	_ = 	snop  }
0x3d: {  	[tilespmem:s20], [sflag:$0x1] =	stream.linear.gather [hbm4b:s12+s2], $0x50, $0x38;
	[tilespmem:$0x1E280] =	vst v63  }
0x3e: {  	s28 =	sadd.s32 $0x0, s11  }
0x3f: {  	[tilespmem:s16], [sflag:$0x2] =	stream.linear.gather [hbm4b:s28+s2], $0x2800, $0x38;
	[tilespmem:$0x1E280] =	vst v63  }
0x40: {  	s29 =	sadd.s32 $0x500, s28  }
0x41: {  	[tilespmem:s21], [sflag:$0x2] =	stream.linear.gather [hbm4b:s29+s2], $0x2800, $0x38;
	[tilespmem:$0x1E280] =	vst v63  }
0x42: {  	s29 =	sadd.s32 $0xA00, s28  }
0x43: {  	[tilespmem:s22], [sflag:$0x2] =	stream.linear.gather [hbm4b:s29+s2], $0x2800, $0x38;
	[tilespmem:$0x1E280] =	vst v63  }
0x44: {  	s28 =	sadd.s32 $0xF00, s28  }
0x45: {  	[tilespmem:s23], [sflag:$0x2] =	stream.linear.gather [hbm4b:s28+s2], $0x2800, $0x38;
	[tilespmem:$0x1E280] =	vst v63  }
0x46: {  	_ =	swait.ge [sflag:s24], $0x2800  }
0x47: {  	[sflag:s24] =	ssyncset.done $0x0  }
0x48: {  	[sflag:s24] =	ssyncadd.s32 $0xFFFFD800  }
0x49: {  	_ =	swait.ge [sflag:s24], $0x2800  }
0x4a: {  	[sflag:s24] =	ssyncset.done $0x0  }
0x4b: {  	[sflag:s24] =	ssyncadd.s32 $0xFFFFD800  }
0x4c: {  	_ =	swait.ge [sflag:s24], $0x2800  }
0x4d: {  	[sflag:s24] =	ssyncset.done $0x0  }
0x4e: {  	[sflag:s24] =	ssyncadd.s32 $0xFFFFD800  }
0x4f: {  	_ =	swait.ge [sflag:s24], $0x2800  }
0x50: {  	[sflag:s24] =	ssyncset.done $0x0  }
0x51: {  	[sflag:s24] =	ssyncadd.s32 $0xFFFFD800  }
0x52: {  	_ =	swait.ge [sflag:s25], $0x50  }
0x53: {  	[sflag:s25] =	ssyncset.done $0x0  }
0x54: {  	[sflag:s25] =	ssyncadd.s32 $0xFFFFFFB0  }
0x55: {  	_ =	swait.ge [sflag:s25], $0x50  }
0x56: {  	[sflag:s25] =	ssyncset.done $0x0  }
0x57: {  	[sflag:s25] =	ssyncadd.s32 $0xFFFFFFB0  }
0x58: {  	_ =	swait.ge [sflag:s25], $0x50  }
0x59: {  	[sflag:s25] =	ssyncset.done $0x0  }
0x5a: {  	[sflag:s25] =	ssyncadd.s32 $0xFFFFFFB0  }
0x5b: {  	_ =	swait.ge [sflag:s25], $0x50  }
0x5c: {  	[sflag:s25] =	ssyncset.done $0x0  }
0x5d: {  	[sflag:s25] =	ssyncadd.s32 $0xFFFFFFB0  }
0x5e: {  	[spmem:s1] =	stream.indirect.scatter.add.f32 [tilespmem:s16], [sflag:$0x2], $0x80, s2, s14, $0xb8;
	[tilespmem:$0x1E280] =	vst v63  }
0x5f: {  	_ = 	snop  }
0x60: {  	[spmem:s1] =	stream.indirect.scatter.add.f32 [tilespmem:s21], [sflag:$0x2], $0x80, s18, s14, $0xb8;
	[tilespmem:$0x1E280] =	vst v63  }
0x61: {  	_ = 	snop  }
0x62: {  	[spmem:s1] =	stream.indirect.scatter.add.f32 [tilespmem:s22], [sflag:$0x2], $0x80, s19, s14, $0xb8;
	[tilespmem:$0x1E280] =	vst v63  }
0x63: {  	_ = 	snop  }
0x64: {  	[spmem:s1] =	stream.indirect.scatter.add.f32 [tilespmem:s23], [sflag:$0x2], $0x80, s20, s14, $0xb8;
	[tilespmem:$0x1E280] =	vst v63  }
0x65: {  	_ =	swait.ge [sflag:s24], $0x2800  }
0x66: {  	[sflag:s24] =	ssyncset.done $0x0  }
0x67: {  	[sflag:s24] =	ssyncadd.s32 $0xFFFFD800  }
0x68: {  	_ =	swait.ge [sflag:s24], $0x2800  }
0x69: {  	[sflag:s24] =	ssyncset.done $0x0  }
0x6a: {  	[sflag:s24] =	ssyncadd.s32 $0xFFFFD800  }
0x6b: {  	_ =	swait.ge [sflag:s24], $0x2800  }
0x6c: {  	[sflag:s24] =	ssyncset.done $0x0  }
0x6d: {  	[sflag:s24] =	ssyncadd.s32 $0xFFFFD800  }
0x6e: {  	s30 =	simm.s32 $0x2800;
	_ =	swait.ge [sflag:s24], $0x2800  }
0x6f: {  	s29 =	sadd.s32 $0x28, s12;
	s28 =	simm.s32 $0x1400;
	[sflag:s24] =	ssyncset.done $0x0  }
.LBB2_6:
0x70: {  	p1 =	sne.s32 s30, $0x4C400;
	s31 =	sadd.s32 $0xFFFFFFE2, s29;
	[sflag:s24] =	ssyncadd.s32 $0xFFFFD800  }
0x71: {  	[tilespmem:s2], [sflag:$0x1] =	stream.linear.gather [hbm4b:s31+s2], $0x50, $0x38;
	[tilespmem:$0x1E280] =	vst v63  }
0x72: {  	s0 =	smov.u32 s30;
	s30 =	sadd.s32 $0x1400, s30;
	s31 =	sadd.s32 $0xFFFFFFEC, s29  }
0x73: {  	[tilespmem:s18], [sflag:$0x1] =	stream.linear.gather [hbm4b:s31+s2], $0x50, $0x38;
	[tilespmem:$0x1E280] =	vst v63  }
0x74: {  	s31 =	sadd.s32 $0xFFFFFFF6, s29  }
0x75: {  	[tilespmem:s19], [sflag:$0x1] =	stream.linear.gather [hbm4b:s31+s2], $0x50, $0x38;
	[tilespmem:$0x1E280] =	vst v63  }
0x76: {  	_ = 	snop  }
0x77: {  	[tilespmem:s20], [sflag:$0x1] =	stream.linear.gather [hbm4b:s29+s2], $0x50, $0x38;
	[tilespmem:$0x1E280] =	vst v63  }
0x78: {  	s31 =	sadd.s32 s28, s11;
	s28 =	smov.u32 s0  }
0x79: {  	[tilespmem:s16], [sflag:$0x2] =	stream.linear.gather [hbm4b:s31+s2], $0x2800, $0x38;
	[tilespmem:$0x1E280] =	vst v63  }
0x7a: {  	s0 =	sadd.s32 $0x500, s31  }
0x7b: {  	[tilespmem:s21], [sflag:$0x2] =	stream.linear.gather [hbm4b:s0+s2], $0x2800, $0x38;
	[tilespmem:$0x1E280] =	vst v63  }
0x7c: {  	s0 =	sadd.s32 $0xA00, s31  }
0x7d: {  	[tilespmem:s22], [sflag:$0x2] =	stream.linear.gather [hbm4b:s0+s2], $0x2800, $0x38;
	[tilespmem:$0x1E280] =	vst v63  }
0x7e: {  	s0 =	sadd.s32 $0xF00, s31  }
0x7f: {  	[tilespmem:s23], [sflag:$0x2] =	stream.linear.gather [hbm4b:s0+s2], $0x2800, $0x38;
	[tilespmem:$0x1E280] =	vst v63  }
0x80: {  	_ =	swait.ge [sflag:s24], $0x2800  }
0x81: {  	[sflag:s24] =	ssyncset.done $0x0  }
0x82: {  	[sflag:s24] =	ssyncadd.s32 $0xFFFFD800  }
0x83: {  	_ =	swait.ge [sflag:s24], $0x2800  }
0x84: {  	[sflag:s24] =	ssyncset.done $0x0  }
0x85: {  	[sflag:s24] =	ssyncadd.s32 $0xFFFFD800  }
0x86: {  	_ =	swait.ge [sflag:s24], $0x2800  }
0x87: {  	[sflag:s24] =	ssyncset.done $0x0  }
0x88: {  	[sflag:s24] =	ssyncadd.s32 $0xFFFFD800  }
0x89: {  	_ =	swait.ge [sflag:s24], $0x2800  }
0x8a: {  	[sflag:s24] =	ssyncset.done $0x0  }
0x8b: {  	[sflag:s24] =	ssyncadd.s32 $0xFFFFD800  }
0x8c: {  	_ =	swait.ge [sflag:s25], $0x50  }
0x8d: {  	[sflag:s25] =	ssyncset.done $0x0  }
0x8e: {  	[sflag:s25] =	ssyncadd.s32 $0xFFFFFFB0  }
0x8f: {  	_ =	swait.ge [sflag:s25], $0x50  }
0x90: {  	[sflag:s25] =	ssyncset.done $0x0  }
0x91: {  	[sflag:s25] =	ssyncadd.s32 $0xFFFFFFB0  }
0x92: {  	_ =	swait.ge [sflag:s25], $0x50  }
0x93: {  	[sflag:s25] =	ssyncset.done $0x0  }
0x94: {  	[sflag:s25] =	ssyncadd.s32 $0xFFFFFFB0  }
0x95: {  	_ =	swait.ge [sflag:s25], $0x50  }
0x96: {  	[sflag:s25] =	ssyncset.done $0x0  }
0x97: {  	[sflag:s25] =	ssyncadd.s32 $0xFFFFFFB0  }
0x98: {  	[spmem:s1] =	stream.indirect.scatter.add.f32 [tilespmem:s16], [sflag:$0x2], $0x80, s2, s14, $0xb8;
	[tilespmem:$0x1E280] =	vst v63  }
0x99: {  	_ = 	snop  }
0x9a: {  	[spmem:s1] =	stream.indirect.scatter.add.f32 [tilespmem:s21], [sflag:$0x2], $0x80, s18, s14, $0xb8;
	[tilespmem:$0x1E280] =	vst v63  }
0x9b: {  	_ = 	snop  }
0x9c: {  	[spmem:s1] =	stream.indirect.scatter.add.f32 [tilespmem:s22], [sflag:$0x2], $0x80, s19, s14, $0xb8;
	[tilespmem:$0x1E280] =	vst v63  }
0x9d: {  	_ = 	snop  }
0x9e: {  	[spmem:s1] =	stream.indirect.scatter.add.f32 [tilespmem:s23], [sflag:$0x2], $0x80, s20, s14, $0xb8;
	[tilespmem:$0x1E280] =	vst v63  }
0x9f: {  	_ =	swait.ge [sflag:s24], $0x2800  }
0xa0: {  	[sflag:s24] =	ssyncset.done $0x0  }
0xa1: {  	[sflag:s24] =	ssyncadd.s32 $0xFFFFD800  }
0xa2: {  	_ =	swait.ge [sflag:s24], $0x2800  }
0xa3: {  	[sflag:s24] =	ssyncset.done $0x0  }
0xa4: {  	[sflag:s24] =	ssyncadd.s32 $0xFFFFD800  }
.Ltmp2:
0xa5: {  	_ =	swait.ge [sflag:s24], $0x2800;
	(pc) =	sbr.rel @p1 .LBB2_6-.Ltmp2, $4  }
0xa6: {  	[sflag:s24] =	ssyncset.done $0x0  }
0xa7: {  	[sflag:s24] =	ssyncadd.s32 $0xFFFFD800  }
0xa8: {  	_ =	swait.ge [sflag:s24], $0x2800  }
0xa9: {  	s29 =	sadd.s32 $0x28, s29;
	[sflag:s24] =	ssyncset.done $0x0  }
0xaa: {  	s0 =	sadd.s32 $0xFFFFFFE2, s29;
	[sflag:s24] =	ssyncadd.s32 $0xFFFFD800  }
0xab: {  	[tilespmem:s2], [sflag:$0x1] =	stream.linear.gather [hbm4b:s0+s2], $0x50, $0x38;
	[tilespmem:$0x1E280] =	vst v63  }
0xac: {  	s3 =	sadd.s32 $0xFFFFFFEC, s29  }
0xad: {  	[tilespmem:s18], [sflag:$0x1] =	stream.linear.gather [hbm4b:s3+s2], $0x50, $0x38;
	[tilespmem:$0x1E280] =	vst v63  }
0xae: {  	s3 =	sadd.s32 $0xFFFFFFF6, s29  }
0xaf: {  	[tilespmem:s19], [sflag:$0x1] =	stream.linear.gather [hbm4b:s3+s2], $0x50, $0x38;
	[tilespmem:$0x1E280] =	vst v63  }
0xb0: {  	_ = 	snop  }
0xb1: {  	[tilespmem:s20], [sflag:$0x1] =	stream.linear.gather [hbm4b:s29+s2], $0x50, $0x38;
	[tilespmem:$0x1E280] =	vst v63  }
0xb2: {  	s3 =	sadd.s32 s28, s11  }
0xb3: {  	[tilespmem:s16], [sflag:$0x2] =	stream.linear.gather [hbm4b:s3+s2], $0x2800, $0x38;
	[tilespmem:$0x1E280] =	vst v63  }
0xb4: {  	s28 =	sadd.s32 $0x500, s3  }
0xb5: {  	[tilespmem:s21], [sflag:$0x2] =	stream.linear.gather [hbm4b:s28+s2], $0x2800, $0x38;
	[tilespmem:$0x1E280] =	vst v63  }
0xb6: {  	s28 =	sadd.s32 $0xA00, s3  }
0xb7: {  	[tilespmem:s22], [sflag:$0x2] =	stream.linear.gather [hbm4b:s28+s2], $0x2800, $0x38;
	[tilespmem:$0x1E280] =	vst v63  }
0xb8: {  	s0 =	sadd.s32 $0xF00, s3  }
0xb9: {  	[tilespmem:s23], [sflag:$0x2] =	stream.linear.gather [hbm4b:s0+s2], $0x2800, $0x38;
	[tilespmem:$0x1E280] =	vst v63  }
0xba: {  	_ =	swait.ge [sflag:s24], $0x2800  }
0xbb: {  	[sflag:s24] =	ssyncset.done $0x0  }
0xbc: {  	[sflag:s24] =	ssyncadd.s32 $0xFFFFD800  }
0xbd: {  	_ =	swait.ge [sflag:s24], $0x2800  }
0xbe: {  	[sflag:s24] =	ssyncset.done $0x0  }
0xbf: {  	[sflag:s24] =	ssyncadd.s32 $0xFFFFD800  }
0xc0: {  	_ =	swait.ge [sflag:s24], $0x2800  }
0xc1: {  	[sflag:s24] =	ssyncset.done $0x0  }
0xc2: {  	[sflag:s24] =	ssyncadd.s32 $0xFFFFD800  }
0xc3: {  	_ =	swait.ge [sflag:s24], $0x2800  }
0xc4: {  	[sflag:s24] =	ssyncset.done $0x0  }
0xc5: {  	[sflag:s24] =	ssyncadd.s32 $0xFFFFD800  }
0xc6: {  	_ =	swait.ge [sflag:s25], $0x50  }
0xc7: {  	[sflag:s25] =	ssyncset.done $0x0  }
0xc8: {  	[sflag:s25] =	ssyncadd.s32 $0xFFFFFFB0  }
0xc9: {  	_ =	swait.ge [sflag:s25], $0x50  }
0xca: {  	[sflag:s25] =	ssyncset.done $0x0  }
0xcb: {  	[sflag:s25] =	ssyncadd.s32 $0xFFFFFFB0  }
0xcc: {  	_ =	swait.ge [sflag:s25], $0x50  }
0xcd: {  	[sflag:s25] =	ssyncset.done $0x0  }
0xce: {  	[sflag:s25] =	ssyncadd.s32 $0xFFFFFFB0  }
0xcf: {  	_ =	swait.ge [sflag:s25], $0x50  }
0xd0: {  	[sflag:s25] =	ssyncset.done $0x0  }
0xd1: {  	[sflag:s25] =	ssyncadd.s32 $0xFFFFFFB0  }
0xd2: {  	[spmem:s1] =	stream.indirect.scatter.add.f32 [tilespmem:s16], [sflag:$0x2], $0x80, s2, s14, $0xb8;
	[tilespmem:$0x1E280] =	vst v63  }
0xd3: {  	_ = 	snop  }
0xd4: {  	[spmem:s1] =	stream.indirect.scatter.add.f32 [tilespmem:s21], [sflag:$0x2], $0x80, s18, s14, $0xb8;
	[tilespmem:$0x1E280] =	vst v63  }
0xd5: {  	_ = 	snop  }
0xd6: {  	[spmem:s1] =	stream.indirect.scatter.add.f32 [tilespmem:s22], [sflag:$0x2], $0x80, s19, s14, $0xb8;
	[tilespmem:$0x1E280] =	vst v63  }
0xd7: {  	_ = 	snop  }
0xd8: {  	[spmem:s1] =	stream.indirect.scatter.add.f32 [tilespmem:s23], [sflag:$0x2], $0x80, s20, s14, $0xb8;
	[tilespmem:$0x1E280] =	vst v63  }
0xd9: {  	_ =	swait.ge [sflag:s24], $0x2800  }
0xda: {  	[sflag:s24] =	ssyncset.done $0x0  }
0xdb: {  	[sflag:s24] =	ssyncadd.s32 $0xFFFFD800  }
0xdc: {  	_ =	swait.ge [sflag:s24], $0x2800  }
0xdd: {  	[sflag:s24] =	ssyncset.done $0x0  }
0xde: {  	[sflag:s24] =	ssyncadd.s32 $0xFFFFD800  }
0xdf: {  	_ =	swait.ge [sflag:s24], $0x2800  }
0xe0: {  	[sflag:s24] =	ssyncset.done $0x0  }
0xe1: {  	[sflag:s24] =	ssyncadd.s32 $0xFFFFD800  }
0xe2: {  	_ =	swait.ge [sflag:s24], $0x2800  }
0xe3: {  	[sflag:s24] =	ssyncset.done $0x0  }
0xe4: {  	s3 =	simm.s32 $0x0;
	[sflag:s24] =	ssyncadd.s32 $0xFFFFD800  }
0xe5: {  	[tilespmem:s3], [sflag:$0x1] =	stream.linear.gather [hbm4b:s6+s3], $0x50, $0x38;
	[tilespmem:$0x1E280] =	vst v63  }
0xe6: {  	_ = 	snop  }
0xe7: {  	[tilespmem:s18], [sflag:$0x1] =	stream.linear.gather [hbm4b:s7+s3], $0x50, $0x38;
	[tilespmem:$0x1E280] =	vst v63  }
0xe8: {  	_ = 	snop  }
0xe9: {  	[tilespmem:s16], [sflag:$0x2] =	stream.linear.gather [hbm4b:s9+s3], $0x2800, $0x38;
	[tilespmem:$0x1E280] =	vst v63  }
0xea: {  	_ = 	snop  }
0xeb: {  	[tilespmem:s21], [sflag:$0x2] =	stream.linear.gather [hbm4b:s10+s3], $0x2800, $0x38;
	[tilespmem:$0x1E280] =	vst v63  }
0xec: {  	_ =	swait.ge [sflag:s24], $0x2800  }
0xed: {  	[sflag:s24] =	ssyncset.done $0x0  }
0xee: {  	[sflag:s24] =	ssyncadd.s32 $0xFFFFD800  }
0xef: {  	_ =	swait.ge [sflag:s24], $0x2800  }
0xf0: {  	[sflag:s24] =	ssyncset.done $0x0  }
0xf1: {  	[sflag:s24] =	ssyncadd.s32 $0xFFFFD800  }
0xf2: {  	_ =	swait.ge [sflag:s25], $0x50  }
0xf3: {  	[sflag:s25] =	ssyncset.done $0x0  }
0xf4: {  	[sflag:s25] =	ssyncadd.s32 $0xFFFFFFB0  }
0xf5: {  	_ =	swait.ge [sflag:s25], $0x50  }
0xf6: {  	[sflag:s25] =	ssyncset.done $0x0  }
0xf7: {  	[sflag:s25] =	ssyncadd.s32 $0xFFFFFFB0  }
0xf8: {  	[spmem:s1] =	stream.indirect.scatter.add.f32 [tilespmem:s16], [sflag:$0x2], $0x80, s3, s14, $0xb8;
	[tilespmem:$0x1E280] =	vst v63  }
0xf9: {  	_ = 	snop  }
0xfa: {  	[spmem:s1] =	stream.indirect.scatter.add.f32 [tilespmem:s21], [sflag:$0x2], $0x80, s18, s14, $0xb8;
	[tilespmem:$0x1E280] =	vst v63  }
0xfb: {  	_ =	swait.ge [sflag:s24], $0x2800  }
0xfc: {  	[sflag:s24] =	ssyncset.done $0x0  }
0xfd: {  	[sflag:s24] =	ssyncadd.s32 $0xFFFFD800  }
0xfe: {  	_ =	swait.ge [sflag:s24], $0x2800  }
0xff: {  	[sflag:s24] =	ssyncset.done $0x0  }
0x100: {  	s3 =	sadd.s32 $0x0, s5;
	[sflag:s24] =	ssyncadd.s32 $0xFFFFD800  }
0x101: {  	v2 =	vor.u32 s3, v1;
	s29 =	sadd.s32 $0x40, s3;
	[bflag:$0x0] =	sbarrier.arrive $0xFFFF  }
0x102: {  	s28 =	sadd.s32 $0x10, s3;
	v3 =	vor.u32 s29, v1;
	[tilespmem:$0xA200] =	vst v2  }
0x103: {  	v2 =	vor.u32 s28, v1;
	s28 =	sadd.s32 $0x30, s3;
	[tilespmem:$0xA240] =	vst v3  }
0x104: {  	s0 =	sadd.s32 $0x20, s3;
	[tilespmem:$0xA210] =	vst v2;
	v2 =	vor.u32 s28, v1  }
0x105: {  	[tilespmem:$0xA230] =	vst v2;
	v2 =	vor.u32 s0, v1  }
0x106: {  	[tilespmem:$0xA220] =	vst v2  }
0x107: {  	[tilespmem:s16], [sflag:$0x1] =	stream.indirect.gather [spmem:s1], $0x80, s15, s14, $0xb8;
	[tilespmem:$0x1E280] =	vst v63  }
0x108: {  	s30 =	sadd.s32 $0x500, s13;
	_ =	swait.ge [sflag:s25], $0x2800  }
0x109: {  	s31 =	sadd.s32 s13, s4;
	s28 =	simm.s32 @!p0 $0x4;
	[sflag:s25] =	ssyncset.done $0x0  }
0x10a: {  	s29 =	simm.s32 $0x50;
	s28 =	simm.s32 @p0 $0x3;
	[sflag:s25] =	ssyncadd.s32 $0xFFFFD800  }
.LBB2_8:
0x10b: {  	[hbm4b:s31+s2] =	stream.linear.scatter [tilespmem:s16], [sflag:s28], $0x2800, $0x38;
	[tilespmem:$0x1E280] =	vst v63  }
0x10c: {  	s0 =	smov.u32 s29;
	s29 =	sadd.s32 $0x50, s29;
	_ =	swait.ge [sflag:s28], $0x2800  }
0x10d: {  	s0 =	sadd.s32 s0, s5;
	p1 =	sne.s32 s29, $0x280;
	[sflag:s28] =	ssyncset.done $0x0  }
0x10e: {  	v2 =	vor.u32 s0, v1;
	s31 =	sadd.s32 $0x10, s0;
	s3 =	sadd.s32 $0x20, s0;
	[sflag:s28] =	ssyncadd.s32 $0xFFFFD800  }
0x10f: {  	v3 =	vor.u32 s3, v1;
	s3 =	sadd.s32 $0x30, s0;
	s0 =	sadd.s32 $0x40, s0;
	[tilespmem:$0xA200] =	vst v2;
	v2 =	vor.u32 s31, v1;
	s31 =	smov.u32 s30  }
0x110: {  	v4 =	vor.u32 s0, v1;
	[tilespmem:$0xA210] =	vst v2;
	v2 =	vor.u32 s3, v1  }
0x111: {  	[tilespmem:$0xA230] =	vst v2  }
0x112: {  	[tilespmem:$0xA240] =	vst v4  }
.Ltmp3:
0x113: {  	[tilespmem:$0xA220] =	vst v3;
	(pc) =	sbr.rel @p1 .LBB2_8-.Ltmp3, $4  }
0x114: {  	[tilespmem:s16], [sflag:$0x1] =	stream.indirect.gather [spmem:s1], $0x80, s15, s14, $0xb8;
	[tilespmem:$0x1E280] =	vst v63  }
0x115: {  	_ =	swait.ge [sflag:s25], $0x2800  }
0x116: {  	s30 =	sadd.s32 $0x500, s30;
	[sflag:s25] =	ssyncset.done $0x0  }
0x117: {  	s31 =	sadd.s32 s31, s4;
	[sflag:s25] =	ssyncadd.s32 $0xFFFFD800  }
0x118: {  	s26 =	sadd.s32 $0x1, s26  }
0x119: {  	p1 =	sne.s32 s26, s8  }
.Ltmp4:
0x11a: {  	_ = 	snop;
	(pc) =	sbr.rel @p1 .LBB2_1-.Ltmp4, $4  }
0x11b: {  	[hbm4b:s31+s2] =	stream.linear.scatter [tilespmem:s16], [sflag:s28], $0x2800, $0x38;
	[tilespmem:$0x1E280] =	vst v63  }
0x11c: {  	_ =	swait.ge [sflag:s28], $0x2800  }
0x11d: {  	[sflag:s28] =	ssyncset.done $0x0  }
0x11e: {  	[sflag:s28] =	ssyncadd.s32 $0xFFFFD800  }
0x11f: {  	_ =	sfence.sel $0x180000  }
0x120: {  	[bflag:$0x0] =	sbarrier.arrive $0xFFFF  }
0x121: {  	_ =	strace $0x9000004A  }
0x122: {  	s0 =	stileid.u32;
	[bflag:$0x2] =	sbarrier.arrive $0xFFFF  }
0x123: {  	p0 =	sne.s32 s0, $0x0;
	s0 =	rddreg [dreg:$0x2]  }
0x124: {  	s0 =	sadd.s32 @!p0 $0x100000, s0  }
0x125: {  	[sflag:s0] =	ssyncadd.tile.s32 @!p0 $0x1;
	_ =	shalt  }
.Lfunc_end2:
_tile_overlayer_lowered:
.L_overlay_start_2:
0x126: {  	(tag) =	ssettag $0x2  }
0x127: {  	s0 =	rddreg [dreg:$0x0];
	s2 =	stileid.u32  }
0x128: {  	s1 =	rddreg [dreg:$0x1];
	p0 =	sne.s32 s2, $0x0  }
0x129: {  	s3 =	rddreg [dreg:$0x2];
	[bflag:$0x3] =	sbarrier.arrive $0xFFFF;
	s2 =	simm.s32 @!p0 $0x1C03  }
0x12a: {  	[timem:s3], [sflag:s2] =	dma.local @!p0 [hbm:s0], s1  }
0x12b: {  	s0 =	simm.s32 @!p0 $0x3  }
0x12c: {  	_ =	swait.ge @!p0 [sflag:s0], s1  }
0x12d: {  	s1 =	ssub.s32 @!p0 $0x0, s1;
	[sflag:s0] =	ssyncset.done @!p0 $0x0  }
0x12e: {  	[sflag:s0] =	ssyncadd.s32 @!p0 s1  }
0x12f: {  	[bflag:$0x3] =	sbarrier.arrive $0xFFFF  }
0x130: {  	_ =	shalt  }

// kernel: kernel.14.cloned.1.call-start
scs
__scs_entry_jumppad:
0x0: {  	(pc) =	sbr.rel $0x88, $3  }
0x1: {  	(tag) =	ssettag $0x0;
	lr =	simm.s32 $0x1  }
0x2: {  	[smem:$0x3F83] =	sst lr;
	_ =	strace $0xD0000000  }
0x3: {  	_ = 	snop  }
0x4: {  	_ = 	snop  }
0x5: {  	_ = 	snop  }
0x6: {  	_ = 	snop  }
0x7: {  	_ = 	snop  }
__scs_overlays_trampoline_lowered:
0x8: {  	[smem:$0x3F92] =	sst s0  }
0x9: {  	[smem:$0x3F93] =	sst s1  }
0xa: {  	[smem:$0x3F94] =	sst s2  }
0xb: {  	[smem:$0x3F95] =	sst s3  }
0xc: {  	[smem:$0x3F96] =	sst s4  }
0xd: {  	[smem:$0x3F97] =	sst s5  }
0xe: {  	[smem:$0x3F98] =	sst s6  }
0xf: {  	[smem:$0x3F99] =	sst s7  }
0x10: {  	[smem:$0x3F9A] =	sst s8  }
0x11: {  	[smem:$0x3F9B] =	sst s9;
	s0 =	simm.s32 @!p0 $0x0  }
0x12: {  	s1 =	sld [smem:$0x3F81];
	s0 =	simm.s32 @p0 $0x1  }
0x13: {  	[smem:$0x3F9C] =	sst s0;
	s0 =	simm.s32 @!p1 $0x0  }
0x14: {  	s2 =	sld [smem:$0x3F80];
	s0 =	simm.s32 @p1 $0x1  }
0x15: {  	[smem:$0x3F9D] =	sst s0;
	s0 =	simm.s32 @!p2 $0x0  }
0x16: {  	s3 =	sld [smem:$0x3FDB];
	s0 =	simm.s32 @p2 $0x1  }
0x17: {  	s4 =	simm.s32 $0x1BF5;
	[smem:$0x3F9F] =	sst s0  }
0x18: {  	s0 =	sld [smem:$0x3F82];
	_ =	swait.ge [sflag:s4], $0x0  }
0x19: {  	s7 =	sld [smem:$0x3F83]  }
0x1a: {  	s8 =	sadd.s32 $0xFFFFE003, lr  }
0x1b: {  	s9 =	sadd.s32 $0xFFFFFEF7, lr;
	s5 =	simm.s32 $0xFFFFFFFF;
	p2 =	slt.u32 s8, $0xFFFFF086  }
0x1c: {  	p1 =	slt.u32 s9, $0xF7A;
	s5 =	simm.s32 @!p2 $0x0  }
0x1d: {  	s5 =	simm.s32 @p1 $0x1;
	p0 =	seq.s32 s7, s2  }
0x1e: {  	s7 =	smul.u32 @!p0 $0xF7A, s2;
	p2 =	seq.s32 @!p0 s5, $0x0  }
0x1f: {  	s9 =	smul.u32 $0xF7A, s1;
	s8 =	simm.s32 @!p0 $0x1BF5;
	p2 =	por !p2, p0  }
0x20: {  	[sflag:s8] =	ssyncset.s32 @!p0 $0xFFFFF086;
	s6 =	sadd.s32 @!p0 s3, s7;
	s7 =	simm.s32 @!p0 $0x108  }
0x21: {  	s3 =	sadd.s32 s3, s9;
	s6 =	sadd.s32 @!p0 $0x88, s6;
	s7 =	simm.s32 @p2 $0x1082  }
0x22: {  	[simem:s7], [sflag:s8] =	dma.local @!p0 [hbm:s6], $0xF7A  }
0x23: {  	s9 =	sor.u32 $0xD0000000, s2;
	s6 =	simm.s32 $0x108;
	_ =	swait.ge @!p0 [sflag:s8], $0x0  }
0x24: {  	s3 =	sadd.s32 $0x88, s3;
	s6 =	simm.s32 @!p1 $0x1082;
	[sflag:s4] =	ssyncset.s32 $0xFFFFF086  }
0x25: {  	[simem:s6], [sflag:s4] =	dma.local [hbm:s3], $0xF7A  }
0x26: {  	[smem:$0x3F83] =	sst s1;
	(tag) =	ssettag s2;
	_ =	strace s9  }
0x27: {  	s1 =	sld [smem:$0x3F93]  }
0x28: {  	s2 =	sld [smem:$0x3F94]  }
0x29: {  	s4 =	sld [smem:$0x3F96]  }
0x2a: {  	p0 =	seq.s32 s5, $0x0;
	s5 =	sld [smem:$0x3F97]  }
0x2b: {  	s6 =	sld [smem:$0x3F98]  }
0x2c: {  	s7 =	sld [smem:$0x3F99]  }
0x2d: {  	s3 =	simm.s32 $0x108;
	s8 =	sld [smem:$0x3F9A]  }
0x2e: {  	s3 =	simm.s32 @!p0 $0x1082;
	s9 =	sld [smem:$0x3F9B]  }
0x2f: {  	lr =	sadd.s32 s0, s3;
	s0 =	sld [smem:$0x3F92]  }
0x30: {  	s3 =	sld [smem:$0x3F95]  }
0x31: {  	[smem:$0x3F9E] =	sst s10  }
0x32: {  	s10 =	sld [smem:$0x3F9C];
	_ =	sdelay $0x3  }
0x33: {  	p0 =	seq.s32 s10, $0x1;
	s10 =	sld [smem:$0x3F9E];
	_ =	sdelay $0x3  }
0x34: {  	[smem:$0x3F9E] =	sst s10  }
0x35: {  	s10 =	sld [smem:$0x3F9D];
	_ =	sdelay $0x3  }
0x36: {  	p1 =	seq.s32 s10, $0x1;
	s10 =	sld [smem:$0x3F9E];
	_ =	sdelay $0x3  }
0x37: {  	[smem:$0x3F9E] =	sst s10  }
0x38: {  	s10 =	sld [smem:$0x3F9F]  }
0x39: {  	_ = 	snop;
	(pc) =	sbr.ind lr, $3  }
0x3a: {  	_ = 	snop  }
0x3b: {  	_ = 	snop  }
0x3c: {  	p2 =	seq.s32 s10, $0x1;
	s10 =	sld [smem:$0x3F9E]  }
0x3d: {  	_ =	shalt  }
0x3e: {  	_ =	shalt  }
0x3f: {  	_ =	shalt  }
0x40: {  	_ =	shalt  }
0x41: {  	_ =	shalt  }
0x42: {  	_ =	shalt  }
0x43: {  	_ =	shalt  }
0x44: {  	_ =	shalt  }
0x45: {  	_ =	shalt  }
0x46: {  	_ =	shalt  }
0x47: {  	_ =	shalt  }
0x48: {  	_ =	shalt  }
0x49: {  	_ =	shalt  }
0x4a: {  	_ =	shalt  }
0x4b: {  	_ =	shalt  }
0x4c: {  	_ =	shalt  }
0x4d: {  	_ =	shalt  }
0x4e: {  	_ =	shalt  }
0x4f: {  	_ =	shalt  }
0x50: {  	_ =	shalt  }
0x51: {  	_ =	shalt  }
0x52: {  	_ =	shalt  }
0x53: {  	_ =	shalt  }
0x54: {  	_ =	shalt  }
0x55: {  	_ =	shalt  }
0x56: {  	_ =	shalt  }
0x57: {  	_ =	shalt  }
0x58: {  	_ =	shalt  }
0x59: {  	_ =	shalt  }
0x5a: {  	_ =	shalt  }
0x5b: {  	_ =	shalt  }
0x5c: {  	_ =	shalt  }
0x5d: {  	_ =	shalt  }
0x5e: {  	_ =	shalt  }
0x5f: {  	_ =	shalt  }
0x60: {  	_ =	shalt  }
0x61: {  	_ =	shalt  }
0x62: {  	_ =	shalt  }
0x63: {  	_ =	shalt  }
0x64: {  	_ =	shalt  }
0x65: {  	_ =	shalt  }
0x66: {  	_ =	shalt  }
0x67: {  	_ =	shalt  }
0x68: {  	_ =	shalt  }
0x69: {  	_ =	shalt  }
0x6a: {  	_ =	shalt  }
0x6b: {  	_ =	shalt  }
0x6c: {  	_ =	shalt  }
0x6d: {  	_ =	shalt  }
0x6e: {  	_ =	shalt  }
0x6f: {  	_ =	shalt  }
0x70: {  	_ =	shalt  }
0x71: {  	_ =	shalt  }
0x72: {  	_ =	shalt  }
0x73: {  	_ =	shalt  }
0x74: {  	_ =	shalt  }
0x75: {  	_ =	shalt  }
0x76: {  	_ =	shalt  }
0x77: {  	_ =	shalt  }
0x78: {  	_ =	shalt  }
0x79: {  	_ =	shalt  }
0x7a: {  	_ =	shalt  }
0x7b: {  	_ =	shalt  }
0x7c: {  	_ =	shalt  }
0x7d: {  	_ =	shalt  }
0x7e: {  	_ =	shalt  }
0x7f: {  	_ =	shalt  }
0x80: {  	_ =	shalt  }
0x81: {  	_ =	shalt  }
0x82: {  	_ =	shalt  }
0x83: {  	_ =	shalt  }
0x84: {  	_ =	shalt  }
0x85: {  	_ =	shalt  }
0x86: {  	_ =	shalt  }
0x87: {  	_ =	shalt  }
.Lfunc_end0:
.L_simem_size_0:
called_computation.2_lowered:
.L_overlay_start_0:
0x88: {  	s0 =	sld [smem:$0x3FD9]  }
0x89: {  	s1 =	sld [smem:$0x3FFE];
	_ =	sdelay $0x3  }
0x8a: {  	s0 =	sadd.s32 s1, s0  }
0x8b: {  	[smem:$0x3FAA] =	sst s0  }
0x8c: {  	_ = 	snop  }
0x8d: {  	(tm) =	ssettm $0x1  }
0x8e: {  	s15 =	sld [smem:$0x3FFB];
	_ =	sdelay $0x3  }
0x8f: {  	_ =	strace s15  }
0x90: {  	s0 =	sld [smem:$0x3FFC];
	_ =	sdelay $0x3  }
0x91: {  	_ =	strace s0  }
0x92: {  	s0 =	sld [smem:$0x3FFD];
	_ =	sdelay $0x3  }
0x93: {  	_ =	strace s0  }
0x94: {  	_ =	strace $0x8FFFFFFF  }
0x95: {  	s16 =	sld [smem:$0x3FDB];
	_ =	sdelay $0x1  }
0x96: {  	s17 =	simm.s32 $_scs_section_size  }
0x97: {  	s2 =	simm.s32 $_size__tile_overlayer_lowered;
	s3 =	simm.s32 $_tile_overlayer_lowered  }
0x98: {  	s20 =	simm.s32 $0x1BFF;
	s19 =	sshll.u32 s3, $0x1;
	s0 =	sadd.s32 s17, s16  }
0x99: {  	s4 =	simm.s32 $0x0;
	s18 =	sshll.u32 s2, $0x1;
	s2 =	sadd.s32 s19, s0  }
0x9a: {  	[timem:s4], [sflag:s20] =	dma.local [hbm:s2], s18  }
0x9b: {  	_ =	swait.ge [sflag:s20], s18  }
0x9c: {  	s1 =	ssub.s32 $0x0, s18;
	[sflag:s20] =	ssyncset.done $0x0  }
0x9d: {  	[sflag:s20] =	ssyncadd.s32 s1;
	_ =	sdelay $0x1  }
0x9e: {  	s21 =	simm.s32 $0x1B8B  }
0x9f: {  	_ =	swait.ge [sflag:s21], $0x1  }
0xa0: {  	[sflag:s21] =	ssyncset.done $0x0  }
0xa1: {  	s23 =	simm.s32 $0x1B8E;
	s22 =	sld [smem:$0x3FFE];
	[sflag:s21] =	ssyncadd.s32 $0xFFFFFFFF  }
0xa2: {  	s24 =	simm.s32 $execute0_lowered;
	[smem:$0x3FD2] =	sst s23  }
0xa3: {  	s2 =	sshll.u32 s24, $0x1;
	_ =	strace $0x8000004C;
	[dreg:$0x1] =	wrdreg $0xFFFFFFFF  }
0xa4: {  	s25 =	simm.s32 $_size_execute0_lowered;
	s0 =	sadd.s32 s0, s2;
	[dreg:$0x0] =	wrdreg $0x0  }
0xa5: {  	s2 =	sshll.u32 s25, $0x1;
	[dreg:$0x2] =	wrdreg s0  }
0xa6: {  	[dreg:$0x3] =	wrdreg s2  }
0xa7: {  	[dreg:$0x4] =	wrdreg $0xC0  }
0xa8: {  	_ =	task [dreg:s4], $0x5FFFF  }
0xa9: {  	[dreg:$0x1] =	wrdreg $0xFFFFFFFF  }
0xaa: {  	[dreg:$0x0] =	wrdreg $0x60  }
0xab: {  	[dreg:$0x2] =	wrdreg s22  }
0xac: {  	[dreg:$0x3] =	wrdreg $0xA2800  }
0xad: {  	[dreg:$0x4] =	wrdreg $0xA  }
0xae: {  	_ =	task.clear_ibuf [dreg:s4], $0x5FFFF;
	_ =	strace $0x9000004C  }
0xaf: {  	s26 =	simm.s32 $0xA;
	_ =	strace $0x8000004E  }
0xb0: {  	_ =	swait.ge [sflag:s26], $0x1  }
0xb1: {  	[sflag:s26] =	ssyncadd.s32 $0xFFFFFFFF  }
0xb2: {  	_ =	strace $0x9000004E  }
0xb3: {  	_ =	sfence  }
0xb4: {  	s28 =	sld [smem:$0x0];
	_ =	sdelay $0x1  }
0xb5: {  	s29 =	srdreg.scid  }
0xb6: {  	s30 =	sshll.u32 s29, $0xD;
	s31 =	sshrl.u32 s29, $0x2  }
0xb7: {  	s1 =	sand.u32 $0x1, s29;
	s2 =	sand.u32 $0x4000, s30;
	s0 =	sadd.s32 s31, s28  }
0xb8: {  	s1 =	sor.u32 s2, s1;
	s0 =	sshll.u32 s0, $0x11  }
0xb9: {  	s0 =	sor.u32 s0, s1  }
0xba: {  	s0 =	sadd.s32 $0x8F2B, s0  }
0xbb: {  	[sflag:s0] =	ssyncadd.remote.s32 $0x1  }
0xbc: {  	_ =	sfence.sel $0xFFFF  }
0xbd: {  	[dreg:$0x0] =	wrdreg $0xFFFFFFFF;
	(pc) =	sbr.abs _section_cstart, $3  }
0xbe: {  	[dreg:$0x1] =	wrdreg $0xFFFFFFFF  }
0xbf: {  	_ =	task.clear_ibuf [dreg:s4], $0x2FFFF;
	_ =	strace $0x9FFFFFFF  }
0xc0: {  	(tm) =	ssettm $0x7FFFFFFF  }
0xc1: {  	_ =	shalt  }
tec
execute0_lowered:
.L_overlay_start_1:
0x0: {  	(tag) =	ssettag $0x1  }
0x1: {  	s1 =	rddreg [dreg:$0x0]  }
0x2: {  	s2 =	rddreg [dreg:$0x1]  }
0x3: {  	s0 =	rddreg [dreg:$0x2];
	s3 =	simm.s32 $0x0  }
0x4: {  	s7 =	simm.s32 $0x0;
	[smem:$0x7FF] =	sst s3  }
0x5: {  	s5 =	sadd.s32 $0x18D5400, s1;
	s6 =	sadd.s32 $0xF000, s1;
	s4 =	sadd.s32 $0x6CE00, s1  }
0x6: {  	v1 =	vimm.f32 $0.0e+00;
	s1 =	stileid.u32;
	s3 =	simm.s32 $0x200;
	_ =	strace $0x8000004D  }
.LBB2_1:
0x7: {  	p0 =	sne.s32 s3, $0x9E00;
	[tilespmem:s7+$0x270] =	vst v1  }
0x8: {  	[tilespmem:s7+$0x200] =	vst v1  }
0x9: {  	[tilespmem:s7+$0x210] =	vst v1  }
.Ltmp0:
0xa: {  	[tilespmem:s7+$0x220] =	vst v1;
	(pc) =	sbr.rel @p0 .LBB2_1-.Ltmp0, $4  }
0xb: {  	[tilespmem:s7+$0x230] =	vst v1  }
0xc: {  	[tilespmem:s7+$0x240] =	vst v1  }
0xd: {  	[tilespmem:s7+$0x250] =	vst v1  }
0xe: {  	[tilespmem:s7+$0x260] =	vst v1;
	s7 =	sshra.s32 s3, $0x2;
	s3 =	sadd.s32 $0x200, s3  }
0xf: {  	[tilespmem:s7+$0x270] =	vst v1  }
0x10: {  	[tilespmem:s7+$0x200] =	vst v1  }
0x11: {  	[tilespmem:s7+$0x210] =	vst v1  }
0x12: {  	[tilespmem:s7+$0x220] =	vst v1  }
0x13: {  	[tilespmem:s7+$0x230] =	vst v1;
	s3 =	smul.u32 $0x280, s1  }
0x14: {  	[tilespmem:s7+$0x240] =	vst v1  }
0x15: {  	[tilespmem:s7+$0x250] =	vst v1;
	v0 =	vlaneseq.u32;
	s11 =	sadd.s32 $0x0, s3  }
0x16: {  	[tilespmem:s7+$0x260] =	vst v1;
	v1 =	vor.u32 s11, v0;
	s8 =	sadd.s32 $0x40, s11  }
0x17: {  	s7 =	simm.s32 $0x50;
	s10 =	sadd.s32 $0x30, s11;
	[tilespmem:$0xA200] =	vst v1;
	v1 =	vor.u32 s8, v0  }
0x18: {  	s9 =	simm.s32 $0x200;
	s13 =	sadd.s32 $0x20, s11;
	s12 =	sadd.s32 $0x10, s11;
	v2 =	vor.u32 s10, v0;
	[tilespmem:$0xA240] =	vst v1  }
0x19: {  	s11 =	simm.s32 $0x50;
	s8 =	simm.s32 $0xA200;
	s10 =	simm.s32 $0x3;
	v1 =	vor.u32 s13, v0;
	[tilespmem:$0xA230] =	vst v2  }
.LBB2_3:
0x1a: {  	p0 =	sne.s32 s11, $0x230;
	v2 =	vor.u32 s12, v0;
	[tilespmem:$0xA220] =	vst v1  }
0x1b: {  	[tilespmem:$0xA210] =	vst v2;
	[spmem:s2] =	stream.indirect.scatter [tilespmem:s9], [sflag:$0x3], $0x80, s8, s7, $0xb8  }
0x1c: {  	_ =	swait.ge [sflag:s10], $0x2800  }
.Ltmp1:
0x1d: {  	s12 =	sadd.s32 s11, s3;
	[sflag:s10] =	ssyncset.done $0x0;
	(pc) =	sbr.rel @p0 .LBB2_3-.Ltmp1, $4  }
0x1e: {  	v1 =	vor.u32 s12, v0;
	s13 =	sadd.s32 $0x40, s12;
	[sflag:s10] =	ssyncadd.s32 $0xFFFFD800  }
0x1f: {  	s14 =	sadd.s32 $0x30, s12;
	[tilespmem:$0xA200] =	vst v1;
	v1 =	vor.u32 s13, v0  }
0x20: {  	v2 =	vor.u32 s14, v0;
	s13 =	sadd.s32 $0x20, s12;
	[tilespmem:$0xA240] =	vst v1  }
0x21: {  	s11 =	sadd.s32 $0x50, s11;
	s12 =	sadd.s32 $0x10, s12;
	v1 =	vor.u32 s13, v0;
	[tilespmem:$0xA230] =	vst v2  }
0x22: {  	v0 =	vor.u32 s12, v0;
	[tilespmem:$0xA220] =	vst v1  }
0x23: {  	s26 =	smul.u32 $0x9C4, s1;
	[tilespmem:$0xA210] =	vst v0  }
0x24: {  	[spmem:s2] =	stream.indirect.scatter [tilespmem:s9], [sflag:$0x3], $0x80, s8, s7, $0xb8;
	[tilespmem:$0x1E280] =	vst v63  }
0x25: {  	s28 =	smul.u32 $0x4E200, s1;
	_ =	swait.ge [sflag:s10], $0x2800  }
0x26: {  	s7 =	sadd.s32 s26, s6;
	[sflag:s10] =	ssyncset.done $0x0  }
0x27: {  	s17 =	sadd.s32 s28, s5;
	s20 =	sadd.s32 $0x1E, s7;
	[sflag:s10] =	ssyncadd.s32 $0xFFFFD800  }
0x28: {  	s7 =	simm.s32 $0x0;
	s29 =	sadd.s32 $0xFFFFFFE2, s20;
	[bflag:$0x0] =	sbarrier.arrive $0xFFFF  }
0x29: {  	[tilespmem:s7], [sflag:$0x1] =	stream.linear.gather [hbm4b:s29+s7], $0x50, $0x38;
	[tilespmem:$0x1E280] =	vst v63  }
0x2a: {  	s8 =	simm.s32 $0x200;
	s11 =	sadd.s32 $0x0, s17  }
0x2b: {  	[tilespmem:s8], [sflag:$0x2] =	stream.linear.gather [hbm4b:s11+s7], $0x2800, $0x38;
	[tilespmem:$0x1E280] =	vst v63  }
0x2c: {  	s9 =	simm.s32 $0x80;
	s30 =	sadd.s32 $0xFFFFFFEC, s20  }
0x2d: {  	[tilespmem:s9], [sflag:$0x1] =	stream.linear.gather [hbm4b:s30+s7], $0x50, $0x38;
	[tilespmem:$0x1E280] =	vst v63  }
0x2e: {  	s31 =	sadd.s32 $0x500, s11;
	s10 =	simm.s32 $0x2A00  }
0x2f: {  	[tilespmem:s10], [sflag:$0x2] =	stream.linear.gather [hbm4b:s31+s7], $0x2800, $0x38;
	[tilespmem:$0x1E280] =	vst v63  }
0x30: {  	s12 =	simm.s32 $0x100;
	s13 =	sadd.s32 $0xFFFFFFF6, s20  }
0x31: {  	[tilespmem:s12], [sflag:$0x1] =	stream.linear.gather [hbm4b:s13+s7], $0x50, $0x38;
	[tilespmem:$0x1E280] =	vst v63  }
0x32: {  	s14 =	sadd.s32 $0xA00, s11;
	s13 =	simm.s32 $0x5200  }
0x33: {  	[tilespmem:s13], [sflag:$0x2] =	stream.linear.gather [hbm4b:s14+s7], $0x2800, $0x38;
	[tilespmem:$0x1E280] =	vst v63  }
0x34: {  	s14 =	simm.s32 $0x180  }
0x35: {  	[tilespmem:s14], [sflag:$0x1] =	stream.linear.gather [hbm4b:s20+s7], $0x50, $0x38;
	[tilespmem:$0x1E280] =	vst v63  }
0x36: {  	s15 =	simm.s32 $0x7A00;
	s16 =	simm.s32 $0x1;
	s11 =	sadd.s32 $0xF00, s11  }
0x37: {  	[tilespmem:s15], [sflag:$0x2] =	stream.linear.gather [hbm4b:s11+s7], $0x2800, $0x38;
	[tilespmem:$0x1E280] =	vst v63  }
0x38: {  	_ =	swait.ge [sflag:s16], $0x50  }
0x39: {  	[sflag:s16] =	ssyncset.done $0x0  }
0x3a: {  	s11 =	simm.s32 $0x2;
	[sflag:s16] =	ssyncadd.s32 $0xFFFFFFB0  }
0x3b: {  	_ =	swait.ge [sflag:s11], $0x2800  }
0x3c: {  	[sflag:s11] =	ssyncset.done $0x0  }
0x3d: {  	[sflag:s11] =	ssyncadd.s32 $0xFFFFD800  }
0x3e: {  	_ =	swait.ge [sflag:s16], $0x50  }
0x3f: {  	[sflag:s16] =	ssyncset.done $0x0  }
0x40: {  	[sflag:s16] =	ssyncadd.s32 $0xFFFFFFB0  }
0x41: {  	_ =	swait.ge [sflag:s11], $0x2800  }
0x42: {  	[sflag:s11] =	ssyncset.done $0x0  }
0x43: {  	[sflag:s11] =	ssyncadd.s32 $0xFFFFD800  }
0x44: {  	_ =	swait.ge [sflag:s16], $0x50  }
0x45: {  	[sflag:s16] =	ssyncset.done $0x0  }
0x46: {  	[sflag:s16] =	ssyncadd.s32 $0xFFFFFFB0  }
0x47: {  	_ =	swait.ge [sflag:s11], $0x2800  }
0x48: {  	[sflag:s11] =	ssyncset.done $0x0  }
0x49: {  	[sflag:s11] =	ssyncadd.s32 $0xFFFFD800  }
0x4a: {  	_ =	swait.ge [sflag:s16], $0x50  }
0x4b: {  	[sflag:s16] =	ssyncset.done $0x0  }
0x4c: {  	[sflag:s16] =	ssyncadd.s32 $0xFFFFFFB0  }
0x4d: {  	_ =	swait.ge [sflag:s11], $0x2800  }
0x4e: {  	[sflag:s11] =	ssyncset.done $0x0  }
0x4f: {  	s19 =	simm.s32 $0x50;
	[sflag:s11] =	ssyncadd.s32 $0xFFFFD800  }
0x50: {  	[spmem:s2] =	stream.indirect.scatter.add.f32 [tilespmem:s8], [sflag:$0x2], $0x80, s7, s19, $0xb8;
	[tilespmem:$0x1E280] =	vst v63  }
0x51: {  	_ = 	snop  }
0x52: {  	[spmem:s2] =	stream.indirect.scatter.add.f32 [tilespmem:s10], [sflag:$0x2], $0x80, s9, s19, $0xb8;
	[tilespmem:$0x1E280] =	vst v63  }
0x53: {  	_ = 	snop  }
0x54: {  	[spmem:s2] =	stream.indirect.scatter.add.f32 [tilespmem:s13], [sflag:$0x2], $0x80, s12, s19, $0xb8;
	[tilespmem:$0x1E280] =	vst v63  }
0x55: {  	_ = 	snop  }
0x56: {  	[spmem:s2] =	stream.indirect.scatter.add.f32 [tilespmem:s15], [sflag:$0x2], $0x80, s14, s19, $0xb8;
	[tilespmem:$0x1E280] =	vst v63  }
0x57: {  	_ =	swait.ge [sflag:s11], $0x2800  }
0x58: {  	[sflag:s11] =	ssyncset.done $0x0  }
0x59: {  	[sflag:s11] =	ssyncadd.s32 $0xFFFFD800  }
0x5a: {  	_ =	swait.ge [sflag:s11], $0x2800  }
0x5b: {  	[sflag:s11] =	ssyncset.done $0x0  }
0x5c: {  	[sflag:s11] =	ssyncadd.s32 $0xFFFFD800  }
0x5d: {  	_ =	swait.ge [sflag:s11], $0x2800  }
0x5e: {  	[sflag:s11] =	ssyncset.done $0x0  }
0x5f: {  	[sflag:s11] =	ssyncadd.s32 $0xFFFFD800  }
0x60: {  	s18 =	smul.u32 $0x4E20, s1;
	s21 =	simm.s32 $0x1400;
	_ =	swait.ge [sflag:s11], $0x2800  }
0x61: {  	s22 =	simm.s32 $0x2800;
	s20 =	sadd.s32 $0x28, s20;
	[sflag:s11] =	ssyncset.done $0x0  }
.LBB2_5:
0x62: {  	p0 =	sne.s32 s22, $0x4C400;
	s23 =	sadd.s32 $0xFFFFFFE2, s20;
	[sflag:s11] =	ssyncadd.s32 $0xFFFFD800  }
0x63: {  	[tilespmem:s7], [sflag:$0x1] =	stream.linear.gather [hbm4b:s23+s7], $0x50, $0x38;
	[tilespmem:$0x1E280] =	vst v63  }
0x64: {  	s23 =	sadd.s32 s21, s17;
	s21 =	smov.u32 s22;
	s22 =	sadd.s32 $0x1400, s22  }
0x65: {  	[tilespmem:s8], [sflag:$0x2] =	stream.linear.gather [hbm4b:s23+s7], $0x2800, $0x38;
	[tilespmem:$0x1E280] =	vst v63  }
0x66: {  	s24 =	sadd.s32 $0xFFFFFFEC, s20  }
0x67: {  	[tilespmem:s9], [sflag:$0x1] =	stream.linear.gather [hbm4b:s24+s7], $0x50, $0x38;
	[tilespmem:$0x1E280] =	vst v63  }
0x68: {  	s24 =	sadd.s32 $0x500, s23  }
0x69: {  	[tilespmem:s10], [sflag:$0x2] =	stream.linear.gather [hbm4b:s24+s7], $0x2800, $0x38;
	[tilespmem:$0x1E280] =	vst v63  }
0x6a: {  	s24 =	sadd.s32 $0xFFFFFFF6, s20  }
0x6b: {  	[tilespmem:s12], [sflag:$0x1] =	stream.linear.gather [hbm4b:s24+s7], $0x50, $0x38;
	[tilespmem:$0x1E280] =	vst v63  }
0x6c: {  	s24 =	sadd.s32 $0xA00, s23  }
0x6d: {  	[tilespmem:s13], [sflag:$0x2] =	stream.linear.gather [hbm4b:s24+s7], $0x2800, $0x38;
	[tilespmem:$0x1E280] =	vst v63  }
0x6e: {  	_ = 	snop  }
0x6f: {  	[tilespmem:s14], [sflag:$0x1] =	stream.linear.gather [hbm4b:s20+s7], $0x50, $0x38;
	[tilespmem:$0x1E280] =	vst v63  }
0x70: {  	s23 =	sadd.s32 $0xF00, s23  }
0x71: {  	[tilespmem:s15], [sflag:$0x2] =	stream.linear.gather [hbm4b:s23+s7], $0x2800, $0x38;
	[tilespmem:$0x1E280] =	vst v63  }
0x72: {  	_ =	swait.ge [sflag:s16], $0x50  }
0x73: {  	[sflag:s16] =	ssyncset.done $0x0  }
0x74: {  	[sflag:s16] =	ssyncadd.s32 $0xFFFFFFB0  }
0x75: {  	_ =	swait.ge [sflag:s11], $0x2800  }
0x76: {  	[sflag:s11] =	ssyncset.done $0x0  }
0x77: {  	[sflag:s11] =	ssyncadd.s32 $0xFFFFD800  }
0x78: {  	_ =	swait.ge [sflag:s16], $0x50  }
0x79: {  	[sflag:s16] =	ssyncset.done $0x0  }
0x7a: {  	[sflag:s16] =	ssyncadd.s32 $0xFFFFFFB0  }
0x7b: {  	_ =	swait.ge [sflag:s11], $0x2800  }
0x7c: {  	[sflag:s11] =	ssyncset.done $0x0  }
0x7d: {  	[sflag:s11] =	ssyncadd.s32 $0xFFFFD800  }
0x7e: {  	_ =	swait.ge [sflag:s16], $0x50  }
0x7f: {  	[sflag:s16] =	ssyncset.done $0x0  }
0x80: {  	[sflag:s16] =	ssyncadd.s32 $0xFFFFFFB0  }
0x81: {  	_ =	swait.ge [sflag:s11], $0x2800  }
0x82: {  	[sflag:s11] =	ssyncset.done $0x0  }
0x83: {  	[sflag:s11] =	ssyncadd.s32 $0xFFFFD800  }
0x84: {  	_ =	swait.ge [sflag:s16], $0x50  }
0x85: {  	[sflag:s16] =	ssyncset.done $0x0  }
0x86: {  	[sflag:s16] =	ssyncadd.s32 $0xFFFFFFB0  }
0x87: {  	_ =	swait.ge [sflag:s11], $0x2800  }
0x88: {  	[sflag:s11] =	ssyncset.done $0x0  }
0x89: {  	[sflag:s11] =	ssyncadd.s32 $0xFFFFD800  }
0x8a: {  	[spmem:s2] =	stream.indirect.scatter.add.f32 [tilespmem:s8], [sflag:$0x2], $0x80, s7, s19, $0xb8;
	[tilespmem:$0x1E280] =	vst v63  }
0x8b: {  	_ = 	snop  }
0x8c: {  	[spmem:s2] =	stream.indirect.scatter.add.f32 [tilespmem:s10], [sflag:$0x2], $0x80, s9, s19, $0xb8;
	[tilespmem:$0x1E280] =	vst v63  }
0x8d: {  	_ = 	snop  }
0x8e: {  	[spmem:s2] =	stream.indirect.scatter.add.f32 [tilespmem:s13], [sflag:$0x2], $0x80, s12, s19, $0xb8;
	[tilespmem:$0x1E280] =	vst v63  }
0x8f: {  	_ = 	snop  }
0x90: {  	[spmem:s2] =	stream.indirect.scatter.add.f32 [tilespmem:s15], [sflag:$0x2], $0x80, s14, s19, $0xb8;
	[tilespmem:$0x1E280] =	vst v63  }
0x91: {  	_ =	swait.ge [sflag:s11], $0x2800  }
0x92: {  	[sflag:s11] =	ssyncset.done $0x0  }
0x93: {  	[sflag:s11] =	ssyncadd.s32 $0xFFFFD800  }
0x94: {  	_ =	swait.ge [sflag:s11], $0x2800  }
0x95: {  	[sflag:s11] =	ssyncset.done $0x0  }
0x96: {  	[sflag:s11] =	ssyncadd.s32 $0xFFFFD800  }
.Ltmp2:
0x97: {  	_ =	swait.ge [sflag:s11], $0x2800;
	(pc) =	sbr.rel @p0 .LBB2_5-.Ltmp2, $4  }
0x98: {  	[sflag:s11] =	ssyncset.done $0x0  }
0x99: {  	[sflag:s11] =	ssyncadd.s32 $0xFFFFD800  }
0x9a: {  	_ =	swait.ge [sflag:s11], $0x2800  }
0x9b: {  	s20 =	sadd.s32 $0x28, s20;
	[sflag:s11] =	ssyncset.done $0x0  }
0x9c: {  	s22 =	sadd.s32 $0xFFFFFFE2, s20;
	[sflag:s11] =	ssyncadd.s32 $0xFFFFD800  }
0x9d: {  	[tilespmem:s7], [sflag:$0x1] =	stream.linear.gather [hbm4b:s22+s7], $0x50, $0x38;
	[tilespmem:$0x1E280] =	vst v63  }
0x9e: {  	s17 =	sadd.s32 s21, s17  }
0x9f: {  	[tilespmem:s8], [sflag:$0x2] =	stream.linear.gather [hbm4b:s17+s7], $0x2800, $0x38;
	[tilespmem:$0x1E280] =	vst v63  }
0xa0: {  	s28 =	sadd.s32 $0xFFFFFFEC, s20  }
0xa1: {  	[tilespmem:s9], [sflag:$0x1] =	stream.linear.gather [hbm4b:s28+s7], $0x50, $0x38;
	[tilespmem:$0x1E280] =	vst v63  }
0xa2: {  	s29 =	sadd.s32 $0x500, s17  }
0xa3: {  	[tilespmem:s10], [sflag:$0x2] =	stream.linear.gather [hbm4b:s29+s7], $0x2800, $0x38;
	[tilespmem:$0x1E280] =	vst v63  }
0xa4: {  	s30 =	sadd.s32 $0xFFFFFFF6, s20  }
0xa5: {  	[tilespmem:s12], [sflag:$0x1] =	stream.linear.gather [hbm4b:s30+s7], $0x50, $0x38;
	[tilespmem:$0x1E280] =	vst v63  }
0xa6: {  	s31 =	sadd.s32 $0xA00, s17  }
0xa7: {  	[tilespmem:s13], [sflag:$0x2] =	stream.linear.gather [hbm4b:s31+s7], $0x2800, $0x38;
	[tilespmem:$0x1E280] =	vst v63  }
0xa8: {  	_ = 	snop  }
0xa9: {  	[tilespmem:s14], [sflag:$0x1] =	stream.linear.gather [hbm4b:s20+s7], $0x50, $0x38;
	[tilespmem:$0x1E280] =	vst v63  }
0xaa: {  	s17 =	sadd.s32 $0xF00, s17  }
0xab: {  	[tilespmem:s15], [sflag:$0x2] =	stream.linear.gather [hbm4b:s17+s7], $0x2800, $0x38;
	[tilespmem:$0x1E280] =	vst v63  }
0xac: {  	_ =	swait.ge [sflag:s16], $0x50  }
0xad: {  	[sflag:s16] =	ssyncset.done $0x0  }
0xae: {  	[sflag:s16] =	ssyncadd.s32 $0xFFFFFFB0  }
0xaf: {  	_ =	swait.ge [sflag:s11], $0x2800  }
0xb0: {  	[sflag:s11] =	ssyncset.done $0x0  }
0xb1: {  	[sflag:s11] =	ssyncadd.s32 $0xFFFFD800  }
0xb2: {  	_ =	swait.ge [sflag:s16], $0x50  }
0xb3: {  	[sflag:s16] =	ssyncset.done $0x0  }
0xb4: {  	[sflag:s16] =	ssyncadd.s32 $0xFFFFFFB0  }
0xb5: {  	_ =	swait.ge [sflag:s11], $0x2800  }
0xb6: {  	[sflag:s11] =	ssyncset.done $0x0  }
0xb7: {  	[sflag:s11] =	ssyncadd.s32 $0xFFFFD800  }
0xb8: {  	_ =	swait.ge [sflag:s16], $0x50  }
0xb9: {  	[sflag:s16] =	ssyncset.done $0x0  }
0xba: {  	[sflag:s16] =	ssyncadd.s32 $0xFFFFFFB0  }
0xbb: {  	_ =	swait.ge [sflag:s11], $0x2800  }
0xbc: {  	[sflag:s11] =	ssyncset.done $0x0  }
0xbd: {  	[sflag:s11] =	ssyncadd.s32 $0xFFFFD800  }
0xbe: {  	_ =	swait.ge [sflag:s16], $0x50  }
0xbf: {  	[sflag:s16] =	ssyncset.done $0x0  }
0xc0: {  	[sflag:s16] =	ssyncadd.s32 $0xFFFFFFB0  }
0xc1: {  	_ =	swait.ge [sflag:s11], $0x2800  }
0xc2: {  	[sflag:s11] =	ssyncset.done $0x0  }
0xc3: {  	[sflag:s11] =	ssyncadd.s32 $0xFFFFD800  }
0xc4: {  	[spmem:s2] =	stream.indirect.scatter.add.f32 [tilespmem:s8], [sflag:$0x2], $0x80, s7, s19, $0xb8;
	[tilespmem:$0x1E280] =	vst v63  }
0xc5: {  	_ = 	snop  }
0xc6: {  	[spmem:s2] =	stream.indirect.scatter.add.f32 [tilespmem:s10], [sflag:$0x2], $0x80, s9, s19, $0xb8;
	[tilespmem:$0x1E280] =	vst v63  }
0xc7: {  	_ = 	snop  }
0xc8: {  	[spmem:s2] =	stream.indirect.scatter.add.f32 [tilespmem:s13], [sflag:$0x2], $0x80, s12, s19, $0xb8;
	[tilespmem:$0x1E280] =	vst v63  }
0xc9: {  	_ = 	snop  }
0xca: {  	[spmem:s2] =	stream.indirect.scatter.add.f32 [tilespmem:s15], [sflag:$0x2], $0x80, s14, s19, $0xb8;
	[tilespmem:$0x1E280] =	vst v63  }
0xcb: {  	_ =	swait.ge [sflag:s11], $0x2800  }
0xcc: {  	[sflag:s11] =	ssyncset.done $0x0  }
0xcd: {  	[sflag:s11] =	ssyncadd.s32 $0xFFFFD800  }
0xce: {  	_ =	swait.ge [sflag:s11], $0x2800  }
0xcf: {  	[sflag:s11] =	ssyncset.done $0x0  }
0xd0: {  	[sflag:s11] =	ssyncadd.s32 $0xFFFFD800  }
0xd1: {  	_ =	swait.ge [sflag:s11], $0x2800  }
0xd2: {  	[sflag:s11] =	ssyncset.done $0x0  }
0xd3: {  	[sflag:s11] =	ssyncadd.s32 $0xFFFFD800  }
0xd4: {  	s7 =	simm.s32 $0x0;
	s15 =	sadd.s32 $0x4D80, s18;
	_ =	swait.ge [sflag:s11], $0x2800  }
0xd5: {  	s18 =	sadd.s32 $0x4DD0, s18;
	s16 =	sshrl.u32 s15, $0x3;
	[sflag:s11] =	ssyncset.done $0x0  }
0xd6: {  	s17 =	sshll.u32 s15, $0x4;
	s8 =	sadd.s32 s6, s16;
	[sflag:s11] =	ssyncadd.s32 $0xFFFFD800  }
0xd7: {  	[tilespmem:s7], [sflag:$0x1] =	stream.linear.gather [hbm4b:s8+s7], $0x50, $0x38;
	[tilespmem:$0x1E280] =	vst v63  }
0xd8: {  	s19 =	sshrl.u32 s18, $0x3;
	s9 =	sadd.s32 s5, s17;
	s8 =	simm.s32 $0x200  }
0xd9: {  	[tilespmem:s8], [sflag:$0x2] =	stream.linear.gather [hbm4b:s9+s7], $0x2800, $0x38;
	[tilespmem:$0x1E280] =	vst v63  }
0xda: {  	s22 =	simm.s32 $0x80;
	s21 =	sshll.u32 s18, $0x4;
	s20 =	sadd.s32 s6, s19  }
0xdb: {  	[tilespmem:s22], [sflag:$0x1] =	stream.linear.gather [hbm4b:s20+s7], $0x50, $0x38;
	[tilespmem:$0x1E280] =	vst v63  }
0xdc: {  	s24 =	simm.s32 $0x2A00;
	s23 =	sadd.s32 s5, s21;
	s5 =	simm.s32 $0x1  }
0xdd: {  	[tilespmem:s24], [sflag:$0x2] =	stream.linear.gather [hbm4b:s23+s7], $0x2800, $0x38;
	[tilespmem:$0x1E280] =	vst v63  }
0xde: {  	_ =	swait.ge [sflag:s5], $0x50  }
0xdf: {  	[sflag:s5] =	ssyncset.done $0x0  }
0xe0: {  	s25 =	simm.s32 $0x2;
	[sflag:s5] =	ssyncadd.s32 $0xFFFFFFB0  }
0xe1: {  	_ =	swait.ge [sflag:s25], $0x2800  }
0xe2: {  	[sflag:s25] =	ssyncset.done $0x0  }
0xe3: {  	[sflag:s25] =	ssyncadd.s32 $0xFFFFD800  }
0xe4: {  	_ =	swait.ge [sflag:s5], $0x50  }
0xe5: {  	[sflag:s5] =	ssyncset.done $0x0  }
0xe6: {  	[sflag:s5] =	ssyncadd.s32 $0xFFFFFFB0  }
0xe7: {  	_ =	swait.ge [sflag:s25], $0x2800  }
0xe8: {  	[sflag:s25] =	ssyncset.done $0x0  }
0xe9: {  	s6 =	simm.s32 $0x50;
	[sflag:s25] =	ssyncadd.s32 $0xFFFFD800  }
0xea: {  	[spmem:s2] =	stream.indirect.scatter.add.f32 [tilespmem:s8], [sflag:$0x2], $0x80, s7, s6, $0xb8;
	[tilespmem:$0x1E280] =	vst v63  }
0xeb: {  	_ = 	snop  }
0xec: {  	[spmem:s2] =	stream.indirect.scatter.add.f32 [tilespmem:s24], [sflag:$0x2], $0x80, s22, s6, $0xb8;
	[tilespmem:$0x1E280] =	vst v63  }
0xed: {  	_ =	swait.ge [sflag:s25], $0x2800  }
0xee: {  	[sflag:s25] =	ssyncset.done $0x0  }
0xef: {  	[sflag:s25] =	ssyncadd.s32 $0xFFFFD800  }
0xf0: {  	_ =	swait.ge [sflag:s25], $0x2800  }
0xf1: {  	[sflag:s25] =	ssyncset.done $0x0  }
0xf2: {  	v0 =	vlaneseq.u32;
	s26 =	sadd.s32 $0x0, s3;
	[sflag:s25] =	ssyncadd.s32 $0xFFFFD800  }
0xf3: {  	v1 =	vor.u32 s26, v0;
	s30 =	sadd.s32 $0x40, s26;
	[bflag:$0x0] =	sbarrier.arrive $0xFFFF  }
0xf4: {  	s28 =	sadd.s32 $0x10, s26;
	v2 =	vor.u32 s30, v0;
	[tilespmem:$0xA200] =	vst v1  }
0xf5: {  	s29 =	sadd.s32 $0x30, s26;
	v1 =	vor.u32 s28, v0;
	[tilespmem:$0xA240] =	vst v2  }
0xf6: {  	s9 =	sadd.s32 $0x20, s26;
	[tilespmem:$0xA210] =	vst v1;
	v1 =	vor.u32 s29, v0  }
0xf7: {  	[tilespmem:$0xA230] =	vst v1;
	v1 =	vor.u32 s9, v0  }
0xf8: {  	s31 =	smul.u32 $0x2800, s1;
	s9 =	simm.s32 $0xA200;
	[tilespmem:$0xA220] =	vst v1  }
0xf9: {  	[tilespmem:s8], [sflag:$0x1] =	stream.indirect.gather [spmem:s2], $0x80, s9, s6, $0xb8;
	[tilespmem:$0x1E280] =	vst v63  }
0xfa: {  	_ =	swait.ge [sflag:s5], $0x2800  }
0xfb: {  	s10 =	sadd.s32 s31, s4;
	s4 =	simm.s32 $0x3;
	[sflag:s5] =	ssyncset.done $0x0  }
0xfc: {  	s12 =	sadd.s32 $0x500, s10;
	s11 =	simm.s32 $0x50;
	[sflag:s5] =	ssyncadd.s32 $0xFFFFD800  }
.LBB2_7:
0xfd: {  	[hbm4b:s10+s7] =	stream.linear.scatter [tilespmem:s8], [sflag:$0x3], $0x2800, $0x38;
	[tilespmem:$0x1E280] =	vst v63  }
0xfe: {  	s13 =	smov.u32 s11;
	s10 =	smov.u32 s12  }
0xff: {  	p0 =	sne.s32 s11, $0x230;
	s11 =	sadd.s32 $0x50, s11;
	_ =	swait.ge [sflag:s4], $0x2800  }
0x100: {  	s13 =	sadd.s32 s13, s3;
	[sflag:s4] =	ssyncset.done $0x0  }
0x101: {  	v1 =	vor.u32 s13, v0;
	s14 =	sadd.s32 $0x10, s13;
	s15 =	sadd.s32 $0x20, s13;
	[sflag:s4] =	ssyncadd.s32 $0xFFFFD800  }
0x102: {  	v2 =	vor.u32 s15, v0;
	[tilespmem:$0xA200] =	vst v1;
	v1 =	vor.u32 s14, v0;
	s14 =	sadd.s32 $0x30, s13;
	s13 =	sadd.s32 $0x40, s13  }
0x103: {  	[tilespmem:$0xA210] =	vst v1;
	v1 =	vor.u32 s14, v0;
	v3 =	vor.u32 s13, v0  }
0x104: {  	[tilespmem:$0xA230] =	vst v1  }
0x105: {  	[tilespmem:$0xA240] =	vst v3  }
.Ltmp3:
0x106: {  	[tilespmem:$0xA220] =	vst v2;
	(pc) =	sbr.rel @p0 .LBB2_7-.Ltmp3, $4  }
0x107: {  	[tilespmem:s8], [sflag:$0x1] =	stream.indirect.gather [spmem:s2], $0x80, s9, s6, $0xb8;
	[tilespmem:$0x1E280] =	vst v63  }
0x108: {  	_ =	swait.ge [sflag:s5], $0x2800  }
0x109: {  	[sflag:s5] =	ssyncset.done $0x0  }
0x10a: {  	s12 =	sadd.s32 $0x500, s12;
	[sflag:s5] =	ssyncadd.s32 $0xFFFFD800  }
0x10b: {  	[hbm4b:s10+s7] =	stream.linear.scatter [tilespmem:s8], [sflag:$0x3], $0x2800, $0x38;
	[tilespmem:$0x1E280] =	vst v63  }
0x10c: {  	_ =	swait.ge [sflag:s4], $0x2800  }
0x10d: {  	[sflag:s4] =	ssyncset.done $0x0  }
0x10e: {  	[sflag:s4] =	ssyncadd.s32 $0xFFFFD800  }
0x10f: {  	_ =	sfence.sel $0x180000  }
0x110: {  	[bflag:$0x0] =	sbarrier.arrive $0xFFFF  }
0x111: {  	p0 =	sne.s32 s1, $0x0;
	_ =	strace $0x9000004D  }
0x112: {  	s0 =	sadd.s32 @!p0 $0x100000, s0;
	[bflag:$0x2] =	sbarrier.arrive $0xFFFF  }
0x113: {  	[sflag:s0] =	ssyncadd.tile.s32 @!p0 $0x1;
	_ =	shalt  }
.Lfunc_end2:
_tile_overlayer_lowered:
.L_overlay_start_2:
0x114: {  	(tag) =	ssettag $0x2  }
0x115: {  	s0 =	rddreg [dreg:$0x0];
	s2 =	stileid.u32  }
0x116: {  	s1 =	rddreg [dreg:$0x1];
	p0 =	sne.s32 s2, $0x0  }
0x117: {  	s3 =	rddreg [dreg:$0x2];
	[bflag:$0x3] =	sbarrier.arrive $0xFFFF;
	s2 =	simm.s32 @!p0 $0x1C03  }
0x118: {  	[timem:s3], [sflag:s2] =	dma.local @!p0 [hbm:s0], s1  }
0x119: {  	s0 =	simm.s32 @!p0 $0x3  }
0x11a: {  	_ =	swait.ge @!p0 [sflag:s0], s1  }
0x11b: {  	s1 =	ssub.s32 @!p0 $0x0, s1;
	[sflag:s0] =	ssyncset.done @!p0 $0x0  }
0x11c: {  	[sflag:s0] =	ssyncadd.s32 @!p0 s1  }
0x11d: {  	[bflag:$0x3] =	sbarrier.arrive $0xFFFF  }
0x11e: {  	_ =	shalt  }

// kernel: kernel.8.cloned.1.call-start
scs
__scs_entry_jumppad:
0x0: {  	(pc) =	sbr.rel $0x88, $3  }
0x1: {  	(tag) =	ssettag $0x0;
	lr =	simm.s32 $0x1  }
0x2: {  	[smem:$0x3F83] =	sst lr;
	_ =	strace $0xD0000000  }
0x3: {  	_ = 	snop  }
0x4: {  	_ = 	snop  }
0x5: {  	_ = 	snop  }
0x6: {  	_ = 	snop  }
0x7: {  	_ = 	snop  }
__scs_overlays_trampoline_lowered:
0x8: {  	[smem:$0x3F92] =	sst s0  }
0x9: {  	[smem:$0x3F93] =	sst s1  }
0xa: {  	[smem:$0x3F94] =	sst s2  }
0xb: {  	[smem:$0x3F95] =	sst s3  }
0xc: {  	[smem:$0x3F96] =	sst s4  }
0xd: {  	[smem:$0x3F97] =	sst s5  }
0xe: {  	[smem:$0x3F98] =	sst s6  }
0xf: {  	[smem:$0x3F99] =	sst s7  }
0x10: {  	[smem:$0x3F9A] =	sst s8  }
0x11: {  	[smem:$0x3F9B] =	sst s9;
	s0 =	simm.s32 @!p0 $0x0  }
0x12: {  	s1 =	sld [smem:$0x3F81];
	s0 =	simm.s32 @p0 $0x1  }
0x13: {  	[smem:$0x3F9C] =	sst s0;
	s0 =	simm.s32 @!p1 $0x0  }
0x14: {  	s2 =	sld [smem:$0x3F80];
	s0 =	simm.s32 @p1 $0x1  }
0x15: {  	[smem:$0x3F9D] =	sst s0;
	s0 =	simm.s32 @!p2 $0x0  }
0x16: {  	s3 =	sld [smem:$0x3FDB];
	s0 =	simm.s32 @p2 $0x1  }
0x17: {  	s4 =	simm.s32 $0x1BF5;
	[smem:$0x3F9F] =	sst s0  }
0x18: {  	s0 =	sld [smem:$0x3F82];
	_ =	swait.ge [sflag:s4], $0x0  }
0x19: {  	s7 =	sld [smem:$0x3F83]  }
0x1a: {  	s8 =	sadd.s32 $0xFFFFE003, lr  }
0x1b: {  	s9 =	sadd.s32 $0xFFFFFEF7, lr;
	s5 =	simm.s32 $0xFFFFFFFF;
	p2 =	slt.u32 s8, $0xFFFFF086  }
0x1c: {  	p1 =	slt.u32 s9, $0xF7A;
	s5 =	simm.s32 @!p2 $0x0  }
0x1d: {  	s5 =	simm.s32 @p1 $0x1;
	p0 =	seq.s32 s7, s2  }
0x1e: {  	s7 =	smul.u32 @!p0 $0xF7A, s2;
	p2 =	seq.s32 @!p0 s5, $0x0  }
0x1f: {  	s9 =	smul.u32 $0xF7A, s1;
	s8 =	simm.s32 @!p0 $0x1BF5;
	p2 =	por !p2, p0  }
0x20: {  	[sflag:s8] =	ssyncset.s32 @!p0 $0xFFFFF086;
	s6 =	sadd.s32 @!p0 s3, s7;
	s7 =	simm.s32 @!p0 $0x108  }
0x21: {  	s3 =	sadd.s32 s3, s9;
	s6 =	sadd.s32 @!p0 $0x88, s6;
	s7 =	simm.s32 @p2 $0x1082  }
0x22: {  	[simem:s7], [sflag:s8] =	dma.local @!p0 [hbm:s6], $0xF7A  }
0x23: {  	s9 =	sor.u32 $0xD0000000, s2;
	s6 =	simm.s32 $0x108;
	_ =	swait.ge @!p0 [sflag:s8], $0x0  }
0x24: {  	s3 =	sadd.s32 $0x88, s3;
	s6 =	simm.s32 @!p1 $0x1082;
	[sflag:s4] =	ssyncset.s32 $0xFFFFF086  }
0x25: {  	[simem:s6], [sflag:s4] =	dma.local [hbm:s3], $0xF7A  }
0x26: {  	[smem:$0x3F83] =	sst s1;
	(tag) =	ssettag s2;
	_ =	strace s9  }
0x27: {  	s1 =	sld [smem:$0x3F93]  }
0x28: {  	s2 =	sld [smem:$0x3F94]  }
0x29: {  	s4 =	sld [smem:$0x3F96]  }
0x2a: {  	p0 =	seq.s32 s5, $0x0;
	s5 =	sld [smem:$0x3F97]  }
0x2b: {  	s6 =	sld [smem:$0x3F98]  }
0x2c: {  	s7 =	sld [smem:$0x3F99]  }
0x2d: {  	s3 =	simm.s32 $0x108;
	s8 =	sld [smem:$0x3F9A]  }
0x2e: {  	s3 =	simm.s32 @!p0 $0x1082;
	s9 =	sld [smem:$0x3F9B]  }
0x2f: {  	lr =	sadd.s32 s0, s3;
	s0 =	sld [smem:$0x3F92]  }
0x30: {  	s3 =	sld [smem:$0x3F95]  }
0x31: {  	[smem:$0x3F9E] =	sst s10  }
0x32: {  	s10 =	sld [smem:$0x3F9C];
	_ =	sdelay $0x3  }
0x33: {  	p0 =	seq.s32 s10, $0x1;
	s10 =	sld [smem:$0x3F9E];
	_ =	sdelay $0x3  }
0x34: {  	[smem:$0x3F9E] =	sst s10  }
0x35: {  	s10 =	sld [smem:$0x3F9D];
	_ =	sdelay $0x3  }
0x36: {  	p1 =	seq.s32 s10, $0x1;
	s10 =	sld [smem:$0x3F9E];
	_ =	sdelay $0x3  }
0x37: {  	[smem:$0x3F9E] =	sst s10  }
0x38: {  	s10 =	sld [smem:$0x3F9F]  }
0x39: {  	_ = 	snop;
	(pc) =	sbr.ind lr, $3  }
0x3a: {  	_ = 	snop  }
0x3b: {  	_ = 	snop  }
0x3c: {  	p2 =	seq.s32 s10, $0x1;
	s10 =	sld [smem:$0x3F9E]  }
0x3d: {  	_ =	shalt  }
0x3e: {  	_ =	shalt  }
0x3f: {  	_ =	shalt  }
0x40: {  	_ =	shalt  }
0x41: {  	_ =	shalt  }
0x42: {  	_ =	shalt  }
0x43: {  	_ =	shalt  }
0x44: {  	_ =	shalt  }
0x45: {  	_ =	shalt  }
0x46: {  	_ =	shalt  }
0x47: {  	_ =	shalt  }
0x48: {  	_ =	shalt  }
0x49: {  	_ =	shalt  }
0x4a: {  	_ =	shalt  }
0x4b: {  	_ =	shalt  }
0x4c: {  	_ =	shalt  }
0x4d: {  	_ =	shalt  }
0x4e: {  	_ =	shalt  }
0x4f: {  	_ =	shalt  }
0x50: {  	_ =	shalt  }
0x51: {  	_ =	shalt  }
0x52: {  	_ =	shalt  }
0x53: {  	_ =	shalt  }
0x54: {  	_ =	shalt  }
0x55: {  	_ =	shalt  }
0x56: {  	_ =	shalt  }
0x57: {  	_ =	shalt  }
0x58: {  	_ =	shalt  }
0x59: {  	_ =	shalt  }
0x5a: {  	_ =	shalt  }
0x5b: {  	_ =	shalt  }
0x5c: {  	_ =	shalt  }
0x5d: {  	_ =	shalt  }
0x5e: {  	_ =	shalt  }
0x5f: {  	_ =	shalt  }
0x60: {  	_ =	shalt  }
0x61: {  	_ =	shalt  }
0x62: {  	_ =	shalt  }
0x63: {  	_ =	shalt  }
0x64: {  	_ =	shalt  }
0x65: {  	_ =	shalt  }
0x66: {  	_ =	shalt  }
0x67: {  	_ =	shalt  }
0x68: {  	_ =	shalt  }
0x69: {  	_ =	shalt  }
0x6a: {  	_ =	shalt  }
0x6b: {  	_ =	shalt  }
0x6c: {  	_ =	shalt  }
0x6d: {  	_ =	shalt  }
0x6e: {  	_ =	shalt  }
0x6f: {  	_ =	shalt  }
0x70: {  	_ =	shalt  }
0x71: {  	_ =	shalt  }
0x72: {  	_ =	shalt  }
0x73: {  	_ =	shalt  }
0x74: {  	_ =	shalt  }
0x75: {  	_ =	shalt  }
0x76: {  	_ =	shalt  }
0x77: {  	_ =	shalt  }
0x78: {  	_ =	shalt  }
0x79: {  	_ =	shalt  }
0x7a: {  	_ =	shalt  }
0x7b: {  	_ =	shalt  }
0x7c: {  	_ =	shalt  }
0x7d: {  	_ =	shalt  }
0x7e: {  	_ =	shalt  }
0x7f: {  	_ =	shalt  }
0x80: {  	_ =	shalt  }
0x81: {  	_ =	shalt  }
0x82: {  	_ =	shalt  }
0x83: {  	_ =	shalt  }
0x84: {  	_ =	shalt  }
0x85: {  	_ =	shalt  }
0x86: {  	_ =	shalt  }
0x87: {  	_ =	shalt  }
.Lfunc_end0:
.L_simem_size_0:
called_computation_lowered:
.L_overlay_start_0:
0x88: {  	s2 =	sld [smem:$0x3FD9]  }
0x89: {  	s3 =	sld [smem:$0x3FFE];
	_ =	sdelay $0x1  }
0x8a: {  	s1 =	srdreg.scid  }
0x8b: {  	s0 =	sand.u32 $0x1, s1  }
0x8c: {  	s17 =	sshll.u32 s0, $0xA;
	s2 =	sadd.s32 s3, s2  }
0x8d: {  	s2 =	sadd.s32 s2, s17  }
0x8e: {  	[smem:$0x3FAA] =	sst s2  }
0x8f: {  	_ = 	snop  }
0x90: {  	s2 =	sld [smem:$0x3FD0];
	(tm) =	ssettm $0x1  }
0x91: {  	s18 =	sld [smem:$0x3FFB];
	_ =	sdelay $0x3  }
0x92: {  	_ =	strace s18  }
0x93: {  	s3 =	sld [smem:$0x3FFC];
	_ =	sdelay $0x3  }
0x94: {  	_ =	strace s3  }
0x95: {  	s3 =	sld [smem:$0x3FFD];
	_ =	sdelay $0x3  }
0x96: {  	_ =	strace s3  }
0x97: {  	_ =	strace $0x8FFFFFFF  }
0x98: {  	s19 =	sld [smem:$0x3FDB];
	_ =	sdelay $0x1  }
0x99: {  	s4 =	simm.s32 $_scs_section_size  }
0x9a: {  	s5 =	simm.s32 $_size__tile_overlayer_lowered;
	s6 =	simm.s32 $_tile_overlayer_lowered  }
0x9b: {  	s22 =	simm.s32 $0x1BFF;
	s21 =	sshll.u32 s6, $0x1;
	s3 =	sadd.s32 s4, s19  }
0x9c: {  	s7 =	simm.s32 $0x0;
	s20 =	sshll.u32 s5, $0x1;
	s5 =	sadd.s32 s21, s3  }
0x9d: {  	[timem:s7], [sflag:s22] =	dma.local [hbm:s5], s20  }
0x9e: {  	_ =	swait.ge [sflag:s22], s20  }
0x9f: {  	s4 =	ssub.s32 $0x0, s20;
	[sflag:s22] =	ssyncset.done $0x0  }
0xa0: {  	[sflag:s22] =	ssyncadd.s32 s4;
	_ =	sdelay $0x1  }
0xa1: {  	s23 =	simm.s32 $0x1B8B  }
0xa2: {  	_ =	swait.ge [sflag:s23], $0x1  }
0xa3: {  	[sflag:s23] =	ssyncset.done $0x0  }
0xa4: {  	s25 =	simm.s32 $0x1B8E;
	s24 =	sld [smem:$0x3FFE];
	[sflag:s23] =	ssyncadd.s32 $0xFFFFFFFF  }
0xa5: {  	s26 =	simm.s32 $execute0_lowered;
	[smem:$0x3FD2] =	sst s25  }
0xa6: {  	s5 =	sshll.u32 s26, $0x1;
	_ =	strace $0x80000046;
	[dreg:$0x1] =	wrdreg $0xFFFFFFFF  }
0xa7: {  	s28 =	simm.s32 $_size_execute0_lowered;
	s3 =	sadd.s32 s3, s5;
	[dreg:$0x0] =	wrdreg $0x0  }
0xa8: {  	s5 =	sshll.u32 s28, $0x1;
	[dreg:$0x2] =	wrdreg s3  }
0xa9: {  	[dreg:$0x3] =	wrdreg s5  }
0xaa: {  	[dreg:$0x4] =	wrdreg $0xC0  }
0xab: {  	_ =	task [dreg:s7], $0x5FFFF  }
0xac: {  	[dreg:$0x1] =	wrdreg $0xFFFFFFFF  }
0xad: {  	[dreg:$0x0] =	wrdreg $0x60  }
0xae: {  	[dreg:$0x2] =	wrdreg s2  }
0xaf: {  	[dreg:$0x3] =	wrdreg s24  }
0xb0: {  	[dreg:$0x4] =	wrdreg $0x9  }
0xb1: {  	_ =	task.clear_ibuf [dreg:s7], $0x5FFFF;
	_ =	strace $0x90000046  }
0xb2: {  	s29 =	simm.s32 $0x9;
	_ =	strace $0x80000048  }
0xb3: {  	_ =	swait.ge [sflag:s29], $0x1  }
0xb4: {  	[sflag:s29] =	ssyncadd.s32 $0xFFFFFFFF  }
0xb5: {  	_ =	strace $0x90000048  }
0xb6: {  	_ =	sfence  }
0xb7: {  	s30 =	sld [smem:$0x0];
	_ =	sdelay $0x2  }
0xb8: {  	s31 =	sshll.u32 s1, $0xD;
	s1 =	sshrl.u32 s1, $0x2  }
0xb9: {  	s3 =	sand.u32 $0x4000, s31;
	s1 =	sadd.s32 s1, s30  }
0xba: {  	s0 =	sor.u32 s3, s0;
	s1 =	sshll.u32 s1, $0x11  }
0xbb: {  	s0 =	sor.u32 s1, s0  }
0xbc: {  	s0 =	sadd.s32 $0x8F2B, s0  }
0xbd: {  	[sflag:s0] =	ssyncadd.remote.s32 $0x1  }
0xbe: {  	_ =	sfence.sel $0xFFFF  }
0xbf: {  	[dreg:$0x0] =	wrdreg $0xFFFFFFFF;
	(pc) =	sbr.abs _section_cstart, $3  }
0xc0: {  	[dreg:$0x1] =	wrdreg $0xFFFFFFFF  }
0xc1: {  	_ =	task.clear_ibuf [dreg:s7], $0x2FFFF;
	_ =	strace $0x9FFFFFFF  }
0xc2: {  	(tm) =	ssettm $0x7FFFFFFF  }
0xc3: {  	_ =	shalt  }
tec
execute0_lowered:
.L_overlay_start_1:
0x0: {  	(tag) =	ssettag $0x1  }
0x1: {  	s1 =	rddreg [dreg:$0x0]  }
0x2: {  	s0 =	rddreg [dreg:$0x1];
	s2 =	simm.s32 $0x0;
	s6 =	srdreg.scid  }
0x3: {  	s15 =	stileid.u32;
	s30 =	simm.s32 $0x19400;
	s31 =	simm.s32 $0x7C00  }
0x4: {  	s28 =	simm.s32 $0x16C00;
	s29 =	simm.s32 $0x5400;
	[smem:$0x7FF] =	sst s2  }
0x5: {  	s4 =	sadd.s32 $0x1CE00, s0;
	s5 =	sadd.s32 $0x44000, s0;
	s3 =	sadd.s32 $0x5200, s0  }
0x6: {  	s7 =	sadd.s32 $0xF000, s0;
	s6 =	sand.u32 $0x1, s6;
	s8 =	smul.u32 $0x4E20, s15  }
0x7: {  	s9 =	sadd.s32 $0x6B200, s0;
	s12 =	sadd.s32 $0x54D200, s0;
	s23 =	smul.u32 $0x4E200, s15  }
0x8: {  	s10 =	sshll.u32 s15, $0x1;
	s0 =	sadd.s32 $0xA2F200, s0;
	s11 =	smul.u32 $0x2710, s6  }
0x9: {  	s13 =	ssub.s32 $0x2, s6;
	s10 =	sor.u32 s6, s10;
	s6 =	smul.u32 $0x27100, s6  }
0xa: {  	_ =	strace $0x80000047;
	s14 =	sshrl.u32 s13, $0x1;
	s10 =	smul.u32 $0x2710, s10  }
0xb: {  	s25 =	sadd.s32 s23, s9;
	s8 =	sadd.s32 s11, s8;
	s11 =	ssub.s32 s13, s14  }
0xc: {  	s26 =	sadd.s32 s6, s25;
	s22 =	sadd.s32 $0xF0, s8;
	s10 =	sadd.s32 $0x26C0, s10  }
0xd: {  	[dreg:$0x5] =	wrdreg s26;
	s26 =	smax.u32 s11, $0x1;
	s13 =	sshrl.u32 s22, $0x3  }
0xe: {  	s24 =	sshrl.u32 s10, $0x3;
	[dreg:$0x13] =	wrdreg s26;
	s16 =	sadd.s32 s13, s3  }
0xf: {  	s14 =	sadd.s32 s23, s0;
	s17 =	sadd.s32 s7, s24;
	[dreg:$0x3] =	wrdreg s16  }
0x10: {  	s19 =	sadd.s32 $0x50, s8;
	s13 =	sadd.s32 s13, s7;
	[dreg:$0xe] =	wrdreg s17  }
0x11: {  	s21 =	sshrl.u32 s19, $0x3;
	s15 =	sadd.s32 s3, s24;
	[dreg:$0x4] =	wrdreg s13  }
0x12: {  	s10 =	sshll.u32 s10, $0x4;
	s22 =	sadd.s32 s21, s3;
	[dreg:$0xf] =	wrdreg s15  }
0x13: {  	s19 =	simm.s32 $0x1;
	s9 =	sadd.s32 s9, s10;
	[dreg:$0xa] =	wrdreg s22  }
0x14: {  	s24 =	sadd.s32 s12, s10;
	s0 =	sadd.s32 s0, s10;
	[dreg:$0x10] =	wrdreg s9  }
0x15: {  	s15 =	sadd.s32 s23, s12;
	s16 =	sadd.s32 $0xA0, s8;
	[dreg:$0x11] =	wrdreg s24  }
0x16: {  	s23 =	sadd.s32 s21, s7;
	s8 =	sshrl.u32 s8, $0x3;
	[dreg:$0x12] =	wrdreg s0  }
0x17: {  	s12 =	simm.s32 $0x200;
	s13 =	sadd.s32 s6, s15;
	[dreg:$0xb] =	wrdreg s23  }
0x18: {  	s0 =	simm.s32 $0x11C00;
	s6 =	sadd.s32 s6, s14;
	[dreg:$0x6] =	wrdreg s13  }
0x19: {  	s17 =	sshrl.u32 s16, $0x3;
	s25 =	sadd.s32 s8, s7;
	[dreg:$0x7] =	wrdreg s6  }
0x1a: {  	s9 =	simm.s32 $0x0;
	s18 =	sadd.s32 s17, s3;
	[dreg:$0xd] =	wrdreg s25  }
0x1b: {  	s14 =	simm.s32 $0x280;
	s20 =	sadd.s32 s17, s7;
	[dreg:$0x8] =	wrdreg s18  }
0x1c: {  	s16 =	simm.s32 $0x300;
	s3 =	sadd.s32 s8, s3;
	[dreg:$0x9] =	wrdreg s20  }
0x1d: {  	s6 =	simm.s32 $0x2;
	s7 =	simm.s32 $0x3;
	[dreg:$0xc] =	wrdreg s3  }
0x1e: {  	s18 =	simm.s32 $0x380;
	s20 =	simm.s32 $0x50;
	s3 =	simm.s32 $0x1BC00  }
.LBB2_1:
0x1f: {  	s8 =	rddreg [dreg:$0xd]  }
0x20: {  	s22 =	rddreg [dreg:$0xc];
	s8 =	sadd.s32 $0x0, s8  }
0x21: {  	[tilespmem:s2], [sflag:$0x1] =	stream.linear.gather [hbm4b:s8+s2], $0x50, $0x38;
	[tilespmem:$0x1E400] =	vst v63  }
0x22: {  	s10 =	rddreg [dreg:$0xb];
	s23 =	sadd.s32 $0x0, s22  }
0x23: {  	[tilespmem:s12], [sflag:$0x1] =	stream.linear.gather [hbm4b:s23+s2], $0x50, $0x38;
	[tilespmem:$0x1E400] =	vst v63  }
0x24: {  	s24 =	rddreg [dreg:$0xa];
	s11 =	simm.s32 $0x80;
	s25 =	sadd.s32 $0x0, s10  }
0x25: {  	[tilespmem:s11], [sflag:$0x1] =	stream.linear.gather [hbm4b:s25+s2], $0x50, $0x38;
	[tilespmem:$0x1E400] =	vst v63  }
0x26: {  	s26 =	rddreg [dreg:$0x9];
	s13 =	sadd.s32 $0x0, s24  }
0x27: {  	[tilespmem:s14], [sflag:$0x1] =	stream.linear.gather [hbm4b:s13+s2], $0x50, $0x38;
	[tilespmem:$0x1E400] =	vst v63  }
0x28: {  	s15 =	rddreg [dreg:$0x8];
	s17 =	sadd.s32 $0x0, s26;
	s13 =	simm.s32 $0x100  }
0x29: {  	[tilespmem:s13], [sflag:$0x1] =	stream.linear.gather [hbm4b:s17+s2], $0x50, $0x38;
	[tilespmem:$0x1E400] =	vst v63  }
0x2a: {  	s21 =	rddreg [dreg:$0x4];
	s22 =	sadd.s32 $0x0, s15  }
0x2b: {  	[tilespmem:s16], [sflag:$0x1] =	stream.linear.gather [hbm4b:s22+s2], $0x50, $0x38;
	[tilespmem:$0x1E400] =	vst v63  }
0x2c: {  	s24 =	sadd.s32 $0x0, s21;
	s10 =	simm.s32 $0x180;
	s23 =	rddreg [dreg:$0x3]  }
0x2d: {  	[tilespmem:s10], [sflag:$0x1] =	stream.linear.gather [hbm4b:s24+s2], $0x50, $0x38;
	[tilespmem:$0x1E400] =	vst v63  }
0x2e: {  	[dreg:$0x14] =	wrdreg s9;
	s25 =	sadd.s32 $0x0, s23  }
0x2f: {  	[tilespmem:s18], [sflag:$0x1] =	stream.linear.gather [hbm4b:s25+s2], $0x50, $0x38;
	[tilespmem:$0x1E400] =	vst v63  }
0x30: {  	_ =	swait.ge [sflag:s19], $0x50  }
0x31: {  	[sflag:s19] =	ssyncset.done $0x0  }
0x32: {  	[sflag:s19] =	ssyncadd.s32 $0xFFFFFFB0  }
0x33: {  	_ =	swait.ge [sflag:s19], $0x50  }
0x34: {  	[sflag:s19] =	ssyncset.done $0x0  }
0x35: {  	[sflag:s19] =	ssyncadd.s32 $0xFFFFFFB0  }
0x36: {  	_ =	swait.ge [sflag:s19], $0x50  }
0x37: {  	[sflag:s19] =	ssyncset.done $0x0  }
0x38: {  	[sflag:s19] =	ssyncadd.s32 $0xFFFFFFB0  }
0x39: {  	_ =	swait.ge [sflag:s19], $0x50  }
0x3a: {  	[sflag:s19] =	ssyncset.done $0x0  }
0x3b: {  	[sflag:s19] =	ssyncadd.s32 $0xFFFFFFB0  }
0x3c: {  	_ =	swait.ge [sflag:s19], $0x50  }
0x3d: {  	[sflag:s19] =	ssyncset.done $0x0  }
0x3e: {  	[sflag:s19] =	ssyncadd.s32 $0xFFFFFFB0  }
0x3f: {  	_ =	swait.ge [sflag:s19], $0x50  }
0x40: {  	[sflag:s19] =	ssyncset.done $0x0  }
0x41: {  	[sflag:s19] =	ssyncadd.s32 $0xFFFFFFB0  }
0x42: {  	_ =	swait.ge [sflag:s19], $0x50  }
0x43: {  	[sflag:s19] =	ssyncset.done $0x0  }
0x44: {  	[sflag:s19] =	ssyncadd.s32 $0xFFFFFFB0  }
0x45: {  	_ =	swait.ge [sflag:s19], $0x50  }
0x46: {  	[sflag:s19] =	ssyncset.done $0x0  }
0x47: {  	s15 =	simm.s32 $0x400;
	[sflag:s19] =	ssyncadd.s32 $0xFFFFFFB0  }
0x48: {  	[tilespmem:s15], [sflag:$0x2] =	stream.indirect.gather [hbm4b:s1+s20], $0x80, s2, s20, $0xb8;
	[tilespmem:$0x1E400] =	vst v63  }
0x49: {  	s17 =	simm.s32 $0xA400  }
0x4a: {  	[tilespmem:s17], [sflag:$0x2] =	stream.indirect.gather [hbm4b:s4+s20], $0x80, s12, s20, $0xb8;
	[tilespmem:$0x1E400] =	vst v63  }
0x4b: {  	s21 =	simm.s32 $0x14400  }
0x4c: {  	[tilespmem:s21], [sflag:$0x2] =	stream.indirect.gather [hbm4b:s5+s20], $0x80, s12, s20, $0xb8;
	[tilespmem:$0x1E400] =	vst v63  }
0x4d: {  	s22 =	simm.s32 $0x2C00  }
0x4e: {  	[tilespmem:s22], [sflag:$0x2] =	stream.indirect.gather [hbm4b:s1+s20], $0x80, s11, s20, $0xb8;
	[tilespmem:$0x1E400] =	vst v63  }
0x4f: {  	s23 =	simm.s32 $0xCC00  }
0x50: {  	[tilespmem:s23], [sflag:$0x2] =	stream.indirect.gather [hbm4b:s4+s20], $0x80, s14, s20, $0xb8;
	[tilespmem:$0x1E400] =	vst v63  }
0x51: {  	s24 =	simm.s32 $0x16C00  }
0x52: {  	[tilespmem:s24], [sflag:$0x2] =	stream.indirect.gather [hbm4b:s5+s20], $0x80, s14, s20, $0xb8;
	[tilespmem:$0x1E400] =	vst v63  }
0x53: {  	s25 =	simm.s32 $0x5400  }
0x54: {  	[tilespmem:s25], [sflag:$0x2] =	stream.indirect.gather [hbm4b:s1+s20], $0x80, s13, s20, $0xb8;
	[tilespmem:$0x1E400] =	vst v63  }
0x55: {  	s26 =	simm.s32 $0xF400  }
0x56: {  	[tilespmem:s26], [sflag:$0x2] =	stream.indirect.gather [hbm4b:s4+s20], $0x80, s16, s20, $0xb8;
	[tilespmem:$0x1E400] =	vst v63  }
0x57: {  	_ = 	snop  }
0x58: {  	[tilespmem:s30], [sflag:$0x2] =	stream.indirect.gather [hbm4b:s5+s20], $0x80, s16, s20, $0xb8;
	[tilespmem:$0x1E400] =	vst v63  }
0x59: {  	_ = 	snop  }
0x5a: {  	[tilespmem:s31], [sflag:$0x2] =	stream.indirect.gather [hbm4b:s1+s20], $0x80, s10, s20, $0xb8;
	[tilespmem:$0x1E400] =	vst v63  }
0x5b: {  	_ = 	snop  }
0x5c: {  	[tilespmem:s0], [sflag:$0x2] =	stream.indirect.gather [hbm4b:s4+s20], $0x80, s18, s20, $0xb8;
	[tilespmem:$0x1E400] =	vst v63  }
0x5d: {  	_ = 	snop  }
0x5e: {  	[tilespmem:s3], [sflag:$0x2] =	stream.indirect.gather [hbm4b:s5+s20], $0x80, s18, s20, $0xb8;
	[tilespmem:$0x1E400] =	vst v63  }
0x5f: {  	_ =	swait.ge [sflag:s6], $0x2800  }
0x60: {  	[sflag:s6] =	ssyncset.done $0x0  }
0x61: {  	[sflag:s6] =	ssyncadd.s32 $0xFFFFD800  }
0x62: {  	_ =	swait.ge [sflag:s6], $0x2800  }
0x63: {  	[sflag:s6] =	ssyncset.done $0x0  }
0x64: {  	[sflag:s6] =	ssyncadd.s32 $0xFFFFD800  }
0x65: {  	_ =	swait.ge [sflag:s6], $0x2800  }
0x66: {  	[sflag:s6] =	ssyncset.done $0x0  }
0x67: {  	[sflag:s6] =	ssyncadd.s32 $0xFFFFD800  }
0x68: {  	_ =	swait.ge [sflag:s6], $0x2800  }
0x69: {  	[sflag:s6] =	ssyncset.done $0x0  }
0x6a: {  	[sflag:s6] =	ssyncadd.s32 $0xFFFFD800  }
0x6b: {  	_ =	swait.ge [sflag:s6], $0x2800  }
0x6c: {  	[sflag:s6] =	ssyncset.done $0x0  }
0x6d: {  	[sflag:s6] =	ssyncadd.s32 $0xFFFFD800  }
0x6e: {  	_ =	swait.ge [sflag:s6], $0x2800  }
0x6f: {  	[sflag:s6] =	ssyncset.done $0x0  }
0x70: {  	[sflag:s6] =	ssyncadd.s32 $0xFFFFD800  }
0x71: {  	_ =	swait.ge [sflag:s6], $0x2800  }
0x72: {  	[sflag:s6] =	ssyncset.done $0x0  }
0x73: {  	[sflag:s6] =	ssyncadd.s32 $0xFFFFD800  }
0x74: {  	_ =	swait.ge [sflag:s6], $0x2800  }
0x75: {  	[sflag:s6] =	ssyncset.done $0x0  }
0x76: {  	[sflag:s6] =	ssyncadd.s32 $0xFFFFD800  }
0x77: {  	_ =	swait.ge [sflag:s6], $0x2800  }
0x78: {  	[sflag:s6] =	ssyncset.done $0x0  }
0x79: {  	[sflag:s6] =	ssyncadd.s32 $0xFFFFD800  }
0x7a: {  	_ =	swait.ge [sflag:s6], $0x2800  }
0x7b: {  	[sflag:s6] =	ssyncset.done $0x0  }
0x7c: {  	[sflag:s6] =	ssyncadd.s32 $0xFFFFD800  }
0x7d: {  	_ =	swait.ge [sflag:s6], $0x2800  }
0x7e: {  	[sflag:s6] =	ssyncset.done $0x0  }
0x7f: {  	[sflag:s6] =	ssyncadd.s32 $0xFFFFD800  }
0x80: {  	_ =	swait.ge [sflag:s6], $0x2800  }
0x81: {  	s9 =	rddreg [dreg:$0x5];
	[sflag:s6] =	ssyncset.done $0x0  }
0x82: {  	s10 =	rddreg [dreg:$0x6];
	[sflag:s6] =	ssyncadd.s32 $0xFFFFD800;
	s8 =	sadd.s32 $0x0, s9  }
0x83: {  	[hbm4b:s8+s2] =	stream.linear.scatter [tilespmem:s15], [sflag:$0x3], $0x2800, $0x38;
	[tilespmem:$0x1E400] =	vst v63  }
0x84: {  	s11 =	rddreg [dreg:$0x7];
	s9 =	sadd.s32 $0x0, s10  }
0x85: {  	[hbm4b:s9+s2] =	stream.linear.scatter [tilespmem:s17], [sflag:$0x3], $0x2800, $0x38;
	[tilespmem:$0x1E400] =	vst v63  }
0x86: {  	s10 =	sadd.s32 $0x0, s11  }
0x87: {  	[hbm4b:s10+s2] =	stream.linear.scatter [tilespmem:s21], [sflag:$0x3], $0x2800, $0x38;
	[tilespmem:$0x1E400] =	vst v63  }
0x88: {  	s15 =	sadd.s32 $0x500, s8  }
0x89: {  	[hbm4b:s15+s2] =	stream.linear.scatter [tilespmem:s22], [sflag:$0x3], $0x2800, $0x38;
	[tilespmem:$0x1E400] =	vst v63  }
0x8a: {  	s17 =	sadd.s32 $0x500, s9  }
0x8b: {  	[hbm4b:s17+s2] =	stream.linear.scatter [tilespmem:s23], [sflag:$0x3], $0x2800, $0x38;
	[tilespmem:$0x1E400] =	vst v63  }
0x8c: {  	s21 =	sadd.s32 $0x500, s10  }
0x8d: {  	[hbm4b:s21+s2] =	stream.linear.scatter [tilespmem:s24], [sflag:$0x3], $0x2800, $0x38;
	[tilespmem:$0x1E400] =	vst v63  }
0x8e: {  	s22 =	sadd.s32 $0xA00, s8  }
0x8f: {  	[hbm4b:s22+s2] =	stream.linear.scatter [tilespmem:s25], [sflag:$0x3], $0x2800, $0x38;
	[tilespmem:$0x1E400] =	vst v63  }
0x90: {  	s23 =	sadd.s32 $0xA00, s9  }
0x91: {  	[hbm4b:s23+s2] =	stream.linear.scatter [tilespmem:s26], [sflag:$0x3], $0x2800, $0x38;
	[tilespmem:$0x1E400] =	vst v63  }
0x92: {  	s24 =	sadd.s32 $0xA00, s10  }
0x93: {  	[hbm4b:s24+s2] =	stream.linear.scatter [tilespmem:s30], [sflag:$0x3], $0x2800, $0x38;
	[tilespmem:$0x1E400] =	vst v63  }
0x94: {  	s8 =	sadd.s32 $0xF00, s8  }
0x95: {  	[hbm4b:s8+s2] =	stream.linear.scatter [tilespmem:s31], [sflag:$0x3], $0x2800, $0x38;
	[tilespmem:$0x1E400] =	vst v63  }
0x96: {  	s25 =	sadd.s32 $0xF00, s9  }
0x97: {  	[hbm4b:s25+s2] =	stream.linear.scatter [tilespmem:s0], [sflag:$0x3], $0x2800, $0x38;
	[tilespmem:$0x1E400] =	vst v63  }
0x98: {  	s26 =	sadd.s32 $0xF00, s10  }
0x99: {  	[hbm4b:s26+s2] =	stream.linear.scatter [tilespmem:s3], [sflag:$0x3], $0x2800, $0x38;
	[tilespmem:$0x1E400] =	vst v63  }
0x9a: {  	_ =	swait.ge [sflag:s7], $0x2800  }
0x9b: {  	[sflag:s7] =	ssyncset.done $0x0  }
0x9c: {  	[sflag:s7] =	ssyncadd.s32 $0xFFFFD800  }
0x9d: {  	_ =	swait.ge [sflag:s7], $0x2800  }
0x9e: {  	[sflag:s7] =	ssyncset.done $0x0  }
0x9f: {  	[sflag:s7] =	ssyncadd.s32 $0xFFFFD800  }
0xa0: {  	_ =	swait.ge [sflag:s7], $0x2800  }
0xa1: {  	[sflag:s7] =	ssyncset.done $0x0  }
0xa2: {  	[sflag:s7] =	ssyncadd.s32 $0xFFFFD800  }
0xa3: {  	_ =	swait.ge [sflag:s7], $0x2800  }
0xa4: {  	[sflag:s7] =	ssyncset.done $0x0  }
0xa5: {  	[sflag:s7] =	ssyncadd.s32 $0xFFFFD800  }
0xa6: {  	_ =	swait.ge [sflag:s7], $0x2800  }
0xa7: {  	[sflag:s7] =	ssyncset.done $0x0  }
0xa8: {  	[sflag:s7] =	ssyncadd.s32 $0xFFFFD800  }
0xa9: {  	_ =	swait.ge [sflag:s7], $0x2800  }
0xaa: {  	[sflag:s7] =	ssyncset.done $0x0  }
0xab: {  	[sflag:s7] =	ssyncadd.s32 $0xFFFFD800  }
0xac: {  	_ =	swait.ge [sflag:s7], $0x2800  }
0xad: {  	[sflag:s7] =	ssyncset.done $0x0  }
0xae: {  	[sflag:s7] =	ssyncadd.s32 $0xFFFFD800  }
0xaf: {  	_ =	swait.ge [sflag:s7], $0x2800  }
0xb0: {  	[sflag:s7] =	ssyncset.done $0x0  }
0xb1: {  	[sflag:s7] =	ssyncadd.s32 $0xFFFFD800  }
0xb2: {  	_ =	swait.ge [sflag:s7], $0x2800  }
0xb3: {  	[sflag:s7] =	ssyncset.done $0x0  }
0xb4: {  	[sflag:s7] =	ssyncadd.s32 $0xFFFFD800  }
0xb5: {  	_ =	swait.ge [sflag:s7], $0x2800  }
0xb6: {  	[sflag:s7] =	ssyncset.done $0x0  }
0xb7: {  	[sflag:s7] =	ssyncadd.s32 $0xFFFFD800  }
0xb8: {  	_ =	swait.ge [sflag:s7], $0x2800  }
0xb9: {  	[sflag:s7] =	ssyncset.done $0x0  }
0xba: {  	[sflag:s7] =	ssyncadd.s32 $0xFFFFD800  }
0xbb: {  	s11 =	simm.s32 $0x0;
	s9 =	simm.s32 $0x1400;
	_ =	swait.ge [sflag:s7], $0x2800  }
0xbc: {  	s10 =	simm.s32 $0x2800;
	s13 =	rddreg [dreg:$0xd];
	[sflag:s7] =	ssyncset.done $0x0  }
.LBB2_2:
0xbd: {  	s11 =	sadd.s32 $0x28, s11  }
0xbe: {  	[sflag:s7] =	ssyncadd.s32 $0xFFFFD800;
	s15 =	rddreg [dreg:$0xc];
	s13 =	sadd.s32 s11, s13  }
0xbf: {  	[tilespmem:s2], [sflag:$0x1] =	stream.linear.gather [hbm4b:s13+s2], $0x50, $0x38;
	[tilespmem:$0x1E400] =	vst v63  }
0xc0: {  	s17 =	rddreg [dreg:$0xb];
	s21 =	sadd.s32 s11, s15  }
0xc1: {  	[tilespmem:s12], [sflag:$0x1] =	stream.linear.gather [hbm4b:s21+s2], $0x50, $0x38;
	[tilespmem:$0x1E400] =	vst v63  }
0xc2: {  	s22 =	rddreg [dreg:$0xa];
	s23 =	sadd.s32 s11, s17;
	s21 =	simm.s32 $0x80  }
0xc3: {  	[tilespmem:s21], [sflag:$0x1] =	stream.linear.gather [hbm4b:s23+s2], $0x50, $0x38;
	[tilespmem:$0x1E400] =	vst v63  }
0xc4: {  	s24 =	rddreg [dreg:$0x9];
	s25 =	sadd.s32 s11, s22  }
0xc5: {  	[tilespmem:s14], [sflag:$0x1] =	stream.linear.gather [hbm4b:s25+s2], $0x50, $0x38;
	[tilespmem:$0x1E400] =	vst v63  }
0xc6: {  	s26 =	rddreg [dreg:$0x8];
	s17 =	sadd.s32 s11, s24;
	s22 =	simm.s32 $0x100  }
0xc7: {  	[tilespmem:s22], [sflag:$0x1] =	stream.linear.gather [hbm4b:s17+s2], $0x50, $0x38;
	[tilespmem:$0x1E400] =	vst v63  }
0xc8: {  	s24 =	sadd.s32 s11, s26;
	s23 =	rddreg [dreg:$0x4]  }
0xc9: {  	[tilespmem:s16], [sflag:$0x1] =	stream.linear.gather [hbm4b:s24+s2], $0x50, $0x38;
	[tilespmem:$0x1E400] =	vst v63  }
0xca: {  	s26 =	sadd.s32 s11, s23;
	s25 =	rddreg [dreg:$0x3];
	s17 =	simm.s32 $0x180  }
0xcb: {  	[tilespmem:s17], [sflag:$0x1] =	stream.linear.gather [hbm4b:s26+s2], $0x50, $0x38;
	[tilespmem:$0x1E400] =	vst v63  }
0xcc: {  	s15 =	sadd.s32 s11, s25  }
0xcd: {  	[tilespmem:s18], [sflag:$0x1] =	stream.linear.gather [hbm4b:s15+s2], $0x50, $0x38;
	[tilespmem:$0x1E400] =	vst v63  }
0xce: {  	_ =	swait.ge [sflag:s19], $0x50  }
0xcf: {  	[sflag:s19] =	ssyncset.done $0x0  }
0xd0: {  	[sflag:s19] =	ssyncadd.s32 $0xFFFFFFB0  }
0xd1: {  	_ =	swait.ge [sflag:s19], $0x50  }
0xd2: {  	[sflag:s19] =	ssyncset.done $0x0  }
0xd3: {  	[sflag:s19] =	ssyncadd.s32 $0xFFFFFFB0  }
0xd4: {  	_ =	swait.ge [sflag:s19], $0x50  }
0xd5: {  	[sflag:s19] =	ssyncset.done $0x0  }
0xd6: {  	[sflag:s19] =	ssyncadd.s32 $0xFFFFFFB0  }
0xd7: {  	_ =	swait.ge [sflag:s19], $0x50  }
0xd8: {  	[sflag:s19] =	ssyncset.done $0x0  }
0xd9: {  	[sflag:s19] =	ssyncadd.s32 $0xFFFFFFB0  }
0xda: {  	_ =	swait.ge [sflag:s19], $0x50  }
0xdb: {  	[sflag:s19] =	ssyncset.done $0x0  }
0xdc: {  	[sflag:s19] =	ssyncadd.s32 $0xFFFFFFB0  }
0xdd: {  	_ =	swait.ge [sflag:s19], $0x50  }
0xde: {  	[sflag:s19] =	ssyncset.done $0x0  }
0xdf: {  	[sflag:s19] =	ssyncadd.s32 $0xFFFFFFB0  }
0xe0: {  	_ =	swait.ge [sflag:s19], $0x50  }
0xe1: {  	[sflag:s19] =	ssyncset.done $0x0  }
0xe2: {  	[sflag:s19] =	ssyncadd.s32 $0xFFFFFFB0  }
0xe3: {  	_ =	swait.ge [sflag:s19], $0x50  }
0xe4: {  	[sflag:s19] =	ssyncset.done $0x0  }
0xe5: {  	s23 =	simm.s32 $0x400;
	[sflag:s19] =	ssyncadd.s32 $0xFFFFFFB0  }
0xe6: {  	[tilespmem:s23], [sflag:$0x2] =	stream.indirect.gather [hbm4b:s1+s20], $0x80, s2, s20, $0xb8;
	[tilespmem:$0x1E400] =	vst v63  }
0xe7: {  	s24 =	simm.s32 $0xA400  }
0xe8: {  	[tilespmem:s24], [sflag:$0x2] =	stream.indirect.gather [hbm4b:s4+s20], $0x80, s12, s20, $0xb8;
	[tilespmem:$0x1E400] =	vst v63  }
0xe9: {  	s25 =	simm.s32 $0x14400  }
0xea: {  	[tilespmem:s25], [sflag:$0x2] =	stream.indirect.gather [hbm4b:s5+s20], $0x80, s12, s20, $0xb8;
	[tilespmem:$0x1E400] =	vst v63  }
0xeb: {  	s26 =	simm.s32 $0x2C00  }
0xec: {  	[tilespmem:s26], [sflag:$0x2] =	stream.indirect.gather [hbm4b:s1+s20], $0x80, s21, s20, $0xb8;
	[tilespmem:$0x1E400] =	vst v63  }
0xed: {  	s21 =	simm.s32 $0xCC00  }
0xee: {  	[tilespmem:s21], [sflag:$0x2] =	stream.indirect.gather [hbm4b:s4+s20], $0x80, s14, s20, $0xb8;
	[tilespmem:$0x1E400] =	vst v63  }
0xef: {  	_ = 	snop  }
0xf0: {  	[tilespmem:s28], [sflag:$0x2] =	stream.indirect.gather [hbm4b:s5+s20], $0x80, s14, s20, $0xb8;
	[tilespmem:$0x1E400] =	vst v63  }
0xf1: {  	_ = 	snop  }
0xf2: {  	[tilespmem:s29], [sflag:$0x2] =	stream.indirect.gather [hbm4b:s1+s20], $0x80, s22, s20, $0xb8;
	[tilespmem:$0x1E400] =	vst v63  }
0xf3: {  	s22 =	simm.s32 $0xF400  }
0xf4: {  	[tilespmem:s22], [sflag:$0x2] =	stream.indirect.gather [hbm4b:s4+s20], $0x80, s16, s20, $0xb8;
	[tilespmem:$0x1E400] =	vst v63  }
0xf5: {  	_ = 	snop  }
0xf6: {  	[tilespmem:s30], [sflag:$0x2] =	stream.indirect.gather [hbm4b:s5+s20], $0x80, s16, s20, $0xb8;
	[tilespmem:$0x1E400] =	vst v63  }
0xf7: {  	_ = 	snop  }
0xf8: {  	[tilespmem:s31], [sflag:$0x2] =	stream.indirect.gather [hbm4b:s1+s20], $0x80, s17, s20, $0xb8;
	[tilespmem:$0x1E400] =	vst v63  }
0xf9: {  	_ = 	snop  }
0xfa: {  	[tilespmem:s0], [sflag:$0x2] =	stream.indirect.gather [hbm4b:s4+s20], $0x80, s18, s20, $0xb8;
	[tilespmem:$0x1E400] =	vst v63  }
0xfb: {  	_ = 	snop  }
0xfc: {  	[tilespmem:s3], [sflag:$0x2] =	stream.indirect.gather [hbm4b:s5+s20], $0x80, s18, s20, $0xb8;
	[tilespmem:$0x1E400] =	vst v63  }
0xfd: {  	_ =	swait.ge [sflag:s6], $0x2800  }
0xfe: {  	[sflag:s6] =	ssyncset.done $0x0  }
0xff: {  	[sflag:s6] =	ssyncadd.s32 $0xFFFFD800  }
0x100: {  	_ =	swait.ge [sflag:s6], $0x2800  }
0x101: {  	[sflag:s6] =	ssyncset.done $0x0  }
0x102: {  	[sflag:s6] =	ssyncadd.s32 $0xFFFFD800  }
0x103: {  	_ =	swait.ge [sflag:s6], $0x2800  }
0x104: {  	[sflag:s6] =	ssyncset.done $0x0  }
0x105: {  	[sflag:s6] =	ssyncadd.s32 $0xFFFFD800  }
0x106: {  	_ =	swait.ge [sflag:s6], $0x2800  }
0x107: {  	[sflag:s6] =	ssyncset.done $0x0  }
0x108: {  	[sflag:s6] =	ssyncadd.s32 $0xFFFFD800  }
0x109: {  	_ =	swait.ge [sflag:s6], $0x2800  }
0x10a: {  	[sflag:s6] =	ssyncset.done $0x0  }
0x10b: {  	[sflag:s6] =	ssyncadd.s32 $0xFFFFD800  }
0x10c: {  	_ =	swait.ge [sflag:s6], $0x2800  }
0x10d: {  	[sflag:s6] =	ssyncset.done $0x0  }
0x10e: {  	[sflag:s6] =	ssyncadd.s32 $0xFFFFD800  }
0x10f: {  	_ =	swait.ge [sflag:s6], $0x2800  }
0x110: {  	[sflag:s6] =	ssyncset.done $0x0  }
0x111: {  	[sflag:s6] =	ssyncadd.s32 $0xFFFFD800  }
0x112: {  	_ =	swait.ge [sflag:s6], $0x2800  }
0x113: {  	[sflag:s6] =	ssyncset.done $0x0  }
0x114: {  	[sflag:s6] =	ssyncadd.s32 $0xFFFFD800  }
0x115: {  	_ =	swait.ge [sflag:s6], $0x2800  }
0x116: {  	[sflag:s6] =	ssyncset.done $0x0  }
0x117: {  	[sflag:s6] =	ssyncadd.s32 $0xFFFFD800  }
0x118: {  	_ =	swait.ge [sflag:s6], $0x2800  }
0x119: {  	[sflag:s6] =	ssyncset.done $0x0  }
0x11a: {  	[sflag:s6] =	ssyncadd.s32 $0xFFFFD800  }
0x11b: {  	_ =	swait.ge [sflag:s6], $0x2800  }
0x11c: {  	[sflag:s6] =	ssyncset.done $0x0  }
0x11d: {  	[sflag:s6] =	ssyncadd.s32 $0xFFFFD800  }
0x11e: {  	_ =	swait.ge [sflag:s6], $0x2800  }
0x11f: {  	s17 =	rddreg [dreg:$0x5];
	[sflag:s6] =	ssyncset.done $0x0  }
0x120: {  	s15 =	rddreg [dreg:$0x6];
	[sflag:s6] =	ssyncadd.s32 $0xFFFFD800;
	s13 =	sadd.s32 s9, s17  }
0x121: {  	[hbm4b:s13+s2] =	stream.linear.scatter [tilespmem:s23], [sflag:$0x3], $0x2800, $0x38;
	[tilespmem:$0x1E400] =	vst v63  }
0x122: {  	s17 =	rddreg [dreg:$0x7];
	s15 =	sadd.s32 s9, s15  }
0x123: {  	[hbm4b:s15+s2] =	stream.linear.scatter [tilespmem:s24], [sflag:$0x3], $0x2800, $0x38;
	[tilespmem:$0x1E400] =	vst v63  }
0x124: {  	s17 =	sadd.s32 s9, s17  }
0x125: {  	[hbm4b:s17+s2] =	stream.linear.scatter [tilespmem:s25], [sflag:$0x3], $0x2800, $0x38;
	[tilespmem:$0x1E400] =	vst v63  }
0x126: {  	s23 =	sadd.s32 $0x500, s13  }
0x127: {  	[hbm4b:s23+s2] =	stream.linear.scatter [tilespmem:s26], [sflag:$0x3], $0x2800, $0x38;
	[tilespmem:$0x1E400] =	vst v63  }
0x128: {  	s24 =	sadd.s32 $0x500, s15  }
0x129: {  	[hbm4b:s24+s2] =	stream.linear.scatter [tilespmem:s21], [sflag:$0x3], $0x2800, $0x38;
	[tilespmem:$0x1E400] =	vst v63  }
0x12a: {  	s25 =	sadd.s32 $0x500, s17  }
0x12b: {  	[hbm4b:s25+s2] =	stream.linear.scatter [tilespmem:s28], [sflag:$0x3], $0x2800, $0x38;
	[tilespmem:$0x1E400] =	vst v63  }
0x12c: {  	s26 =	sadd.s32 $0xA00, s13  }
0x12d: {  	[hbm4b:s26+s2] =	stream.linear.scatter [tilespmem:s29], [sflag:$0x3], $0x2800, $0x38;
	[tilespmem:$0x1E400] =	vst v63  }
0x12e: {  	s21 =	sadd.s32 $0xA00, s15  }
0x12f: {  	[hbm4b:s21+s2] =	stream.linear.scatter [tilespmem:s22], [sflag:$0x3], $0x2800, $0x38;
	[tilespmem:$0x1E400] =	vst v63  }
0x130: {  	s23 =	sadd.s32 $0xA00, s17  }
0x131: {  	[hbm4b:s23+s2] =	stream.linear.scatter [tilespmem:s30], [sflag:$0x3], $0x2800, $0x38;
	[tilespmem:$0x1E400] =	vst v63  }
0x132: {  	s24 =	sadd.s32 $0xF00, s13  }
0x133: {  	[hbm4b:s24+s2] =	stream.linear.scatter [tilespmem:s31], [sflag:$0x3], $0x2800, $0x38;
	[tilespmem:$0x1E400] =	vst v63  }
0x134: {  	s25 =	sadd.s32 $0xF00, s15  }
0x135: {  	[hbm4b:s25+s2] =	stream.linear.scatter [tilespmem:s0], [sflag:$0x3], $0x2800, $0x38;
	[tilespmem:$0x1E400] =	vst v63  }
0x136: {  	s26 =	sadd.s32 $0xF00, s17  }
0x137: {  	[hbm4b:s26+s2] =	stream.linear.scatter [tilespmem:s3], [sflag:$0x3], $0x2800, $0x38;
	[tilespmem:$0x1E400] =	vst v63  }
0x138: {  	_ =	swait.ge [sflag:s7], $0x2800  }
0x139: {  	[sflag:s7] =	ssyncset.done $0x0  }
0x13a: {  	[sflag:s7] =	ssyncadd.s32 $0xFFFFD800  }
0x13b: {  	_ =	swait.ge [sflag:s7], $0x2800  }
0x13c: {  	[sflag:s7] =	ssyncset.done $0x0  }
0x13d: {  	[sflag:s7] =	ssyncadd.s32 $0xFFFFD800  }
0x13e: {  	_ =	swait.ge [sflag:s7], $0x2800  }
0x13f: {  	[sflag:s7] =	ssyncset.done $0x0  }
0x140: {  	[sflag:s7] =	ssyncadd.s32 $0xFFFFD800  }
0x141: {  	_ =	swait.ge [sflag:s7], $0x2800  }
0x142: {  	[sflag:s7] =	ssyncset.done $0x0  }
0x143: {  	[sflag:s7] =	ssyncadd.s32 $0xFFFFD800  }
0x144: {  	_ =	swait.ge [sflag:s7], $0x2800  }
0x145: {  	[sflag:s7] =	ssyncset.done $0x0  }
0x146: {  	[sflag:s7] =	ssyncadd.s32 $0xFFFFD800  }
0x147: {  	_ =	swait.ge [sflag:s7], $0x2800  }
0x148: {  	[sflag:s7] =	ssyncset.done $0x0  }
0x149: {  	[sflag:s7] =	ssyncadd.s32 $0xFFFFD800  }
0x14a: {  	_ =	swait.ge [sflag:s7], $0x2800  }
0x14b: {  	[sflag:s7] =	ssyncset.done $0x0  }
0x14c: {  	[sflag:s7] =	ssyncadd.s32 $0xFFFFD800  }
0x14d: {  	_ =	swait.ge [sflag:s7], $0x2800  }
0x14e: {  	[sflag:s7] =	ssyncset.done $0x0  }
0x14f: {  	[sflag:s7] =	ssyncadd.s32 $0xFFFFD800  }
0x150: {  	_ =	swait.ge [sflag:s7], $0x2800  }
0x151: {  	[sflag:s7] =	ssyncset.done $0x0  }
0x152: {  	[sflag:s7] =	ssyncadd.s32 $0xFFFFD800  }
0x153: {  	_ =	swait.ge [sflag:s7], $0x2800  }
0x154: {  	[sflag:s7] =	ssyncset.done $0x0  }
0x155: {  	p0 =	sne.s32 s10, $0x25800;
	[sflag:s7] =	ssyncadd.s32 $0xFFFFD800  }
.Ltmp0:
0x156: {  	_ =	swait.ge [sflag:s7], $0x2800;
	(pc) =	sbr.rel @p0 .LBB2_2-.Ltmp0, $4  }
0x157: {  	[sflag:s7] =	ssyncset.done $0x0  }
0x158: {  	[sflag:s7] =	ssyncadd.s32 $0xFFFFD800  }
0x159: {  	s8 =	smov.u32 s10;
	s10 =	sadd.s32 $0x1400, s10;
	_ =	swait.ge [sflag:s7], $0x2800  }
0x15a: {  	s9 =	smov.u32 s8;
	s13 =	rddreg [dreg:$0xd];
	[sflag:s7] =	ssyncset.done $0x0  }
0x15b: {  	s8 =	sadd.s32 $0x28, s11  }
0x15c: {  	s10 =	rddreg [dreg:$0xc];
	[sflag:s7] =	ssyncadd.s32 $0xFFFFD800;
	s11 =	sadd.s32 s8, s13  }
0x15d: {  	[tilespmem:s2], [sflag:$0x1] =	stream.linear.gather [hbm4b:s11+s2], $0x50, $0x38;
	[tilespmem:$0x1E400] =	vst v63  }
0x15e: {  	s21 =	rddreg [dreg:$0xb];
	s10 =	sadd.s32 s8, s10  }
0x15f: {  	[tilespmem:s12], [sflag:$0x1] =	stream.linear.gather [hbm4b:s10+s2], $0x50, $0x38;
	[tilespmem:$0x1E400] =	vst v63  }
0x160: {  	s22 =	rddreg [dreg:$0xa];
	s13 =	simm.s32 $0x80;
	s11 =	sadd.s32 s8, s21  }
0x161: {  	[tilespmem:s13], [sflag:$0x1] =	stream.linear.gather [hbm4b:s11+s2], $0x50, $0x38;
	[tilespmem:$0x1E400] =	vst v63  }
0x162: {  	s23 =	rddreg [dreg:$0x9];
	s10 =	sadd.s32 s8, s22  }
0x163: {  	[tilespmem:s14], [sflag:$0x1] =	stream.linear.gather [hbm4b:s10+s2], $0x50, $0x38;
	[tilespmem:$0x1E400] =	vst v63  }
0x164: {  	s24 =	rddreg [dreg:$0x8];
	s15 =	simm.s32 $0x100;
	s11 =	sadd.s32 s8, s23  }
0x165: {  	[tilespmem:s15], [sflag:$0x1] =	stream.linear.gather [hbm4b:s11+s2], $0x50, $0x38;
	[tilespmem:$0x1E400] =	vst v63  }
0x166: {  	s25 =	rddreg [dreg:$0x4];
	s10 =	sadd.s32 s8, s24  }
0x167: {  	[tilespmem:s16], [sflag:$0x1] =	stream.linear.gather [hbm4b:s10+s2], $0x50, $0x38;
	[tilespmem:$0x1E400] =	vst v63  }
0x168: {  	s26 =	rddreg [dreg:$0x3];
	s17 =	simm.s32 $0x180;
	s11 =	sadd.s32 s8, s25  }
0x169: {  	[tilespmem:s17], [sflag:$0x1] =	stream.linear.gather [hbm4b:s11+s2], $0x50, $0x38;
	[tilespmem:$0x1E400] =	vst v63  }
0x16a: {  	s8 =	sadd.s32 s8, s26  }
0x16b: {  	[tilespmem:s18], [sflag:$0x1] =	stream.linear.gather [hbm4b:s8+s2], $0x50, $0x38;
	[tilespmem:$0x1E400] =	vst v63  }
0x16c: {  	_ =	swait.ge [sflag:s19], $0x50  }
0x16d: {  	[sflag:s19] =	ssyncset.done $0x0  }
0x16e: {  	[sflag:s19] =	ssyncadd.s32 $0xFFFFFFB0  }
0x16f: {  	_ =	swait.ge [sflag:s19], $0x50  }
0x170: {  	[sflag:s19] =	ssyncset.done $0x0  }
0x171: {  	[sflag:s19] =	ssyncadd.s32 $0xFFFFFFB0  }
0x172: {  	_ =	swait.ge [sflag:s19], $0x50  }
0x173: {  	[sflag:s19] =	ssyncset.done $0x0  }
0x174: {  	[sflag:s19] =	ssyncadd.s32 $0xFFFFFFB0  }
0x175: {  	_ =	swait.ge [sflag:s19], $0x50  }
0x176: {  	[sflag:s19] =	ssyncset.done $0x0  }
0x177: {  	[sflag:s19] =	ssyncadd.s32 $0xFFFFFFB0  }
0x178: {  	_ =	swait.ge [sflag:s19], $0x50  }
0x179: {  	[sflag:s19] =	ssyncset.done $0x0  }
0x17a: {  	[sflag:s19] =	ssyncadd.s32 $0xFFFFFFB0  }
0x17b: {  	_ =	swait.ge [sflag:s19], $0x50  }
0x17c: {  	[sflag:s19] =	ssyncset.done $0x0  }
0x17d: {  	[sflag:s19] =	ssyncadd.s32 $0xFFFFFFB0  }
0x17e: {  	_ =	swait.ge [sflag:s19], $0x50  }
0x17f: {  	[sflag:s19] =	ssyncset.done $0x0  }
0x180: {  	[sflag:s19] =	ssyncadd.s32 $0xFFFFFFB0  }
0x181: {  	_ =	swait.ge [sflag:s19], $0x50  }
0x182: {  	[sflag:s19] =	ssyncset.done $0x0  }
0x183: {  	s21 =	simm.s32 $0x400;
	[sflag:s19] =	ssyncadd.s32 $0xFFFFFFB0  }
0x184: {  	[tilespmem:s21], [sflag:$0x2] =	stream.indirect.gather [hbm4b:s1+s20], $0x80, s2, s20, $0xb8;
	[tilespmem:$0x1E400] =	vst v63  }
0x185: {  	s22 =	simm.s32 $0xA400  }
0x186: {  	[tilespmem:s22], [sflag:$0x2] =	stream.indirect.gather [hbm4b:s4+s20], $0x80, s12, s20, $0xb8;
	[tilespmem:$0x1E400] =	vst v63  }
0x187: {  	s23 =	simm.s32 $0x14400  }
0x188: {  	[tilespmem:s23], [sflag:$0x2] =	stream.indirect.gather [hbm4b:s5+s20], $0x80, s12, s20, $0xb8;
	[tilespmem:$0x1E400] =	vst v63  }
0x189: {  	s24 =	simm.s32 $0x2C00  }
0x18a: {  	[tilespmem:s24], [sflag:$0x2] =	stream.indirect.gather [hbm4b:s1+s20], $0x80, s13, s20, $0xb8;
	[tilespmem:$0x1E400] =	vst v63  }
0x18b: {  	s13 =	simm.s32 $0xCC00  }
0x18c: {  	[tilespmem:s13], [sflag:$0x2] =	stream.indirect.gather [hbm4b:s4+s20], $0x80, s14, s20, $0xb8;
	[tilespmem:$0x1E400] =	vst v63  }
0x18d: {  	s25 =	simm.s32 $0x16C00  }
0x18e: {  	[tilespmem:s25], [sflag:$0x2] =	stream.indirect.gather [hbm4b:s5+s20], $0x80, s14, s20, $0xb8;
	[tilespmem:$0x1E400] =	vst v63  }
0x18f: {  	s26 =	simm.s32 $0x5400  }
0x190: {  	[tilespmem:s26], [sflag:$0x2] =	stream.indirect.gather [hbm4b:s1+s20], $0x80, s15, s20, $0xb8;
	[tilespmem:$0x1E400] =	vst v63  }
0x191: {  	s15 =	simm.s32 $0xF400  }
0x192: {  	[tilespmem:s15], [sflag:$0x2] =	stream.indirect.gather [hbm4b:s4+s20], $0x80, s16, s20, $0xb8;
	[tilespmem:$0x1E400] =	vst v63  }
0x193: {  	_ = 	snop  }
0x194: {  	[tilespmem:s30], [sflag:$0x2] =	stream.indirect.gather [hbm4b:s5+s20], $0x80, s16, s20, $0xb8;
	[tilespmem:$0x1E400] =	vst v63  }
0x195: {  	_ = 	snop  }
0x196: {  	[tilespmem:s31], [sflag:$0x2] =	stream.indirect.gather [hbm4b:s1+s20], $0x80, s17, s20, $0xb8;
	[tilespmem:$0x1E400] =	vst v63  }
0x197: {  	_ = 	snop  }
0x198: {  	[tilespmem:s0], [sflag:$0x2] =	stream.indirect.gather [hbm4b:s4+s20], $0x80, s18, s20, $0xb8;
	[tilespmem:$0x1E400] =	vst v63  }
0x199: {  	_ = 	snop  }
0x19a: {  	[tilespmem:s3], [sflag:$0x2] =	stream.indirect.gather [hbm4b:s5+s20], $0x80, s18, s20, $0xb8;
	[tilespmem:$0x1E400] =	vst v63  }
0x19b: {  	_ =	swait.ge [sflag:s6], $0x2800  }
0x19c: {  	[sflag:s6] =	ssyncset.done $0x0  }
0x19d: {  	[sflag:s6] =	ssyncadd.s32 $0xFFFFD800  }
0x19e: {  	_ =	swait.ge [sflag:s6], $0x2800  }
0x19f: {  	[sflag:s6] =	ssyncset.done $0x0  }
0x1a0: {  	[sflag:s6] =	ssyncadd.s32 $0xFFFFD800  }
0x1a1: {  	_ =	swait.ge [sflag:s6], $0x2800  }
0x1a2: {  	[sflag:s6] =	ssyncset.done $0x0  }
0x1a3: {  	[sflag:s6] =	ssyncadd.s32 $0xFFFFD800  }
0x1a4: {  	_ =	swait.ge [sflag:s6], $0x2800  }
0x1a5: {  	[sflag:s6] =	ssyncset.done $0x0  }
0x1a6: {  	[sflag:s6] =	ssyncadd.s32 $0xFFFFD800  }
0x1a7: {  	_ =	swait.ge [sflag:s6], $0x2800  }
0x1a8: {  	[sflag:s6] =	ssyncset.done $0x0  }
0x1a9: {  	[sflag:s6] =	ssyncadd.s32 $0xFFFFD800  }
0x1aa: {  	_ =	swait.ge [sflag:s6], $0x2800  }
0x1ab: {  	[sflag:s6] =	ssyncset.done $0x0  }
0x1ac: {  	[sflag:s6] =	ssyncadd.s32 $0xFFFFD800  }
0x1ad: {  	_ =	swait.ge [sflag:s6], $0x2800  }
0x1ae: {  	[sflag:s6] =	ssyncset.done $0x0  }
0x1af: {  	[sflag:s6] =	ssyncadd.s32 $0xFFFFD800  }
0x1b0: {  	_ =	swait.ge [sflag:s6], $0x2800  }
0x1b1: {  	[sflag:s6] =	ssyncset.done $0x0  }
0x1b2: {  	[sflag:s6] =	ssyncadd.s32 $0xFFFFD800  }
0x1b3: {  	_ =	swait.ge [sflag:s6], $0x2800  }
0x1b4: {  	[sflag:s6] =	ssyncset.done $0x0  }
0x1b5: {  	[sflag:s6] =	ssyncadd.s32 $0xFFFFD800  }
0x1b6: {  	_ =	swait.ge [sflag:s6], $0x2800  }
0x1b7: {  	[sflag:s6] =	ssyncset.done $0x0  }
0x1b8: {  	[sflag:s6] =	ssyncadd.s32 $0xFFFFD800  }
0x1b9: {  	_ =	swait.ge [sflag:s6], $0x2800  }
0x1ba: {  	[sflag:s6] =	ssyncset.done $0x0  }
0x1bb: {  	[sflag:s6] =	ssyncadd.s32 $0xFFFFD800  }
0x1bc: {  	_ =	swait.ge [sflag:s6], $0x2800  }
0x1bd: {  	s10 =	rddreg [dreg:$0x5];
	[sflag:s6] =	ssyncset.done $0x0  }
0x1be: {  	s11 =	rddreg [dreg:$0x6];
	[sflag:s6] =	ssyncadd.s32 $0xFFFFD800;
	s8 =	sadd.s32 s9, s10  }
0x1bf: {  	[hbm4b:s8+s2] =	stream.linear.scatter [tilespmem:s21], [sflag:$0x3], $0x2800, $0x38;
	[tilespmem:$0x1E400] =	vst v63  }
0x1c0: {  	s17 =	rddreg [dreg:$0x7];
	s10 =	sadd.s32 s9, s11  }
0x1c1: {  	[hbm4b:s10+s2] =	stream.linear.scatter [tilespmem:s22], [sflag:$0x3], $0x2800, $0x38;
	[tilespmem:$0x1E400] =	vst v63  }
0x1c2: {  	s9 =	sadd.s32 s9, s17  }
0x1c3: {  	[hbm4b:s9+s2] =	stream.linear.scatter [tilespmem:s23], [sflag:$0x3], $0x2800, $0x38;
	[tilespmem:$0x1E400] =	vst v63  }
0x1c4: {  	s17 =	sadd.s32 $0x500, s8  }
0x1c5: {  	[hbm4b:s17+s2] =	stream.linear.scatter [tilespmem:s24], [sflag:$0x3], $0x2800, $0x38;
	[tilespmem:$0x1E400] =	vst v63  }
0x1c6: {  	s24 =	sadd.s32 $0x500, s10  }
0x1c7: {  	[hbm4b:s24+s2] =	stream.linear.scatter [tilespmem:s13], [sflag:$0x3], $0x2800, $0x38;
	[tilespmem:$0x1E400] =	vst v63  }
0x1c8: {  	s17 =	sadd.s32 $0x500, s9  }
0x1c9: {  	[hbm4b:s17+s2] =	stream.linear.scatter [tilespmem:s25], [sflag:$0x3], $0x2800, $0x38;
	[tilespmem:$0x1E400] =	vst v63  }
0x1ca: {  	s24 =	sadd.s32 $0xA00, s8  }
0x1cb: {  	[hbm4b:s24+s2] =	stream.linear.scatter [tilespmem:s26], [sflag:$0x3], $0x2800, $0x38;
	[tilespmem:$0x1E400] =	vst v63  }
0x1cc: {  	s25 =	sadd.s32 $0xA00, s10  }
0x1cd: {  	[hbm4b:s25+s2] =	stream.linear.scatter [tilespmem:s15], [sflag:$0x3], $0x2800, $0x38;
	[tilespmem:$0x1E400] =	vst v63  }
0x1ce: {  	s26 =	sadd.s32 $0xA00, s9  }
0x1cf: {  	[hbm4b:s26+s2] =	stream.linear.scatter [tilespmem:s30], [sflag:$0x3], $0x2800, $0x38;
	[tilespmem:$0x1E400] =	vst v63  }
0x1d0: {  	s8 =	sadd.s32 $0xF00, s8  }
0x1d1: {  	[hbm4b:s8+s2] =	stream.linear.scatter [tilespmem:s31], [sflag:$0x3], $0x2800, $0x38;
	[tilespmem:$0x1E400] =	vst v63  }
0x1d2: {  	s10 =	sadd.s32 $0xF00, s10  }
0x1d3: {  	[hbm4b:s10+s2] =	stream.linear.scatter [tilespmem:s0], [sflag:$0x3], $0x2800, $0x38;
	[tilespmem:$0x1E400] =	vst v63  }
0x1d4: {  	s11 =	sadd.s32 $0xF00, s9  }
0x1d5: {  	[hbm4b:s11+s2] =	stream.linear.scatter [tilespmem:s3], [sflag:$0x3], $0x2800, $0x38;
	[tilespmem:$0x1E400] =	vst v63  }
0x1d6: {  	_ =	swait.ge [sflag:s7], $0x2800  }
0x1d7: {  	[sflag:s7] =	ssyncset.done $0x0  }
0x1d8: {  	[sflag:s7] =	ssyncadd.s32 $0xFFFFD800  }
0x1d9: {  	_ =	swait.ge [sflag:s7], $0x2800  }
0x1da: {  	[sflag:s7] =	ssyncset.done $0x0  }
0x1db: {  	[sflag:s7] =	ssyncadd.s32 $0xFFFFD800  }
0x1dc: {  	_ =	swait.ge [sflag:s7], $0x2800  }
0x1dd: {  	[sflag:s7] =	ssyncset.done $0x0  }
0x1de: {  	[sflag:s7] =	ssyncadd.s32 $0xFFFFD800  }
0x1df: {  	_ =	swait.ge [sflag:s7], $0x2800  }
0x1e0: {  	[sflag:s7] =	ssyncset.done $0x0  }
0x1e1: {  	[sflag:s7] =	ssyncadd.s32 $0xFFFFD800  }
0x1e2: {  	_ =	swait.ge [sflag:s7], $0x2800  }
0x1e3: {  	[sflag:s7] =	ssyncset.done $0x0  }
0x1e4: {  	[sflag:s7] =	ssyncadd.s32 $0xFFFFD800  }
0x1e5: {  	_ =	swait.ge [sflag:s7], $0x2800  }
0x1e6: {  	[sflag:s7] =	ssyncset.done $0x0  }
0x1e7: {  	[sflag:s7] =	ssyncadd.s32 $0xFFFFD800  }
0x1e8: {  	_ =	swait.ge [sflag:s7], $0x2800  }
0x1e9: {  	[sflag:s7] =	ssyncset.done $0x0  }
0x1ea: {  	[sflag:s7] =	ssyncadd.s32 $0xFFFFD800  }
0x1eb: {  	_ =	swait.ge [sflag:s7], $0x2800  }
0x1ec: {  	[sflag:s7] =	ssyncset.done $0x0  }
0x1ed: {  	[sflag:s7] =	ssyncadd.s32 $0xFFFFD800  }
0x1ee: {  	_ =	swait.ge [sflag:s7], $0x2800  }
0x1ef: {  	[sflag:s7] =	ssyncset.done $0x0  }
0x1f0: {  	[sflag:s7] =	ssyncadd.s32 $0xFFFFD800  }
0x1f1: {  	_ =	swait.ge [sflag:s7], $0x2800  }
0x1f2: {  	[sflag:s7] =	ssyncset.done $0x0  }
0x1f3: {  	[sflag:s7] =	ssyncadd.s32 $0xFFFFD800  }
0x1f4: {  	_ =	swait.ge [sflag:s7], $0x2800  }
0x1f5: {  	[sflag:s7] =	ssyncset.done $0x0  }
0x1f6: {  	[sflag:s7] =	ssyncadd.s32 $0xFFFFD800  }
0x1f7: {  	_ =	swait.ge [sflag:s7], $0x2800  }
0x1f8: {  	[sflag:s7] =	ssyncset.done $0x0  }
0x1f9: {  	s13 =	rddreg [dreg:$0xe];
	[sflag:s7] =	ssyncadd.s32 $0xFFFFD800  }
0x1fa: {  	[tilespmem:s2], [sflag:$0x1] =	stream.linear.gather [hbm4b:s13+s2], $0x50, $0x38;
	[tilespmem:$0x1E400] =	vst v63  }
0x1fb: {  	s15 =	rddreg [dreg:$0xf]  }
0x1fc: {  	[tilespmem:s12], [sflag:$0x1] =	stream.linear.gather [hbm4b:s15+s2], $0x50, $0x38;
	[tilespmem:$0x1E400] =	vst v63  }
0x1fd: {  	_ =	swait.ge [sflag:s19], $0x50  }
0x1fe: {  	[sflag:s19] =	ssyncset.done $0x0  }
0x1ff: {  	[sflag:s19] =	ssyncadd.s32 $0xFFFFFFB0  }
0x200: {  	_ =	swait.ge [sflag:s19], $0x50  }
0x201: {  	[sflag:s19] =	ssyncset.done $0x0  }
0x202: {  	[sflag:s19] =	ssyncadd.s32 $0xFFFFFFB0  }
0x203: {  	[tilespmem:s21], [sflag:$0x2] =	stream.indirect.gather [hbm4b:s1+s20], $0x80, s2, s20, $0xb8;
	[tilespmem:$0x1E400] =	vst v63  }
0x204: {  	_ = 	snop  }
0x205: {  	[tilespmem:s22], [sflag:$0x2] =	stream.indirect.gather [hbm4b:s4+s20], $0x80, s12, s20, $0xb8;
	[tilespmem:$0x1E400] =	vst v63  }
0x206: {  	_ = 	snop  }
0x207: {  	[tilespmem:s23], [sflag:$0x2] =	stream.indirect.gather [hbm4b:s5+s20], $0x80, s12, s20, $0xb8;
	[tilespmem:$0x1E400] =	vst v63  }
0x208: {  	_ =	swait.ge [sflag:s6], $0x2800  }
0x209: {  	[sflag:s6] =	ssyncset.done $0x0  }
0x20a: {  	[sflag:s6] =	ssyncadd.s32 $0xFFFFD800  }
0x20b: {  	_ =	swait.ge [sflag:s6], $0x2800  }
0x20c: {  	[sflag:s6] =	ssyncset.done $0x0  }
0x20d: {  	[sflag:s6] =	ssyncadd.s32 $0xFFFFD800  }
0x20e: {  	_ =	swait.ge [sflag:s6], $0x2800  }
0x20f: {  	[sflag:s6] =	ssyncset.done $0x0  }
0x210: {  	s17 =	rddreg [dreg:$0x10];
	[sflag:s6] =	ssyncadd.s32 $0xFFFFD800  }
0x211: {  	[hbm4b:s17+s2] =	stream.linear.scatter [tilespmem:s21], [sflag:$0x3], $0x2800, $0x38;
	[tilespmem:$0x1E400] =	vst v63  }
0x212: {  	s21 =	rddreg [dreg:$0x11]  }
0x213: {  	[hbm4b:s21+s2] =	stream.linear.scatter [tilespmem:s22], [sflag:$0x3], $0x2800, $0x38;
	[tilespmem:$0x1E400] =	vst v63  }
0x214: {  	s24 =	rddreg [dreg:$0x12]  }
0x215: {  	[hbm4b:s24+s2] =	stream.linear.scatter [tilespmem:s23], [sflag:$0x3], $0x2800, $0x38;
	[tilespmem:$0x1E400] =	vst v63  }
0x216: {  	_ =	swait.ge [sflag:s7], $0x2800  }
0x217: {  	[sflag:s7] =	ssyncset.done $0x0  }
0x218: {  	[sflag:s7] =	ssyncadd.s32 $0xFFFFD800  }
0x219: {  	_ =	swait.ge [sflag:s7], $0x2800  }
0x21a: {  	[sflag:s7] =	ssyncset.done $0x0  }
0x21b: {  	[sflag:s7] =	ssyncadd.s32 $0xFFFFD800  }
0x21c: {  	_ =	swait.ge [sflag:s7], $0x2800  }
0x21d: {  	s25 =	rddreg [dreg:$0x14]  }
0x21e: {  	s26 =	rddreg [dreg:$0x13];
	s9 =	sadd.s32 $0x1, s25  }
0x21f: {  	p0 =	sne.s32 s9, s26  }
.Ltmp1:
0x220: {  	_ = 	snop;
	(pc) =	sbr.rel @p0 .LBB2_1-.Ltmp1, $3  }
0x221: {  	_ =	sdelay $0x1  }
0x222: {  	[sflag:s7] =	ssyncset.done $0x0  }
0x223: {  	[sflag:s7] =	ssyncadd.s32 $0xFFFFD800  }
0x224: {  	_ =	sfence.sel $0x180000  }
0x225: {  	[bflag:$0x0] =	sbarrier.arrive $0xFFFF  }
0x226: {  	_ =	strace $0x90000047  }
0x227: {  	s0 =	stileid.u32;
	[bflag:$0x2] =	sbarrier.arrive $0xFFFF  }
0x228: {  	p0 =	sne.s32 s0, $0x0;
	s0 =	rddreg [dreg:$0x2]  }
0x229: {  	s0 =	sadd.s32 @!p0 $0x100000, s0  }
0x22a: {  	[sflag:s0] =	ssyncadd.tile.s32 @!p0 $0x1;
	_ =	shalt  }
.Lfunc_end2:
_tile_overlayer_lowered:
.L_overlay_start_2:
0x22b: {  	(tag) =	ssettag $0x2  }
0x22c: {  	s0 =	rddreg [dreg:$0x0];
	s2 =	stileid.u32  }
0x22d: {  	s1 =	rddreg [dreg:$0x1];
	p0 =	sne.s32 s2, $0x0  }
0x22e: {  	s3 =	rddreg [dreg:$0x2];
	[bflag:$0x3] =	sbarrier.arrive $0xFFFF;
	s2 =	simm.s32 @!p0 $0x1C04  }
0x22f: {  	[timem:s3], [sflag:s2] =	dma.local @!p0 [hbm:s0], s1  }
0x230: {  	s0 =	simm.s32 @!p0 $0x4  }
0x231: {  	_ =	swait.ge @!p0 [sflag:s0], s1  }
0x232: {  	s1 =	ssub.s32 @!p0 $0x0, s1;
	[sflag:s0] =	ssyncset.done @!p0 $0x0  }
0x233: {  	[sflag:s0] =	ssyncadd.s32 @!p0 s1  }
0x234: {  	[bflag:$0x3] =	sbarrier.arrive $0xFFFF  }
0x235: {  	_ =	shalt  }

</sc_bundles>
